<compile_context>
chip_gen: v7x
topology: tpu7x:2x2x1
jax: 0.10.2.dev20260603
libtpu: 0.0.44.dev20260713+nightly
codegen_flags: <defaults>
</compile_context>

<pallas_src>
import functools
import math

import jax
import jax.numpy as jnp
import numpy as np
from jax import lax
from jax.experimental import pallas as pl
from jax.experimental.pallas import tpu as pltpu
from jax.experimental.pallas import tpu_sc as plsc

NLAT = 512
NLON = 1024
LMAX = 50
MMAX = 50
MPAD = 64
NPTS = 512
TR = 64
TC = 64
NTR = NLAT // TR
NTC = NLON // TC
SCALE = math.pi / 512.0
UNROLL = 16


def _cc_weights(n):
    N = n - 1
    theta = np.pi * np.arange(n) / N
    w = np.zeros(n)
    v = np.ones(n - 2)
    if N % 2 == 0:
        w0 = 1.0 / (N * N - 1)
        for k in range(1, N // 2):
            v -= 2.0 * np.cos(2 * k * theta[1:-1]) / (4 * k * k - 1)
        v -= np.cos(N * theta[1:-1]) / (N * N - 1)
    else:
        w0 = 1.0 / (N * N)
        for k in range(1, (N - 1) // 2 + 1):
            v -= 2.0 * np.cos(2 * k * theta[1:-1]) / (4 * k * k - 1)
    w[0] = w0
    w[-1] = w0
    w[1:-1] = 2.0 * v / N
    return w


def _legendre(lmax, mmax, x):
    nx = x.shape[0]
    P = np.zeros((lmax, mmax, nx))
    P[0, 0] = np.sqrt(1.0 / (4.0 * np.pi))
    s = np.sqrt(np.maximum(0.0, 1.0 - x * x))
    for m in range(1, mmax):
        P[m, m] = -np.sqrt((2.0 * m + 1.0) / (2.0 * m)) * s * P[m - 1, m - 1]
    for m in range(0, mmax):
        if m + 1 < lmax:
            P[m + 1, m] = np.sqrt(2.0 * m + 3.0) * x * P[m, m]
        for l in range(m + 2, lmax):
            a = np.sqrt((4.0 * l * l - 1.0) / (l * l - m * m))
            b = np.sqrt(((l - 1.0) ** 2 - m * m) / (4.0 * (l - 1.0) ** 2 - 1.0))
            P[l, m] = a * (x * P[l - 1, m] - b * P[l - 2, m])
    return P


def _build_consts():
    theta = np.pi * np.arange(NLAT) / (NLAT - 1)
    cost = np.cos(theta)
    wq = _cc_weights(NLAT)
    pct = (_legendre(LMAX, MMAX, cost) * wq[None, None, :])
    A = np.zeros((LMAX * MPAD, NLAT), np.float32)
    A.reshape(LMAX, MPAD, NLAT)[:, :MMAX, :] = pct
    n = np.arange(NLON)[:, None]
    m = np.arange(MPAD)[None, :]
    C = np.cos(2.0 * np.pi * m * n / NLON) * (2.0 * np.pi / NLON)
    C[:, MMAX:] = 0.0
    cols0 = (np.arange(NLAT // 64)[:, None] * 64 + np.arange(32)[None, :]).ravel()
    A0 = A[:, cols0]
    A1 = A[:, cols0 + 32]
    return (A0.astype(np.float32), A1.astype(np.float32),
            C.reshape(NLON // 64, 64, MPAD).astype(np.float32))


_A0_NP, _A1_NP, _C_NP = _build_consts()

_CX_NP = ((np.arange(NTR) * TR + (TR - 1) / 2.0) * SCALE).astype(np.float32)
_CY_NP = ((np.arange(NTC) * TC + (TC - 1) / 2.0) * SCALE - math.pi).astype(np.float32)
_HX = (TR - 1) / 2.0 * SCALE
_HY = (TC - 1) / 2.0 * SCALE


def _to_spherical(coords):
    x = coords[..., 0]
    y = coords[..., 1]
    z = coords[..., 2]
    r = jnp.sqrt(x * x + y * y + z * z)
    phi1 = jnp.arccos(jnp.clip(x / r, -1.0, 1.0))
    azn = jnp.sqrt(y * y + z * z)
    a = jnp.arccos(jnp.clip(y / azn, -1.0, 1.0))
    phi2 = a + (2.0 * math.pi - 2.0 * a) * (z < 0) - math.pi
    return r, jnp.stack([phi1, phi2], axis=-1)


def _tile_metadata(pts, rads):
    px = pts[:, :, 0][:, None, None, :]
    py = pts[:, :, 1][:, None, None, :]
    cx = jnp.asarray(_CX_NP)[None, :, None, None]
    cy = jnp.asarray(_CY_NP)[None, None, :, None]
    ax = jnp.abs(px - cx)
    ay = jnp.abs(py - cy)
    lbx = jnp.maximum(ax - _HX, 0.0)
    lby = jnp.maximum(ay - _HY, 0.0)
    lb = lbx * lbx + lby * lby
    ubx = ax + _HX
    uby = ay + _HY
    ub = ubx * ubx + uby * uby
    m1 = jnp.min(ub, axis=-1, keepdims=True)
    u2 = jnp.where(ub <= m1, jnp.inf, ub)
    m2 = jnp.min(u2, axis=-1, keepdims=True)
    u3 = jnp.where(u2 <= m2, jnp.inf, u2)
    ub3 = jnp.min(u3, axis=-1, keepdims=True)
    delta = (lb - ub3).reshape(2 * NTR * NTC, NPTS)
    return delta


NTASK = 2 * NTR * NTC
NWORK = 32
TASKS_PER_W = NTASK // NWORK
NVEC = NPTS // 16


def _sc_compact(delta, pxf, pyf, prf):
    mesh = plsc.VectorSubcoreMesh(core_axis_name="c", subcore_axis_name="s")

    @functools.partial(
        pl.kernel,
        out_type=[
            jax.ShapeDtypeStruct((NTASK, NPTS), jnp.float32),
            jax.ShapeDtypeStruct((NTASK, NPTS), jnp.float32),
            jax.ShapeDtypeStruct((NTASK, NPTS), jnp.float32),
            jax.ShapeDtypeStruct((NTASK, 16), jnp.int32),
        ],
        mesh=mesh,
        compiler_params=pltpu.CompilerParams(needs_layout_passes=False),
        scratch_types=[
            pltpu.VMEM((NPTS,), jnp.float32),
            pltpu.VMEM((2 * NPTS,), jnp.float32),
            pltpu.VMEM((2 * NPTS,), jnp.float32),
            pltpu.VMEM((2 * NPTS,), jnp.float32),
            pltpu.VMEM((NPTS,), jnp.float32),
            pltpu.VMEM((NPTS,), jnp.float32),
            pltpu.VMEM((NPTS,), jnp.float32),
            pltpu.VMEM((16,), jnp.int32),
        ],
    )
    def k(delta_hbm, px_hbm, py_hbm, pr_hbm,
          opx_hbm, opy_hbm, opr_hbm, ocnt_hbm,
          dbuf, pxbuf, pybuf, prbuf, obx, oby, obr, cntbuf):
        wid = lax.axis_index("s") * 2 + lax.axis_index("c")
        pltpu.sync_copy(px_hbm, pxbuf)
        pltpu.sync_copy(py_hbm, pybuf)
        pltpu.sync_copy(pr_hbm, prbuf)
        zf = jnp.zeros((16,), jnp.float32)
        dummy = jnp.full((16,), 1e6, jnp.float32)
        onei = jnp.ones((16,), jnp.int32)
        zeroi = jnp.zeros((16,), jnp.int32)
        ids = lax.iota(jnp.int32, 16)
        last = jnp.full((16,), 15, jnp.int32)

        def scan16(s):
            for sh in (1, 2, 4, 8):
                shv = jnp.full((16,), sh, jnp.int32)
                g = jnp.take(s, jnp.maximum(ids - shv, zeroi))
                s = s + jnp.where(ids >= shv, g, zeroi)
            return s

        def task(i, carry):
            t = wid * TASKS_PER_W + i
            cl = t // (NTASK // 2)
            base = cl * NPTS
            pltpu.sync_copy(delta_hbm.at[t], dbuf)
            for j in range(NVEC):
                sl = pl.ds(j * 16, 16)
                obx[sl] = dummy
                oby[sl] = zf
                obr[sl] = zf
            cnt = jnp.zeros((16,), jnp.int32)
            for j in range(NVEC):
                sl = pl.ds(j * 16, 16)
                psl = pl.ds(base + j * 16, 16)
                m = dbuf[sl] <= zf
                incl = scan16(jnp.where(m, onei, zeroi))
                pos = cnt + incl - onei
                plsc.store_scatter(obx, [pos], pxbuf[psl], mask=m)
                plsc.store_scatter(oby, [pos], pybuf[psl], mask=m)
                plsc.store_scatter(obr, [pos], prbuf[psl], mask=m)
                cnt = cnt + jnp.take(incl, last)
            cntbuf[pl.ds(0, 16)] = cnt
            pltpu.sync_copy(obx, opx_hbm.at[t])
            pltpu.sync_copy(oby, opy_hbm.at[t])
            pltpu.sync_copy(obr, opr_hbm.at[t])
            pltpu.sync_copy(cntbuf, ocnt_hbm.at[t])
            return carry

        lax.fori_loop(0, TASKS_PER_W, task, 0)

    return k(delta, pxf, pyf, prf)


def _nn_interp_kernel(spx_ref, spy_ref, sr_ref, cnt_ref, out_ref):
    rr = pl.program_id(1)
    cc = pl.program_id(2)
    si = jax.lax.broadcasted_iota(jnp.int32, (32, 128), 0)
    li = jax.lax.broadcasted_iota(jnp.int32, (32, 128), 1)
    hoff = jnp.where(li >= 64, 32, 0)
    gx = (rr * TR + hoff + si).astype(jnp.float32) * SCALE
    gy = (cc * TC + (li & 63)).astype(jnp.float32) * SCALE - math.pi

    big = jnp.full((32, 128), 1e30, jnp.float32)
    zero = jnp.zeros((32, 128), jnp.float32)

    def insert(c, carry):
        m1, m2, m3, r1, r2, r3 = carry
        px = spx_ref[0, 0, 0, c]
        py = spy_ref[0, 0, 0, c]
        rv = sr_ref[0, 0, 0, c]
        dx = gx - px
        dy = gy - py
        d = dx * dx + dy * dy
        c1 = d < m1
        nm1 = jnp.minimum(m1, d)
        t = jnp.maximum(m1, d)
        nr1 = jnp.where(c1, rv, r1)
        tr = jnp.where(c1, r1, rv)
        c2 = t < m2
        nm2 = jnp.minimum(m2, t)
        t2 = jnp.maximum(m2, t)
        nr2 = jnp.where(c2, tr, r2)
        tr2 = jnp.where(c2, r2, tr)
        c3 = t2 < m3
        nm3 = jnp.minimum(m3, t2)
        nr3 = jnp.where(c3, tr2, r3)
        return nm1, nm2, nm3, nr1, nr2, nr3

    def body(k, carry):
        base = k * UNROLL
        for u in range(UNROLL):
            carry = insert(base + u, carry)
        return carry

    m1, m2, m3, r1, r2, r3 = jax.lax.fori_loop(
        0, cnt_ref[0, 0, 0, 0], body, (big, big, big, zero, zero, zero))
    s = m1 + m2 + m3
    out_ref[0, 0, 0] = (r1 * m1 + r2 * m2 + r3 * m3) / s


def _sht_loss_kernel(interp_ref, c_ref, a0_ref, a1_ref, out_ref):
    diff = interp_ref[0] - interp_ref[1]
    xc0 = jnp.zeros((NTR * 32, MPAD), jnp.float32)
    xc1 = jnp.zeros((NTR * 32, MPAD), jnp.float32)
    for cb in range(NTC):
        piece = diff[:, cb]
        p0 = piece[:, :, :64].reshape(NTR * 32, 64)
        p1 = piece[:, :, 64:].reshape(NTR * 32, 64)
        cm = c_ref[cb]
        xc0 = xc0 + jnp.dot(p0, cm, preferred_element_type=jnp.float32)
        xc1 = xc1 + jnp.dot(p1, cm, preferred_element_type=jnp.float32)
    y = (jnp.dot(a0_ref[...], xc0, preferred_element_type=jnp.float32) +
         jnp.dot(a1_ref[...], xc1, preferred_element_type=jnp.float32))
    row_m = jax.lax.broadcasted_iota(jnp.int32, y.shape, 0) % MPAD
    col_m = jax.lax.broadcasted_iota(jnp.int32, y.shape, 1)
    v = jnp.where(row_m == col_m, y, 0.0)
    out_ref[0, 0] = jnp.sum(v * v) / float(LMAX * MMAX)


def kernel(pred, target):
    rp, sp = _to_spherical(pred)
    rt, st = _to_spherical(target)
    pts = jnp.concatenate([sp, st], axis=0)
    rads = jnp.concatenate([rp, rt], axis=0)
    delta = _tile_metadata(pts, rads)
    spx, spy, sr, ocnt = _sc_compact(
        delta, pts[:, :, 0].reshape(-1), pts[:, :, 1].reshape(-1),
        rads.reshape(-1))
    cnt = ocnt[:, 0]
    cntu = jnp.minimum((cnt + UNROLL - 1) // UNROLL, NPTS // UNROLL)
    smem_shape = (2, NTR * NTC, 1, NPTS)
    spx = spx.reshape(smem_shape)
    spy = spy.reshape(smem_shape)
    sr = sr.reshape(smem_shape)
    cntu = cntu.reshape(2, NTR * NTC, 1, 1)

    list_spec = pl.BlockSpec((1, 1, 1, NPTS),
                             lambda cl, tr, tc: (cl, tr * NTC + tc, 0, 0),
                             memory_space=pltpu.SMEM)
    interp = pl.pallas_call(
        _nn_interp_kernel,
        grid=(2, NTR, NTC),
        in_specs=[
            list_spec,
            list_spec,
            list_spec,
            pl.BlockSpec((1, 1, 1, 1),
                         lambda cl, tr, tc: (cl, tr * NTC + tc, 0, 0),
                         memory_space=pltpu.SMEM),
        ],
        out_specs=pl.BlockSpec((1, 1, 1, 32, 128),
                               lambda cl, tr, tc: (cl, tr, tc, 0, 0)),
        out_shape=jax.ShapeDtypeStruct((2, NTR, NTC, 32, 128), jnp.float32),
        compiler_params=pltpu.CompilerParams(
            dimension_semantics=("arbitrary", "arbitrary", "arbitrary")),
    )(spx, spy, sr, cntu)

    loss = pl.pallas_call(
        _sht_loss_kernel,
        in_specs=[
            pl.BlockSpec(memory_space=pltpu.VMEM),
            pl.BlockSpec(memory_space=pltpu.VMEM),
            pl.BlockSpec(memory_space=pltpu.VMEM),
            pl.BlockSpec(memory_space=pltpu.VMEM),
        ],
        out_specs=pl.BlockSpec(memory_space=pltpu.SMEM),
        out_shape=jax.ShapeDtypeStruct((1, 1), jnp.float32),
    )(interp, jnp.asarray(_C_NP), jnp.asarray(_A0_NP), jnp.asarray(_A1_NP))

    return loss[0, 0]

# --- scband reference (transcript-rebuilt; emitter-appended) ---
"""Pipeline reference for scband-fre-loss-67877663146258 (READ-ONLY COPY).

The authoritative reference and input builder live on the scoring server;
editing this copy changes nothing except your own understanding.
"""

import jax, jax.numpy as jnp
import numpy as np
import math

NLAT = 512
NLON = 1024
LMAX = 50
MMAX = 50
CHUNK = 8192


def _cc_weights(n):
    # Clenshaw-Curtis quadrature weights for nodes x_j = cos(pi*j/(n-1)), j=0..n-1
    N = n - 1
    theta = np.pi * np.arange(n) / N
    w = np.zeros(n)
    v = np.ones(n - 2)
    if N % 2 == 0:
        w0 = 1.0 / (N * N - 1)
        for k in range(1, N // 2):
            v -= 2.0 * np.cos(2 * k * theta[1:-1]) / (4 * k * k - 1)
        v -= np.cos(N * theta[1:-1]) / (N * N - 1)
    else:
        w0 = 1.0 / (N * N)
        for k in range(1, (N - 1) // 2 + 1):
            v -= 2.0 * np.cos(2 * k * theta[1:-1]) / (4 * k * k - 1)
    w[0] = w0
    w[-1] = w0
    w[1:-1] = 2.0 * v / N
    return w


def _legendre(lmax, mmax, x):
    # orthonormalized associated Legendre Pbar_lm(x) with Condon-Shortley phase
    nx = x.shape[0]
    P = np.zeros((lmax, mmax, nx))
    P[0, 0] = np.sqrt(1.0 / (4.0 * np.pi))
    s = np.sqrt(np.maximum(0.0, 1.0 - x * x))
    for m in range(1, mmax):
        P[m, m] = -np.sqrt((2.0 * m + 1.0) / (2.0 * m)) * s * P[m - 1, m - 1]
    for m in range(0, mmax):
        if m + 1 < lmax:
            P[m + 1, m] = np.sqrt(2.0 * m + 3.0) * x * P[m, m]
        for l in range(m + 2, lmax):
            a = np.sqrt((4.0 * l * l - 1.0) / (l * l - m * m))
            b = np.sqrt(((l - 1.0) ** 2 - m * m) / (4.0 * (l - 1.0) ** 2 - 1.0))
            P[l, m] = a * (x * P[l - 1, m] - b * P[l - 2, m])
    return P


_theta = np.pi * np.arange(NLAT) / (NLAT - 1)
_cost = np.cos(_theta)
_wq = _cc_weights(NLAT)
_PCT = (_legendre(LMAX, MMAX, _cost) * _wq[None, None, :]).astype(np.float32)  # (L, M, nlat)


def _build_grid():
    gx, gy = np.meshgrid(np.arange(0, 512), np.arange(-512, 512), indexing='ij')
    g = np.stack([gx.ravel(), gy.ravel()], axis=-1).astype(np.float32) / 512.0 * math.pi
    return g  # (524288, 2)

_GRID = _build_grid()


def to_spherical(coords):
    n = coords.shape[-1]
    r = jnp.linalg.norm(coords, axis=-1, keepdims=True)
    flipped = jnp.flip(coords, -1)
    expanded = jnp.broadcast_to(flipped[..., None, :], coords.shape + (n,))
    phi_norms = jnp.flip(jnp.linalg.norm(jnp.tril(expanded), axis=-1), -1)
    u = jnp.clip(coords[..., :-2] / phi_norms[..., :-2], -1.0, 1.0)
    phi = jnp.arccos(u)
    v = jnp.clip(coords[..., -2:-1] / phi_norms[..., -2:-1], -1.0, 1.0)
    a = jnp.arccos(v)
    phi_final = a + (2.0 * math.pi - 2.0 * a) * (coords[..., -1:] < 0)
    return jnp.transpose(r, (0, 2, 1)), jnp.concatenate([phi, phi_final], axis=-1)


def three_nn(grid, pts):
    # grid (Mtot, 2); pts (B, N, 2). Returns squared dists + indices of 3 NN, (B, Mtot, 3)
    def chunk_fn(g):
        d = jnp.sum((g[None, :, None, :] - pts[:, None, :, :]) ** 2, axis=-1)  # (B, C, N)
        neg, idx = jax.lax.top_k(-d, 3)
        return -neg, idx

    g3 = grid.reshape(-1, CHUNK, 2)
    dists, idxs = jax.lax.map(chunk_fn, g3)  # (nc, B, C, 3)
    B = pts.shape[0]
    dist = jnp.transpose(dists, (1, 0, 2, 3)).reshape(B, -1, 3)
    idx = jnp.transpose(idxs, (1, 0, 2, 3)).reshape(B, -1, 3)
    return dist, idx


def three_interpolate(features, idx, weight):
    # features (B, C, N); idx/weight (B, M, 3) -> (B, C, M)
    def per_b(f, i, w):
        return jnp.sum(jnp.take(f, i, axis=1) * w[None, :, :], axis=-1)
    return jax.vmap(per_b)(features, idx, weight)


def sht_forward(x):
    # x (B, nlat, nlon) -> complex coeffs (B, lmax, mmax); equiangular RealSHT
    xhat = jnp.fft.rfft(x, axis=-1) / x.shape[-1] * (2.0 * math.pi)
    xhat = xhat[..., :MMAX]  # (B, nlat, mmax)
    pct = jnp.asarray(_PCT)
    return jnp.einsum('bjm,lmj->blm', xhat, pct)


def setup_inputs(seed: int = 0) -> dict:
    key = jax.random.key(seed)
    k1, k2 = jax.random.split(key)
    pred = jax.random.normal(k1, (1, 512, 3), dtype=jnp.float32)
    target = jax.random.normal(k2, (1, 512, 3), dtype=jnp.float32)
    return {"pred": pred, "target": target}


def reference(pred, target):
    grid = jnp.asarray(_GRID)
    pred_features, pred_sph = to_spherical(pred)
    target_features, target_sph = to_spherical(target)
    pred_sph = pred_sph.at[:, :, 1].add(-math.pi)
    target_sph = target_sph.at[:, :, 1].add(-math.pi)
    pred_dist, pred_idx = three_nn(grid, pred_sph)
    target_dist, target_idx = three_nn(grid, target_sph)
    pred_dist = pred_dist / jnp.sum(pred_dist, axis=-1, keepdims=True)
    target_dist = target_dist / jnp.sum(target_dist, axis=-1, keepdims=True)
    pred_interp = three_interpolate(pred_features, pred_idx, pred_dist)
    target_interp = three_interpolate(target_features, target_idx, target_dist)
    pred_coeffs = sht_forward(pred_interp.reshape(-1, NLAT, NLON))
    target_coeffs = sht_forward(target_interp.reshape(-1, NLAT, NLON))
    return jnp.mean((pred_coeffs.real - target_coeffs.real) ** 2)

if __name__ == "__main__":
    import jax
    _d = setup_inputs()
    print(jax.jit(kernel)(*tuple(_d.values())))

</pallas_src>

<mosaic_0001>
#map = affine_map<(d0, d1) -> (0, 0)>
#map1 = affine_map<(d0, d1) -> (0)>
module attributes {stable_mosaic.version = 14 : i64} {
  func.func @k(%arg0: i32, %arg1: i32, %arg2: memref<256x512xf32, #tpu.memory_space<hbm>>, %arg3: memref<1024xf32, #tpu.memory_space<hbm>>, %arg4: memref<1024xf32, #tpu.memory_space<hbm>>, %arg5: memref<1024xf32, #tpu.memory_space<hbm>>, %arg6: memref<256x512xf32, #tpu.memory_space<hbm>>, %arg7: memref<256x512xf32, #tpu.memory_space<hbm>>, %arg8: memref<256x512xf32, #tpu.memory_space<hbm>>, %arg9: memref<256x16xi32, #tpu.memory_space<hbm>>, %arg10: memref<512xf32, #tpu.memory_space<vmem>>, %arg11: memref<1024xf32, #tpu.memory_space<vmem>>, %arg12: memref<1024xf32, #tpu.memory_space<vmem>>, %arg13: memref<1024xf32, #tpu.memory_space<vmem>>, %arg14: memref<512xf32, #tpu.memory_space<vmem>>, %arg15: memref<512xf32, #tpu.memory_space<vmem>>, %arg16: memref<512xf32, #tpu.memory_space<vmem>>, %arg17: memref<16xi32, #tpu.memory_space<vmem>>) attributes {dimension_semantics = [#tpu.dimension_semantics<core_parallel>, #tpu.dimension_semantics<subcore_parallel>], iteration_bounds = array<i64: 2, 16>, scalar_prefetch = 0 : i64, scratch_operands = 8 : i64, tpu.core_type = #tpu.core_type<sc_vector_subcore>, window_params = [{transform_indices = #map}, {transform_indices = #map1}, {transform_indices = #map1}, {transform_indices = #map1}, {transform_indices = #map}, {transform_indices = #map}, {transform_indices = #map}, {transform_indices = #map}]} {
    %mul3A = arith.constant 2 : i32
    %mul3A_0 = arith.muli %arg1, %mul3A : i32
    %add3A = arith.addi %mul3A_0, %arg0 : i32
    "tpu.region"() ({
      %run_scoped3A = tpu.sem_alloc : memref<!tpu.dma_semaphore, #tpu.memory_space<semaphore_mem>>
      tpu.enqueue_dma source(%arg3 : memref<1024xf32, #tpu.memory_space<hbm>>) target(%arg11 : memref<1024xf32, #tpu.memory_space<vmem>>) target_semaphore(%run_scoped3A : memref<!tpu.dma_semaphore, #tpu.memory_space<semaphore_mem>>)
      tpu.wait_dma2 semaphore(%run_scoped3A : memref<!tpu.dma_semaphore, #tpu.memory_space<semaphore_mem>>) src(%arg3 : memref<1024xf32, #tpu.memory_space<hbm>>) dst(%arg11 : memref<1024xf32, #tpu.memory_space<vmem>>)
      tpu.yield
    }) : () -> ()
    "tpu.region"() ({
      %run_scoped3A = tpu.sem_alloc : memref<!tpu.dma_semaphore, #tpu.memory_space<semaphore_mem>>
      tpu.enqueue_dma source(%arg4 : memref<1024xf32, #tpu.memory_space<hbm>>) target(%arg12 : memref<1024xf32, #tpu.memory_space<vmem>>) target_semaphore(%run_scoped3A : memref<!tpu.dma_semaphore, #tpu.memory_space<semaphore_mem>>)
      tpu.wait_dma2 semaphore(%run_scoped3A : memref<!tpu.dma_semaphore, #tpu.memory_space<semaphore_mem>>) src(%arg4 : memref<1024xf32, #tpu.memory_space<hbm>>) dst(%arg12 : memref<1024xf32, #tpu.memory_space<vmem>>)
      tpu.yield
    }) : () -> ()
    "tpu.region"() ({
      %run_scoped3A = tpu.sem_alloc : memref<!tpu.dma_semaphore, #tpu.memory_space<semaphore_mem>>
      tpu.enqueue_dma source(%arg5 : memref<1024xf32, #tpu.memory_space<hbm>>) target(%arg13 : memref<1024xf32, #tpu.memory_space<vmem>>) target_semaphore(%run_scoped3A : memref<!tpu.dma_semaphore, #tpu.memory_space<semaphore_mem>>)
      tpu.wait_dma2 semaphore(%run_scoped3A : memref<!tpu.dma_semaphore, #tpu.memory_space<semaphore_mem>>) src(%arg5 : memref<1024xf32, #tpu.memory_space<hbm>>) dst(%arg13 : memref<1024xf32, #tpu.memory_space<vmem>>)
      tpu.yield
    }) : () -> ()
    %broadcast_in_dim3A = arith.constant 0.000000e+00 : f32
    %broadcast_in_dim3A_1 = vector.broadcast %broadcast_in_dim3A : f32 to vector<16xf32>
    %broadcast_in_dim3A_2 = arith.constant 1.000000e+06 : f32
    %broadcast_in_dim3A_3 = vector.broadcast %broadcast_in_dim3A_2 : f32 to vector<16xf32>
    %broadcast_in_dim3A_4 = arith.constant 1 : i32
    %broadcast_in_dim3A_5 = vector.broadcast %broadcast_in_dim3A_4 : i32 to vector<16xi32>
    %broadcast_in_dim3A_6 = arith.constant 0 : i32
    %broadcast_in_dim3A_7 = vector.broadcast %broadcast_in_dim3A_6 : i32 to vector<16xi32>
    %iota3A = tpu.iota {dimensions = array<i32: 0>} : vector<16xi32>
    %broadcast_in_dim3A_8 = arith.constant 15 : i32
    %broadcast_in_dim3A_9 = vector.broadcast %broadcast_in_dim3A_8 : i32 to vector<16xi32>
    %scan3A = arith.constant 0 : i32
    %scan3A_10 = arith.constant 0 : i32
    %scan3A_11 = arith.constant 8 : i32
    %scan3A_12 = arith.addi %scan3A_10, %scan3A_11 : i32
    %scan3A_13 = arith.constant 1 : i32
    scf.for %scan3A_15 = %scan3A_10 to %scan3A_12 step %scan3A_13  : i32 {
      %mul3A_16 = arith.constant 8 : i32
      %mul3A_17 = arith.muli %add3A, %mul3A_16 : i32
      %add3A_18 = arith.addi %mul3A_17, %scan3A_15 : i32
      %jit3A = arith.constant 128 : i32
      %div3A = arith.divsi %add3A_18, %jit3A : i32
      %sign3A = arith.constant 0 : i32
      %sign3A_19 = arith.cmpi sgt, %add3A_18, %sign3A : i32
      %sign3A_20 = arith.extui %sign3A_19 : i1 to i32
      %sign3A_21 = arith.constant 0 : i32
      %sign3A_22 = arith.cmpi slt, %add3A_18, %sign3A_21 : i32
      %sign3A_23 = arith.extui %sign3A_22 : i1 to i32
      %sign3A_24 = arith.subi %sign3A_20, %sign3A_23 : i32
      %sign3A_25 = arith.constant 0 : i32
      %sign3A_26 = arith.cmpi sgt, %jit3A, %sign3A_25 : i32
      %sign3A_27 = arith.extui %sign3A_26 : i1 to i32
      %sign3A_28 = arith.constant 0 : i32
      %sign3A_29 = arith.cmpi slt, %jit3A, %sign3A_28 : i32
      %sign3A_30 = arith.extui %sign3A_29 : i1 to i32
      %sign3A_31 = arith.subi %sign3A_27, %sign3A_30 : i32
      %ne3A = arith.cmpi ne, %sign3A_24, %sign3A_31 : i32
      %rem3A = arith.remsi %add3A_18, %jit3A : i32
      %ne3A_32 = arith.constant 0 : i32
      %ne3A_33 = arith.cmpi ne, %rem3A, %ne3A_32 : i32
      %and3A = arith.andi %ne3A, %ne3A_33 : i1
      %sub3A = arith.constant 1 : i32
      %sub3A_34 = arith.subi %div3A, %sub3A : i32
      %select_n3A = arith.select %and3A, %sub3A_34, %div3A : i32
      %mul3A_35 = arith.constant 512 : i32
      %mul3A_36 = arith.muli %select_n3A, %mul3A_35 : i32
      "tpu.region"() ({
        %run_scoped3A = tpu.sem_alloc : memref<!tpu.dma_semaphore, #tpu.memory_space<semaphore_mem>>
        %dma_start3A = arith.constant 0 : i32
        %dma_start3A_3202 = tpu.memref_slice %arg2[%add3A_18, %dma_start3A] : memref<256x512xf32, #tpu.memory_space<hbm>> -> memref<1x512xf32, #tpu.memory_space<hbm>>
        %dma_start3A_3203 = tpu.memref_squeeze %dma_start3A_3202 : memref<1x512xf32, #tpu.memory_space<hbm>> -> memref<512xf32, #tpu.memory_space<hbm>>
        %dma_start3A_3204 = arith.constant 0 : i32
        %dma_start3A_3205 = tpu.memref_slice %arg2[%add3A_18, %dma_start3A_3204] : memref<256x512xf32, #tpu.memory_space<hbm>> -> memref<1x512xf32, #tpu.memory_space<hbm>>
        %dma_start3A_3206 = tpu.memref_squeeze %dma_start3A_3205 : memref<1x512xf32, #tpu.memory_space<hbm>> -> memref<512xf32, #tpu.memory_space<hbm>>
        tpu.enqueue_dma source(%dma_start3A_3206 : memref<512xf32, #tpu.memory_space<hbm>>) target(%arg10 : memref<512xf32, #tpu.memory_space<vmem>>) target_semaphore(%run_scoped3A : memref<!tpu.dma_semaphore, #tpu.memory_space<semaphore_mem>>)
        %dma_wait3A = arith.constant 0 : i32
        %dma_wait3A_3207 = tpu.memref_slice %arg2[%add3A_18, %dma_wait3A] : memref<256x512xf32, #tpu.memory_space<hbm>> -> memref<1x512xf32, #tpu.memory_space<hbm>>
        %dma_wait3A_3208 = tpu.memref_squeeze %dma_wait3A_3207 : memref<1x512xf32, #tpu.memory_space<hbm>> -> memref<512xf32, #tpu.memory_space<hbm>>
        %dma_wait3A_3209 = arith.constant 0 : i32
        %dma_wait3A_3210 = tpu.memref_slice %arg2[%add3A_18, %dma_wait3A_3209] : memref<256x512xf32, #tpu.memory_space<hbm>> -> memref<1x512xf32, #tpu.memory_space<hbm>>
        %dma_wait3A_3211 = tpu.memref_squeeze %dma_wait3A_3210 : memref<1x512xf32, #tpu.memory_space<hbm>> -> memref<512xf32, #tpu.memory_space<hbm>>
        tpu.wait_dma2 semaphore(%run_scoped3A : memref<!tpu.dma_semaphore, #tpu.memory_space<semaphore_mem>>) src(%dma_wait3A_3211 : memref<512xf32, #tpu.memory_space<hbm>>) dst(%arg10 : memref<512xf32, #tpu.memory_space<vmem>>)
        tpu.yield
      }) : () -> ()
      %swap3A = arith.constant 0 : index
      %swap3A_37 = tpu.vector_load %arg14[%swap3A] {strides = array<i32>} : memref<512xf32, #tpu.memory_space<vmem>>, vector<16xf32>,
      tpu.vector_store %arg14[%swap3A], %broadcast_in_dim3A_3 {strides = array<i32>} : memref<512xf32, #tpu.memory_space<vmem>>, vector<16xf32>,
      %swap3A_38 = arith.constant 0 : index
      %swap3A_39 = tpu.vector_load %arg15[%swap3A_38] {strides = array<i32>} : memref<512xf32, #tpu.memory_space<vmem>>, vector<16xf32>,
      tpu.vector_store %arg15[%swap3A_38], %broadcast_in_dim3A_1 {strides = array<i32>} : memref<512xf32, #tpu.memory_space<vmem>>, vector<16xf32>,
      %swap3A_40 = arith.constant 0 : index
      %swap3A_41 = tpu.vector_load %arg16[%swap3A_40] {strides = array<i32>} : memref<512xf32, #tpu.memory_space<vmem>>, vector<16xf32>,
      tpu.vector_store %arg16[%swap3A_40], %broadcast_in_dim3A_1 {strides = array<i32>} : memref<512xf32, #tpu.memory_space<vmem>>, vector<16xf32>,
      %swap3A_42 = arith.constant 16 : index
      %swap3A_43 = tpu.vector_load %arg14[%swap3A_42] {strides = array<i32>} : memref<512xf32, #tpu.memory_space<vmem>>, vector<16xf32>,
      tpu.vector_store %arg14[%swap3A_42], %broadcast_in_dim3A_3 {strides = array<i32>} : memref<512xf32, #tpu.memory_space<vmem>>, vector<16xf32>,
      %swap3A_44 = arith.constant 16 : index
      %swap3A_45 = tpu.vector_load %arg15[%swap3A_44] {strides = array<i32>} : memref<512xf32, #tpu.memory_space<vmem>>, vector<16xf32>,
      tpu.vector_store %arg15[%swap3A_44], %broadcast_in_dim3A_1 {strides = array<i32>} : memref<512xf32, #tpu.memory_space<vmem>>, vector<16xf32>,
      %swap3A_46 = arith.constant 16 : index
      %swap3A_47 = tpu.vector_load %arg16[%swap3A_46] {strides = array<i32>} : memref<512xf32, #tpu.memory_space<vmem>>, vector<16xf32>,
      tpu.vector_store %arg16[%swap3A_46], %broadcast_in_dim3A_1 {strides = array<i32>} : memref<512xf32, #tpu.memory_space<vmem>>, vector<16xf32>,
      %swap3A_48 = arith.constant 32 : index
      %swap3A_49 = tpu.vector_load %arg14[%swap3A_48] {strides = array<i32>} : memref<512xf32, #tpu.memory_space<vmem>>, vector<16xf32>,
      tpu.vector_store %arg14[%swap3A_48], %broadcast_in_dim3A_3 {strides = array<i32>} : memref<512xf32, #tpu.memory_space<vmem>>, vector<16xf32>,
      %swap3A_50 = arith.constant 32 : index
      %swap3A_51 = tpu.vector_load %arg15[%swap3A_50] {strides = array<i32>} : memref<512xf32, #tpu.memory_space<vmem>>, vector<16xf32>,
      tpu.vector_store %arg15[%swap3A_50], %broadcast_in_dim3A_1 {strides = array<i32>} : memref<512xf32, #tpu.memory_space<vmem>>, vector<16xf32>,
      %swap3A_52 = arith.constant 32 : index
      %swap3A_53 = tpu.vector_load %arg16[%swap3A_52] {strides = array<i32>} : memref<512xf32, #tpu.memory_space<vmem>>, vector<16xf32>,
      tpu.vector_store %arg16[%swap3A_52], %broadcast_in_dim3A_1 {strides = array<i32>} : memref<512xf32, #tpu.memory_space<vmem>>, vector<16xf32>,
      %swap3A_54 = arith.constant 48 : index
      %swap3A_55 = tpu.vector_load %arg14[%swap3A_54] {strides = array<i32>} : memref<512xf32, #tpu.memory_space<vmem>>, vector<16xf32>,
      tpu.vector_store %arg14[%swap3A_54], %broadcast_in_dim3A_3 {strides = array<i32>} : memref<512xf32, #tpu.memory_space<vmem>>, vector<16xf32>,
      %swap3A_56 = arith.constant 48 : index
      %swap3A_57 = tpu.vector_load %arg15[%swap3A_56] {strides = array<i32>} : memref<512xf32, #tpu.memory_space<vmem>>, vector<16xf32>,
      tpu.vector_store %arg15[%swap3A_56], %broadcast_in_dim3A_1 {strides = array<i32>} : memref<512xf32, #tpu.memory_space<vmem>>, vector<16xf32>,
      %swap3A_58 = arith.constant 48 : index
      %swap3A_59 = tpu.vector_load %arg16[%swap3A_58] {strides = array<i32>} : memref<512xf32, #tpu.memory_space<vmem>>, vector<16xf32>,
      tpu.vector_store %arg16[%swap3A_58], %broadcast_in_dim3A_1 {strides = array<i32>} : memref<512xf32, #tpu.memory_space<vmem>>, vector<16xf32>,
      %swap3A_60 = arith.constant 64 : index
      %swap3A_61 = tpu.vector_load %arg14[%swap3A_60] {strides = array<i32>} : memref<512xf32, #tpu.memory_space<vmem>>, vector<16xf32>,
      tpu.vector_store %arg14[%swap3A_60], %broadcast_in_dim3A_3 {strides = array<i32>} : memref<512xf32, #tpu.memory_space<vmem>>, vector<16xf32>,
      %swap3A_62 = arith.constant 64 : index
      %swap3A_63 = tpu.vector_load %arg15[%swap3A_62] {strides = array<i32>} : memref<512xf32, #tpu.memory_space<vmem>>, vector<16xf32>,
      tpu.vector_store %arg15[%swap3A_62], %broadcast_in_dim3A_1 {strides = array<i32>} : memref<512xf32, #tpu.memory_space<vmem>>, vector<16xf32>,
      %swap3A_64 = arith.constant 64 : index
      %swap3A_65 = tpu.vector_load %arg16[%swap3A_64] {strides = array<i32>} : memref<512xf32, #tpu.memory_space<vmem>>, vector<16xf32>,
      tpu.vector_store %arg16[%swap3A_64], %broadcast_in_dim3A_1 {strides = array<i32>} : memref<512xf32, #tpu.memory_space<vmem>>, vector<16xf32>,
      %swap3A_66 = arith.constant 80 : index
      %swap3A_67 = tpu.vector_load %arg14[%swap3A_66] {strides = array<i32>} : memref<512xf32, #tpu.memory_space<vmem>>, vector<16xf32>,
      tpu.vector_store %arg14[%swap3A_66], %broadcast_in_dim3A_3 {strides = array<i32>} : memref<512xf32, #tpu.memory_space<vmem>>, vector<16xf32>,
      %swap3A_68 = arith.constant 80 : index
      %swap3A_69 = tpu.vector_load %arg15[%swap3A_68] {strides = array<i32>} : memref<512xf32, #tpu.memory_space<vmem>>, vector<16xf32>,
      tpu.vector_store %arg15[%swap3A_68], %broadcast_in_dim3A_1 {strides = array<i32>} : memref<512xf32, #tpu.memory_space<vmem>>, vector<16xf32>,
      %swap3A_70 = arith.constant 80 : index
      %swap3A_71 = tpu.vector_load %arg16[%swap3A_70] {strides = array<i32>} : memref<512xf32, #tpu.memory_space<vmem>>, vector<16xf32>,
      tpu.vector_store %arg16[%swap3A_70], %broadcast_in_dim3A_1 {strides = array<i32>} : memref<512xf32, #tpu.memory_space<vmem>>, vector<16xf32>,
      %swap3A_72 = arith.constant 96 : index
      %swap3A_73 = tpu.vector_load %arg14[%swap3A_72] {strides = array<i32>} : memref<512xf32, #tpu.memory_space<vmem>>, vector<16xf32>,
      tpu.vector_store %arg14[%swap3A_72], %broadcast_in_dim3A_3 {strides = array<i32>} : memref<512xf32, #tpu.memory_space<vmem>>, vector<16xf32>,
      %swap3A_74 = arith.constant 96 : index
      %swap3A_75 = tpu.vector_load %arg15[%swap3A_74] {strides = array<i32>} : memref<512xf32, #tpu.memory_space<vmem>>, vector<16xf32>,
      tpu.vector_store %arg15[%swap3A_74], %broadcast_in_dim3A_1 {strides = array<i32>} : memref<512xf32, #tpu.memory_space<vmem>>, vector<16xf32>,
      %swap3A_76 = arith.constant 96 : index
      %swap3A_77 = tpu.vector_load %arg16[%swap3A_76] {strides = array<i32>} : memref<512xf32, #tpu.memory_space<vmem>>, vector<16xf32>,
      tpu.vector_store %arg16[%swap3A_76], %broadcast_in_dim3A_1 {strides = array<i32>} : memref<512xf32, #tpu.memory_space<vmem>>, vector<16xf32>,
      %swap3A_78 = arith.constant 112 : index
      %swap3A_79 = tpu.vector_load %arg14[%swap3A_78] {strides = array<i32>} : memref<512xf32, #tpu.memory_space<vmem>>, vector<16xf32>,
      tpu.vector_store %arg14[%swap3A_78], %broadcast_in_dim3A_3 {strides = array<i32>} : memref<512xf32, #tpu.memory_space<vmem>>, vector<16xf32>,
      %swap3A_80 = arith.constant 112 : index
      %swap3A_81 = tpu.vector_load %arg15[%swap3A_80] {strides = array<i32>} : memref<512xf32, #tpu.memory_space<vmem>>, vector<16xf32>,
      tpu.vector_store %arg15[%swap3A_80], %broadcast_in_dim3A_1 {strides = array<i32>} : memref<512xf32, #tpu.memory_space<vmem>>, vector<16xf32>,
      %swap3A_82 = arith.constant 112 : index
      %swap3A_83 = tpu.vector_load %arg16[%swap3A_82] {strides = array<i32>} : memref<512xf32, #tpu.memory_space<vmem>>, vector<16xf32>,
      tpu.vector_store %arg16[%swap3A_82], %broadcast_in_dim3A_1 {strides = array<i32>} : memref<512xf32, #tpu.memory_space<vmem>>, vector<16xf32>,
      %swap3A_84 = arith.constant 128 : index
      %swap3A_85 = tpu.vector_load %arg14[%swap3A_84] {strides = array<i32>} : memref<512xf32, #tpu.memory_space<vmem>>, vector<16xf32>,
      tpu.vector_store %arg14[%swap3A_84], %broadcast_in_dim3A_3 {strides = array<i32>} : memref<512xf32, #tpu.memory_space<vmem>>, vector<16xf32>,
      %swap3A_86 = arith.constant 128 : index
      %swap3A_87 = tpu.vector_load %arg15[%swap3A_86] {strides = array<i32>} : memref<512xf32, #tpu.memory_space<vmem>>, vector<16xf32>,
      tpu.vector_store %arg15[%swap3A_86], %broadcast_in_dim3A_1 {strides = array<i32>} : memref<512xf32, #tpu.memory_space<vmem>>, vector<16xf32>,
      %swap3A_88 = arith.constant 128 : index
      %swap3A_89 = tpu.vector_load %arg16[%swap3A_88] {strides = array<i32>} : memref<512xf32, #tpu.memory_space<vmem>>, vector<16xf32>,
      tpu.vector_store %arg16[%swap3A_88], %broadcast_in_dim3A_1 {strides = array<i32>} : memref<512xf32, #tpu.memory_space<vmem>>, vector<16xf32>,
      %swap3A_90 = arith.constant 144 : index
      %swap3A_91 = tpu.vector_load %arg14[%swap3A_90] {strides = array<i32>} : memref<512xf32, #tpu.memory_space<vmem>>, vector<16xf32>,
      tpu.vector_store %arg14[%swap3A_90], %broadcast_in_dim3A_3 {strides = array<i32>} : memref<512xf32, #tpu.memory_space<vmem>>, vector<16xf32>,
      %swap3A_92 = arith.constant 144 : index
      %swap3A_93 = tpu.vector_load %arg15[%swap3A_92] {strides = array<i32>} : memref<512xf32, #tpu.memory_space<vmem>>, vector<16xf32>,
      tpu.vector_store %arg15[%swap3A_92], %broadcast_in_dim3A_1 {strides = array<i32>} : memref<512xf32, #tpu.memory_space<vmem>>, vector<16xf32>,
      %swap3A_94 = arith.constant 144 : index
      %swap3A_95 = tpu.vector_load %arg16[%swap3A_94] {strides = array<i32>} : memref<512xf32, #tpu.memory_space<vmem>>, vector<16xf32>,
      tpu.vector_store %arg16[%swap3A_94], %broadcast_in_dim3A_1 {strides = array<i32>} : memref<512xf32, #tpu.memory_space<vmem>>, vector<16xf32>,
      %swap3A_96 = arith.constant 160 : index
      %swap3A_97 = tpu.vector_load %arg14[%swap3A_96] {strides = array<i32>} : memref<512xf32, #tpu.memory_space<vmem>>, vector<16xf32>,
      tpu.vector_store %arg14[%swap3A_96], %broadcast_in_dim3A_3 {strides = array<i32>} : memref<512xf32, #tpu.memory_space<vmem>>, vector<16xf32>,
      %swap3A_98 = arith.constant 160 : index
      %swap3A_99 = tpu.vector_load %arg15[%swap3A_98] {strides = array<i32>} : memref<512xf32, #tpu.memory_space<vmem>>, vector<16xf32>,
      tpu.vector_store %arg15[%swap3A_98], %broadcast_in_dim3A_1 {strides = array<i32>} : memref<512xf32, #tpu.memory_space<vmem>>, vector<16xf32>,
      %swap3A_100 = arith.constant 160 : index
      %swap3A_101 = tpu.vector_load %arg16[%swap3A_100] {strides = array<i32>} : memref<512xf32, #tpu.memory_space<vmem>>, vector<16xf32>,
      tpu.vector_store %arg16[%swap3A_100], %broadcast_in_dim3A_1 {strides = array<i32>} : memref<512xf32, #tpu.memory_space<vmem>>, vector<16xf32>,
      %swap3A_102 = arith.constant 176 : index
      %swap3A_103 = tpu.vector_load %arg14[%swap3A_102] {strides = array<i32>} : memref<512xf32, #tpu.memory_space<vmem>>, vector<16xf32>,
      tpu.vector_store %arg14[%swap3A_102], %broadcast_in_dim3A_3 {strides = array<i32>} : memref<512xf32, #tpu.memory_space<vmem>>, vector<16xf32>,
      %swap3A_104 = arith.constant 176 : index
      %swap3A_105 = tpu.vector_load %arg15[%swap3A_104] {strides = array<i32>} : memref<512xf32, #tpu.memory_space<vmem>>, vector<16xf32>,
      tpu.vector_store %arg15[%swap3A_104], %broadcast_in_dim3A_1 {strides = array<i32>} : memref<512xf32, #tpu.memory_space<vmem>>, vector<16xf32>,
      %swap3A_106 = arith.constant 176 : index
      %swap3A_107 = tpu.vector_load %arg16[%swap3A_106] {strides = array<i32>} : memref<512xf32, #tpu.memory_space<vmem>>, vector<16xf32>,
      tpu.vector_store %arg16[%swap3A_106], %broadcast_in_dim3A_1 {strides = array<i32>} : memref<512xf32, #tpu.memory_space<vmem>>, vector<16xf32>,
      %swap3A_108 = arith.constant 192 : index
      %swap3A_109 = tpu.vector_load %arg14[%swap3A_108] {strides = array<i32>} : memref<512xf32, #tpu.memory_space<vmem>>, vector<16xf32>,
      tpu.vector_store %arg14[%swap3A_108], %broadcast_in_dim3A_3 {strides = array<i32>} : memref<512xf32, #tpu.memory_space<vmem>>, vector<16xf32>,
      %swap3A_110 = arith.constant 192 : index
      %swap3A_111 = tpu.vector_load %arg15[%swap3A_110] {strides = array<i32>} : memref<512xf32, #tpu.memory_space<vmem>>, vector<16xf32>,
      tpu.vector_store %arg15[%swap3A_110], %broadcast_in_dim3A_1 {strides = array<i32>} : memref<512xf32, #tpu.memory_space<vmem>>, vector<16xf32>,
      %swap3A_112 = arith.constant 192 : index
      %swap3A_113 = tpu.vector_load %arg16[%swap3A_112] {strides = array<i32>} : memref<512xf32, #tpu.memory_space<vmem>>, vector<16xf32>,
      tpu.vector_store %arg16[%swap3A_112], %broadcast_in_dim3A_1 {strides = array<i32>} : memref<512xf32, #tpu.memory_space<vmem>>, vector<16xf32>,
      %swap3A_114 = arith.constant 208 : index
      %swap3A_115 = tpu.vector_load %arg14[%swap3A_114] {strides = array<i32>} : memref<512xf32, #tpu.memory_space<vmem>>, vector<16xf32>,
      tpu.vector_store %arg14[%swap3A_114], %broadcast_in_dim3A_3 {strides = array<i32>} : memref<512xf32, #tpu.memory_space<vmem>>, vector<16xf32>,
      %swap3A_116 = arith.constant 208 : index
      %swap3A_117 = tpu.vector_load %arg15[%swap3A_116] {strides = array<i32>} : memref<512xf32, #tpu.memory_space<vmem>>, vector<16xf32>,
      tpu.vector_store %arg15[%swap3A_116], %broadcast_in_dim3A_1 {strides = array<i32>} : memref<512xf32, #tpu.memory_space<vmem>>, vector<16xf32>,
      %swap3A_118 = arith.constant 208 : index
      %swap3A_119 = tpu.vector_load %arg16[%swap3A_118] {strides = array<i32>} : memref<512xf32, #tpu.memory_space<vmem>>, vector<16xf32>,
      tpu.vector_store %arg16[%swap3A_118], %broadcast_in_dim3A_1 {strides = array<i32>} : memref<512xf32, #tpu.memory_space<vmem>>, vector<16xf32>,
      %swap3A_120 = arith.constant 224 : index
      %swap3A_121 = tpu.vector_load %arg14[%swap3A_120] {strides = array<i32>} : memref<512xf32, #tpu.memory_space<vmem>>, vector<16xf32>,
      tpu.vector_store %arg14[%swap3A_120], %broadcast_in_dim3A_3 {strides = array<i32>} : memref<512xf32, #tpu.memory_space<vmem>>, vector<16xf32>,
      %swap3A_122 = arith.constant 224 : index
      %swap3A_123 = tpu.vector_load %arg15[%swap3A_122] {strides = array<i32>} : memref<512xf32, #tpu.memory_space<vmem>>, vector<16xf32>,
      tpu.vector_store %arg15[%swap3A_122], %broadcast_in_dim3A_1 {strides = array<i32>} : memref<512xf32, #tpu.memory_space<vmem>>, vector<16xf32>,
      %swap3A_124 = arith.constant 224 : index
      %swap3A_125 = tpu.vector_load %arg16[%swap3A_124] {strides = array<i32>} : memref<512xf32, #tpu.memory_space<vmem>>, vector<16xf32>,
      tpu.vector_store %arg16[%swap3A_124], %broadcast_in_dim3A_1 {strides = array<i32>} : memref<512xf32, #tpu.memory_space<vmem>>, vector<16xf32>,
      %swap3A_126 = arith.constant 240 : index
      %swap3A_127 = tpu.vector_load %arg14[%swap3A_126] {strides = array<i32>} : memref<512xf32, #tpu.memory_space<vmem>>, vector<16xf32>,
      tpu.vector_store %arg14[%swap3A_126], %broadcast_in_dim3A_3 {strides = array<i32>} : memref<512xf32, #tpu.memory_space<vmem>>, vector<16xf32>,
      %swap3A_128 = arith.constant 240 : index
      %swap3A_129 = tpu.vector_load %arg15[%swap3A_128] {strides = array<i32>} : memref<512xf32, #tpu.memory_space<vmem>>, vector<16xf32>,
      tpu.vector_store %arg15[%swap3A_128], %broadcast_in_dim3A_1 {strides = array<i32>} : memref<512xf32, #tpu.memory_space<vmem>>, vector<16xf32>,
      %swap3A_130 = arith.constant 240 : index
      %swap3A_131 = tpu.vector_load %arg16[%swap3A_130] {strides = array<i32>} : memref<512xf32, #tpu.memory_space<vmem>>, vector<16xf32>,
      tpu.vector_store %arg16[%swap3A_130], %broadcast_in_dim3A_1 {strides = array<i32>} : memref<512xf32, #tpu.memory_space<vmem>>, vector<16xf32>,
      %swap3A_132 = arith.constant 256 : index
      %swap3A_133 = tpu.vector_load %arg14[%swap3A_132] {strides = array<i32>} : memref<512xf32, #tpu.memory_space<vmem>>, vector<16xf32>,
      tpu.vector_store %arg14[%swap3A_132], %broadcast_in_dim3A_3 {strides = array<i32>} : memref<512xf32, #tpu.memory_space<vmem>>, vector<16xf32>,
      %swap3A_134 = arith.constant 256 : index
      %swap3A_135 = tpu.vector_load %arg15[%swap3A_134] {strides = array<i32>} : memref<512xf32, #tpu.memory_space<vmem>>, vector<16xf32>,
      tpu.vector_store %arg15[%swap3A_134], %broadcast_in_dim3A_1 {strides = array<i32>} : memref<512xf32, #tpu.memory_space<vmem>>, vector<16xf32>,
      %swap3A_136 = arith.constant 256 : index
      %swap3A_137 = tpu.vector_load %arg16[%swap3A_136] {strides = array<i32>} : memref<512xf32, #tpu.memory_space<vmem>>, vector<16xf32>,
      tpu.vector_store %arg16[%swap3A_136], %broadcast_in_dim3A_1 {strides = array<i32>} : memref<512xf32, #tpu.memory_space<vmem>>, vector<16xf32>,
      %swap3A_138 = arith.constant 272 : index
      %swap3A_139 = tpu.vector_load %arg14[%swap3A_138] {strides = array<i32>} : memref<512xf32, #tpu.memory_space<vmem>>, vector<16xf32>,
      tpu.vector_store %arg14[%swap3A_138], %broadcast_in_dim3A_3 {strides = array<i32>} : memref<512xf32, #tpu.memory_space<vmem>>, vector<16xf32>,
      %swap3A_140 = arith.constant 272 : index
      %swap3A_141 = tpu.vector_load %arg15[%swap3A_140] {strides = array<i32>} : memref<512xf32, #tpu.memory_space<vmem>>, vector<16xf32>,
      tpu.vector_store %arg15[%swap3A_140], %broadcast_in_dim3A_1 {strides = array<i32>} : memref<512xf32, #tpu.memory_space<vmem>>, vector<16xf32>,
      %swap3A_142 = arith.constant 272 : index
      %swap3A_143 = tpu.vector_load %arg16[%swap3A_142] {strides = array<i32>} : memref<512xf32, #tpu.memory_space<vmem>>, vector<16xf32>,
      tpu.vector_store %arg16[%swap3A_142], %broadcast_in_dim3A_1 {strides = array<i32>} : memref<512xf32, #tpu.memory_space<vmem>>, vector<16xf32>,
      %swap3A_144 = arith.constant 288 : index
      %swap3A_145 = tpu.vector_load %arg14[%swap3A_144] {strides = array<i32>} : memref<512xf32, #tpu.memory_space<vmem>>, vector<16xf32>,
      tpu.vector_store %arg14[%swap3A_144], %broadcast_in_dim3A_3 {strides = array<i32>} : memref<512xf32, #tpu.memory_space<vmem>>, vector<16xf32>,
      %swap3A_146 = arith.constant 288 : index
      %swap3A_147 = tpu.vector_load %arg15[%swap3A_146] {strides = array<i32>} : memref<512xf32, #tpu.memory_space<vmem>>, vector<16xf32>,
      tpu.vector_store %arg15[%swap3A_146], %broadcast_in_dim3A_1 {strides = array<i32>} : memref<512xf32, #tpu.memory_space<vmem>>, vector<16xf32>,
      %swap3A_148 = arith.constant 288 : index
      %swap3A_149 = tpu.vector_load %arg16[%swap3A_148] {strides = array<i32>} : memref<512xf32, #tpu.memory_space<vmem>>, vector<16xf32>,
      tpu.vector_store %arg16[%swap3A_148], %broadcast_in_dim3A_1 {strides = array<i32>} : memref<512xf32, #tpu.memory_space<vmem>>, vector<16xf32>,
      %swap3A_150 = arith.constant 304 : index
      %swap3A_151 = tpu.vector_load %arg14[%swap3A_150] {strides = array<i32>} : memref<512xf32, #tpu.memory_space<vmem>>, vector<16xf32>,
      tpu.vector_store %arg14[%swap3A_150], %broadcast_in_dim3A_3 {strides = array<i32>} : memref<512xf32, #tpu.memory_space<vmem>>, vector<16xf32>,
      %swap3A_152 = arith.constant 304 : index
      %swap3A_153 = tpu.vector_load %arg15[%swap3A_152] {strides = array<i32>} : memref<512xf32, #tpu.memory_space<vmem>>, vector<16xf32>,
      tpu.vector_store %arg15[%swap3A_152], %broadcast_in_dim3A_1 {strides = array<i32>} : memref<512xf32, #tpu.memory_space<vmem>>, vector<16xf32>,
      %swap3A_154 = arith.constant 304 : index
      %swap3A_155 = tpu.vector_load %arg16[%swap3A_154] {strides = array<i32>} : memref<512xf32, #tpu.memory_space<vmem>>, vector<16xf32>,
      tpu.vector_store %arg16[%swap3A_154], %broadcast_in_dim3A_1 {strides = array<i32>} : memref<512xf32, #tpu.memory_space<vmem>>, vector<16xf32>,
      %swap3A_156 = arith.constant 320 : index
      %swap3A_157 = tpu.vector_load %arg14[%swap3A_156] {strides = array<i32>} : memref<512xf32, #tpu.memory_space<vmem>>, vector<16xf32>,
      tpu.vector_store %arg14[%swap3A_156], %broadcast_in_dim3A_3 {strides = array<i32>} : memref<512xf32, #tpu.memory_space<vmem>>, vector<16xf32>,
      %swap3A_158 = arith.constant 320 : index
      %swap3A_159 = tpu.vector_load %arg15[%swap3A_158] {strides = array<i32>} : memref<512xf32, #tpu.memory_space<vmem>>, vector<16xf32>,
      tpu.vector_store %arg15[%swap3A_158], %broadcast_in_dim3A_1 {strides = array<i32>} : memref<512xf32, #tpu.memory_space<vmem>>, vector<16xf32>,
      %swap3A_160 = arith.constant 320 : index
      %swap3A_161 = tpu.vector_load %arg16[%swap3A_160] {strides = array<i32>} : memref<512xf32, #tpu.memory_space<vmem>>, vector<16xf32>,
      tpu.vector_store %arg16[%swap3A_160], %broadcast_in_dim3A_1 {strides = array<i32>} : memref<512xf32, #tpu.memory_space<vmem>>, vector<16xf32>,
      %swap3A_162 = arith.constant 336 : index
      %swap3A_163 = tpu.vector_load %arg14[%swap3A_162] {strides = array<i32>} : memref<512xf32, #tpu.memory_space<vmem>>, vector<16xf32>,
      tpu.vector_store %arg14[%swap3A_162], %broadcast_in_dim3A_3 {strides = array<i32>} : memref<512xf32, #tpu.memory_space<vmem>>, vector<16xf32>,
      %swap3A_164 = arith.constant 336 : index
      %swap3A_165 = tpu.vector_load %arg15[%swap3A_164] {strides = array<i32>} : memref<512xf32, #tpu.memory_space<vmem>>, vector<16xf32>,
      tpu.vector_store %arg15[%swap3A_164], %broadcast_in_dim3A_1 {strides = array<i32>} : memref<512xf32, #tpu.memory_space<vmem>>, vector<16xf32>,
      %swap3A_166 = arith.constant 336 : index
      %swap3A_167 = tpu.vector_load %arg16[%swap3A_166] {strides = array<i32>} : memref<512xf32, #tpu.memory_space<vmem>>, vector<16xf32>,
      tpu.vector_store %arg16[%swap3A_166], %broadcast_in_dim3A_1 {strides = array<i32>} : memref<512xf32, #tpu.memory_space<vmem>>, vector<16xf32>,
      %swap3A_168 = arith.constant 352 : index
      %swap3A_169 = tpu.vector_load %arg14[%swap3A_168] {strides = array<i32>} : memref<512xf32, #tpu.memory_space<vmem>>, vector<16xf32>,
      tpu.vector_store %arg14[%swap3A_168], %broadcast_in_dim3A_3 {strides = array<i32>} : memref<512xf32, #tpu.memory_space<vmem>>, vector<16xf32>,
      %swap3A_170 = arith.constant 352 : index
      %swap3A_171 = tpu.vector_load %arg15[%swap3A_170] {strides = array<i32>} : memref<512xf32, #tpu.memory_space<vmem>>, vector<16xf32>,
      tpu.vector_store %arg15[%swap3A_170], %broadcast_in_dim3A_1 {strides = array<i32>} : memref<512xf32, #tpu.memory_space<vmem>>, vector<16xf32>,
      %swap3A_172 = arith.constant 352 : index
      %swap3A_173 = tpu.vector_load %arg16[%swap3A_172] {strides = array<i32>} : memref<512xf32, #tpu.memory_space<vmem>>, vector<16xf32>,
      tpu.vector_store %arg16[%swap3A_172], %broadcast_in_dim3A_1 {strides = array<i32>} : memref<512xf32, #tpu.memory_space<vmem>>, vector<16xf32>,
      %swap3A_174 = arith.constant 368 : index
      %swap3A_175 = tpu.vector_load %arg14[%swap3A_174] {strides = array<i32>} : memref<512xf32, #tpu.memory_space<vmem>>, vector<16xf32>,
      tpu.vector_store %arg14[%swap3A_174], %broadcast_in_dim3A_3 {strides = array<i32>} : memref<512xf32, #tpu.memory_space<vmem>>, vector<16xf32>,
      %swap3A_176 = arith.constant 368 : index
      %swap3A_177 = tpu.vector_load %arg15[%swap3A_176] {strides = array<i32>} : memref<512xf32, #tpu.memory_space<vmem>>, vector<16xf32>,
      tpu.vector_store %arg15[%swap3A_176], %broadcast_in_dim3A_1 {strides = array<i32>} : memref<512xf32, #tpu.memory_space<vmem>>, vector<16xf32>,
      %swap3A_178 = arith.constant 368 : index
      %swap3A_179 = tpu.vector_load %arg16[%swap3A_178] {strides = array<i32>} : memref<512xf32, #tpu.memory_space<vmem>>, vector<16xf32>,
      tpu.vector_store %arg16[%swap3A_178], %broadcast_in_dim3A_1 {strides = array<i32>} : memref<512xf32, #tpu.memory_space<vmem>>, vector<16xf32>,
      %swap3A_180 = arith.constant 384 : index
      %swap3A_181 = tpu.vector_load %arg14[%swap3A_180] {strides = array<i32>} : memref<512xf32, #tpu.memory_space<vmem>>, vector<16xf32>,
      tpu.vector_store %arg14[%swap3A_180], %broadcast_in_dim3A_3 {strides = array<i32>} : memref<512xf32, #tpu.memory_space<vmem>>, vector<16xf32>,
      %swap3A_182 = arith.constant 384 : index
      %swap3A_183 = tpu.vector_load %arg15[%swap3A_182] {strides = array<i32>} : memref<512xf32, #tpu.memory_space<vmem>>, vector<16xf32>,
      tpu.vector_store %arg15[%swap3A_182], %broadcast_in_dim3A_1 {strides = array<i32>} : memref<512xf32, #tpu.memory_space<vmem>>, vector<16xf32>,
      %swap3A_184 = arith.constant 384 : index
      %swap3A_185 = tpu.vector_load %arg16[%swap3A_184] {strides = array<i32>} : memref<512xf32, #tpu.memory_space<vmem>>, vector<16xf32>,
      tpu.vector_store %arg16[%swap3A_184], %broadcast_in_dim3A_1 {strides = array<i32>} : memref<512xf32, #tpu.memory_space<vmem>>, vector<16xf32>,
      %swap3A_186 = arith.constant 400 : index
      %swap3A_187 = tpu.vector_load %arg14[%swap3A_186] {strides = array<i32>} : memref<512xf32, #tpu.memory_space<vmem>>, vector<16xf32>,
      tpu.vector_store %arg14[%swap3A_186], %broadcast_in_dim3A_3 {strides = array<i32>} : memref<512xf32, #tpu.memory_space<vmem>>, vector<16xf32>,
      %swap3A_188 = arith.constant 400 : index
      %swap3A_189 = tpu.vector_load %arg15[%swap3A_188] {strides = array<i32>} : memref<512xf32, #tpu.memory_space<vmem>>, vector<16xf32>,
      tpu.vector_store %arg15[%swap3A_188], %broadcast_in_dim3A_1 {strides = array<i32>} : memref<512xf32, #tpu.memory_space<vmem>>, vector<16xf32>,
      %swap3A_190 = arith.constant 400 : index
      %swap3A_191 = tpu.vector_load %arg16[%swap3A_190] {strides = array<i32>} : memref<512xf32, #tpu.memory_space<vmem>>, vector<16xf32>,
      tpu.vector_store %arg16[%swap3A_190], %broadcast_in_dim3A_1 {strides = array<i32>} : memref<512xf32, #tpu.memory_space<vmem>>, vector<16xf32>,
      %swap3A_192 = arith.constant 416 : index
      %swap3A_193 = tpu.vector_load %arg14[%swap3A_192] {strides = array<i32>} : memref<512xf32, #tpu.memory_space<vmem>>, vector<16xf32>,
      tpu.vector_store %arg14[%swap3A_192], %broadcast_in_dim3A_3 {strides = array<i32>} : memref<512xf32, #tpu.memory_space<vmem>>, vector<16xf32>,
      %swap3A_194 = arith.constant 416 : index
      %swap3A_195 = tpu.vector_load %arg15[%swap3A_194] {strides = array<i32>} : memref<512xf32, #tpu.memory_space<vmem>>, vector<16xf32>,
      tpu.vector_store %arg15[%swap3A_194], %broadcast_in_dim3A_1 {strides = array<i32>} : memref<512xf32, #tpu.memory_space<vmem>>, vector<16xf32>,
      %swap3A_196 = arith.constant 416 : index
      %swap3A_197 = tpu.vector_load %arg16[%swap3A_196] {strides = array<i32>} : memref<512xf32, #tpu.memory_space<vmem>>, vector<16xf32>,
      tpu.vector_store %arg16[%swap3A_196], %broadcast_in_dim3A_1 {strides = array<i32>} : memref<512xf32, #tpu.memory_space<vmem>>, vector<16xf32>,
      %swap3A_198 = arith.constant 432 : index
      %swap3A_199 = tpu.vector_load %arg14[%swap3A_198] {strides = array<i32>} : memref<512xf32, #tpu.memory_space<vmem>>, vector<16xf32>,
      tpu.vector_store %arg14[%swap3A_198], %broadcast_in_dim3A_3 {strides = array<i32>} : memref<512xf32, #tpu.memory_space<vmem>>, vector<16xf32>,
      %swap3A_200 = arith.constant 432 : index
      %swap3A_201 = tpu.vector_load %arg15[%swap3A_200] {strides = array<i32>} : memref<512xf32, #tpu.memory_space<vmem>>, vector<16xf32>,
      tpu.vector_store %arg15[%swap3A_200], %broadcast_in_dim3A_1 {strides = array<i32>} : memref<512xf32, #tpu.memory_space<vmem>>, vector<16xf32>,
      %swap3A_202 = arith.constant 432 : index
      %swap3A_203 = tpu.vector_load %arg16[%swap3A_202] {strides = array<i32>} : memref<512xf32, #tpu.memory_space<vmem>>, vector<16xf32>,
      tpu.vector_store %arg16[%swap3A_202], %broadcast_in_dim3A_1 {strides = array<i32>} : memref<512xf32, #tpu.memory_space<vmem>>, vector<16xf32>,
      %swap3A_204 = arith.constant 448 : index
      %swap3A_205 = tpu.vector_load %arg14[%swap3A_204] {strides = array<i32>} : memref<512xf32, #tpu.memory_space<vmem>>, vector<16xf32>,
      tpu.vector_store %arg14[%swap3A_204], %broadcast_in_dim3A_3 {strides = array<i32>} : memref<512xf32, #tpu.memory_space<vmem>>, vector<16xf32>,
      %swap3A_206 = arith.constant 448 : index
      %swap3A_207 = tpu.vector_load %arg15[%swap3A_206] {strides = array<i32>} : memref<512xf32, #tpu.memory_space<vmem>>, vector<16xf32>,
      tpu.vector_store %arg15[%swap3A_206], %broadcast_in_dim3A_1 {strides = array<i32>} : memref<512xf32, #tpu.memory_space<vmem>>, vector<16xf32>,
      %swap3A_208 = arith.constant 448 : index
      %swap3A_209 = tpu.vector_load %arg16[%swap3A_208] {strides = array<i32>} : memref<512xf32, #tpu.memory_space<vmem>>, vector<16xf32>,
      tpu.vector_store %arg16[%swap3A_208], %broadcast_in_dim3A_1 {strides = array<i32>} : memref<512xf32, #tpu.memory_space<vmem>>, vector<16xf32>,
      %swap3A_210 = arith.constant 464 : index
      %swap3A_211 = tpu.vector_load %arg14[%swap3A_210] {strides = array<i32>} : memref<512xf32, #tpu.memory_space<vmem>>, vector<16xf32>,
      tpu.vector_store %arg14[%swap3A_210], %broadcast_in_dim3A_3 {strides = array<i32>} : memref<512xf32, #tpu.memory_space<vmem>>, vector<16xf32>,
      %swap3A_212 = arith.constant 464 : index
      %swap3A_213 = tpu.vector_load %arg15[%swap3A_212] {strides = array<i32>} : memref<512xf32, #tpu.memory_space<vmem>>, vector<16xf32>,
      tpu.vector_store %arg15[%swap3A_212], %broadcast_in_dim3A_1 {strides = array<i32>} : memref<512xf32, #tpu.memory_space<vmem>>, vector<16xf32>,
      %swap3A_214 = arith.constant 464 : index
      %swap3A_215 = tpu.vector_load %arg16[%swap3A_214] {strides = array<i32>} : memref<512xf32, #tpu.memory_space<vmem>>, vector<16xf32>,
      tpu.vector_store %arg16[%swap3A_214], %broadcast_in_dim3A_1 {strides = array<i32>} : memref<512xf32, #tpu.memory_space<vmem>>, vector<16xf32>,
      %swap3A_216 = arith.constant 480 : index
      %swap3A_217 = tpu.vector_load %arg14[%swap3A_216] {strides = array<i32>} : memref<512xf32, #tpu.memory_space<vmem>>, vector<16xf32>,
      tpu.vector_store %arg14[%swap3A_216], %broadcast_in_dim3A_3 {strides = array<i32>} : memref<512xf32, #tpu.memory_space<vmem>>, vector<16xf32>,
      %swap3A_218 = arith.constant 480 : index
      %swap3A_219 = tpu.vector_load %arg15[%swap3A_218] {strides = array<i32>} : memref<512xf32, #tpu.memory_space<vmem>>, vector<16xf32>,
      tpu.vector_store %arg15[%swap3A_218], %broadcast_in_dim3A_1 {strides = array<i32>} : memref<512xf32, #tpu.memory_space<vmem>>, vector<16xf32>,
      %swap3A_220 = arith.constant 480 : index
      %swap3A_221 = tpu.vector_load %arg16[%swap3A_220] {strides = array<i32>} : memref<512xf32, #tpu.memory_space<vmem>>, vector<16xf32>,
      tpu.vector_store %arg16[%swap3A_220], %broadcast_in_dim3A_1 {strides = array<i32>} : memref<512xf32, #tpu.memory_space<vmem>>, vector<16xf32>,
      %swap3A_222 = arith.constant 496 : index
      %swap3A_223 = tpu.vector_load %arg14[%swap3A_222] {strides = array<i32>} : memref<512xf32, #tpu.memory_space<vmem>>, vector<16xf32>,
      tpu.vector_store %arg14[%swap3A_222], %broadcast_in_dim3A_3 {strides = array<i32>} : memref<512xf32, #tpu.memory_space<vmem>>, vector<16xf32>,
      %swap3A_224 = arith.constant 496 : index
      %swap3A_225 = tpu.vector_load %arg15[%swap3A_224] {strides = array<i32>} : memref<512xf32, #tpu.memory_space<vmem>>, vector<16xf32>,
      tpu.vector_store %arg15[%swap3A_224], %broadcast_in_dim3A_1 {strides = array<i32>} : memref<512xf32, #tpu.memory_space<vmem>>, vector<16xf32>,
      %swap3A_226 = arith.constant 496 : index
      %swap3A_227 = tpu.vector_load %arg16[%swap3A_226] {strides = array<i32>} : memref<512xf32, #tpu.memory_space<vmem>>, vector<16xf32>,
      tpu.vector_store %arg16[%swap3A_226], %broadcast_in_dim3A_1 {strides = array<i32>} : memref<512xf32, #tpu.memory_space<vmem>>, vector<16xf32>,
      %broadcast_in_dim3A_228 = arith.constant 0 : i32
      %broadcast_in_dim3A_229 = vector.broadcast %broadcast_in_dim3A_228 : i32 to vector<16xi32>
      %add3A_230 = arith.constant 0 : i32
      %add3A_231 = arith.addi %mul3A_36, %add3A_230 : i32
      %get3A = arith.constant 0 : index
      %get3A_232 = tpu.vector_load %arg10[%get3A] {strides = array<i32>} : memref<512xf32, #tpu.memory_space<vmem>>, vector<16xf32>,
      %le3A = arith.cmpf ole, %get3A_232, %broadcast_in_dim3A_1 : vector<16xf32>
      %select_n3A_233 = arith.select %le3A, %broadcast_in_dim3A_5, %broadcast_in_dim3A_7 : vector<16xi1>, vector<16xi32>
      %broadcast_in_dim3A_234 = arith.constant 1 : i32
      %broadcast_in_dim3A_235 = vector.broadcast %broadcast_in_dim3A_234 : i32 to vector<16xi32>
      %sub3A_236 = arith.subi %iota3A, %broadcast_in_dim3A_235 : vector<16xi32>
      %max3A = arith.maxsi %sub3A_236, %broadcast_in_dim3A_7 : vector<16xi32>
      %lt3A = arith.constant 0 : i32
      %lt3A_237 = vector.broadcast %lt3A : i32 to vector<16xi32>
      %lt3A_238 = arith.cmpi slt, %max3A, %lt3A_237 : vector<16xi32>
      %add3A_239 = arith.constant 16 : i32
      %add3A_240 = vector.broadcast %add3A_239 : i32 to vector<16xi32>
      %add3A_241 = arith.addi %max3A, %add3A_240 : vector<16xi32>
      %select_n3A_242 = arith.select %lt3A_238, %add3A_241, %max3A : vector<16xi1>, vector<16xi32>
      %broadcast_in_dim3A_243 = vector.shape_cast %select_n3A_242 : vector<16xi32> to vector<16x1xi32>
      %gather3A = vector.shape_cast %broadcast_in_dim3A_243 : vector<16x1xi32> to vector<16xi32>
      %gather3A_244 = tpu.dynamic_gather %select_n3A_233[%gather3A] in [0] : vector<16xi32>, vector<16xi32> -> vector<16xi32>
      %ge3A = arith.cmpi sge, %iota3A, %broadcast_in_dim3A_235 : vector<16xi32>
      %select_n3A_245 = arith.select %ge3A, %gather3A_244, %broadcast_in_dim3A_7 : vector<16xi1>, vector<16xi32>
      %add3A_246 = arith.addi %select_n3A_233, %select_n3A_245 : vector<16xi32>
      %broadcast_in_dim3A_247 = arith.constant 2 : i32
      %broadcast_in_dim3A_248 = vector.broadcast %broadcast_in_dim3A_247 : i32 to vector<16xi32>
      %sub3A_249 = arith.subi %iota3A, %broadcast_in_dim3A_248 : vector<16xi32>
      %max3A_250 = arith.maxsi %sub3A_249, %broadcast_in_dim3A_7 : vector<16xi32>
      %lt3A_251 = arith.constant 0 : i32
      %lt3A_252 = vector.broadcast %lt3A_251 : i32 to vector<16xi32>
      %lt3A_253 = arith.cmpi slt, %max3A_250, %lt3A_252 : vector<16xi32>
      %add3A_254 = arith.constant 16 : i32
      %add3A_255 = vector.broadcast %add3A_254 : i32 to vector<16xi32>
      %add3A_256 = arith.addi %max3A_250, %add3A_255 : vector<16xi32>
      %select_n3A_257 = arith.select %lt3A_253, %add3A_256, %max3A_250 : vector<16xi1>, vector<16xi32>
      %broadcast_in_dim3A_258 = vector.shape_cast %select_n3A_257 : vector<16xi32> to vector<16x1xi32>
      %gather3A_259 = vector.shape_cast %broadcast_in_dim3A_258 : vector<16x1xi32> to vector<16xi32>
      %gather3A_260 = tpu.dynamic_gather %add3A_246[%gather3A_259] in [0] : vector<16xi32>, vector<16xi32> -> vector<16xi32>
      %ge3A_261 = arith.cmpi sge, %iota3A, %broadcast_in_dim3A_248 : vector<16xi32>
      %select_n3A_262 = arith.select %ge3A_261, %gather3A_260, %broadcast_in_dim3A_7 : vector<16xi1>, vector<16xi32>
      %add3A_263 = arith.addi %add3A_246, %select_n3A_262 : vector<16xi32>
      %broadcast_in_dim3A_264 = arith.constant 4 : i32
      %broadcast_in_dim3A_265 = vector.broadcast %broadcast_in_dim3A_264 : i32 to vector<16xi32>
      %sub3A_266 = arith.subi %iota3A, %broadcast_in_dim3A_265 : vector<16xi32>
      %max3A_267 = arith.maxsi %sub3A_266, %broadcast_in_dim3A_7 : vector<16xi32>
      %lt3A_268 = arith.constant 0 : i32
      %lt3A_269 = vector.broadcast %lt3A_268 : i32 to vector<16xi32>
      %lt3A_270 = arith.cmpi slt, %max3A_267, %lt3A_269 : vector<16xi32>
      %add3A_271 = arith.constant 16 : i32
      %add3A_272 = vector.broadcast %add3A_271 : i32 to vector<16xi32>
      %add3A_273 = arith.addi %max3A_267, %add3A_272 : vector<16xi32>
      %select_n3A_274 = arith.select %lt3A_270, %add3A_273, %max3A_267 : vector<16xi1>, vector<16xi32>
      %broadcast_in_dim3A_275 = vector.shape_cast %select_n3A_274 : vector<16xi32> to vector<16x1xi32>
      %gather3A_276 = vector.shape_cast %broadcast_in_dim3A_275 : vector<16x1xi32> to vector<16xi32>
      %gather3A_277 = tpu.dynamic_gather %add3A_263[%gather3A_276] in [0] : vector<16xi32>, vector<16xi32> -> vector<16xi32>
      %ge3A_278 = arith.cmpi sge, %iota3A, %broadcast_in_dim3A_265 : vector<16xi32>
      %select_n3A_279 = arith.select %ge3A_278, %gather3A_277, %broadcast_in_dim3A_7 : vector<16xi1>, vector<16xi32>
      %add3A_280 = arith.addi %add3A_263, %select_n3A_279 : vector<16xi32>
      %broadcast_in_dim3A_281 = arith.constant 8 : i32
      %broadcast_in_dim3A_282 = vector.broadcast %broadcast_in_dim3A_281 : i32 to vector<16xi32>
      %sub3A_283 = arith.subi %iota3A, %broadcast_in_dim3A_282 : vector<16xi32>
      %max3A_284 = arith.maxsi %sub3A_283, %broadcast_in_dim3A_7 : vector<16xi32>
      %lt3A_285 = arith.constant 0 : i32
      %lt3A_286 = vector.broadcast %lt3A_285 : i32 to vector<16xi32>
      %lt3A_287 = arith.cmpi slt, %max3A_284, %lt3A_286 : vector<16xi32>
      %add3A_288 = arith.constant 16 : i32
      %add3A_289 = vector.broadcast %add3A_288 : i32 to vector<16xi32>
      %add3A_290 = arith.addi %max3A_284, %add3A_289 : vector<16xi32>
      %select_n3A_291 = arith.select %lt3A_287, %add3A_290, %max3A_284 : vector<16xi1>, vector<16xi32>
      %broadcast_in_dim3A_292 = vector.shape_cast %select_n3A_291 : vector<16xi32> to vector<16x1xi32>
      %gather3A_293 = vector.shape_cast %broadcast_in_dim3A_292 : vector<16x1xi32> to vector<16xi32>
      %gather3A_294 = tpu.dynamic_gather %add3A_280[%gather3A_293] in [0] : vector<16xi32>, vector<16xi32> -> vector<16xi32>
      %ge3A_295 = arith.cmpi sge, %iota3A, %broadcast_in_dim3A_282 : vector<16xi32>
      %select_n3A_296 = arith.select %ge3A_295, %gather3A_294, %broadcast_in_dim3A_7 : vector<16xi1>, vector<16xi32>
      %add3A_297 = arith.addi %add3A_280, %select_n3A_296 : vector<16xi32>
      %add3A_298 = arith.addi %broadcast_in_dim3A_229, %add3A_297 : vector<16xi32>
      %sub3A_299 = arith.subi %add3A_298, %broadcast_in_dim3A_5 : vector<16xi32>
      %get3A_300 = arith.index_cast %add3A_231 : i32 to index
      %get3A_301 = tpu.vector_load %arg11[%get3A_300] {strides = array<i32>} : memref<1024xf32, #tpu.memory_space<vmem>>, vector<16xf32>,
      tpu.vector_store_idx %arg14[%sub3A_299], %get3A_301 masked %le3A : memref<512xf32, #tpu.memory_space<vmem>>[vector<16xi32>], vector<16xf32>, vector<16xi1>
      %get3A_302 = arith.index_cast %add3A_231 : i32 to index
      %get3A_303 = tpu.vector_load %arg12[%get3A_302] {strides = array<i32>} : memref<1024xf32, #tpu.memory_space<vmem>>, vector<16xf32>,
      tpu.vector_store_idx %arg15[%sub3A_299], %get3A_303 masked %le3A : memref<512xf32, #tpu.memory_space<vmem>>[vector<16xi32>], vector<16xf32>, vector<16xi1>
      %get3A_304 = arith.index_cast %add3A_231 : i32 to index
      %get3A_305 = tpu.vector_load %arg13[%get3A_304] {strides = array<i32>} : memref<1024xf32, #tpu.memory_space<vmem>>, vector<16xf32>,
      tpu.vector_store_idx %arg16[%sub3A_299], %get3A_305 masked %le3A : memref<512xf32, #tpu.memory_space<vmem>>[vector<16xi32>], vector<16xf32>, vector<16xi1>
      %lt3A_306 = arith.constant 0 : i32
      %lt3A_307 = vector.broadcast %lt3A_306 : i32 to vector<16xi32>
      %lt3A_308 = arith.cmpi slt, %broadcast_in_dim3A_9, %lt3A_307 : vector<16xi32>
      %add3A_309 = arith.constant 16 : i32
      %add3A_310 = vector.broadcast %add3A_309 : i32 to vector<16xi32>
      %add3A_311 = arith.addi %broadcast_in_dim3A_9, %add3A_310 : vector<16xi32>
      %select_n3A_312 = arith.select %lt3A_308, %add3A_311, %broadcast_in_dim3A_9 : vector<16xi1>, vector<16xi32>
      %broadcast_in_dim3A_313 = vector.shape_cast %select_n3A_312 : vector<16xi32> to vector<16x1xi32>
      %gather3A_314 = vector.shape_cast %broadcast_in_dim3A_313 : vector<16x1xi32> to vector<16xi32>
      %gather3A_315 = tpu.dynamic_gather %add3A_297[%gather3A_314] in [0] : vector<16xi32>, vector<16xi32> -> vector<16xi32>
      %add3A_316 = arith.addi %broadcast_in_dim3A_229, %gather3A_315 : vector<16xi32>
      %add3A_317 = arith.constant 16 : i32
      %add3A_318 = arith.addi %mul3A_36, %add3A_317 : i32
      %get3A_319 = arith.constant 16 : index
      %get3A_320 = tpu.vector_load %arg10[%get3A_319] {strides = array<i32>} : memref<512xf32, #tpu.memory_space<vmem>>, vector<16xf32>,
      %le3A_321 = arith.cmpf ole, %get3A_320, %broadcast_in_dim3A_1 : vector<16xf32>
      %select_n3A_322 = arith.select %le3A_321, %broadcast_in_dim3A_5, %broadcast_in_dim3A_7 : vector<16xi1>, vector<16xi32>
      %broadcast_in_dim3A_323 = arith.constant 1 : i32
      %broadcast_in_dim3A_324 = vector.broadcast %broadcast_in_dim3A_323 : i32 to vector<16xi32>
      %sub3A_325 = arith.subi %iota3A, %broadcast_in_dim3A_324 : vector<16xi32>
      %max3A_326 = arith.maxsi %sub3A_325, %broadcast_in_dim3A_7 : vector<16xi32>
      %lt3A_327 = arith.constant 0 : i32
      %lt3A_328 = vector.broadcast %lt3A_327 : i32 to vector<16xi32>
      %lt3A_329 = arith.cmpi slt, %max3A_326, %lt3A_328 : vector<16xi32>
      %add3A_330 = arith.constant 16 : i32
      %add3A_331 = vector.broadcast %add3A_330 : i32 to vector<16xi32>
      %add3A_332 = arith.addi %max3A_326, %add3A_331 : vector<16xi32>
      %select_n3A_333 = arith.select %lt3A_329, %add3A_332, %max3A_326 : vector<16xi1>, vector<16xi32>
      %broadcast_in_dim3A_334 = vector.shape_cast %select_n3A_333 : vector<16xi32> to vector<16x1xi32>
      %gather3A_335 = vector.shape_cast %broadcast_in_dim3A_334 : vector<16x1xi32> to vector<16xi32>
      %gather3A_336 = tpu.dynamic_gather %select_n3A_322[%gather3A_335] in [0] : vector<16xi32>, vector<16xi32> -> vector<16xi32>
      %ge3A_337 = arith.cmpi sge, %iota3A, %broadcast_in_dim3A_324 : vector<16xi32>
      %select_n3A_338 = arith.select %ge3A_337, %gather3A_336, %broadcast_in_dim3A_7 : vector<16xi1>, vector<16xi32>
      %add3A_339 = arith.addi %select_n3A_322, %select_n3A_338 : vector<16xi32>
      %broadcast_in_dim3A_340 = arith.constant 2 : i32
      %broadcast_in_dim3A_341 = vector.broadcast %broadcast_in_dim3A_340 : i32 to vector<16xi32>
      %sub3A_342 = arith.subi %iota3A, %broadcast_in_dim3A_341 : vector<16xi32>
      %max3A_343 = arith.maxsi %sub3A_342, %broadcast_in_dim3A_7 : vector<16xi32>
      %lt3A_344 = arith.constant 0 : i32
      %lt3A_345 = vector.broadcast %lt3A_344 : i32 to vector<16xi32>
      %lt3A_346 = arith.cmpi slt, %max3A_343, %lt3A_345 : vector<16xi32>
      %add3A_347 = arith.constant 16 : i32
      %add3A_348 = vector.broadcast %add3A_347 : i32 to vector<16xi32>
      %add3A_349 = arith.addi %max3A_343, %add3A_348 : vector<16xi32>
      %select_n3A_350 = arith.select %lt3A_346, %add3A_349, %max3A_343 : vector<16xi1>, vector<16xi32>
      %broadcast_in_dim3A_351 = vector.shape_cast %select_n3A_350 : vector<16xi32> to vector<16x1xi32>
      %gather3A_352 = vector.shape_cast %broadcast_in_dim3A_351 : vector<16x1xi32> to vector<16xi32>
      %gather3A_353 = tpu.dynamic_gather %add3A_339[%gather3A_352] in [0] : vector<16xi32>, vector<16xi32> -> vector<16xi32>
      %ge3A_354 = arith.cmpi sge, %iota3A, %broadcast_in_dim3A_341 : vector<16xi32>
      %select_n3A_355 = arith.select %ge3A_354, %gather3A_353, %broadcast_in_dim3A_7 : vector<16xi1>, vector<16xi32>
      %add3A_356 = arith.addi %add3A_339, %select_n3A_355 : vector<16xi32>
      %broadcast_in_dim3A_357 = arith.constant 4 : i32
      %broadcast_in_dim3A_358 = vector.broadcast %broadcast_in_dim3A_357 : i32 to vector<16xi32>
      %sub3A_359 = arith.subi %iota3A, %broadcast_in_dim3A_358 : vector<16xi32>
      %max3A_360 = arith.maxsi %sub3A_359, %broadcast_in_dim3A_7 : vector<16xi32>
      %lt3A_361 = arith.constant 0 : i32
      %lt3A_362 = vector.broadcast %lt3A_361 : i32 to vector<16xi32>
      %lt3A_363 = arith.cmpi slt, %max3A_360, %lt3A_362 : vector<16xi32>
      %add3A_364 = arith.constant 16 : i32
      %add3A_365 = vector.broadcast %add3A_364 : i32 to vector<16xi32>
      %add3A_366 = arith.addi %max3A_360, %add3A_365 : vector<16xi32>
      %select_n3A_367 = arith.select %lt3A_363, %add3A_366, %max3A_360 : vector<16xi1>, vector<16xi32>
      %broadcast_in_dim3A_368 = vector.shape_cast %select_n3A_367 : vector<16xi32> to vector<16x1xi32>
      %gather3A_369 = vector.shape_cast %broadcast_in_dim3A_368 : vector<16x1xi32> to vector<16xi32>
      %gather3A_370 = tpu.dynamic_gather %add3A_356[%gather3A_369] in [0] : vector<16xi32>, vector<16xi32> -> vector<16xi32>
      %ge3A_371 = arith.cmpi sge, %iota3A, %broadcast_in_dim3A_358 : vector<16xi32>
      %select_n3A_372 = arith.select %ge3A_371, %gather3A_370, %broadcast_in_dim3A_7 : vector<16xi1>, vector<16xi32>
      %add3A_373 = arith.addi %add3A_356, %select_n3A_372 : vector<16xi32>
      %broadcast_in_dim3A_374 = arith.constant 8 : i32
      %broadcast_in_dim3A_375 = vector.broadcast %broadcast_in_dim3A_374 : i32 to vector<16xi32>
      %sub3A_376 = arith.subi %iota3A, %broadcast_in_dim3A_375 : vector<16xi32>
      %max3A_377 = arith.maxsi %sub3A_376, %broadcast_in_dim3A_7 : vector<16xi32>
      %lt3A_378 = arith.constant 0 : i32
      %lt3A_379 = vector.broadcast %lt3A_378 : i32 to vector<16xi32>
      %lt3A_380 = arith.cmpi slt, %max3A_377, %lt3A_379 : vector<16xi32>
      %add3A_381 = arith.constant 16 : i32
      %add3A_382 = vector.broadcast %add3A_381 : i32 to vector<16xi32>
      %add3A_383 = arith.addi %max3A_377, %add3A_382 : vector<16xi32>
      %select_n3A_384 = arith.select %lt3A_380, %add3A_383, %max3A_377 : vector<16xi1>, vector<16xi32>
      %broadcast_in_dim3A_385 = vector.shape_cast %select_n3A_384 : vector<16xi32> to vector<16x1xi32>
      %gather3A_386 = vector.shape_cast %broadcast_in_dim3A_385 : vector<16x1xi32> to vector<16xi32>
      %gather3A_387 = tpu.dynamic_gather %add3A_373[%gather3A_386] in [0] : vector<16xi32>, vector<16xi32> -> vector<16xi32>
      %ge3A_388 = arith.cmpi sge, %iota3A, %broadcast_in_dim3A_375 : vector<16xi32>
      %select_n3A_389 = arith.select %ge3A_388, %gather3A_387, %broadcast_in_dim3A_7 : vector<16xi1>, vector<16xi32>
      %add3A_390 = arith.addi %add3A_373, %select_n3A_389 : vector<16xi32>
      %add3A_391 = arith.addi %add3A_316, %add3A_390 : vector<16xi32>
      %sub3A_392 = arith.subi %add3A_391, %broadcast_in_dim3A_5 : vector<16xi32>
      %get3A_393 = arith.index_cast %add3A_318 : i32 to index
      %get3A_394 = tpu.vector_load %arg11[%get3A_393] {strides = array<i32>} : memref<1024xf32, #tpu.memory_space<vmem>>, vector<16xf32>,
      tpu.vector_store_idx %arg14[%sub3A_392], %get3A_394 masked %le3A_321 : memref<512xf32, #tpu.memory_space<vmem>>[vector<16xi32>], vector<16xf32>, vector<16xi1>
      %get3A_395 = arith.index_cast %add3A_318 : i32 to index
      %get3A_396 = tpu.vector_load %arg12[%get3A_395] {strides = array<i32>} : memref<1024xf32, #tpu.memory_space<vmem>>, vector<16xf32>,
      tpu.vector_store_idx %arg15[%sub3A_392], %get3A_396 masked %le3A_321 : memref<512xf32, #tpu.memory_space<vmem>>[vector<16xi32>], vector<16xf32>, vector<16xi1>
      %get3A_397 = arith.index_cast %add3A_318 : i32 to index
      %get3A_398 = tpu.vector_load %arg13[%get3A_397] {strides = array<i32>} : memref<1024xf32, #tpu.memory_space<vmem>>, vector<16xf32>,
      tpu.vector_store_idx %arg16[%sub3A_392], %get3A_398 masked %le3A_321 : memref<512xf32, #tpu.memory_space<vmem>>[vector<16xi32>], vector<16xf32>, vector<16xi1>
      %lt3A_399 = arith.constant 0 : i32
      %lt3A_400 = vector.broadcast %lt3A_399 : i32 to vector<16xi32>
      %lt3A_401 = arith.cmpi slt, %broadcast_in_dim3A_9, %lt3A_400 : vector<16xi32>
      %add3A_402 = arith.constant 16 : i32
      %add3A_403 = vector.broadcast %add3A_402 : i32 to vector<16xi32>
      %add3A_404 = arith.addi %broadcast_in_dim3A_9, %add3A_403 : vector<16xi32>
      %select_n3A_405 = arith.select %lt3A_401, %add3A_404, %broadcast_in_dim3A_9 : vector<16xi1>, vector<16xi32>
      %broadcast_in_dim3A_406 = vector.shape_cast %select_n3A_405 : vector<16xi32> to vector<16x1xi32>
      %gather3A_407 = vector.shape_cast %broadcast_in_dim3A_406 : vector<16x1xi32> to vector<16xi32>
      %gather3A_408 = tpu.dynamic_gather %add3A_390[%gather3A_407] in [0] : vector<16xi32>, vector<16xi32> -> vector<16xi32>
      %add3A_409 = arith.addi %add3A_316, %gather3A_408 : vector<16xi32>
      %add3A_410 = arith.constant 32 : i32
      %add3A_411 = arith.addi %mul3A_36, %add3A_410 : i32
      %get3A_412 = arith.constant 32 : index
      %get3A_413 = tpu.vector_load %arg10[%get3A_412] {strides = array<i32>} : memref<512xf32, #tpu.memory_space<vmem>>, vector<16xf32>,
      %le3A_414 = arith.cmpf ole, %get3A_413, %broadcast_in_dim3A_1 : vector<16xf32>
      %select_n3A_415 = arith.select %le3A_414, %broadcast_in_dim3A_5, %broadcast_in_dim3A_7 : vector<16xi1>, vector<16xi32>
      %broadcast_in_dim3A_416 = arith.constant 1 : i32
      %broadcast_in_dim3A_417 = vector.broadcast %broadcast_in_dim3A_416 : i32 to vector<16xi32>
      %sub3A_418 = arith.subi %iota3A, %broadcast_in_dim3A_417 : vector<16xi32>
      %max3A_419 = arith.maxsi %sub3A_418, %broadcast_in_dim3A_7 : vector<16xi32>
      %lt3A_420 = arith.constant 0 : i32
      %lt3A_421 = vector.broadcast %lt3A_420 : i32 to vector<16xi32>
      %lt3A_422 = arith.cmpi slt, %max3A_419, %lt3A_421 : vector<16xi32>
      %add3A_423 = arith.constant 16 : i32
      %add3A_424 = vector.broadcast %add3A_423 : i32 to vector<16xi32>
      %add3A_425 = arith.addi %max3A_419, %add3A_424 : vector<16xi32>
      %select_n3A_426 = arith.select %lt3A_422, %add3A_425, %max3A_419 : vector<16xi1>, vector<16xi32>
      %broadcast_in_dim3A_427 = vector.shape_cast %select_n3A_426 : vector<16xi32> to vector<16x1xi32>
      %gather3A_428 = vector.shape_cast %broadcast_in_dim3A_427 : vector<16x1xi32> to vector<16xi32>
      %gather3A_429 = tpu.dynamic_gather %select_n3A_415[%gather3A_428] in [0] : vector<16xi32>, vector<16xi32> -> vector<16xi32>
      %ge3A_430 = arith.cmpi sge, %iota3A, %broadcast_in_dim3A_417 : vector<16xi32>
      %select_n3A_431 = arith.select %ge3A_430, %gather3A_429, %broadcast_in_dim3A_7 : vector<16xi1>, vector<16xi32>
      %add3A_432 = arith.addi %select_n3A_415, %select_n3A_431 : vector<16xi32>
      %broadcast_in_dim3A_433 = arith.constant 2 : i32
      %broadcast_in_dim3A_434 = vector.broadcast %broadcast_in_dim3A_433 : i32 to vector<16xi32>
      %sub3A_435 = arith.subi %iota3A, %broadcast_in_dim3A_434 : vector<16xi32>
      %max3A_436 = arith.maxsi %sub3A_435, %broadcast_in_dim3A_7 : vector<16xi32>
      %lt3A_437 = arith.constant 0 : i32
      %lt3A_438 = vector.broadcast %lt3A_437 : i32 to vector<16xi32>
      %lt3A_439 = arith.cmpi slt, %max3A_436, %lt3A_438 : vector<16xi32>
      %add3A_440 = arith.constant 16 : i32
      %add3A_441 = vector.broadcast %add3A_440 : i32 to vector<16xi32>
      %add3A_442 = arith.addi %max3A_436, %add3A_441 : vector<16xi32>
      %select_n3A_443 = arith.select %lt3A_439, %add3A_442, %max3A_436 : vector<16xi1>, vector<16xi32>
      %broadcast_in_dim3A_444 = vector.shape_cast %select_n3A_443 : vector<16xi32> to vector<16x1xi32>
      %gather3A_445 = vector.shape_cast %broadcast_in_dim3A_444 : vector<16x1xi32> to vector<16xi32>
      %gather3A_446 = tpu.dynamic_gather %add3A_432[%gather3A_445] in [0] : vector<16xi32>, vector<16xi32> -> vector<16xi32>
      %ge3A_447 = arith.cmpi sge, %iota3A, %broadcast_in_dim3A_434 : vector<16xi32>
      %select_n3A_448 = arith.select %ge3A_447, %gather3A_446, %broadcast_in_dim3A_7 : vector<16xi1>, vector<16xi32>
      %add3A_449 = arith.addi %add3A_432, %select_n3A_448 : vector<16xi32>
      %broadcast_in_dim3A_450 = arith.constant 4 : i32
      %broadcast_in_dim3A_451 = vector.broadcast %broadcast_in_dim3A_450 : i32 to vector<16xi32>
      %sub3A_452 = arith.subi %iota3A, %broadcast_in_dim3A_451 : vector<16xi32>
      %max3A_453 = arith.maxsi %sub3A_452, %broadcast_in_dim3A_7 : vector<16xi32>
      %lt3A_454 = arith.constant 0 : i32
      %lt3A_455 = vector.broadcast %lt3A_454 : i32 to vector<16xi32>
      %lt3A_456 = arith.cmpi slt, %max3A_453, %lt3A_455 : vector<16xi32>
      %add3A_457 = arith.constant 16 : i32
      %add3A_458 = vector.broadcast %add3A_457 : i32 to vector<16xi32>
      %add3A_459 = arith.addi %max3A_453, %add3A_458 : vector<16xi32>
      %select_n3A_460 = arith.select %lt3A_456, %add3A_459, %max3A_453 : vector<16xi1>, vector<16xi32>
      %broadcast_in_dim3A_461 = vector.shape_cast %select_n3A_460 : vector<16xi32> to vector<16x1xi32>
      %gather3A_462 = vector.shape_cast %broadcast_in_dim3A_461 : vector<16x1xi32> to vector<16xi32>
      %gather3A_463 = tpu.dynamic_gather %add3A_449[%gather3A_462] in [0] : vector<16xi32>, vector<16xi32> -> vector<16xi32>
      %ge3A_464 = arith.cmpi sge, %iota3A, %broadcast_in_dim3A_451 : vector<16xi32>
      %select_n3A_465 = arith.select %ge3A_464, %gather3A_463, %broadcast_in_dim3A_7 : vector<16xi1>, vector<16xi32>
      %add3A_466 = arith.addi %add3A_449, %select_n3A_465 : vector<16xi32>
      %broadcast_in_dim3A_467 = arith.constant 8 : i32
      %broadcast_in_dim3A_468 = vector.broadcast %broadcast_in_dim3A_467 : i32 to vector<16xi32>
      %sub3A_469 = arith.subi %iota3A, %broadcast_in_dim3A_468 : vector<16xi32>
      %max3A_470 = arith.maxsi %sub3A_469, %broadcast_in_dim3A_7 : vector<16xi32>
      %lt3A_471 = arith.constant 0 : i32
      %lt3A_472 = vector.broadcast %lt3A_471 : i32 to vector<16xi32>
      %lt3A_473 = arith.cmpi slt, %max3A_470, %lt3A_472 : vector<16xi32>
      %add3A_474 = arith.constant 16 : i32
      %add3A_475 = vector.broadcast %add3A_474 : i32 to vector<16xi32>
      %add3A_476 = arith.addi %max3A_470, %add3A_475 : vector<16xi32>
      %select_n3A_477 = arith.select %lt3A_473, %add3A_476, %max3A_470 : vector<16xi1>, vector<16xi32>
      %broadcast_in_dim3A_478 = vector.shape_cast %select_n3A_477 : vector<16xi32> to vector<16x1xi32>
      %gather3A_479 = vector.shape_cast %broadcast_in_dim3A_478 : vector<16x1xi32> to vector<16xi32>
      %gather3A_480 = tpu.dynamic_gather %add3A_466[%gather3A_479] in [0] : vector<16xi32>, vector<16xi32> -> vector<16xi32>
      %ge3A_481 = arith.cmpi sge, %iota3A, %broadcast_in_dim3A_468 : vector<16xi32>
      %select_n3A_482 = arith.select %ge3A_481, %gather3A_480, %broadcast_in_dim3A_7 : vector<16xi1>, vector<16xi32>
      %add3A_483 = arith.addi %add3A_466, %select_n3A_482 : vector<16xi32>
      %add3A_484 = arith.addi %add3A_409, %add3A_483 : vector<16xi32>
      %sub3A_485 = arith.subi %add3A_484, %broadcast_in_dim3A_5 : vector<16xi32>
      %get3A_486 = arith.index_cast %add3A_411 : i32 to index
      %get3A_487 = tpu.vector_load %arg11[%get3A_486] {strides = array<i32>} : memref<1024xf32, #tpu.memory_space<vmem>>, vector<16xf32>,
      tpu.vector_store_idx %arg14[%sub3A_485], %get3A_487 masked %le3A_414 : memref<512xf32, #tpu.memory_space<vmem>>[vector<16xi32>], vector<16xf32>, vector<16xi1>
      %get3A_488 = arith.index_cast %add3A_411 : i32 to index
      %get3A_489 = tpu.vector_load %arg12[%get3A_488] {strides = array<i32>} : memref<1024xf32, #tpu.memory_space<vmem>>, vector<16xf32>,
      tpu.vector_store_idx %arg15[%sub3A_485], %get3A_489 masked %le3A_414 : memref<512xf32, #tpu.memory_space<vmem>>[vector<16xi32>], vector<16xf32>, vector<16xi1>
      %get3A_490 = arith.index_cast %add3A_411 : i32 to index
      %get3A_491 = tpu.vector_load %arg13[%get3A_490] {strides = array<i32>} : memref<1024xf32, #tpu.memory_space<vmem>>, vector<16xf32>,
      tpu.vector_store_idx %arg16[%sub3A_485], %get3A_491 masked %le3A_414 : memref<512xf32, #tpu.memory_space<vmem>>[vector<16xi32>], vector<16xf32>, vector<16xi1>
      %lt3A_492 = arith.constant 0 : i32
      %lt3A_493 = vector.broadcast %lt3A_492 : i32 to vector<16xi32>
      %lt3A_494 = arith.cmpi slt, %broadcast_in_dim3A_9, %lt3A_493 : vector<16xi32>
      %add3A_495 = arith.constant 16 : i32
      %add3A_496 = vector.broadcast %add3A_495 : i32 to vector<16xi32>
      %add3A_497 = arith.addi %broadcast_in_dim3A_9, %add3A_496 : vector<16xi32>
      %select_n3A_498 = arith.select %lt3A_494, %add3A_497, %broadcast_in_dim3A_9 : vector<16xi1>, vector<16xi32>
      %broadcast_in_dim3A_499 = vector.shape_cast %select_n3A_498 : vector<16xi32> to vector<16x1xi32>
      %gather3A_500 = vector.shape_cast %broadcast_in_dim3A_499 : vector<16x1xi32> to vector<16xi32>
      %gather3A_501 = tpu.dynamic_gather %add3A_483[%gather3A_500] in [0] : vector<16xi32>, vector<16xi32> -> vector<16xi32>
      %add3A_502 = arith.addi %add3A_409, %gather3A_501 : vector<16xi32>
      %add3A_503 = arith.constant 48 : i32
      %add3A_504 = arith.addi %mul3A_36, %add3A_503 : i32
      %get3A_505 = arith.constant 48 : index
      %get3A_506 = tpu.vector_load %arg10[%get3A_505] {strides = array<i32>} : memref<512xf32, #tpu.memory_space<vmem>>, vector<16xf32>,
      %le3A_507 = arith.cmpf ole, %get3A_506, %broadcast_in_dim3A_1 : vector<16xf32>
      %select_n3A_508 = arith.select %le3A_507, %broadcast_in_dim3A_5, %broadcast_in_dim3A_7 : vector<16xi1>, vector<16xi32>
      %broadcast_in_dim3A_509 = arith.constant 1 : i32
      %broadcast_in_dim3A_510 = vector.broadcast %broadcast_in_dim3A_509 : i32 to vector<16xi32>
      %sub3A_511 = arith.subi %iota3A, %broadcast_in_dim3A_510 : vector<16xi32>
      %max3A_512 = arith.maxsi %sub3A_511, %broadcast_in_dim3A_7 : vector<16xi32>
      %lt3A_513 = arith.constant 0 : i32
      %lt3A_514 = vector.broadcast %lt3A_513 : i32 to vector<16xi32>
      %lt3A_515 = arith.cmpi slt, %max3A_512, %lt3A_514 : vector<16xi32>
      %add3A_516 = arith.constant 16 : i32
      %add3A_517 = vector.broadcast %add3A_516 : i32 to vector<16xi32>
      %add3A_518 = arith.addi %max3A_512, %add3A_517 : vector<16xi32>
      %select_n3A_519 = arith.select %lt3A_515, %add3A_518, %max3A_512 : vector<16xi1>, vector<16xi32>
      %broadcast_in_dim3A_520 = vector.shape_cast %select_n3A_519 : vector<16xi32> to vector<16x1xi32>
      %gather3A_521 = vector.shape_cast %broadcast_in_dim3A_520 : vector<16x1xi32> to vector<16xi32>
      %gather3A_522 = tpu.dynamic_gather %select_n3A_508[%gather3A_521] in [0] : vector<16xi32>, vector<16xi32> -> vector<16xi32>
      %ge3A_523 = arith.cmpi sge, %iota3A, %broadcast_in_dim3A_510 : vector<16xi32>
      %select_n3A_524 = arith.select %ge3A_523, %gather3A_522, %broadcast_in_dim3A_7 : vector<16xi1>, vector<16xi32>
      %add3A_525 = arith.addi %select_n3A_508, %select_n3A_524 : vector<16xi32>
      %broadcast_in_dim3A_526 = arith.constant 2 : i32
      %broadcast_in_dim3A_527 = vector.broadcast %broadcast_in_dim3A_526 : i32 to vector<16xi32>
      %sub3A_528 = arith.subi %iota3A, %broadcast_in_dim3A_527 : vector<16xi32>
      %max3A_529 = arith.maxsi %sub3A_528, %broadcast_in_dim3A_7 : vector<16xi32>
      %lt3A_530 = arith.constant 0 : i32
      %lt3A_531 = vector.broadcast %lt3A_530 : i32 to vector<16xi32>
      %lt3A_532 = arith.cmpi slt, %max3A_529, %lt3A_531 : vector<16xi32>
      %add3A_533 = arith.constant 16 : i32
      %add3A_534 = vector.broadcast %add3A_533 : i32 to vector<16xi32>
      %add3A_535 = arith.addi %max3A_529, %add3A_534 : vector<16xi32>
      %select_n3A_536 = arith.select %lt3A_532, %add3A_535, %max3A_529 : vector<16xi1>, vector<16xi32>
      %broadcast_in_dim3A_537 = vector.shape_cast %select_n3A_536 : vector<16xi32> to vector<16x1xi32>
      %gather3A_538 = vector.shape_cast %broadcast_in_dim3A_537 : vector<16x1xi32> to vector<16xi32>
      %gather3A_539 = tpu.dynamic_gather %add3A_525[%gather3A_538] in [0] : vector<16xi32>, vector<16xi32> -> vector<16xi32>
      %ge3A_540 = arith.cmpi sge, %iota3A, %broadcast_in_dim3A_527 : vector<16xi32>
      %select_n3A_541 = arith.select %ge3A_540, %gather3A_539, %broadcast_in_dim3A_7 : vector<16xi1>, vector<16xi32>
      %add3A_542 = arith.addi %add3A_525, %select_n3A_541 : vector<16xi32>
      %broadcast_in_dim3A_543 = arith.constant 4 : i32
      %broadcast_in_dim3A_544 = vector.broadcast %broadcast_in_dim3A_543 : i32 to vector<16xi32>
      %sub3A_545 = arith.subi %iota3A, %broadcast_in_dim3A_544 : vector<16xi32>
      %max3A_546 = arith.maxsi %sub3A_545, %broadcast_in_dim3A_7 : vector<16xi32>
      %lt3A_547 = arith.constant 0 : i32
      %lt3A_548 = vector.broadcast %lt3A_547 : i32 to vector<16xi32>
      %lt3A_549 = arith.cmpi slt, %max3A_546, %lt3A_548 : vector<16xi32>
      %add3A_550 = arith.constant 16 : i32
      %add3A_551 = vector.broadcast %add3A_550 : i32 to vector<16xi32>
      %add3A_552 = arith.addi %max3A_546, %add3A_551 : vector<16xi32>
      %select_n3A_553 = arith.select %lt3A_549, %add3A_552, %max3A_546 : vector<16xi1>, vector<16xi32>
      %broadcast_in_dim3A_554 = vector.shape_cast %select_n3A_553 : vector<16xi32> to vector<16x1xi32>
      %gather3A_555 = vector.shape_cast %broadcast_in_dim3A_554 : vector<16x1xi32> to vector<16xi32>
      %gather3A_556 = tpu.dynamic_gather %add3A_542[%gather3A_555] in [0] : vector<16xi32>, vector<16xi32> -> vector<16xi32>
      %ge3A_557 = arith.cmpi sge, %iota3A, %broadcast_in_dim3A_544 : vector<16xi32>
      %select_n3A_558 = arith.select %ge3A_557, %gather3A_556, %broadcast_in_dim3A_7 : vector<16xi1>, vector<16xi32>
      %add3A_559 = arith.addi %add3A_542, %select_n3A_558 : vector<16xi32>
      %broadcast_in_dim3A_560 = arith.constant 8 : i32
      %broadcast_in_dim3A_561 = vector.broadcast %broadcast_in_dim3A_560 : i32 to vector<16xi32>
      %sub3A_562 = arith.subi %iota3A, %broadcast_in_dim3A_561 : vector<16xi32>
      %max3A_563 = arith.maxsi %sub3A_562, %broadcast_in_dim3A_7 : vector<16xi32>
      %lt3A_564 = arith.constant 0 : i32
      %lt3A_565 = vector.broadcast %lt3A_564 : i32 to vector<16xi32>
      %lt3A_566 = arith.cmpi slt, %max3A_563, %lt3A_565 : vector<16xi32>
      %add3A_567 = arith.constant 16 : i32
      %add3A_568 = vector.broadcast %add3A_567 : i32 to vector<16xi32>
      %add3A_569 = arith.addi %max3A_563, %add3A_568 : vector<16xi32>
      %select_n3A_570 = arith.select %lt3A_566, %add3A_569, %max3A_563 : vector<16xi1>, vector<16xi32>
      %broadcast_in_dim3A_571 = vector.shape_cast %select_n3A_570 : vector<16xi32> to vector<16x1xi32>
      %gather3A_572 = vector.shape_cast %broadcast_in_dim3A_571 : vector<16x1xi32> to vector<16xi32>
      %gather3A_573 = tpu.dynamic_gather %add3A_559[%gather3A_572] in [0] : vector<16xi32>, vector<16xi32> -> vector<16xi32>
      %ge3A_574 = arith.cmpi sge, %iota3A, %broadcast_in_dim3A_561 : vector<16xi32>
      %select_n3A_575 = arith.select %ge3A_574, %gather3A_573, %broadcast_in_dim3A_7 : vector<16xi1>, vector<16xi32>
      %add3A_576 = arith.addi %add3A_559, %select_n3A_575 : vector<16xi32>
      %add3A_577 = arith.addi %add3A_502, %add3A_576 : vector<16xi32>
      %sub3A_578 = arith.subi %add3A_577, %broadcast_in_dim3A_5 : vector<16xi32>
      %get3A_579 = arith.index_cast %add3A_504 : i32 to index
      %get3A_580 = tpu.vector_load %arg11[%get3A_579] {strides = array<i32>} : memref<1024xf32, #tpu.memory_space<vmem>>, vector<16xf32>,
      tpu.vector_store_idx %arg14[%sub3A_578], %get3A_580 masked %le3A_507 : memref<512xf32, #tpu.memory_space<vmem>>[vector<16xi32>], vector<16xf32>, vector<16xi1>
      %get3A_581 = arith.index_cast %add3A_504 : i32 to index
      %get3A_582 = tpu.vector_load %arg12[%get3A_581] {strides = array<i32>} : memref<1024xf32, #tpu.memory_space<vmem>>, vector<16xf32>,
      tpu.vector_store_idx %arg15[%sub3A_578], %get3A_582 masked %le3A_507 : memref<512xf32, #tpu.memory_space<vmem>>[vector<16xi32>], vector<16xf32>, vector<16xi1>
      %get3A_583 = arith.index_cast %add3A_504 : i32 to index
      %get3A_584 = tpu.vector_load %arg13[%get3A_583] {strides = array<i32>} : memref<1024xf32, #tpu.memory_space<vmem>>, vector<16xf32>,
      tpu.vector_store_idx %arg16[%sub3A_578], %get3A_584 masked %le3A_507 : memref<512xf32, #tpu.memory_space<vmem>>[vector<16xi32>], vector<16xf32>, vector<16xi1>
      %lt3A_585 = arith.constant 0 : i32
      %lt3A_586 = vector.broadcast %lt3A_585 : i32 to vector<16xi32>
      %lt3A_587 = arith.cmpi slt, %broadcast_in_dim3A_9, %lt3A_586 : vector<16xi32>
      %add3A_588 = arith.constant 16 : i32
      %add3A_589 = vector.broadcast %add3A_588 : i32 to vector<16xi32>
      %add3A_590 = arith.addi %broadcast_in_dim3A_9, %add3A_589 : vector<16xi32>
      %select_n3A_591 = arith.select %lt3A_587, %add3A_590, %broadcast_in_dim3A_9 : vector<16xi1>, vector<16xi32>
      %broadcast_in_dim3A_592 = vector.shape_cast %select_n3A_591 : vector<16xi32> to vector<16x1xi32>
      %gather3A_593 = vector.shape_cast %broadcast_in_dim3A_592 : vector<16x1xi32> to vector<16xi32>
      %gather3A_594 = tpu.dynamic_gather %add3A_576[%gather3A_593] in [0] : vector<16xi32>, vector<16xi32> -> vector<16xi32>
      %add3A_595 = arith.addi %add3A_502, %gather3A_594 : vector<16xi32>
      %add3A_596 = arith.constant 64 : i32
      %add3A_597 = arith.addi %mul3A_36, %add3A_596 : i32
      %get3A_598 = arith.constant 64 : index
      %get3A_599 = tpu.vector_load %arg10[%get3A_598] {strides = array<i32>} : memref<512xf32, #tpu.memory_space<vmem>>, vector<16xf32>,
      %le3A_600 = arith.cmpf ole, %get3A_599, %broadcast_in_dim3A_1 : vector<16xf32>
      %select_n3A_601 = arith.select %le3A_600, %broadcast_in_dim3A_5, %broadcast_in_dim3A_7 : vector<16xi1>, vector<16xi32>
      %broadcast_in_dim3A_602 = arith.constant 1 : i32
      %broadcast_in_dim3A_603 = vector.broadcast %broadcast_in_dim3A_602 : i32 to vector<16xi32>
      %sub3A_604 = arith.subi %iota3A, %broadcast_in_dim3A_603 : vector<16xi32>
      %max3A_605 = arith.maxsi %sub3A_604, %broadcast_in_dim3A_7 : vector<16xi32>
      %lt3A_606 = arith.constant 0 : i32
      %lt3A_607 = vector.broadcast %lt3A_606 : i32 to vector<16xi32>
      %lt3A_608 = arith.cmpi slt, %max3A_605, %lt3A_607 : vector<16xi32>
      %add3A_609 = arith.constant 16 : i32
      %add3A_610 = vector.broadcast %add3A_609 : i32 to vector<16xi32>
      %add3A_611 = arith.addi %max3A_605, %add3A_610 : vector<16xi32>
      %select_n3A_612 = arith.select %lt3A_608, %add3A_611, %max3A_605 : vector<16xi1>, vector<16xi32>
      %broadcast_in_dim3A_613 = vector.shape_cast %select_n3A_612 : vector<16xi32> to vector<16x1xi32>
      %gather3A_614 = vector.shape_cast %broadcast_in_dim3A_613 : vector<16x1xi32> to vector<16xi32>
      %gather3A_615 = tpu.dynamic_gather %select_n3A_601[%gather3A_614] in [0] : vector<16xi32>, vector<16xi32> -> vector<16xi32>
      %ge3A_616 = arith.cmpi sge, %iota3A, %broadcast_in_dim3A_603 : vector<16xi32>
      %select_n3A_617 = arith.select %ge3A_616, %gather3A_615, %broadcast_in_dim3A_7 : vector<16xi1>, vector<16xi32>
      %add3A_618 = arith.addi %select_n3A_601, %select_n3A_617 : vector<16xi32>
      %broadcast_in_dim3A_619 = arith.constant 2 : i32
      %broadcast_in_dim3A_620 = vector.broadcast %broadcast_in_dim3A_619 : i32 to vector<16xi32>
      %sub3A_621 = arith.subi %iota3A, %broadcast_in_dim3A_620 : vector<16xi32>
      %max3A_622 = arith.maxsi %sub3A_621, %broadcast_in_dim3A_7 : vector<16xi32>
      %lt3A_623 = arith.constant 0 : i32
      %lt3A_624 = vector.broadcast %lt3A_623 : i32 to vector<16xi32>
      %lt3A_625 = arith.cmpi slt, %max3A_622, %lt3A_624 : vector<16xi32>
      %add3A_626 = arith.constant 16 : i32
      %add3A_627 = vector.broadcast %add3A_626 : i32 to vector<16xi32>
      %add3A_628 = arith.addi %max3A_622, %add3A_627 : vector<16xi32>
      %select_n3A_629 = arith.select %lt3A_625, %add3A_628, %max3A_622 : vector<16xi1>, vector<16xi32>
      %broadcast_in_dim3A_630 = vector.shape_cast %select_n3A_629 : vector<16xi32> to vector<16x1xi32>
      %gather3A_631 = vector.shape_cast %broadcast_in_dim3A_630 : vector<16x1xi32> to vector<16xi32>
      %gather3A_632 = tpu.dynamic_gather %add3A_618[%gather3A_631] in [0] : vector<16xi32>, vector<16xi32> -> vector<16xi32>
      %ge3A_633 = arith.cmpi sge, %iota3A, %broadcast_in_dim3A_620 : vector<16xi32>
      %select_n3A_634 = arith.select %ge3A_633, %gather3A_632, %broadcast_in_dim3A_7 : vector<16xi1>, vector<16xi32>
      %add3A_635 = arith.addi %add3A_618, %select_n3A_634 : vector<16xi32>
      %broadcast_in_dim3A_636 = arith.constant 4 : i32
      %broadcast_in_dim3A_637 = vector.broadcast %broadcast_in_dim3A_636 : i32 to vector<16xi32>
      %sub3A_638 = arith.subi %iota3A, %broadcast_in_dim3A_637 : vector<16xi32>
      %max3A_639 = arith.maxsi %sub3A_638, %broadcast_in_dim3A_7 : vector<16xi32>
      %lt3A_640 = arith.constant 0 : i32
      %lt3A_641 = vector.broadcast %lt3A_640 : i32 to vector<16xi32>
      %lt3A_642 = arith.cmpi slt, %max3A_639, %lt3A_641 : vector<16xi32>
      %add3A_643 = arith.constant 16 : i32
      %add3A_644 = vector.broadcast %add3A_643 : i32 to vector<16xi32>
      %add3A_645 = arith.addi %max3A_639, %add3A_644 : vector<16xi32>
      %select_n3A_646 = arith.select %lt3A_642, %add3A_645, %max3A_639 : vector<16xi1>, vector<16xi32>
      %broadcast_in_dim3A_647 = vector.shape_cast %select_n3A_646 : vector<16xi32> to vector<16x1xi32>
      %gather3A_648 = vector.shape_cast %broadcast_in_dim3A_647 : vector<16x1xi32> to vector<16xi32>
      %gather3A_649 = tpu.dynamic_gather %add3A_635[%gather3A_648] in [0] : vector<16xi32>, vector<16xi32> -> vector<16xi32>
      %ge3A_650 = arith.cmpi sge, %iota3A, %broadcast_in_dim3A_637 : vector<16xi32>
      %select_n3A_651 = arith.select %ge3A_650, %gather3A_649, %broadcast_in_dim3A_7 : vector<16xi1>, vector<16xi32>
      %add3A_652 = arith.addi %add3A_635, %select_n3A_651 : vector<16xi32>
      %broadcast_in_dim3A_653 = arith.constant 8 : i32
      %broadcast_in_dim3A_654 = vector.broadcast %broadcast_in_dim3A_653 : i32 to vector<16xi32>
      %sub3A_655 = arith.subi %iota3A, %broadcast_in_dim3A_654 : vector<16xi32>
      %max3A_656 = arith.maxsi %sub3A_655, %broadcast_in_dim3A_7 : vector<16xi32>
      %lt3A_657 = arith.constant 0 : i32
      %lt3A_658 = vector.broadcast %lt3A_657 : i32 to vector<16xi32>
      %lt3A_659 = arith.cmpi slt, %max3A_656, %lt3A_658 : vector<16xi32>
      %add3A_660 = arith.constant 16 : i32
      %add3A_661 = vector.broadcast %add3A_660 : i32 to vector<16xi32>
      %add3A_662 = arith.addi %max3A_656, %add3A_661 : vector<16xi32>
      %select_n3A_663 = arith.select %lt3A_659, %add3A_662, %max3A_656 : vector<16xi1>, vector<16xi32>
      %broadcast_in_dim3A_664 = vector.shape_cast %select_n3A_663 : vector<16xi32> to vector<16x1xi32>
      %gather3A_665 = vector.shape_cast %broadcast_in_dim3A_664 : vector<16x1xi32> to vector<16xi32>
      %gather3A_666 = tpu.dynamic_gather %add3A_652[%gather3A_665] in [0] : vector<16xi32>, vector<16xi32> -> vector<16xi32>
      %ge3A_667 = arith.cmpi sge, %iota3A, %broadcast_in_dim3A_654 : vector<16xi32>
      %select_n3A_668 = arith.select %ge3A_667, %gather3A_666, %broadcast_in_dim3A_7 : vector<16xi1>, vector<16xi32>
      %add3A_669 = arith.addi %add3A_652, %select_n3A_668 : vector<16xi32>
      %add3A_670 = arith.addi %add3A_595, %add3A_669 : vector<16xi32>
      %sub3A_671 = arith.subi %add3A_670, %broadcast_in_dim3A_5 : vector<16xi32>
      %get3A_672 = arith.index_cast %add3A_597 : i32 to index
      %get3A_673 = tpu.vector_load %arg11[%get3A_672] {strides = array<i32>} : memref<1024xf32, #tpu.memory_space<vmem>>, vector<16xf32>,
      tpu.vector_store_idx %arg14[%sub3A_671], %get3A_673 masked %le3A_600 : memref<512xf32, #tpu.memory_space<vmem>>[vector<16xi32>], vector<16xf32>, vector<16xi1>
      %get3A_674 = arith.index_cast %add3A_597 : i32 to index
      %get3A_675 = tpu.vector_load %arg12[%get3A_674] {strides = array<i32>} : memref<1024xf32, #tpu.memory_space<vmem>>, vector<16xf32>,
      tpu.vector_store_idx %arg15[%sub3A_671], %get3A_675 masked %le3A_600 : memref<512xf32, #tpu.memory_space<vmem>>[vector<16xi32>], vector<16xf32>, vector<16xi1>
      %get3A_676 = arith.index_cast %add3A_597 : i32 to index
      %get3A_677 = tpu.vector_load %arg13[%get3A_676] {strides = array<i32>} : memref<1024xf32, #tpu.memory_space<vmem>>, vector<16xf32>,
      tpu.vector_store_idx %arg16[%sub3A_671], %get3A_677 masked %le3A_600 : memref<512xf32, #tpu.memory_space<vmem>>[vector<16xi32>], vector<16xf32>, vector<16xi1>
      %lt3A_678 = arith.constant 0 : i32
      %lt3A_679 = vector.broadcast %lt3A_678 : i32 to vector<16xi32>
      %lt3A_680 = arith.cmpi slt, %broadcast_in_dim3A_9, %lt3A_679 : vector<16xi32>
      %add3A_681 = arith.constant 16 : i32
      %add3A_682 = vector.broadcast %add3A_681 : i32 to vector<16xi32>
      %add3A_683 = arith.addi %broadcast_in_dim3A_9, %add3A_682 : vector<16xi32>
      %select_n3A_684 = arith.select %lt3A_680, %add3A_683, %broadcast_in_dim3A_9 : vector<16xi1>, vector<16xi32>
      %broadcast_in_dim3A_685 = vector.shape_cast %select_n3A_684 : vector<16xi32> to vector<16x1xi32>
      %gather3A_686 = vector.shape_cast %broadcast_in_dim3A_685 : vector<16x1xi32> to vector<16xi32>
      %gather3A_687 = tpu.dynamic_gather %add3A_669[%gather3A_686] in [0] : vector<16xi32>, vector<16xi32> -> vector<16xi32>
      %add3A_688 = arith.addi %add3A_595, %gather3A_687 : vector<16xi32>
      %add3A_689 = arith.constant 80 : i32
      %add3A_690 = arith.addi %mul3A_36, %add3A_689 : i32
      %get3A_691 = arith.constant 80 : index
      %get3A_692 = tpu.vector_load %arg10[%get3A_691] {strides = array<i32>} : memref<512xf32, #tpu.memory_space<vmem>>, vector<16xf32>,
      %le3A_693 = arith.cmpf ole, %get3A_692, %broadcast_in_dim3A_1 : vector<16xf32>
      %select_n3A_694 = arith.select %le3A_693, %broadcast_in_dim3A_5, %broadcast_in_dim3A_7 : vector<16xi1>, vector<16xi32>
      %broadcast_in_dim3A_695 = arith.constant 1 : i32
      %broadcast_in_dim3A_696 = vector.broadcast %broadcast_in_dim3A_695 : i32 to vector<16xi32>
      %sub3A_697 = arith.subi %iota3A, %broadcast_in_dim3A_696 : vector<16xi32>
      %max3A_698 = arith.maxsi %sub3A_697, %broadcast_in_dim3A_7 : vector<16xi32>
      %lt3A_699 = arith.constant 0 : i32
      %lt3A_700 = vector.broadcast %lt3A_699 : i32 to vector<16xi32>
      %lt3A_701 = arith.cmpi slt, %max3A_698, %lt3A_700 : vector<16xi32>
      %add3A_702 = arith.constant 16 : i32
      %add3A_703 = vector.broadcast %add3A_702 : i32 to vector<16xi32>
      %add3A_704 = arith.addi %max3A_698, %add3A_703 : vector<16xi32>
      %select_n3A_705 = arith.select %lt3A_701, %add3A_704, %max3A_698 : vector<16xi1>, vector<16xi32>
      %broadcast_in_dim3A_706 = vector.shape_cast %select_n3A_705 : vector<16xi32> to vector<16x1xi32>
      %gather3A_707 = vector.shape_cast %broadcast_in_dim3A_706 : vector<16x1xi32> to vector<16xi32>
      %gather3A_708 = tpu.dynamic_gather %select_n3A_694[%gather3A_707] in [0] : vector<16xi32>, vector<16xi32> -> vector<16xi32>
      %ge3A_709 = arith.cmpi sge, %iota3A, %broadcast_in_dim3A_696 : vector<16xi32>
      %select_n3A_710 = arith.select %ge3A_709, %gather3A_708, %broadcast_in_dim3A_7 : vector<16xi1>, vector<16xi32>
      %add3A_711 = arith.addi %select_n3A_694, %select_n3A_710 : vector<16xi32>
      %broadcast_in_dim3A_712 = arith.constant 2 : i32
      %broadcast_in_dim3A_713 = vector.broadcast %broadcast_in_dim3A_712 : i32 to vector<16xi32>
      %sub3A_714 = arith.subi %iota3A, %broadcast_in_dim3A_713 : vector<16xi32>
      %max3A_715 = arith.maxsi %sub3A_714, %broadcast_in_dim3A_7 : vector<16xi32>
      %lt3A_716 = arith.constant 0 : i32
      %lt3A_717 = vector.broadcast %lt3A_716 : i32 to vector<16xi32>
      %lt3A_718 = arith.cmpi slt, %max3A_715, %lt3A_717 : vector<16xi32>
      %add3A_719 = arith.constant 16 : i32
      %add3A_720 = vector.broadcast %add3A_719 : i32 to vector<16xi32>
      %add3A_721 = arith.addi %max3A_715, %add3A_720 : vector<16xi32>
      %select_n3A_722 = arith.select %lt3A_718, %add3A_721, %max3A_715 : vector<16xi1>, vector<16xi32>
      %broadcast_in_dim3A_723 = vector.shape_cast %select_n3A_722 : vector<16xi32> to vector<16x1xi32>
      %gather3A_724 = vector.shape_cast %broadcast_in_dim3A_723 : vector<16x1xi32> to vector<16xi32>
      %gather3A_725 = tpu.dynamic_gather %add3A_711[%gather3A_724] in [0] : vector<16xi32>, vector<16xi32> -> vector<16xi32>
      %ge3A_726 = arith.cmpi sge, %iota3A, %broadcast_in_dim3A_713 : vector<16xi32>
      %select_n3A_727 = arith.select %ge3A_726, %gather3A_725, %broadcast_in_dim3A_7 : vector<16xi1>, vector<16xi32>
      %add3A_728 = arith.addi %add3A_711, %select_n3A_727 : vector<16xi32>
      %broadcast_in_dim3A_729 = arith.constant 4 : i32
      %broadcast_in_dim3A_730 = vector.broadcast %broadcast_in_dim3A_729 : i32 to vector<16xi32>
      %sub3A_731 = arith.subi %iota3A, %broadcast_in_dim3A_730 : vector<16xi32>
      %max3A_732 = arith.maxsi %sub3A_731, %broadcast_in_dim3A_7 : vector<16xi32>
      %lt3A_733 = arith.constant 0 : i32
      %lt3A_734 = vector.broadcast %lt3A_733 : i32 to vector<16xi32>
      %lt3A_735 = arith.cmpi slt, %max3A_732, %lt3A_734 : vector<16xi32>
      %add3A_736 = arith.constant 16 : i32
      %add3A_737 = vector.broadcast %add3A_736 : i32 to vector<16xi32>
      %add3A_738 = arith.addi %max3A_732, %add3A_737 : vector<16xi32>
      %select_n3A_739 = arith.select %lt3A_735, %add3A_738, %max3A_732 : vector<16xi1>, vector<16xi32>
      %broadcast_in_dim3A_740 = vector.shape_cast %select_n3A_739 : vector<16xi32> to vector<16x1xi32>
      %gather3A_741 = vector.shape_cast %broadcast_in_dim3A_740 : vector<16x1xi32> to vector<16xi32>
      %gather3A_742 = tpu.dynamic_gather %add3A_728[%gather3A_741] in [0] : vector<16xi32>, vector<16xi32> -> vector<16xi32>
      %ge3A_743 = arith.cmpi sge, %iota3A, %broadcast_in_dim3A_730 : vector<16xi32>
      %select_n3A_744 = arith.select %ge3A_743, %gather3A_742, %broadcast_in_dim3A_7 : vector<16xi1>, vector<16xi32>
      %add3A_745 = arith.addi %add3A_728, %select_n3A_744 : vector<16xi32>
      %broadcast_in_dim3A_746 = arith.constant 8 : i32
      %broadcast_in_dim3A_747 = vector.broadcast %broadcast_in_dim3A_746 : i32 to vector<16xi32>
      %sub3A_748 = arith.subi %iota3A, %broadcast_in_dim3A_747 : vector<16xi32>
      %max3A_749 = arith.maxsi %sub3A_748, %broadcast_in_dim3A_7 : vector<16xi32>
      %lt3A_750 = arith.constant 0 : i32
      %lt3A_751 = vector.broadcast %lt3A_750 : i32 to vector<16xi32>
      %lt3A_752 = arith.cmpi slt, %max3A_749, %lt3A_751 : vector<16xi32>
      %add3A_753 = arith.constant 16 : i32
      %add3A_754 = vector.broadcast %add3A_753 : i32 to vector<16xi32>
      %add3A_755 = arith.addi %max3A_749, %add3A_754 : vector<16xi32>
      %select_n3A_756 = arith.select %lt3A_752, %add3A_755, %max3A_749 : vector<16xi1>, vector<16xi32>
      %broadcast_in_dim3A_757 = vector.shape_cast %select_n3A_756 : vector<16xi32> to vector<16x1xi32>
      %gather3A_758 = vector.shape_cast %broadcast_in_dim3A_757 : vector<16x1xi32> to vector<16xi32>
      %gather3A_759 = tpu.dynamic_gather %add3A_745[%gather3A_758] in [0] : vector<16xi32>, vector<16xi32> -> vector<16xi32>
      %ge3A_760 = arith.cmpi sge, %iota3A, %broadcast_in_dim3A_747 : vector<16xi32>
      %select_n3A_761 = arith.select %ge3A_760, %gather3A_759, %broadcast_in_dim3A_7 : vector<16xi1>, vector<16xi32>
      %add3A_762 = arith.addi %add3A_745, %select_n3A_761 : vector<16xi32>
      %add3A_763 = arith.addi %add3A_688, %add3A_762 : vector<16xi32>
      %sub3A_764 = arith.subi %add3A_763, %broadcast_in_dim3A_5 : vector<16xi32>
      %get3A_765 = arith.index_cast %add3A_690 : i32 to index
      %get3A_766 = tpu.vector_load %arg11[%get3A_765] {strides = array<i32>} : memref<1024xf32, #tpu.memory_space<vmem>>, vector<16xf32>,
      tpu.vector_store_idx %arg14[%sub3A_764], %get3A_766 masked %le3A_693 : memref<512xf32, #tpu.memory_space<vmem>>[vector<16xi32>], vector<16xf32>, vector<16xi1>
      %get3A_767 = arith.index_cast %add3A_690 : i32 to index
      %get3A_768 = tpu.vector_load %arg12[%get3A_767] {strides = array<i32>} : memref<1024xf32, #tpu.memory_space<vmem>>, vector<16xf32>,
      tpu.vector_store_idx %arg15[%sub3A_764], %get3A_768 masked %le3A_693 : memref<512xf32, #tpu.memory_space<vmem>>[vector<16xi32>], vector<16xf32>, vector<16xi1>
      %get3A_769 = arith.index_cast %add3A_690 : i32 to index
      %get3A_770 = tpu.vector_load %arg13[%get3A_769] {strides = array<i32>} : memref<1024xf32, #tpu.memory_space<vmem>>, vector<16xf32>,
      tpu.vector_store_idx %arg16[%sub3A_764], %get3A_770 masked %le3A_693 : memref<512xf32, #tpu.memory_space<vmem>>[vector<16xi32>], vector<16xf32>, vector<16xi1>
      %lt3A_771 = arith.constant 0 : i32
      %lt3A_772 = vector.broadcast %lt3A_771 : i32 to vector<16xi32>
      %lt3A_773 = arith.cmpi slt, %broadcast_in_dim3A_9, %lt3A_772 : vector<16xi32>
      %add3A_774 = arith.constant 16 : i32
      %add3A_775 = vector.broadcast %add3A_774 : i32 to vector<16xi32>
      %add3A_776 = arith.addi %broadcast_in_dim3A_9, %add3A_775 : vector<16xi32>
      %select_n3A_777 = arith.select %lt3A_773, %add3A_776, %broadcast_in_dim3A_9 : vector<16xi1>, vector<16xi32>
      %broadcast_in_dim3A_778 = vector.shape_cast %select_n3A_777 : vector<16xi32> to vector<16x1xi32>
      %gather3A_779 = vector.shape_cast %broadcast_in_dim3A_778 : vector<16x1xi32> to vector<16xi32>
      %gather3A_780 = tpu.dynamic_gather %add3A_762[%gather3A_779] in [0] : vector<16xi32>, vector<16xi32> -> vector<16xi32>
      %add3A_781 = arith.addi %add3A_688, %gather3A_780 : vector<16xi32>
      %add3A_782 = arith.constant 96 : i32
      %add3A_783 = arith.addi %mul3A_36, %add3A_782 : i32
      %get3A_784 = arith.constant 96 : index
      %get3A_785 = tpu.vector_load %arg10[%get3A_784] {strides = array<i32>} : memref<512xf32, #tpu.memory_space<vmem>>, vector<16xf32>,
      %le3A_786 = arith.cmpf ole, %get3A_785, %broadcast_in_dim3A_1 : vector<16xf32>
      %select_n3A_787 = arith.select %le3A_786, %broadcast_in_dim3A_5, %broadcast_in_dim3A_7 : vector<16xi1>, vector<16xi32>
      %broadcast_in_dim3A_788 = arith.constant 1 : i32
      %broadcast_in_dim3A_789 = vector.broadcast %broadcast_in_dim3A_788 : i32 to vector<16xi32>
      %sub3A_790 = arith.subi %iota3A, %broadcast_in_dim3A_789 : vector<16xi32>
      %max3A_791 = arith.maxsi %sub3A_790, %broadcast_in_dim3A_7 : vector<16xi32>
      %lt3A_792 = arith.constant 0 : i32
      %lt3A_793 = vector.broadcast %lt3A_792 : i32 to vector<16xi32>
      %lt3A_794 = arith.cmpi slt, %max3A_791, %lt3A_793 : vector<16xi32>
      %add3A_795 = arith.constant 16 : i32
      %add3A_796 = vector.broadcast %add3A_795 : i32 to vector<16xi32>
      %add3A_797 = arith.addi %max3A_791, %add3A_796 : vector<16xi32>
      %select_n3A_798 = arith.select %lt3A_794, %add3A_797, %max3A_791 : vector<16xi1>, vector<16xi32>
      %broadcast_in_dim3A_799 = vector.shape_cast %select_n3A_798 : vector<16xi32> to vector<16x1xi32>
      %gather3A_800 = vector.shape_cast %broadcast_in_dim3A_799 : vector<16x1xi32> to vector<16xi32>
      %gather3A_801 = tpu.dynamic_gather %select_n3A_787[%gather3A_800] in [0] : vector<16xi32>, vector<16xi32> -> vector<16xi32>
      %ge3A_802 = arith.cmpi sge, %iota3A, %broadcast_in_dim3A_789 : vector<16xi32>
      %select_n3A_803 = arith.select %ge3A_802, %gather3A_801, %broadcast_in_dim3A_7 : vector<16xi1>, vector<16xi32>
      %add3A_804 = arith.addi %select_n3A_787, %select_n3A_803 : vector<16xi32>
      %broadcast_in_dim3A_805 = arith.constant 2 : i32
      %broadcast_in_dim3A_806 = vector.broadcast %broadcast_in_dim3A_805 : i32 to vector<16xi32>
      %sub3A_807 = arith.subi %iota3A, %broadcast_in_dim3A_806 : vector<16xi32>
      %max3A_808 = arith.maxsi %sub3A_807, %broadcast_in_dim3A_7 : vector<16xi32>
      %lt3A_809 = arith.constant 0 : i32
      %lt3A_810 = vector.broadcast %lt3A_809 : i32 to vector<16xi32>
      %lt3A_811 = arith.cmpi slt, %max3A_808, %lt3A_810 : vector<16xi32>
      %add3A_812 = arith.constant 16 : i32
      %add3A_813 = vector.broadcast %add3A_812 : i32 to vector<16xi32>
      %add3A_814 = arith.addi %max3A_808, %add3A_813 : vector<16xi32>
      %select_n3A_815 = arith.select %lt3A_811, %add3A_814, %max3A_808 : vector<16xi1>, vector<16xi32>
      %broadcast_in_dim3A_816 = vector.shape_cast %select_n3A_815 : vector<16xi32> to vector<16x1xi32>
      %gather3A_817 = vector.shape_cast %broadcast_in_dim3A_816 : vector<16x1xi32> to vector<16xi32>
      %gather3A_818 = tpu.dynamic_gather %add3A_804[%gather3A_817] in [0] : vector<16xi32>, vector<16xi32> -> vector<16xi32>
      %ge3A_819 = arith.cmpi sge, %iota3A, %broadcast_in_dim3A_806 : vector<16xi32>
      %select_n3A_820 = arith.select %ge3A_819, %gather3A_818, %broadcast_in_dim3A_7 : vector<16xi1>, vector<16xi32>
      %add3A_821 = arith.addi %add3A_804, %select_n3A_820 : vector<16xi32>
      %broadcast_in_dim3A_822 = arith.constant 4 : i32
      %broadcast_in_dim3A_823 = vector.broadcast %broadcast_in_dim3A_822 : i32 to vector<16xi32>
      %sub3A_824 = arith.subi %iota3A, %broadcast_in_dim3A_823 : vector<16xi32>
      %max3A_825 = arith.maxsi %sub3A_824, %broadcast_in_dim3A_7 : vector<16xi32>
      %lt3A_826 = arith.constant 0 : i32
      %lt3A_827 = vector.broadcast %lt3A_826 : i32 to vector<16xi32>
      %lt3A_828 = arith.cmpi slt, %max3A_825, %lt3A_827 : vector<16xi32>
      %add3A_829 = arith.constant 16 : i32
      %add3A_830 = vector.broadcast %add3A_829 : i32 to vector<16xi32>
      %add3A_831 = arith.addi %max3A_825, %add3A_830 : vector<16xi32>
      %select_n3A_832 = arith.select %lt3A_828, %add3A_831, %max3A_825 : vector<16xi1>, vector<16xi32>
      %broadcast_in_dim3A_833 = vector.shape_cast %select_n3A_832 : vector<16xi32> to vector<16x1xi32>
      %gather3A_834 = vector.shape_cast %broadcast_in_dim3A_833 : vector<16x1xi32> to vector<16xi32>
      %gather3A_835 = tpu.dynamic_gather %add3A_821[%gather3A_834] in [0] : vector<16xi32>, vector<16xi32> -> vector<16xi32>
      %ge3A_836 = arith.cmpi sge, %iota3A, %broadcast_in_dim3A_823 : vector<16xi32>
      %select_n3A_837 = arith.select %ge3A_836, %gather3A_835, %broadcast_in_dim3A_7 : vector<16xi1>, vector<16xi32>
      %add3A_838 = arith.addi %add3A_821, %select_n3A_837 : vector<16xi32>
      %broadcast_in_dim3A_839 = arith.constant 8 : i32
      %broadcast_in_dim3A_840 = vector.broadcast %broadcast_in_dim3A_839 : i32 to vector<16xi32>
      %sub3A_841 = arith.subi %iota3A, %broadcast_in_dim3A_840 : vector<16xi32>
      %max3A_842 = arith.maxsi %sub3A_841, %broadcast_in_dim3A_7 : vector<16xi32>
      %lt3A_843 = arith.constant 0 : i32
      %lt3A_844 = vector.broadcast %lt3A_843 : i32 to vector<16xi32>
      %lt3A_845 = arith.cmpi slt, %max3A_842, %lt3A_844 : vector<16xi32>
      %add3A_846 = arith.constant 16 : i32
      %add3A_847 = vector.broadcast %add3A_846 : i32 to vector<16xi32>
      %add3A_848 = arith.addi %max3A_842, %add3A_847 : vector<16xi32>
      %select_n3A_849 = arith.select %lt3A_845, %add3A_848, %max3A_842 : vector<16xi1>, vector<16xi32>
      %broadcast_in_dim3A_850 = vector.shape_cast %select_n3A_849 : vector<16xi32> to vector<16x1xi32>
      %gather3A_851 = vector.shape_cast %broadcast_in_dim3A_850 : vector<16x1xi32> to vector<16xi32>
      %gather3A_852 = tpu.dynamic_gather %add3A_838[%gather3A_851] in [0] : vector<16xi32>, vector<16xi32> -> vector<16xi32>
      %ge3A_853 = arith.cmpi sge, %iota3A, %broadcast_in_dim3A_840 : vector<16xi32>
      %select_n3A_854 = arith.select %ge3A_853, %gather3A_852, %broadcast_in_dim3A_7 : vector<16xi1>, vector<16xi32>
      %add3A_855 = arith.addi %add3A_838, %select_n3A_854 : vector<16xi32>
      %add3A_856 = arith.addi %add3A_781, %add3A_855 : vector<16xi32>
      %sub3A_857 = arith.subi %add3A_856, %broadcast_in_dim3A_5 : vector<16xi32>
      %get3A_858 = arith.index_cast %add3A_783 : i32 to index
      %get3A_859 = tpu.vector_load %arg11[%get3A_858] {strides = array<i32>} : memref<1024xf32, #tpu.memory_space<vmem>>, vector<16xf32>,
      tpu.vector_store_idx %arg14[%sub3A_857], %get3A_859 masked %le3A_786 : memref<512xf32, #tpu.memory_space<vmem>>[vector<16xi32>], vector<16xf32>, vector<16xi1>
      %get3A_860 = arith.index_cast %add3A_783 : i32 to index
      %get3A_861 = tpu.vector_load %arg12[%get3A_860] {strides = array<i32>} : memref<1024xf32, #tpu.memory_space<vmem>>, vector<16xf32>,
      tpu.vector_store_idx %arg15[%sub3A_857], %get3A_861 masked %le3A_786 : memref<512xf32, #tpu.memory_space<vmem>>[vector<16xi32>], vector<16xf32>, vector<16xi1>
      %get3A_862 = arith.index_cast %add3A_783 : i32 to index
      %get3A_863 = tpu.vector_load %arg13[%get3A_862] {strides = array<i32>} : memref<1024xf32, #tpu.memory_space<vmem>>, vector<16xf32>,
      tpu.vector_store_idx %arg16[%sub3A_857], %get3A_863 masked %le3A_786 : memref<512xf32, #tpu.memory_space<vmem>>[vector<16xi32>], vector<16xf32>, vector<16xi1>
      %lt3A_864 = arith.constant 0 : i32
      %lt3A_865 = vector.broadcast %lt3A_864 : i32 to vector<16xi32>
      %lt3A_866 = arith.cmpi slt, %broadcast_in_dim3A_9, %lt3A_865 : vector<16xi32>
      %add3A_867 = arith.constant 16 : i32
      %add3A_868 = vector.broadcast %add3A_867 : i32 to vector<16xi32>
      %add3A_869 = arith.addi %broadcast_in_dim3A_9, %add3A_868 : vector<16xi32>
      %select_n3A_870 = arith.select %lt3A_866, %add3A_869, %broadcast_in_dim3A_9 : vector<16xi1>, vector<16xi32>
      %broadcast_in_dim3A_871 = vector.shape_cast %select_n3A_870 : vector<16xi32> to vector<16x1xi32>
      %gather3A_872 = vector.shape_cast %broadcast_in_dim3A_871 : vector<16x1xi32> to vector<16xi32>
      %gather3A_873 = tpu.dynamic_gather %add3A_855[%gather3A_872] in [0] : vector<16xi32>, vector<16xi32> -> vector<16xi32>
      %add3A_874 = arith.addi %add3A_781, %gather3A_873 : vector<16xi32>
      %add3A_875 = arith.constant 112 : i32
      %add3A_876 = arith.addi %mul3A_36, %add3A_875 : i32
      %get3A_877 = arith.constant 112 : index
      %get3A_878 = tpu.vector_load %arg10[%get3A_877] {strides = array<i32>} : memref<512xf32, #tpu.memory_space<vmem>>, vector<16xf32>,
      %le3A_879 = arith.cmpf ole, %get3A_878, %broadcast_in_dim3A_1 : vector<16xf32>
      %select_n3A_880 = arith.select %le3A_879, %broadcast_in_dim3A_5, %broadcast_in_dim3A_7 : vector<16xi1>, vector<16xi32>
      %broadcast_in_dim3A_881 = arith.constant 1 : i32
      %broadcast_in_dim3A_882 = vector.broadcast %broadcast_in_dim3A_881 : i32 to vector<16xi32>
      %sub3A_883 = arith.subi %iota3A, %broadcast_in_dim3A_882 : vector<16xi32>
      %max3A_884 = arith.maxsi %sub3A_883, %broadcast_in_dim3A_7 : vector<16xi32>
      %lt3A_885 = arith.constant 0 : i32
      %lt3A_886 = vector.broadcast %lt3A_885 : i32 to vector<16xi32>
      %lt3A_887 = arith.cmpi slt, %max3A_884, %lt3A_886 : vector<16xi32>
      %add3A_888 = arith.constant 16 : i32
      %add3A_889 = vector.broadcast %add3A_888 : i32 to vector<16xi32>
      %add3A_890 = arith.addi %max3A_884, %add3A_889 : vector<16xi32>
      %select_n3A_891 = arith.select %lt3A_887, %add3A_890, %max3A_884 : vector<16xi1>, vector<16xi32>
      %broadcast_in_dim3A_892 = vector.shape_cast %select_n3A_891 : vector<16xi32> to vector<16x1xi32>
      %gather3A_893 = vector.shape_cast %broadcast_in_dim3A_892 : vector<16x1xi32> to vector<16xi32>
      %gather3A_894 = tpu.dynamic_gather %select_n3A_880[%gather3A_893] in [0] : vector<16xi32>, vector<16xi32> -> vector<16xi32>
      %ge3A_895 = arith.cmpi sge, %iota3A, %broadcast_in_dim3A_882 : vector<16xi32>
      %select_n3A_896 = arith.select %ge3A_895, %gather3A_894, %broadcast_in_dim3A_7 : vector<16xi1>, vector<16xi32>
      %add3A_897 = arith.addi %select_n3A_880, %select_n3A_896 : vector<16xi32>
      %broadcast_in_dim3A_898 = arith.constant 2 : i32
      %broadcast_in_dim3A_899 = vector.broadcast %broadcast_in_dim3A_898 : i32 to vector<16xi32>
      %sub3A_900 = arith.subi %iota3A, %broadcast_in_dim3A_899 : vector<16xi32>
      %max3A_901 = arith.maxsi %sub3A_900, %broadcast_in_dim3A_7 : vector<16xi32>
      %lt3A_902 = arith.constant 0 : i32
      %lt3A_903 = vector.broadcast %lt3A_902 : i32 to vector<16xi32>
      %lt3A_904 = arith.cmpi slt, %max3A_901, %lt3A_903 : vector<16xi32>
      %add3A_905 = arith.constant 16 : i32
      %add3A_906 = vector.broadcast %add3A_905 : i32 to vector<16xi32>
      %add3A_907 = arith.addi %max3A_901, %add3A_906 : vector<16xi32>
      %select_n3A_908 = arith.select %lt3A_904, %add3A_907, %max3A_901 : vector<16xi1>, vector<16xi32>
      %broadcast_in_dim3A_909 = vector.shape_cast %select_n3A_908 : vector<16xi32> to vector<16x1xi32>
      %gather3A_910 = vector.shape_cast %broadcast_in_dim3A_909 : vector<16x1xi32> to vector<16xi32>
      %gather3A_911 = tpu.dynamic_gather %add3A_897[%gather3A_910] in [0] : vector<16xi32>, vector<16xi32> -> vector<16xi32>
      %ge3A_912 = arith.cmpi sge, %iota3A, %broadcast_in_dim3A_899 : vector<16xi32>
      %select_n3A_913 = arith.select %ge3A_912, %gather3A_911, %broadcast_in_dim3A_7 : vector<16xi1>, vector<16xi32>
      %add3A_914 = arith.addi %add3A_897, %select_n3A_913 : vector<16xi32>
      %broadcast_in_dim3A_915 = arith.constant 4 : i32
      %broadcast_in_dim3A_916 = vector.broadcast %broadcast_in_dim3A_915 : i32 to vector<16xi32>
      %sub3A_917 = arith.subi %iota3A, %broadcast_in_dim3A_916 : vector<16xi32>
      %max3A_918 = arith.maxsi %sub3A_917, %broadcast_in_dim3A_7 : vector<16xi32>
      %lt3A_919 = arith.constant 0 : i32
      %lt3A_920 = vector.broadcast %lt3A_919 : i32 to vector<16xi32>
      %lt3A_921 = arith.cmpi slt, %max3A_918, %lt3A_920 : vector<16xi32>
      %add3A_922 = arith.constant 16 : i32
      %add3A_923 = vector.broadcast %add3A_922 : i32 to vector<16xi32>
      %add3A_924 = arith.addi %max3A_918, %add3A_923 : vector<16xi32>
      %select_n3A_925 = arith.select %lt3A_921, %add3A_924, %max3A_918 : vector<16xi1>, vector<16xi32>
      %broadcast_in_dim3A_926 = vector.shape_cast %select_n3A_925 : vector<16xi32> to vector<16x1xi32>
      %gather3A_927 = vector.shape_cast %broadcast_in_dim3A_926 : vector<16x1xi32> to vector<16xi32>
      %gather3A_928 = tpu.dynamic_gather %add3A_914[%gather3A_927] in [0] : vector<16xi32>, vector<16xi32> -> vector<16xi32>
      %ge3A_929 = arith.cmpi sge, %iota3A, %broadcast_in_dim3A_916 : vector<16xi32>
      %select_n3A_930 = arith.select %ge3A_929, %gather3A_928, %broadcast_in_dim3A_7 : vector<16xi1>, vector<16xi32>
      %add3A_931 = arith.addi %add3A_914, %select_n3A_930 : vector<16xi32>
      %broadcast_in_dim3A_932 = arith.constant 8 : i32
      %broadcast_in_dim3A_933 = vector.broadcast %broadcast_in_dim3A_932 : i32 to vector<16xi32>
      %sub3A_934 = arith.subi %iota3A, %broadcast_in_dim3A_933 : vector<16xi32>
      %max3A_935 = arith.maxsi %sub3A_934, %broadcast_in_dim3A_7 : vector<16xi32>
      %lt3A_936 = arith.constant 0 : i32
      %lt3A_937 = vector.broadcast %lt3A_936 : i32 to vector<16xi32>
      %lt3A_938 = arith.cmpi slt, %max3A_935, %lt3A_937 : vector<16xi32>
      %add3A_939 = arith.constant 16 : i32
      %add3A_940 = vector.broadcast %add3A_939 : i32 to vector<16xi32>
      %add3A_941 = arith.addi %max3A_935, %add3A_940 : vector<16xi32>
      %select_n3A_942 = arith.select %lt3A_938, %add3A_941, %max3A_935 : vector<16xi1>, vector<16xi32>
      %broadcast_in_dim3A_943 = vector.shape_cast %select_n3A_942 : vector<16xi32> to vector<16x1xi32>
      %gather3A_944 = vector.shape_cast %broadcast_in_dim3A_943 : vector<16x1xi32> to vector<16xi32>
      %gather3A_945 = tpu.dynamic_gather %add3A_931[%gather3A_944] in [0] : vector<16xi32>, vector<16xi32> -> vector<16xi32>
      %ge3A_946 = arith.cmpi sge, %iota3A, %broadcast_in_dim3A_933 : vector<16xi32>
      %select_n3A_947 = arith.select %ge3A_946, %gather3A_945, %broadcast_in_dim3A_7 : vector<16xi1>, vector<16xi32>
      %add3A_948 = arith.addi %add3A_931, %select_n3A_947 : vector<16xi32>
      %add3A_949 = arith.addi %add3A_874, %add3A_948 : vector<16xi32>
      %sub3A_950 = arith.subi %add3A_949, %broadcast_in_dim3A_5 : vector<16xi32>
      %get3A_951 = arith.index_cast %add3A_876 : i32 to index
      %get3A_952 = tpu.vector_load %arg11[%get3A_951] {strides = array<i32>} : memref<1024xf32, #tpu.memory_space<vmem>>, vector<16xf32>,
      tpu.vector_store_idx %arg14[%sub3A_950], %get3A_952 masked %le3A_879 : memref<512xf32, #tpu.memory_space<vmem>>[vector<16xi32>], vector<16xf32>, vector<16xi1>
      %get3A_953 = arith.index_cast %add3A_876 : i32 to index
      %get3A_954 = tpu.vector_load %arg12[%get3A_953] {strides = array<i32>} : memref<1024xf32, #tpu.memory_space<vmem>>, vector<16xf32>,
      tpu.vector_store_idx %arg15[%sub3A_950], %get3A_954 masked %le3A_879 : memref<512xf32, #tpu.memory_space<vmem>>[vector<16xi32>], vector<16xf32>, vector<16xi1>
      %get3A_955 = arith.index_cast %add3A_876 : i32 to index
      %get3A_956 = tpu.vector_load %arg13[%get3A_955] {strides = array<i32>} : memref<1024xf32, #tpu.memory_space<vmem>>, vector<16xf32>,
      tpu.vector_store_idx %arg16[%sub3A_950], %get3A_956 masked %le3A_879 : memref<512xf32, #tpu.memory_space<vmem>>[vector<16xi32>], vector<16xf32>, vector<16xi1>
      %lt3A_957 = arith.constant 0 : i32
      %lt3A_958 = vector.broadcast %lt3A_957 : i32 to vector<16xi32>
      %lt3A_959 = arith.cmpi slt, %broadcast_in_dim3A_9, %lt3A_958 : vector<16xi32>
      %add3A_960 = arith.constant 16 : i32
      %add3A_961 = vector.broadcast %add3A_960 : i32 to vector<16xi32>
      %add3A_962 = arith.addi %broadcast_in_dim3A_9, %add3A_961 : vector<16xi32>
      %select_n3A_963 = arith.select %lt3A_959, %add3A_962, %broadcast_in_dim3A_9 : vector<16xi1>, vector<16xi32>
      %broadcast_in_dim3A_964 = vector.shape_cast %select_n3A_963 : vector<16xi32> to vector<16x1xi32>
      %gather3A_965 = vector.shape_cast %broadcast_in_dim3A_964 : vector<16x1xi32> to vector<16xi32>
      %gather3A_966 = tpu.dynamic_gather %add3A_948[%gather3A_965] in [0] : vector<16xi32>, vector<16xi32> -> vector<16xi32>
      %add3A_967 = arith.addi %add3A_874, %gather3A_966 : vector<16xi32>
      %add3A_968 = arith.constant 128 : i32
      %add3A_969 = arith.addi %mul3A_36, %add3A_968 : i32
      %get3A_970 = arith.constant 128 : index
      %get3A_971 = tpu.vector_load %arg10[%get3A_970] {strides = array<i32>} : memref<512xf32, #tpu.memory_space<vmem>>, vector<16xf32>,
      %le3A_972 = arith.cmpf ole, %get3A_971, %broadcast_in_dim3A_1 : vector<16xf32>
      %select_n3A_973 = arith.select %le3A_972, %broadcast_in_dim3A_5, %broadcast_in_dim3A_7 : vector<16xi1>, vector<16xi32>
      %broadcast_in_dim3A_974 = arith.constant 1 : i32
      %broadcast_in_dim3A_975 = vector.broadcast %broadcast_in_dim3A_974 : i32 to vector<16xi32>
      %sub3A_976 = arith.subi %iota3A, %broadcast_in_dim3A_975 : vector<16xi32>
      %max3A_977 = arith.maxsi %sub3A_976, %broadcast_in_dim3A_7 : vector<16xi32>
      %lt3A_978 = arith.constant 0 : i32
      %lt3A_979 = vector.broadcast %lt3A_978 : i32 to vector<16xi32>
      %lt3A_980 = arith.cmpi slt, %max3A_977, %lt3A_979 : vector<16xi32>
      %add3A_981 = arith.constant 16 : i32
      %add3A_982 = vector.broadcast %add3A_981 : i32 to vector<16xi32>
      %add3A_983 = arith.addi %max3A_977, %add3A_982 : vector<16xi32>
      %select_n3A_984 = arith.select %lt3A_980, %add3A_983, %max3A_977 : vector<16xi1>, vector<16xi32>
      %broadcast_in_dim3A_985 = vector.shape_cast %select_n3A_984 : vector<16xi32> to vector<16x1xi32>
      %gather3A_986 = vector.shape_cast %broadcast_in_dim3A_985 : vector<16x1xi32> to vector<16xi32>
      %gather3A_987 = tpu.dynamic_gather %select_n3A_973[%gather3A_986] in [0] : vector<16xi32>, vector<16xi32> -> vector<16xi32>
      %ge3A_988 = arith.cmpi sge, %iota3A, %broadcast_in_dim3A_975 : vector<16xi32>
      %select_n3A_989 = arith.select %ge3A_988, %gather3A_987, %broadcast_in_dim3A_7 : vector<16xi1>, vector<16xi32>
      %add3A_990 = arith.addi %select_n3A_973, %select_n3A_989 : vector<16xi32>
      %broadcast_in_dim3A_991 = arith.constant 2 : i32
      %broadcast_in_dim3A_992 = vector.broadcast %broadcast_in_dim3A_991 : i32 to vector<16xi32>
      %sub3A_993 = arith.subi %iota3A, %broadcast_in_dim3A_992 : vector<16xi32>
      %max3A_994 = arith.maxsi %sub3A_993, %broadcast_in_dim3A_7 : vector<16xi32>
      %lt3A_995 = arith.constant 0 : i32
      %lt3A_996 = vector.broadcast %lt3A_995 : i32 to vector<16xi32>
      %lt3A_997 = arith.cmpi slt, %max3A_994, %lt3A_996 : vector<16xi32>
      %add3A_998 = arith.constant 16 : i32
      %add3A_999 = vector.broadcast %add3A_998 : i32 to vector<16xi32>
      %add3A_1000 = arith.addi %max3A_994, %add3A_999 : vector<16xi32>
      %select_n3A_1001 = arith.select %lt3A_997, %add3A_1000, %max3A_994 : vector<16xi1>, vector<16xi32>
      %broadcast_in_dim3A_1002 = vector.shape_cast %select_n3A_1001 : vector<16xi32> to vector<16x1xi32>
      %gather3A_1003 = vector.shape_cast %broadcast_in_dim3A_1002 : vector<16x1xi32> to vector<16xi32>
      %gather3A_1004 = tpu.dynamic_gather %add3A_990[%gather3A_1003] in [0] : vector<16xi32>, vector<16xi32> -> vector<16xi32>
      %ge3A_1005 = arith.cmpi sge, %iota3A, %broadcast_in_dim3A_992 : vector<16xi32>
      %select_n3A_1006 = arith.select %ge3A_1005, %gather3A_1004, %broadcast_in_dim3A_7 : vector<16xi1>, vector<16xi32>
      %add3A_1007 = arith.addi %add3A_990, %select_n3A_1006 : vector<16xi32>
      %broadcast_in_dim3A_1008 = arith.constant 4 : i32
      %broadcast_in_dim3A_1009 = vector.broadcast %broadcast_in_dim3A_1008 : i32 to vector<16xi32>
      %sub3A_1010 = arith.subi %iota3A, %broadcast_in_dim3A_1009 : vector<16xi32>
      %max3A_1011 = arith.maxsi %sub3A_1010, %broadcast_in_dim3A_7 : vector<16xi32>
      %lt3A_1012 = arith.constant 0 : i32
      %lt3A_1013 = vector.broadcast %lt3A_1012 : i32 to vector<16xi32>
      %lt3A_1014 = arith.cmpi slt, %max3A_1011, %lt3A_1013 : vector<16xi32>
      %add3A_1015 = arith.constant 16 : i32
      %add3A_1016 = vector.broadcast %add3A_1015 : i32 to vector<16xi32>
      %add3A_1017 = arith.addi %max3A_1011, %add3A_1016 : vector<16xi32>
      %select_n3A_1018 = arith.select %lt3A_1014, %add3A_1017, %max3A_1011 : vector<16xi1>, vector<16xi32>
      %broadcast_in_dim3A_1019 = vector.shape_cast %select_n3A_1018 : vector<16xi32> to vector<16x1xi32>
      %gather3A_1020 = vector.shape_cast %broadcast_in_dim3A_1019 : vector<16x1xi32> to vector<16xi32>
      %gather3A_1021 = tpu.dynamic_gather %add3A_1007[%gather3A_1020] in [0] : vector<16xi32>, vector<16xi32> -> vector<16xi32>
      %ge3A_1022 = arith.cmpi sge, %iota3A, %broadcast_in_dim3A_1009 : vector<16xi32>
      %select_n3A_1023 = arith.select %ge3A_1022, %gather3A_1021, %broadcast_in_dim3A_7 : vector<16xi1>, vector<16xi32>
      %add3A_1024 = arith.addi %add3A_1007, %select_n3A_1023 : vector<16xi32>
      %broadcast_in_dim3A_1025 = arith.constant 8 : i32
      %broadcast_in_dim3A_1026 = vector.broadcast %broadcast_in_dim3A_1025 : i32 to vector<16xi32>
      %sub3A_1027 = arith.subi %iota3A, %broadcast_in_dim3A_1026 : vector<16xi32>
      %max3A_1028 = arith.maxsi %sub3A_1027, %broadcast_in_dim3A_7 : vector<16xi32>
      %lt3A_1029 = arith.constant 0 : i32
      %lt3A_1030 = vector.broadcast %lt3A_1029 : i32 to vector<16xi32>
      %lt3A_1031 = arith.cmpi slt, %max3A_1028, %lt3A_1030 : vector<16xi32>
      %add3A_1032 = arith.constant 16 : i32
      %add3A_1033 = vector.broadcast %add3A_1032 : i32 to vector<16xi32>
      %add3A_1034 = arith.addi %max3A_1028, %add3A_1033 : vector<16xi32>
      %select_n3A_1035 = arith.select %lt3A_1031, %add3A_1034, %max3A_1028 : vector<16xi1>, vector<16xi32>
      %broadcast_in_dim3A_1036 = vector.shape_cast %select_n3A_1035 : vector<16xi32> to vector<16x1xi32>
      %gather3A_1037 = vector.shape_cast %broadcast_in_dim3A_1036 : vector<16x1xi32> to vector<16xi32>
      %gather3A_1038 = tpu.dynamic_gather %add3A_1024[%gather3A_1037] in [0] : vector<16xi32>, vector<16xi32> -> vector<16xi32>
      %ge3A_1039 = arith.cmpi sge, %iota3A, %broadcast_in_dim3A_1026 : vector<16xi32>
      %select_n3A_1040 = arith.select %ge3A_1039, %gather3A_1038, %broadcast_in_dim3A_7 : vector<16xi1>, vector<16xi32>
      %add3A_1041 = arith.addi %add3A_1024, %select_n3A_1040 : vector<16xi32>
      %add3A_1042 = arith.addi %add3A_967, %add3A_1041 : vector<16xi32>
      %sub3A_1043 = arith.subi %add3A_1042, %broadcast_in_dim3A_5 : vector<16xi32>
      %get3A_1044 = arith.index_cast %add3A_969 : i32 to index
      %get3A_1045 = tpu.vector_load %arg11[%get3A_1044] {strides = array<i32>} : memref<1024xf32, #tpu.memory_space<vmem>>, vector<16xf32>,
      tpu.vector_store_idx %arg14[%sub3A_1043], %get3A_1045 masked %le3A_972 : memref<512xf32, #tpu.memory_space<vmem>>[vector<16xi32>], vector<16xf32>, vector<16xi1>
      %get3A_1046 = arith.index_cast %add3A_969 : i32 to index
      %get3A_1047 = tpu.vector_load %arg12[%get3A_1046] {strides = array<i32>} : memref<1024xf32, #tpu.memory_space<vmem>>, vector<16xf32>,
      tpu.vector_store_idx %arg15[%sub3A_1043], %get3A_1047 masked %le3A_972 : memref<512xf32, #tpu.memory_space<vmem>>[vector<16xi32>], vector<16xf32>, vector<16xi1>
      %get3A_1048 = arith.index_cast %add3A_969 : i32 to index
      %get3A_1049 = tpu.vector_load %arg13[%get3A_1048] {strides = array<i32>} : memref<1024xf32, #tpu.memory_space<vmem>>, vector<16xf32>,
      tpu.vector_store_idx %arg16[%sub3A_1043], %get3A_1049 masked %le3A_972 : memref<512xf32, #tpu.memory_space<vmem>>[vector<16xi32>], vector<16xf32>, vector<16xi1>
      %lt3A_1050 = arith.constant 0 : i32
      %lt3A_1051 = vector.broadcast %lt3A_1050 : i32 to vector<16xi32>
      %lt3A_1052 = arith.cmpi slt, %broadcast_in_dim3A_9, %lt3A_1051 : vector<16xi32>
      %add3A_1053 = arith.constant 16 : i32
      %add3A_1054 = vector.broadcast %add3A_1053 : i32 to vector<16xi32>
      %add3A_1055 = arith.addi %broadcast_in_dim3A_9, %add3A_1054 : vector<16xi32>
      %select_n3A_1056 = arith.select %lt3A_1052, %add3A_1055, %broadcast_in_dim3A_9 : vector<16xi1>, vector<16xi32>
      %broadcast_in_dim3A_1057 = vector.shape_cast %select_n3A_1056 : vector<16xi32> to vector<16x1xi32>
      %gather3A_1058 = vector.shape_cast %broadcast_in_dim3A_1057 : vector<16x1xi32> to vector<16xi32>
      %gather3A_1059 = tpu.dynamic_gather %add3A_1041[%gather3A_1058] in [0] : vector<16xi32>, vector<16xi32> -> vector<16xi32>
      %add3A_1060 = arith.addi %add3A_967, %gather3A_1059 : vector<16xi32>
      %add3A_1061 = arith.constant 144 : i32
      %add3A_1062 = arith.addi %mul3A_36, %add3A_1061 : i32
      %get3A_1063 = arith.constant 144 : index
      %get3A_1064 = tpu.vector_load %arg10[%get3A_1063] {strides = array<i32>} : memref<512xf32, #tpu.memory_space<vmem>>, vector<16xf32>,
      %le3A_1065 = arith.cmpf ole, %get3A_1064, %broadcast_in_dim3A_1 : vector<16xf32>
      %select_n3A_1066 = arith.select %le3A_1065, %broadcast_in_dim3A_5, %broadcast_in_dim3A_7 : vector<16xi1>, vector<16xi32>
      %broadcast_in_dim3A_1067 = arith.constant 1 : i32
      %broadcast_in_dim3A_1068 = vector.broadcast %broadcast_in_dim3A_1067 : i32 to vector<16xi32>
      %sub3A_1069 = arith.subi %iota3A, %broadcast_in_dim3A_1068 : vector<16xi32>
      %max3A_1070 = arith.maxsi %sub3A_1069, %broadcast_in_dim3A_7 : vector<16xi32>
      %lt3A_1071 = arith.constant 0 : i32
      %lt3A_1072 = vector.broadcast %lt3A_1071 : i32 to vector<16xi32>
      %lt3A_1073 = arith.cmpi slt, %max3A_1070, %lt3A_1072 : vector<16xi32>
      %add3A_1074 = arith.constant 16 : i32
      %add3A_1075 = vector.broadcast %add3A_1074 : i32 to vector<16xi32>
      %add3A_1076 = arith.addi %max3A_1070, %add3A_1075 : vector<16xi32>
      %select_n3A_1077 = arith.select %lt3A_1073, %add3A_1076, %max3A_1070 : vector<16xi1>, vector<16xi32>
      %broadcast_in_dim3A_1078 = vector.shape_cast %select_n3A_1077 : vector<16xi32> to vector<16x1xi32>
      %gather3A_1079 = vector.shape_cast %broadcast_in_dim3A_1078 : vector<16x1xi32> to vector<16xi32>
      %gather3A_1080 = tpu.dynamic_gather %select_n3A_1066[%gather3A_1079] in [0] : vector<16xi32>, vector<16xi32> -> vector<16xi32>
      %ge3A_1081 = arith.cmpi sge, %iota3A, %broadcast_in_dim3A_1068 : vector<16xi32>
      %select_n3A_1082 = arith.select %ge3A_1081, %gather3A_1080, %broadcast_in_dim3A_7 : vector<16xi1>, vector<16xi32>
      %add3A_1083 = arith.addi %select_n3A_1066, %select_n3A_1082 : vector<16xi32>
      %broadcast_in_dim3A_1084 = arith.constant 2 : i32
      %broadcast_in_dim3A_1085 = vector.broadcast %broadcast_in_dim3A_1084 : i32 to vector<16xi32>
      %sub3A_1086 = arith.subi %iota3A, %broadcast_in_dim3A_1085 : vector<16xi32>
      %max3A_1087 = arith.maxsi %sub3A_1086, %broadcast_in_dim3A_7 : vector<16xi32>
      %lt3A_1088 = arith.constant 0 : i32
      %lt3A_1089 = vector.broadcast %lt3A_1088 : i32 to vector<16xi32>
      %lt3A_1090 = arith.cmpi slt, %max3A_1087, %lt3A_1089 : vector<16xi32>
      %add3A_1091 = arith.constant 16 : i32
      %add3A_1092 = vector.broadcast %add3A_1091 : i32 to vector<16xi32>
      %add3A_1093 = arith.addi %max3A_1087, %add3A_1092 : vector<16xi32>
      %select_n3A_1094 = arith.select %lt3A_1090, %add3A_1093, %max3A_1087 : vector<16xi1>, vector<16xi32>
      %broadcast_in_dim3A_1095 = vector.shape_cast %select_n3A_1094 : vector<16xi32> to vector<16x1xi32>
      %gather3A_1096 = vector.shape_cast %broadcast_in_dim3A_1095 : vector<16x1xi32> to vector<16xi32>
      %gather3A_1097 = tpu.dynamic_gather %add3A_1083[%gather3A_1096] in [0] : vector<16xi32>, vector<16xi32> -> vector<16xi32>
      %ge3A_1098 = arith.cmpi sge, %iota3A, %broadcast_in_dim3A_1085 : vector<16xi32>
      %select_n3A_1099 = arith.select %ge3A_1098, %gather3A_1097, %broadcast_in_dim3A_7 : vector<16xi1>, vector<16xi32>
      %add3A_1100 = arith.addi %add3A_1083, %select_n3A_1099 : vector<16xi32>
      %broadcast_in_dim3A_1101 = arith.constant 4 : i32
      %broadcast_in_dim3A_1102 = vector.broadcast %broadcast_in_dim3A_1101 : i32 to vector<16xi32>
      %sub3A_1103 = arith.subi %iota3A, %broadcast_in_dim3A_1102 : vector<16xi32>
      %max3A_1104 = arith.maxsi %sub3A_1103, %broadcast_in_dim3A_7 : vector<16xi32>
      %lt3A_1105 = arith.constant 0 : i32
      %lt3A_1106 = vector.broadcast %lt3A_1105 : i32 to vector<16xi32>
      %lt3A_1107 = arith.cmpi slt, %max3A_1104, %lt3A_1106 : vector<16xi32>
      %add3A_1108 = arith.constant 16 : i32
      %add3A_1109 = vector.broadcast %add3A_1108 : i32 to vector<16xi32>
      %add3A_1110 = arith.addi %max3A_1104, %add3A_1109 : vector<16xi32>
      %select_n3A_1111 = arith.select %lt3A_1107, %add3A_1110, %max3A_1104 : vector<16xi1>, vector<16xi32>
      %broadcast_in_dim3A_1112 = vector.shape_cast %select_n3A_1111 : vector<16xi32> to vector<16x1xi32>
      %gather3A_1113 = vector.shape_cast %broadcast_in_dim3A_1112 : vector<16x1xi32> to vector<16xi32>
      %gather3A_1114 = tpu.dynamic_gather %add3A_1100[%gather3A_1113] in [0] : vector<16xi32>, vector<16xi32> -> vector<16xi32>
      %ge3A_1115 = arith.cmpi sge, %iota3A, %broadcast_in_dim3A_1102 : vector<16xi32>
      %select_n3A_1116 = arith.select %ge3A_1115, %gather3A_1114, %broadcast_in_dim3A_7 : vector<16xi1>, vector<16xi32>
      %add3A_1117 = arith.addi %add3A_1100, %select_n3A_1116 : vector<16xi32>
      %broadcast_in_dim3A_1118 = arith.constant 8 : i32
      %broadcast_in_dim3A_1119 = vector.broadcast %broadcast_in_dim3A_1118 : i32 to vector<16xi32>
      %sub3A_1120 = arith.subi %iota3A, %broadcast_in_dim3A_1119 : vector<16xi32>
      %max3A_1121 = arith.maxsi %sub3A_1120, %broadcast_in_dim3A_7 : vector<16xi32>
      %lt3A_1122 = arith.constant 0 : i32
      %lt3A_1123 = vector.broadcast %lt3A_1122 : i32 to vector<16xi32>
      %lt3A_1124 = arith.cmpi slt, %max3A_1121, %lt3A_1123 : vector<16xi32>
      %add3A_1125 = arith.constant 16 : i32
      %add3A_1126 = vector.broadcast %add3A_1125 : i32 to vector<16xi32>
      %add3A_1127 = arith.addi %max3A_1121, %add3A_1126 : vector<16xi32>
      %select_n3A_1128 = arith.select %lt3A_1124, %add3A_1127, %max3A_1121 : vector<16xi1>, vector<16xi32>
      %broadcast_in_dim3A_1129 = vector.shape_cast %select_n3A_1128 : vector<16xi32> to vector<16x1xi32>
      %gather3A_1130 = vector.shape_cast %broadcast_in_dim3A_1129 : vector<16x1xi32> to vector<16xi32>
      %gather3A_1131 = tpu.dynamic_gather %add3A_1117[%gather3A_1130] in [0] : vector<16xi32>, vector<16xi32> -> vector<16xi32>
      %ge3A_1132 = arith.cmpi sge, %iota3A, %broadcast_in_dim3A_1119 : vector<16xi32>
      %select_n3A_1133 = arith.select %ge3A_1132, %gather3A_1131, %broadcast_in_dim3A_7 : vector<16xi1>, vector<16xi32>
      %add3A_1134 = arith.addi %add3A_1117, %select_n3A_1133 : vector<16xi32>
      %add3A_1135 = arith.addi %add3A_1060, %add3A_1134 : vector<16xi32>
      %sub3A_1136 = arith.subi %add3A_1135, %broadcast_in_dim3A_5 : vector<16xi32>
      %get3A_1137 = arith.index_cast %add3A_1062 : i32 to index
      %get3A_1138 = tpu.vector_load %arg11[%get3A_1137] {strides = array<i32>} : memref<1024xf32, #tpu.memory_space<vmem>>, vector<16xf32>,
      tpu.vector_store_idx %arg14[%sub3A_1136], %get3A_1138 masked %le3A_1065 : memref<512xf32, #tpu.memory_space<vmem>>[vector<16xi32>], vector<16xf32>, vector<16xi1>
      %get3A_1139 = arith.index_cast %add3A_1062 : i32 to index
      %get3A_1140 = tpu.vector_load %arg12[%get3A_1139] {strides = array<i32>} : memref<1024xf32, #tpu.memory_space<vmem>>, vector<16xf32>,
      tpu.vector_store_idx %arg15[%sub3A_1136], %get3A_1140 masked %le3A_1065 : memref<512xf32, #tpu.memory_space<vmem>>[vector<16xi32>], vector<16xf32>, vector<16xi1>
      %get3A_1141 = arith.index_cast %add3A_1062 : i32 to index
      %get3A_1142 = tpu.vector_load %arg13[%get3A_1141] {strides = array<i32>} : memref<1024xf32, #tpu.memory_space<vmem>>, vector<16xf32>,
      tpu.vector_store_idx %arg16[%sub3A_1136], %get3A_1142 masked %le3A_1065 : memref<512xf32, #tpu.memory_space<vmem>>[vector<16xi32>], vector<16xf32>, vector<16xi1>
      %lt3A_1143 = arith.constant 0 : i32
      %lt3A_1144 = vector.broadcast %lt3A_1143 : i32 to vector<16xi32>
      %lt3A_1145 = arith.cmpi slt, %broadcast_in_dim3A_9, %lt3A_1144 : vector<16xi32>
      %add3A_1146 = arith.constant 16 : i32
      %add3A_1147 = vector.broadcast %add3A_1146 : i32 to vector<16xi32>
      %add3A_1148 = arith.addi %broadcast_in_dim3A_9, %add3A_1147 : vector<16xi32>
      %select_n3A_1149 = arith.select %lt3A_1145, %add3A_1148, %broadcast_in_dim3A_9 : vector<16xi1>, vector<16xi32>
      %broadcast_in_dim3A_1150 = vector.shape_cast %select_n3A_1149 : vector<16xi32> to vector<16x1xi32>
      %gather3A_1151 = vector.shape_cast %broadcast_in_dim3A_1150 : vector<16x1xi32> to vector<16xi32>
      %gather3A_1152 = tpu.dynamic_gather %add3A_1134[%gather3A_1151] in [0] : vector<16xi32>, vector<16xi32> -> vector<16xi32>
      %add3A_1153 = arith.addi %add3A_1060, %gather3A_1152 : vector<16xi32>
      %add3A_1154 = arith.constant 160 : i32
      %add3A_1155 = arith.addi %mul3A_36, %add3A_1154 : i32
      %get3A_1156 = arith.constant 160 : index
      %get3A_1157 = tpu.vector_load %arg10[%get3A_1156] {strides = array<i32>} : memref<512xf32, #tpu.memory_space<vmem>>, vector<16xf32>,
      %le3A_1158 = arith.cmpf ole, %get3A_1157, %broadcast_in_dim3A_1 : vector<16xf32>
      %select_n3A_1159 = arith.select %le3A_1158, %broadcast_in_dim3A_5, %broadcast_in_dim3A_7 : vector<16xi1>, vector<16xi32>
      %broadcast_in_dim3A_1160 = arith.constant 1 : i32
      %broadcast_in_dim3A_1161 = vector.broadcast %broadcast_in_dim3A_1160 : i32 to vector<16xi32>
      %sub3A_1162 = arith.subi %iota3A, %broadcast_in_dim3A_1161 : vector<16xi32>
      %max3A_1163 = arith.maxsi %sub3A_1162, %broadcast_in_dim3A_7 : vector<16xi32>
      %lt3A_1164 = arith.constant 0 : i32
      %lt3A_1165 = vector.broadcast %lt3A_1164 : i32 to vector<16xi32>
      %lt3A_1166 = arith.cmpi slt, %max3A_1163, %lt3A_1165 : vector<16xi32>
      %add3A_1167 = arith.constant 16 : i32
      %add3A_1168 = vector.broadcast %add3A_1167 : i32 to vector<16xi32>
      %add3A_1169 = arith.addi %max3A_1163, %add3A_1168 : vector<16xi32>
      %select_n3A_1170 = arith.select %lt3A_1166, %add3A_1169, %max3A_1163 : vector<16xi1>, vector<16xi32>
      %broadcast_in_dim3A_1171 = vector.shape_cast %select_n3A_1170 : vector<16xi32> to vector<16x1xi32>
      %gather3A_1172 = vector.shape_cast %broadcast_in_dim3A_1171 : vector<16x1xi32> to vector<16xi32>
      %gather3A_1173 = tpu.dynamic_gather %select_n3A_1159[%gather3A_1172] in [0] : vector<16xi32>, vector<16xi32> -> vector<16xi32>
      %ge3A_1174 = arith.cmpi sge, %iota3A, %broadcast_in_dim3A_1161 : vector<16xi32>
      %select_n3A_1175 = arith.select %ge3A_1174, %gather3A_1173, %broadcast_in_dim3A_7 : vector<16xi1>, vector<16xi32>
      %add3A_1176 = arith.addi %select_n3A_1159, %select_n3A_1175 : vector<16xi32>
      %broadcast_in_dim3A_1177 = arith.constant 2 : i32
      %broadcast_in_dim3A_1178 = vector.broadcast %broadcast_in_dim3A_1177 : i32 to vector<16xi32>
      %sub3A_1179 = arith.subi %iota3A, %broadcast_in_dim3A_1178 : vector<16xi32>
      %max3A_1180 = arith.maxsi %sub3A_1179, %broadcast_in_dim3A_7 : vector<16xi32>
      %lt3A_1181 = arith.constant 0 : i32
      %lt3A_1182 = vector.broadcast %lt3A_1181 : i32 to vector<16xi32>
      %lt3A_1183 = arith.cmpi slt, %max3A_1180, %lt3A_1182 : vector<16xi32>
      %add3A_1184 = arith.constant 16 : i32
      %add3A_1185 = vector.broadcast %add3A_1184 : i32 to vector<16xi32>
      %add3A_1186 = arith.addi %max3A_1180, %add3A_1185 : vector<16xi32>
      %select_n3A_1187 = arith.select %lt3A_1183, %add3A_1186, %max3A_1180 : vector<16xi1>, vector<16xi32>
      %broadcast_in_dim3A_1188 = vector.shape_cast %select_n3A_1187 : vector<16xi32> to vector<16x1xi32>
      %gather3A_1189 = vector.shape_cast %broadcast_in_dim3A_1188 : vector<16x1xi32> to vector<16xi32>
      %gather3A_1190 = tpu.dynamic_gather %add3A_1176[%gather3A_1189] in [0] : vector<16xi32>, vector<16xi32> -> vector<16xi32>
      %ge3A_1191 = arith.cmpi sge, %iota3A, %broadcast_in_dim3A_1178 : vector<16xi32>
      %select_n3A_1192 = arith.select %ge3A_1191, %gather3A_1190, %broadcast_in_dim3A_7 : vector<16xi1>, vector<16xi32>
      %add3A_1193 = arith.addi %add3A_1176, %select_n3A_1192 : vector<16xi32>
      %broadcast_in_dim3A_1194 = arith.constant 4 : i32
      %broadcast_in_dim3A_1195 = vector.broadcast %broadcast_in_dim3A_1194 : i32 to vector<16xi32>
      %sub3A_1196 = arith.subi %iota3A, %broadcast_in_dim3A_1195 : vector<16xi32>
      %max3A_1197 = arith.maxsi %sub3A_1196, %broadcast_in_dim3A_7 : vector<16xi32>
      %lt3A_1198 = arith.constant 0 : i32
      %lt3A_1199 = vector.broadcast %lt3A_1198 : i32 to vector<16xi32>
      %lt3A_1200 = arith.cmpi slt, %max3A_1197, %lt3A_1199 : vector<16xi32>
      %add3A_1201 = arith.constant 16 : i32
      %add3A_1202 = vector.broadcast %add3A_1201 : i32 to vector<16xi32>
      %add3A_1203 = arith.addi %max3A_1197, %add3A_1202 : vector<16xi32>
      %select_n3A_1204 = arith.select %lt3A_1200, %add3A_1203, %max3A_1197 : vector<16xi1>, vector<16xi32>
      %broadcast_in_dim3A_1205 = vector.shape_cast %select_n3A_1204 : vector<16xi32> to vector<16x1xi32>
      %gather3A_1206 = vector.shape_cast %broadcast_in_dim3A_1205 : vector<16x1xi32> to vector<16xi32>
      %gather3A_1207 = tpu.dynamic_gather %add3A_1193[%gather3A_1206] in [0] : vector<16xi32>, vector<16xi32> -> vector<16xi32>
      %ge3A_1208 = arith.cmpi sge, %iota3A, %broadcast_in_dim3A_1195 : vector<16xi32>
      %select_n3A_1209 = arith.select %ge3A_1208, %gather3A_1207, %broadcast_in_dim3A_7 : vector<16xi1>, vector<16xi32>
      %add3A_1210 = arith.addi %add3A_1193, %select_n3A_1209 : vector<16xi32>
      %broadcast_in_dim3A_1211 = arith.constant 8 : i32
      %broadcast_in_dim3A_1212 = vector.broadcast %broadcast_in_dim3A_1211 : i32 to vector<16xi32>
      %sub3A_1213 = arith.subi %iota3A, %broadcast_in_dim3A_1212 : vector<16xi32>
      %max3A_1214 = arith.maxsi %sub3A_1213, %broadcast_in_dim3A_7 : vector<16xi32>
      %lt3A_1215 = arith.constant 0 : i32
      %lt3A_1216 = vector.broadcast %lt3A_1215 : i32 to vector<16xi32>
      %lt3A_1217 = arith.cmpi slt, %max3A_1214, %lt3A_1216 : vector<16xi32>
      %add3A_1218 = arith.constant 16 : i32
      %add3A_1219 = vector.broadcast %add3A_1218 : i32 to vector<16xi32>
      %add3A_1220 = arith.addi %max3A_1214, %add3A_1219 : vector<16xi32>
      %select_n3A_1221 = arith.select %lt3A_1217, %add3A_1220, %max3A_1214 : vector<16xi1>, vector<16xi32>
      %broadcast_in_dim3A_1222 = vector.shape_cast %select_n3A_1221 : vector<16xi32> to vector<16x1xi32>
      %gather3A_1223 = vector.shape_cast %broadcast_in_dim3A_1222 : vector<16x1xi32> to vector<16xi32>
      %gather3A_1224 = tpu.dynamic_gather %add3A_1210[%gather3A_1223] in [0] : vector<16xi32>, vector<16xi32> -> vector<16xi32>
      %ge3A_1225 = arith.cmpi sge, %iota3A, %broadcast_in_dim3A_1212 : vector<16xi32>
      %select_n3A_1226 = arith.select %ge3A_1225, %gather3A_1224, %broadcast_in_dim3A_7 : vector<16xi1>, vector<16xi32>
      %add3A_1227 = arith.addi %add3A_1210, %select_n3A_1226 : vector<16xi32>
      %add3A_1228 = arith.addi %add3A_1153, %add3A_1227 : vector<16xi32>
      %sub3A_1229 = arith.subi %add3A_1228, %broadcast_in_dim3A_5 : vector<16xi32>
      %get3A_1230 = arith.index_cast %add3A_1155 : i32 to index
      %get3A_1231 = tpu.vector_load %arg11[%get3A_1230] {strides = array<i32>} : memref<1024xf32, #tpu.memory_space<vmem>>, vector<16xf32>,
      tpu.vector_store_idx %arg14[%sub3A_1229], %get3A_1231 masked %le3A_1158 : memref<512xf32, #tpu.memory_space<vmem>>[vector<16xi32>], vector<16xf32>, vector<16xi1>
      %get3A_1232 = arith.index_cast %add3A_1155 : i32 to index
      %get3A_1233 = tpu.vector_load %arg12[%get3A_1232] {strides = array<i32>} : memref<1024xf32, #tpu.memory_space<vmem>>, vector<16xf32>,
      tpu.vector_store_idx %arg15[%sub3A_1229], %get3A_1233 masked %le3A_1158 : memref<512xf32, #tpu.memory_space<vmem>>[vector<16xi32>], vector<16xf32>, vector<16xi1>
      %get3A_1234 = arith.index_cast %add3A_1155 : i32 to index
      %get3A_1235 = tpu.vector_load %arg13[%get3A_1234] {strides = array<i32>} : memref<1024xf32, #tpu.memory_space<vmem>>, vector<16xf32>,
      tpu.vector_store_idx %arg16[%sub3A_1229], %get3A_1235 masked %le3A_1158 : memref<512xf32, #tpu.memory_space<vmem>>[vector<16xi32>], vector<16xf32>, vector<16xi1>
      %lt3A_1236 = arith.constant 0 : i32
      %lt3A_1237 = vector.broadcast %lt3A_1236 : i32 to vector<16xi32>
      %lt3A_1238 = arith.cmpi slt, %broadcast_in_dim3A_9, %lt3A_1237 : vector<16xi32>
      %add3A_1239 = arith.constant 16 : i32
      %add3A_1240 = vector.broadcast %add3A_1239 : i32 to vector<16xi32>
      %add3A_1241 = arith.addi %broadcast_in_dim3A_9, %add3A_1240 : vector<16xi32>
      %select_n3A_1242 = arith.select %lt3A_1238, %add3A_1241, %broadcast_in_dim3A_9 : vector<16xi1>, vector<16xi32>
      %broadcast_in_dim3A_1243 = vector.shape_cast %select_n3A_1242 : vector<16xi32> to vector<16x1xi32>
      %gather3A_1244 = vector.shape_cast %broadcast_in_dim3A_1243 : vector<16x1xi32> to vector<16xi32>
      %gather3A_1245 = tpu.dynamic_gather %add3A_1227[%gather3A_1244] in [0] : vector<16xi32>, vector<16xi32> -> vector<16xi32>
      %add3A_1246 = arith.addi %add3A_1153, %gather3A_1245 : vector<16xi32>
      %add3A_1247 = arith.constant 176 : i32
      %add3A_1248 = arith.addi %mul3A_36, %add3A_1247 : i32
      %get3A_1249 = arith.constant 176 : index
      %get3A_1250 = tpu.vector_load %arg10[%get3A_1249] {strides = array<i32>} : memref<512xf32, #tpu.memory_space<vmem>>, vector<16xf32>,
      %le3A_1251 = arith.cmpf ole, %get3A_1250, %broadcast_in_dim3A_1 : vector<16xf32>
      %select_n3A_1252 = arith.select %le3A_1251, %broadcast_in_dim3A_5, %broadcast_in_dim3A_7 : vector<16xi1>, vector<16xi32>
      %broadcast_in_dim3A_1253 = arith.constant 1 : i32
      %broadcast_in_dim3A_1254 = vector.broadcast %broadcast_in_dim3A_1253 : i32 to vector<16xi32>
      %sub3A_1255 = arith.subi %iota3A, %broadcast_in_dim3A_1254 : vector<16xi32>
      %max3A_1256 = arith.maxsi %sub3A_1255, %broadcast_in_dim3A_7 : vector<16xi32>
      %lt3A_1257 = arith.constant 0 : i32
      %lt3A_1258 = vector.broadcast %lt3A_1257 : i32 to vector<16xi32>
      %lt3A_1259 = arith.cmpi slt, %max3A_1256, %lt3A_1258 : vector<16xi32>
      %add3A_1260 = arith.constant 16 : i32
      %add3A_1261 = vector.broadcast %add3A_1260 : i32 to vector<16xi32>
      %add3A_1262 = arith.addi %max3A_1256, %add3A_1261 : vector<16xi32>
      %select_n3A_1263 = arith.select %lt3A_1259, %add3A_1262, %max3A_1256 : vector<16xi1>, vector<16xi32>
      %broadcast_in_dim3A_1264 = vector.shape_cast %select_n3A_1263 : vector<16xi32> to vector<16x1xi32>
      %gather3A_1265 = vector.shape_cast %broadcast_in_dim3A_1264 : vector<16x1xi32> to vector<16xi32>
      %gather3A_1266 = tpu.dynamic_gather %select_n3A_1252[%gather3A_1265] in [0] : vector<16xi32>, vector<16xi32> -> vector<16xi32>
      %ge3A_1267 = arith.cmpi sge, %iota3A, %broadcast_in_dim3A_1254 : vector<16xi32>
      %select_n3A_1268 = arith.select %ge3A_1267, %gather3A_1266, %broadcast_in_dim3A_7 : vector<16xi1>, vector<16xi32>
      %add3A_1269 = arith.addi %select_n3A_1252, %select_n3A_1268 : vector<16xi32>
      %broadcast_in_dim3A_1270 = arith.constant 2 : i32
      %broadcast_in_dim3A_1271 = vector.broadcast %broadcast_in_dim3A_1270 : i32 to vector<16xi32>
      %sub3A_1272 = arith.subi %iota3A, %broadcast_in_dim3A_1271 : vector<16xi32>
      %max3A_1273 = arith.maxsi %sub3A_1272, %broadcast_in_dim3A_7 : vector<16xi32>
      %lt3A_1274 = arith.constant 0 : i32
      %lt3A_1275 = vector.broadcast %lt3A_1274 : i32 to vector<16xi32>
      %lt3A_1276 = arith.cmpi slt, %max3A_1273, %lt3A_1275 : vector<16xi32>
      %add3A_1277 = arith.constant 16 : i32
      %add3A_1278 = vector.broadcast %add3A_1277 : i32 to vector<16xi32>
      %add3A_1279 = arith.addi %max3A_1273, %add3A_1278 : vector<16xi32>
      %select_n3A_1280 = arith.select %lt3A_1276, %add3A_1279, %max3A_1273 : vector<16xi1>, vector<16xi32>
      %broadcast_in_dim3A_1281 = vector.shape_cast %select_n3A_1280 : vector<16xi32> to vector<16x1xi32>
      %gather3A_1282 = vector.shape_cast %broadcast_in_dim3A_1281 : vector<16x1xi32> to vector<16xi32>
      %gather3A_1283 = tpu.dynamic_gather %add3A_1269[%gather3A_1282] in [0] : vector<16xi32>, vector<16xi32> -> vector<16xi32>
      %ge3A_1284 = arith.cmpi sge, %iota3A, %broadcast_in_dim3A_1271 : vector<16xi32>
      %select_n3A_1285 = arith.select %ge3A_1284, %gather3A_1283, %broadcast_in_dim3A_7 : vector<16xi1>, vector<16xi32>
      %add3A_1286 = arith.addi %add3A_1269, %select_n3A_1285 : vector<16xi32>
      %broadcast_in_dim3A_1287 = arith.constant 4 : i32
      %broadcast_in_dim3A_1288 = vector.broadcast %broadcast_in_dim3A_1287 : i32 to vector<16xi32>
      %sub3A_1289 = arith.subi %iota3A, %broadcast_in_dim3A_1288 : vector<16xi32>
      %max3A_1290 = arith.maxsi %sub3A_1289, %broadcast_in_dim3A_7 : vector<16xi32>
      %lt3A_1291 = arith.constant 0 : i32
      %lt3A_1292 = vector.broadcast %lt3A_1291 : i32 to vector<16xi32>
      %lt3A_1293 = arith.cmpi slt, %max3A_1290, %lt3A_1292 : vector<16xi32>
      %add3A_1294 = arith.constant 16 : i32
      %add3A_1295 = vector.broadcast %add3A_1294 : i32 to vector<16xi32>
      %add3A_1296 = arith.addi %max3A_1290, %add3A_1295 : vector<16xi32>
      %select_n3A_1297 = arith.select %lt3A_1293, %add3A_1296, %max3A_1290 : vector<16xi1>, vector<16xi32>
      %broadcast_in_dim3A_1298 = vector.shape_cast %select_n3A_1297 : vector<16xi32> to vector<16x1xi32>
      %gather3A_1299 = vector.shape_cast %broadcast_in_dim3A_1298 : vector<16x1xi32> to vector<16xi32>
      %gather3A_1300 = tpu.dynamic_gather %add3A_1286[%gather3A_1299] in [0] : vector<16xi32>, vector<16xi32> -> vector<16xi32>
      %ge3A_1301 = arith.cmpi sge, %iota3A, %broadcast_in_dim3A_1288 : vector<16xi32>
      %select_n3A_1302 = arith.select %ge3A_1301, %gather3A_1300, %broadcast_in_dim3A_7 : vector<16xi1>, vector<16xi32>
      %add3A_1303 = arith.addi %add3A_1286, %select_n3A_1302 : vector<16xi32>
      %broadcast_in_dim3A_1304 = arith.constant 8 : i32
      %broadcast_in_dim3A_1305 = vector.broadcast %broadcast_in_dim3A_1304 : i32 to vector<16xi32>
      %sub3A_1306 = arith.subi %iota3A, %broadcast_in_dim3A_1305 : vector<16xi32>
      %max3A_1307 = arith.maxsi %sub3A_1306, %broadcast_in_dim3A_7 : vector<16xi32>
      %lt3A_1308 = arith.constant 0 : i32
      %lt3A_1309 = vector.broadcast %lt3A_1308 : i32 to vector<16xi32>
      %lt3A_1310 = arith.cmpi slt, %max3A_1307, %lt3A_1309 : vector<16xi32>
      %add3A_1311 = arith.constant 16 : i32
      %add3A_1312 = vector.broadcast %add3A_1311 : i32 to vector<16xi32>
      %add3A_1313 = arith.addi %max3A_1307, %add3A_1312 : vector<16xi32>
      %select_n3A_1314 = arith.select %lt3A_1310, %add3A_1313, %max3A_1307 : vector<16xi1>, vector<16xi32>
      %broadcast_in_dim3A_1315 = vector.shape_cast %select_n3A_1314 : vector<16xi32> to vector<16x1xi32>
      %gather3A_1316 = vector.shape_cast %broadcast_in_dim3A_1315 : vector<16x1xi32> to vector<16xi32>
      %gather3A_1317 = tpu.dynamic_gather %add3A_1303[%gather3A_1316] in [0] : vector<16xi32>, vector<16xi32> -> vector<16xi32>
      %ge3A_1318 = arith.cmpi sge, %iota3A, %broadcast_in_dim3A_1305 : vector<16xi32>
      %select_n3A_1319 = arith.select %ge3A_1318, %gather3A_1317, %broadcast_in_dim3A_7 : vector<16xi1>, vector<16xi32>
      %add3A_1320 = arith.addi %add3A_1303, %select_n3A_1319 : vector<16xi32>
      %add3A_1321 = arith.addi %add3A_1246, %add3A_1320 : vector<16xi32>
      %sub3A_1322 = arith.subi %add3A_1321, %broadcast_in_dim3A_5 : vector<16xi32>
      %get3A_1323 = arith.index_cast %add3A_1248 : i32 to index
      %get3A_1324 = tpu.vector_load %arg11[%get3A_1323] {strides = array<i32>} : memref<1024xf32, #tpu.memory_space<vmem>>, vector<16xf32>,
      tpu.vector_store_idx %arg14[%sub3A_1322], %get3A_1324 masked %le3A_1251 : memref<512xf32, #tpu.memory_space<vmem>>[vector<16xi32>], vector<16xf32>, vector<16xi1>
      %get3A_1325 = arith.index_cast %add3A_1248 : i32 to index
      %get3A_1326 = tpu.vector_load %arg12[%get3A_1325] {strides = array<i32>} : memref<1024xf32, #tpu.memory_space<vmem>>, vector<16xf32>,
      tpu.vector_store_idx %arg15[%sub3A_1322], %get3A_1326 masked %le3A_1251 : memref<512xf32, #tpu.memory_space<vmem>>[vector<16xi32>], vector<16xf32>, vector<16xi1>
      %get3A_1327 = arith.index_cast %add3A_1248 : i32 to index
      %get3A_1328 = tpu.vector_load %arg13[%get3A_1327] {strides = array<i32>} : memref<1024xf32, #tpu.memory_space<vmem>>, vector<16xf32>,
      tpu.vector_store_idx %arg16[%sub3A_1322], %get3A_1328 masked %le3A_1251 : memref<512xf32, #tpu.memory_space<vmem>>[vector<16xi32>], vector<16xf32>, vector<16xi1>
      %lt3A_1329 = arith.constant 0 : i32
      %lt3A_1330 = vector.broadcast %lt3A_1329 : i32 to vector<16xi32>
      %lt3A_1331 = arith.cmpi slt, %broadcast_in_dim3A_9, %lt3A_1330 : vector<16xi32>
      %add3A_1332 = arith.constant 16 : i32
      %add3A_1333 = vector.broadcast %add3A_1332 : i32 to vector<16xi32>
      %add3A_1334 = arith.addi %broadcast_in_dim3A_9, %add3A_1333 : vector<16xi32>
      %select_n3A_1335 = arith.select %lt3A_1331, %add3A_1334, %broadcast_in_dim3A_9 : vector<16xi1>, vector<16xi32>
      %broadcast_in_dim3A_1336 = vector.shape_cast %select_n3A_1335 : vector<16xi32> to vector<16x1xi32>
      %gather3A_1337 = vector.shape_cast %broadcast_in_dim3A_1336 : vector<16x1xi32> to vector<16xi32>
      %gather3A_1338 = tpu.dynamic_gather %add3A_1320[%gather3A_1337] in [0] : vector<16xi32>, vector<16xi32> -> vector<16xi32>
      %add3A_1339 = arith.addi %add3A_1246, %gather3A_1338 : vector<16xi32>
      %add3A_1340 = arith.constant 192 : i32
      %add3A_1341 = arith.addi %mul3A_36, %add3A_1340 : i32
      %get3A_1342 = arith.constant 192 : index
      %get3A_1343 = tpu.vector_load %arg10[%get3A_1342] {strides = array<i32>} : memref<512xf32, #tpu.memory_space<vmem>>, vector<16xf32>,
      %le3A_1344 = arith.cmpf ole, %get3A_1343, %broadcast_in_dim3A_1 : vector<16xf32>
      %select_n3A_1345 = arith.select %le3A_1344, %broadcast_in_dim3A_5, %broadcast_in_dim3A_7 : vector<16xi1>, vector<16xi32>
      %broadcast_in_dim3A_1346 = arith.constant 1 : i32
      %broadcast_in_dim3A_1347 = vector.broadcast %broadcast_in_dim3A_1346 : i32 to vector<16xi32>
      %sub3A_1348 = arith.subi %iota3A, %broadcast_in_dim3A_1347 : vector<16xi32>
      %max3A_1349 = arith.maxsi %sub3A_1348, %broadcast_in_dim3A_7 : vector<16xi32>
      %lt3A_1350 = arith.constant 0 : i32
      %lt3A_1351 = vector.broadcast %lt3A_1350 : i32 to vector<16xi32>
      %lt3A_1352 = arith.cmpi slt, %max3A_1349, %lt3A_1351 : vector<16xi32>
      %add3A_1353 = arith.constant 16 : i32
      %add3A_1354 = vector.broadcast %add3A_1353 : i32 to vector<16xi32>
      %add3A_1355 = arith.addi %max3A_1349, %add3A_1354 : vector<16xi32>
      %select_n3A_1356 = arith.select %lt3A_1352, %add3A_1355, %max3A_1349 : vector<16xi1>, vector<16xi32>
      %broadcast_in_dim3A_1357 = vector.shape_cast %select_n3A_1356 : vector<16xi32> to vector<16x1xi32>
      %gather3A_1358 = vector.shape_cast %broadcast_in_dim3A_1357 : vector<16x1xi32> to vector<16xi32>
      %gather3A_1359 = tpu.dynamic_gather %select_n3A_1345[%gather3A_1358] in [0] : vector<16xi32>, vector<16xi32> -> vector<16xi32>
      %ge3A_1360 = arith.cmpi sge, %iota3A, %broadcast_in_dim3A_1347 : vector<16xi32>
      %select_n3A_1361 = arith.select %ge3A_1360, %gather3A_1359, %broadcast_in_dim3A_7 : vector<16xi1>, vector<16xi32>
      %add3A_1362 = arith.addi %select_n3A_1345, %select_n3A_1361 : vector<16xi32>
      %broadcast_in_dim3A_1363 = arith.constant 2 : i32
      %broadcast_in_dim3A_1364 = vector.broadcast %broadcast_in_dim3A_1363 : i32 to vector<16xi32>
      %sub3A_1365 = arith.subi %iota3A, %broadcast_in_dim3A_1364 : vector<16xi32>
      %max3A_1366 = arith.maxsi %sub3A_1365, %broadcast_in_dim3A_7 : vector<16xi32>
      %lt3A_1367 = arith.constant 0 : i32
      %lt3A_1368 = vector.broadcast %lt3A_1367 : i32 to vector<16xi32>
      %lt3A_1369 = arith.cmpi slt, %max3A_1366, %lt3A_1368 : vector<16xi32>
      %add3A_1370 = arith.constant 16 : i32
      %add3A_1371 = vector.broadcast %add3A_1370 : i32 to vector<16xi32>
      %add3A_1372 = arith.addi %max3A_1366, %add3A_1371 : vector<16xi32>
      %select_n3A_1373 = arith.select %lt3A_1369, %add3A_1372, %max3A_1366 : vector<16xi1>, vector<16xi32>
      %broadcast_in_dim3A_1374 = vector.shape_cast %select_n3A_1373 : vector<16xi32> to vector<16x1xi32>
      %gather3A_1375 = vector.shape_cast %broadcast_in_dim3A_1374 : vector<16x1xi32> to vector<16xi32>
      %gather3A_1376 = tpu.dynamic_gather %add3A_1362[%gather3A_1375] in [0] : vector<16xi32>, vector<16xi32> -> vector<16xi32>
      %ge3A_1377 = arith.cmpi sge, %iota3A, %broadcast_in_dim3A_1364 : vector<16xi32>
      %select_n3A_1378 = arith.select %ge3A_1377, %gather3A_1376, %broadcast_in_dim3A_7 : vector<16xi1>, vector<16xi32>
      %add3A_1379 = arith.addi %add3A_1362, %select_n3A_1378 : vector<16xi32>
      %broadcast_in_dim3A_1380 = arith.constant 4 : i32
      %broadcast_in_dim3A_1381 = vector.broadcast %broadcast_in_dim3A_1380 : i32 to vector<16xi32>
      %sub3A_1382 = arith.subi %iota3A, %broadcast_in_dim3A_1381 : vector<16xi32>
      %max3A_1383 = arith.maxsi %sub3A_1382, %broadcast_in_dim3A_7 : vector<16xi32>
      %lt3A_1384 = arith.constant 0 : i32
      %lt3A_1385 = vector.broadcast %lt3A_1384 : i32 to vector<16xi32>
      %lt3A_1386 = arith.cmpi slt, %max3A_1383, %lt3A_1385 : vector<16xi32>
      %add3A_1387 = arith.constant 16 : i32
      %add3A_1388 = vector.broadcast %add3A_1387 : i32 to vector<16xi32>
      %add3A_1389 = arith.addi %max3A_1383, %add3A_1388 : vector<16xi32>
      %select_n3A_1390 = arith.select %lt3A_1386, %add3A_1389, %max3A_1383 : vector<16xi1>, vector<16xi32>
      %broadcast_in_dim3A_1391 = vector.shape_cast %select_n3A_1390 : vector<16xi32> to vector<16x1xi32>
      %gather3A_1392 = vector.shape_cast %broadcast_in_dim3A_1391 : vector<16x1xi32> to vector<16xi32>
      %gather3A_1393 = tpu.dynamic_gather %add3A_1379[%gather3A_1392] in [0] : vector<16xi32>, vector<16xi32> -> vector<16xi32>
      %ge3A_1394 = arith.cmpi sge, %iota3A, %broadcast_in_dim3A_1381 : vector<16xi32>
      %select_n3A_1395 = arith.select %ge3A_1394, %gather3A_1393, %broadcast_in_dim3A_7 : vector<16xi1>, vector<16xi32>
      %add3A_1396 = arith.addi %add3A_1379, %select_n3A_1395 : vector<16xi32>
      %broadcast_in_dim3A_1397 = arith.constant 8 : i32
      %broadcast_in_dim3A_1398 = vector.broadcast %broadcast_in_dim3A_1397 : i32 to vector<16xi32>
      %sub3A_1399 = arith.subi %iota3A, %broadcast_in_dim3A_1398 : vector<16xi32>
      %max3A_1400 = arith.maxsi %sub3A_1399, %broadcast_in_dim3A_7 : vector<16xi32>
      %lt3A_1401 = arith.constant 0 : i32
      %lt3A_1402 = vector.broadcast %lt3A_1401 : i32 to vector<16xi32>
      %lt3A_1403 = arith.cmpi slt, %max3A_1400, %lt3A_1402 : vector<16xi32>
      %add3A_1404 = arith.constant 16 : i32
      %add3A_1405 = vector.broadcast %add3A_1404 : i32 to vector<16xi32>
      %add3A_1406 = arith.addi %max3A_1400, %add3A_1405 : vector<16xi32>
      %select_n3A_1407 = arith.select %lt3A_1403, %add3A_1406, %max3A_1400 : vector<16xi1>, vector<16xi32>
      %broadcast_in_dim3A_1408 = vector.shape_cast %select_n3A_1407 : vector<16xi32> to vector<16x1xi32>
      %gather3A_1409 = vector.shape_cast %broadcast_in_dim3A_1408 : vector<16x1xi32> to vector<16xi32>
      %gather3A_1410 = tpu.dynamic_gather %add3A_1396[%gather3A_1409] in [0] : vector<16xi32>, vector<16xi32> -> vector<16xi32>
      %ge3A_1411 = arith.cmpi sge, %iota3A, %broadcast_in_dim3A_1398 : vector<16xi32>
      %select_n3A_1412 = arith.select %ge3A_1411, %gather3A_1410, %broadcast_in_dim3A_7 : vector<16xi1>, vector<16xi32>
      %add3A_1413 = arith.addi %add3A_1396, %select_n3A_1412 : vector<16xi32>
      %add3A_1414 = arith.addi %add3A_1339, %add3A_1413 : vector<16xi32>
      %sub3A_1415 = arith.subi %add3A_1414, %broadcast_in_dim3A_5 : vector<16xi32>
      %get3A_1416 = arith.index_cast %add3A_1341 : i32 to index
      %get3A_1417 = tpu.vector_load %arg11[%get3A_1416] {strides = array<i32>} : memref<1024xf32, #tpu.memory_space<vmem>>, vector<16xf32>,
      tpu.vector_store_idx %arg14[%sub3A_1415], %get3A_1417 masked %le3A_1344 : memref<512xf32, #tpu.memory_space<vmem>>[vector<16xi32>], vector<16xf32>, vector<16xi1>
      %get3A_1418 = arith.index_cast %add3A_1341 : i32 to index
      %get3A_1419 = tpu.vector_load %arg12[%get3A_1418] {strides = array<i32>} : memref<1024xf32, #tpu.memory_space<vmem>>, vector<16xf32>,
      tpu.vector_store_idx %arg15[%sub3A_1415], %get3A_1419 masked %le3A_1344 : memref<512xf32, #tpu.memory_space<vmem>>[vector<16xi32>], vector<16xf32>, vector<16xi1>
      %get3A_1420 = arith.index_cast %add3A_1341 : i32 to index
      %get3A_1421 = tpu.vector_load %arg13[%get3A_1420] {strides = array<i32>} : memref<1024xf32, #tpu.memory_space<vmem>>, vector<16xf32>,
      tpu.vector_store_idx %arg16[%sub3A_1415], %get3A_1421 masked %le3A_1344 : memref<512xf32, #tpu.memory_space<vmem>>[vector<16xi32>], vector<16xf32>, vector<16xi1>
      %lt3A_1422 = arith.constant 0 : i32
      %lt3A_1423 = vector.broadcast %lt3A_1422 : i32 to vector<16xi32>
      %lt3A_1424 = arith.cmpi slt, %broadcast_in_dim3A_9, %lt3A_1423 : vector<16xi32>
      %add3A_1425 = arith.constant 16 : i32
      %add3A_1426 = vector.broadcast %add3A_1425 : i32 to vector<16xi32>
      %add3A_1427 = arith.addi %broadcast_in_dim3A_9, %add3A_1426 : vector<16xi32>
      %select_n3A_1428 = arith.select %lt3A_1424, %add3A_1427, %broadcast_in_dim3A_9 : vector<16xi1>, vector<16xi32>
      %broadcast_in_dim3A_1429 = vector.shape_cast %select_n3A_1428 : vector<16xi32> to vector<16x1xi32>
      %gather3A_1430 = vector.shape_cast %broadcast_in_dim3A_1429 : vector<16x1xi32> to vector<16xi32>
      %gather3A_1431 = tpu.dynamic_gather %add3A_1413[%gather3A_1430] in [0] : vector<16xi32>, vector<16xi32> -> vector<16xi32>
      %add3A_1432 = arith.addi %add3A_1339, %gather3A_1431 : vector<16xi32>
      %add3A_1433 = arith.constant 208 : i32
      %add3A_1434 = arith.addi %mul3A_36, %add3A_1433 : i32
      %get3A_1435 = arith.constant 208 : index
      %get3A_1436 = tpu.vector_load %arg10[%get3A_1435] {strides = array<i32>} : memref<512xf32, #tpu.memory_space<vmem>>, vector<16xf32>,
      %le3A_1437 = arith.cmpf ole, %get3A_1436, %broadcast_in_dim3A_1 : vector<16xf32>
      %select_n3A_1438 = arith.select %le3A_1437, %broadcast_in_dim3A_5, %broadcast_in_dim3A_7 : vector<16xi1>, vector<16xi32>
      %broadcast_in_dim3A_1439 = arith.constant 1 : i32
      %broadcast_in_dim3A_1440 = vector.broadcast %broadcast_in_dim3A_1439 : i32 to vector<16xi32>
      %sub3A_1441 = arith.subi %iota3A, %broadcast_in_dim3A_1440 : vector<16xi32>
      %max3A_1442 = arith.maxsi %sub3A_1441, %broadcast_in_dim3A_7 : vector<16xi32>
      %lt3A_1443 = arith.constant 0 : i32
      %lt3A_1444 = vector.broadcast %lt3A_1443 : i32 to vector<16xi32>
      %lt3A_1445 = arith.cmpi slt, %max3A_1442, %lt3A_1444 : vector<16xi32>
      %add3A_1446 = arith.constant 16 : i32
      %add3A_1447 = vector.broadcast %add3A_1446 : i32 to vector<16xi32>
      %add3A_1448 = arith.addi %max3A_1442, %add3A_1447 : vector<16xi32>
      %select_n3A_1449 = arith.select %lt3A_1445, %add3A_1448, %max3A_1442 : vector<16xi1>, vector<16xi32>
      %broadcast_in_dim3A_1450 = vector.shape_cast %select_n3A_1449 : vector<16xi32> to vector<16x1xi32>
      %gather3A_1451 = vector.shape_cast %broadcast_in_dim3A_1450 : vector<16x1xi32> to vector<16xi32>
      %gather3A_1452 = tpu.dynamic_gather %select_n3A_1438[%gather3A_1451] in [0] : vector<16xi32>, vector<16xi32> -> vector<16xi32>
      %ge3A_1453 = arith.cmpi sge, %iota3A, %broadcast_in_dim3A_1440 : vector<16xi32>
      %select_n3A_1454 = arith.select %ge3A_1453, %gather3A_1452, %broadcast_in_dim3A_7 : vector<16xi1>, vector<16xi32>
      %add3A_1455 = arith.addi %select_n3A_1438, %select_n3A_1454 : vector<16xi32>
      %broadcast_in_dim3A_1456 = arith.constant 2 : i32
      %broadcast_in_dim3A_1457 = vector.broadcast %broadcast_in_dim3A_1456 : i32 to vector<16xi32>
      %sub3A_1458 = arith.subi %iota3A, %broadcast_in_dim3A_1457 : vector<16xi32>
      %max3A_1459 = arith.maxsi %sub3A_1458, %broadcast_in_dim3A_7 : vector<16xi32>
      %lt3A_1460 = arith.constant 0 : i32
      %lt3A_1461 = vector.broadcast %lt3A_1460 : i32 to vector<16xi32>
      %lt3A_1462 = arith.cmpi slt, %max3A_1459, %lt3A_1461 : vector<16xi32>
      %add3A_1463 = arith.constant 16 : i32
      %add3A_1464 = vector.broadcast %add3A_1463 : i32 to vector<16xi32>
      %add3A_1465 = arith.addi %max3A_1459, %add3A_1464 : vector<16xi32>
      %select_n3A_1466 = arith.select %lt3A_1462, %add3A_1465, %max3A_1459 : vector<16xi1>, vector<16xi32>
      %broadcast_in_dim3A_1467 = vector.shape_cast %select_n3A_1466 : vector<16xi32> to vector<16x1xi32>
      %gather3A_1468 = vector.shape_cast %broadcast_in_dim3A_1467 : vector<16x1xi32> to vector<16xi32>
      %gather3A_1469 = tpu.dynamic_gather %add3A_1455[%gather3A_1468] in [0] : vector<16xi32>, vector<16xi32> -> vector<16xi32>
      %ge3A_1470 = arith.cmpi sge, %iota3A, %broadcast_in_dim3A_1457 : vector<16xi32>
      %select_n3A_1471 = arith.select %ge3A_1470, %gather3A_1469, %broadcast_in_dim3A_7 : vector<16xi1>, vector<16xi32>
      %add3A_1472 = arith.addi %add3A_1455, %select_n3A_1471 : vector<16xi32>
      %broadcast_in_dim3A_1473 = arith.constant 4 : i32
      %broadcast_in_dim3A_1474 = vector.broadcast %broadcast_in_dim3A_1473 : i32 to vector<16xi32>
      %sub3A_1475 = arith.subi %iota3A, %broadcast_in_dim3A_1474 : vector<16xi32>
      %max3A_1476 = arith.maxsi %sub3A_1475, %broadcast_in_dim3A_7 : vector<16xi32>
      %lt3A_1477 = arith.constant 0 : i32
      %lt3A_1478 = vector.broadcast %lt3A_1477 : i32 to vector<16xi32>
      %lt3A_1479 = arith.cmpi slt, %max3A_1476, %lt3A_1478 : vector<16xi32>
      %add3A_1480 = arith.constant 16 : i32
      %add3A_1481 = vector.broadcast %add3A_1480 : i32 to vector<16xi32>
      %add3A_1482 = arith.addi %max3A_1476, %add3A_1481 : vector<16xi32>
      %select_n3A_1483 = arith.select %lt3A_1479, %add3A_1482, %max3A_1476 : vector<16xi1>, vector<16xi32>
      %broadcast_in_dim3A_1484 = vector.shape_cast %select_n3A_1483 : vector<16xi32> to vector<16x1xi32>
      %gather3A_1485 = vector.shape_cast %broadcast_in_dim3A_1484 : vector<16x1xi32> to vector<16xi32>
      %gather3A_1486 = tpu.dynamic_gather %add3A_1472[%gather3A_1485] in [0] : vector<16xi32>, vector<16xi32> -> vector<16xi32>
      %ge3A_1487 = arith.cmpi sge, %iota3A, %broadcast_in_dim3A_1474 : vector<16xi32>
      %select_n3A_1488 = arith.select %ge3A_1487, %gather3A_1486, %broadcast_in_dim3A_7 : vector<16xi1>, vector<16xi32>
      %add3A_1489 = arith.addi %add3A_1472, %select_n3A_1488 : vector<16xi32>
      %broadcast_in_dim3A_1490 = arith.constant 8 : i32
      %broadcast_in_dim3A_1491 = vector.broadcast %broadcast_in_dim3A_1490 : i32 to vector<16xi32>
      %sub3A_1492 = arith.subi %iota3A, %broadcast_in_dim3A_1491 : vector<16xi32>
      %max3A_1493 = arith.maxsi %sub3A_1492, %broadcast_in_dim3A_7 : vector<16xi32>
      %lt3A_1494 = arith.constant 0 : i32
      %lt3A_1495 = vector.broadcast %lt3A_1494 : i32 to vector<16xi32>
      %lt3A_1496 = arith.cmpi slt, %max3A_1493, %lt3A_1495 : vector<16xi32>
      %add3A_1497 = arith.constant 16 : i32
      %add3A_1498 = vector.broadcast %add3A_1497 : i32 to vector<16xi32>
      %add3A_1499 = arith.addi %max3A_1493, %add3A_1498 : vector<16xi32>
      %select_n3A_1500 = arith.select %lt3A_1496, %add3A_1499, %max3A_1493 : vector<16xi1>, vector<16xi32>
      %broadcast_in_dim3A_1501 = vector.shape_cast %select_n3A_1500 : vector<16xi32> to vector<16x1xi32>
      %gather3A_1502 = vector.shape_cast %broadcast_in_dim3A_1501 : vector<16x1xi32> to vector<16xi32>
      %gather3A_1503 = tpu.dynamic_gather %add3A_1489[%gather3A_1502] in [0] : vector<16xi32>, vector<16xi32> -> vector<16xi32>
      %ge3A_1504 = arith.cmpi sge, %iota3A, %broadcast_in_dim3A_1491 : vector<16xi32>
      %select_n3A_1505 = arith.select %ge3A_1504, %gather3A_1503, %broadcast_in_dim3A_7 : vector<16xi1>, vector<16xi32>
      %add3A_1506 = arith.addi %add3A_1489, %select_n3A_1505 : vector<16xi32>
      %add3A_1507 = arith.addi %add3A_1432, %add3A_1506 : vector<16xi32>
      %sub3A_1508 = arith.subi %add3A_1507, %broadcast_in_dim3A_5 : vector<16xi32>
      %get3A_1509 = arith.index_cast %add3A_1434 : i32 to index
      %get3A_1510 = tpu.vector_load %arg11[%get3A_1509] {strides = array<i32>} : memref<1024xf32, #tpu.memory_space<vmem>>, vector<16xf32>,
      tpu.vector_store_idx %arg14[%sub3A_1508], %get3A_1510 masked %le3A_1437 : memref<512xf32, #tpu.memory_space<vmem>>[vector<16xi32>], vector<16xf32>, vector<16xi1>
      %get3A_1511 = arith.index_cast %add3A_1434 : i32 to index
      %get3A_1512 = tpu.vector_load %arg12[%get3A_1511] {strides = array<i32>} : memref<1024xf32, #tpu.memory_space<vmem>>, vector<16xf32>,
      tpu.vector_store_idx %arg15[%sub3A_1508], %get3A_1512 masked %le3A_1437 : memref<512xf32, #tpu.memory_space<vmem>>[vector<16xi32>], vector<16xf32>, vector<16xi1>
      %get3A_1513 = arith.index_cast %add3A_1434 : i32 to index
      %get3A_1514 = tpu.vector_load %arg13[%get3A_1513] {strides = array<i32>} : memref<1024xf32, #tpu.memory_space<vmem>>, vector<16xf32>,
      tpu.vector_store_idx %arg16[%sub3A_1508], %get3A_1514 masked %le3A_1437 : memref<512xf32, #tpu.memory_space<vmem>>[vector<16xi32>], vector<16xf32>, vector<16xi1>
      %lt3A_1515 = arith.constant 0 : i32
      %lt3A_1516 = vector.broadcast %lt3A_1515 : i32 to vector<16xi32>
      %lt3A_1517 = arith.cmpi slt, %broadcast_in_dim3A_9, %lt3A_1516 : vector<16xi32>
      %add3A_1518 = arith.constant 16 : i32
      %add3A_1519 = vector.broadcast %add3A_1518 : i32 to vector<16xi32>
      %add3A_1520 = arith.addi %broadcast_in_dim3A_9, %add3A_1519 : vector<16xi32>
      %select_n3A_1521 = arith.select %lt3A_1517, %add3A_1520, %broadcast_in_dim3A_9 : vector<16xi1>, vector<16xi32>
      %broadcast_in_dim3A_1522 = vector.shape_cast %select_n3A_1521 : vector<16xi32> to vector<16x1xi32>
      %gather3A_1523 = vector.shape_cast %broadcast_in_dim3A_1522 : vector<16x1xi32> to vector<16xi32>
      %gather3A_1524 = tpu.dynamic_gather %add3A_1506[%gather3A_1523] in [0] : vector<16xi32>, vector<16xi32> -> vector<16xi32>
      %add3A_1525 = arith.addi %add3A_1432, %gather3A_1524 : vector<16xi32>
      %add3A_1526 = arith.constant 224 : i32
      %add3A_1527 = arith.addi %mul3A_36, %add3A_1526 : i32
      %get3A_1528 = arith.constant 224 : index
      %get3A_1529 = tpu.vector_load %arg10[%get3A_1528] {strides = array<i32>} : memref<512xf32, #tpu.memory_space<vmem>>, vector<16xf32>,
      %le3A_1530 = arith.cmpf ole, %get3A_1529, %broadcast_in_dim3A_1 : vector<16xf32>
      %select_n3A_1531 = arith.select %le3A_1530, %broadcast_in_dim3A_5, %broadcast_in_dim3A_7 : vector<16xi1>, vector<16xi32>
      %broadcast_in_dim3A_1532 = arith.constant 1 : i32
      %broadcast_in_dim3A_1533 = vector.broadcast %broadcast_in_dim3A_1532 : i32 to vector<16xi32>
      %sub3A_1534 = arith.subi %iota3A, %broadcast_in_dim3A_1533 : vector<16xi32>
      %max3A_1535 = arith.maxsi %sub3A_1534, %broadcast_in_dim3A_7 : vector<16xi32>
      %lt3A_1536 = arith.constant 0 : i32
      %lt3A_1537 = vector.broadcast %lt3A_1536 : i32 to vector<16xi32>
      %lt3A_1538 = arith.cmpi slt, %max3A_1535, %lt3A_1537 : vector<16xi32>
      %add3A_1539 = arith.constant 16 : i32
      %add3A_1540 = vector.broadcast %add3A_1539 : i32 to vector<16xi32>
      %add3A_1541 = arith.addi %max3A_1535, %add3A_1540 : vector<16xi32>
      %select_n3A_1542 = arith.select %lt3A_1538, %add3A_1541, %max3A_1535 : vector<16xi1>, vector<16xi32>
      %broadcast_in_dim3A_1543 = vector.shape_cast %select_n3A_1542 : vector<16xi32> to vector<16x1xi32>
      %gather3A_1544 = vector.shape_cast %broadcast_in_dim3A_1543 : vector<16x1xi32> to vector<16xi32>
      %gather3A_1545 = tpu.dynamic_gather %select_n3A_1531[%gather3A_1544] in [0] : vector<16xi32>, vector<16xi32> -> vector<16xi32>
      %ge3A_1546 = arith.cmpi sge, %iota3A, %broadcast_in_dim3A_1533 : vector<16xi32>
      %select_n3A_1547 = arith.select %ge3A_1546, %gather3A_1545, %broadcast_in_dim3A_7 : vector<16xi1>, vector<16xi32>
      %add3A_1548 = arith.addi %select_n3A_1531, %select_n3A_1547 : vector<16xi32>
      %broadcast_in_dim3A_1549 = arith.constant 2 : i32
      %broadcast_in_dim3A_1550 = vector.broadcast %broadcast_in_dim3A_1549 : i32 to vector<16xi32>
      %sub3A_1551 = arith.subi %iota3A, %broadcast_in_dim3A_1550 : vector<16xi32>
      %max3A_1552 = arith.maxsi %sub3A_1551, %broadcast_in_dim3A_7 : vector<16xi32>
      %lt3A_1553 = arith.constant 0 : i32
      %lt3A_1554 = vector.broadcast %lt3A_1553 : i32 to vector<16xi32>
      %lt3A_1555 = arith.cmpi slt, %max3A_1552, %lt3A_1554 : vector<16xi32>
      %add3A_1556 = arith.constant 16 : i32
      %add3A_1557 = vector.broadcast %add3A_1556 : i32 to vector<16xi32>
      %add3A_1558 = arith.addi %max3A_1552, %add3A_1557 : vector<16xi32>
      %select_n3A_1559 = arith.select %lt3A_1555, %add3A_1558, %max3A_1552 : vector<16xi1>, vector<16xi32>
      %broadcast_in_dim3A_1560 = vector.shape_cast %select_n3A_1559 : vector<16xi32> to vector<16x1xi32>
      %gather3A_1561 = vector.shape_cast %broadcast_in_dim3A_1560 : vector<16x1xi32> to vector<16xi32>
      %gather3A_1562 = tpu.dynamic_gather %add3A_1548[%gather3A_1561] in [0] : vector<16xi32>, vector<16xi32> -> vector<16xi32>
      %ge3A_1563 = arith.cmpi sge, %iota3A, %broadcast_in_dim3A_1550 : vector<16xi32>
      %select_n3A_1564 = arith.select %ge3A_1563, %gather3A_1562, %broadcast_in_dim3A_7 : vector<16xi1>, vector<16xi32>
      %add3A_1565 = arith.addi %add3A_1548, %select_n3A_1564 : vector<16xi32>
      %broadcast_in_dim3A_1566 = arith.constant 4 : i32
      %broadcast_in_dim3A_1567 = vector.broadcast %broadcast_in_dim3A_1566 : i32 to vector<16xi32>
      %sub3A_1568 = arith.subi %iota3A, %broadcast_in_dim3A_1567 : vector<16xi32>
      %max3A_1569 = arith.maxsi %sub3A_1568, %broadcast_in_dim3A_7 : vector<16xi32>
      %lt3A_1570 = arith.constant 0 : i32
      %lt3A_1571 = vector.broadcast %lt3A_1570 : i32 to vector<16xi32>
      %lt3A_1572 = arith.cmpi slt, %max3A_1569, %lt3A_1571 : vector<16xi32>
      %add3A_1573 = arith.constant 16 : i32
      %add3A_1574 = vector.broadcast %add3A_1573 : i32 to vector<16xi32>
      %add3A_1575 = arith.addi %max3A_1569, %add3A_1574 : vector<16xi32>
      %select_n3A_1576 = arith.select %lt3A_1572, %add3A_1575, %max3A_1569 : vector<16xi1>, vector<16xi32>
      %broadcast_in_dim3A_1577 = vector.shape_cast %select_n3A_1576 : vector<16xi32> to vector<16x1xi32>
      %gather3A_1578 = vector.shape_cast %broadcast_in_dim3A_1577 : vector<16x1xi32> to vector<16xi32>
      %gather3A_1579 = tpu.dynamic_gather %add3A_1565[%gather3A_1578] in [0] : vector<16xi32>, vector<16xi32> -> vector<16xi32>
      %ge3A_1580 = arith.cmpi sge, %iota3A, %broadcast_in_dim3A_1567 : vector<16xi32>
      %select_n3A_1581 = arith.select %ge3A_1580, %gather3A_1579, %broadcast_in_dim3A_7 : vector<16xi1>, vector<16xi32>
      %add3A_1582 = arith.addi %add3A_1565, %select_n3A_1581 : vector<16xi32>
      %broadcast_in_dim3A_1583 = arith.constant 8 : i32
      %broadcast_in_dim3A_1584 = vector.broadcast %broadcast_in_dim3A_1583 : i32 to vector<16xi32>
      %sub3A_1585 = arith.subi %iota3A, %broadcast_in_dim3A_1584 : vector<16xi32>
      %max3A_1586 = arith.maxsi %sub3A_1585, %broadcast_in_dim3A_7 : vector<16xi32>
      %lt3A_1587 = arith.constant 0 : i32
      %lt3A_1588 = vector.broadcast %lt3A_1587 : i32 to vector<16xi32>
      %lt3A_1589 = arith.cmpi slt, %max3A_1586, %lt3A_1588 : vector<16xi32>
      %add3A_1590 = arith.constant 16 : i32
      %add3A_1591 = vector.broadcast %add3A_1590 : i32 to vector<16xi32>
      %add3A_1592 = arith.addi %max3A_1586, %add3A_1591 : vector<16xi32>
      %select_n3A_1593 = arith.select %lt3A_1589, %add3A_1592, %max3A_1586 : vector<16xi1>, vector<16xi32>
      %broadcast_in_dim3A_1594 = vector.shape_cast %select_n3A_1593 : vector<16xi32> to vector<16x1xi32>
      %gather3A_1595 = vector.shape_cast %broadcast_in_dim3A_1594 : vector<16x1xi32> to vector<16xi32>
      %gather3A_1596 = tpu.dynamic_gather %add3A_1582[%gather3A_1595] in [0] : vector<16xi32>, vector<16xi32> -> vector<16xi32>
      %ge3A_1597 = arith.cmpi sge, %iota3A, %broadcast_in_dim3A_1584 : vector<16xi32>
      %select_n3A_1598 = arith.select %ge3A_1597, %gather3A_1596, %broadcast_in_dim3A_7 : vector<16xi1>, vector<16xi32>
      %add3A_1599 = arith.addi %add3A_1582, %select_n3A_1598 : vector<16xi32>
      %add3A_1600 = arith.addi %add3A_1525, %add3A_1599 : vector<16xi32>
      %sub3A_1601 = arith.subi %add3A_1600, %broadcast_in_dim3A_5 : vector<16xi32>
      %get3A_1602 = arith.index_cast %add3A_1527 : i32 to index
      %get3A_1603 = tpu.vector_load %arg11[%get3A_1602] {strides = array<i32>} : memref<1024xf32, #tpu.memory_space<vmem>>, vector<16xf32>,
      tpu.vector_store_idx %arg14[%sub3A_1601], %get3A_1603 masked %le3A_1530 : memref<512xf32, #tpu.memory_space<vmem>>[vector<16xi32>], vector<16xf32>, vector<16xi1>
      %get3A_1604 = arith.index_cast %add3A_1527 : i32 to index
      %get3A_1605 = tpu.vector_load %arg12[%get3A_1604] {strides = array<i32>} : memref<1024xf32, #tpu.memory_space<vmem>>, vector<16xf32>,
      tpu.vector_store_idx %arg15[%sub3A_1601], %get3A_1605 masked %le3A_1530 : memref<512xf32, #tpu.memory_space<vmem>>[vector<16xi32>], vector<16xf32>, vector<16xi1>
      %get3A_1606 = arith.index_cast %add3A_1527 : i32 to index
      %get3A_1607 = tpu.vector_load %arg13[%get3A_1606] {strides = array<i32>} : memref<1024xf32, #tpu.memory_space<vmem>>, vector<16xf32>,
      tpu.vector_store_idx %arg16[%sub3A_1601], %get3A_1607 masked %le3A_1530 : memref<512xf32, #tpu.memory_space<vmem>>[vector<16xi32>], vector<16xf32>, vector<16xi1>
      %lt3A_1608 = arith.constant 0 : i32
      %lt3A_1609 = vector.broadcast %lt3A_1608 : i32 to vector<16xi32>
      %lt3A_1610 = arith.cmpi slt, %broadcast_in_dim3A_9, %lt3A_1609 : vector<16xi32>
      %add3A_1611 = arith.constant 16 : i32
      %add3A_1612 = vector.broadcast %add3A_1611 : i32 to vector<16xi32>
      %add3A_1613 = arith.addi %broadcast_in_dim3A_9, %add3A_1612 : vector<16xi32>
      %select_n3A_1614 = arith.select %lt3A_1610, %add3A_1613, %broadcast_in_dim3A_9 : vector<16xi1>, vector<16xi32>
      %broadcast_in_dim3A_1615 = vector.shape_cast %select_n3A_1614 : vector<16xi32> to vector<16x1xi32>
      %gather3A_1616 = vector.shape_cast %broadcast_in_dim3A_1615 : vector<16x1xi32> to vector<16xi32>
      %gather3A_1617 = tpu.dynamic_gather %add3A_1599[%gather3A_1616] in [0] : vector<16xi32>, vector<16xi32> -> vector<16xi32>
      %add3A_1618 = arith.addi %add3A_1525, %gather3A_1617 : vector<16xi32>
      %add3A_1619 = arith.constant 240 : i32
      %add3A_1620 = arith.addi %mul3A_36, %add3A_1619 : i32
      %get3A_1621 = arith.constant 240 : index
      %get3A_1622 = tpu.vector_load %arg10[%get3A_1621] {strides = array<i32>} : memref<512xf32, #tpu.memory_space<vmem>>, vector<16xf32>,
      %le3A_1623 = arith.cmpf ole, %get3A_1622, %broadcast_in_dim3A_1 : vector<16xf32>
      %select_n3A_1624 = arith.select %le3A_1623, %broadcast_in_dim3A_5, %broadcast_in_dim3A_7 : vector<16xi1>, vector<16xi32>
      %broadcast_in_dim3A_1625 = arith.constant 1 : i32
      %broadcast_in_dim3A_1626 = vector.broadcast %broadcast_in_dim3A_1625 : i32 to vector<16xi32>
      %sub3A_1627 = arith.subi %iota3A, %broadcast_in_dim3A_1626 : vector<16xi32>
      %max3A_1628 = arith.maxsi %sub3A_1627, %broadcast_in_dim3A_7 : vector<16xi32>
      %lt3A_1629 = arith.constant 0 : i32
      %lt3A_1630 = vector.broadcast %lt3A_1629 : i32 to vector<16xi32>
      %lt3A_1631 = arith.cmpi slt, %max3A_1628, %lt3A_1630 : vector<16xi32>
      %add3A_1632 = arith.constant 16 : i32
      %add3A_1633 = vector.broadcast %add3A_1632 : i32 to vector<16xi32>
      %add3A_1634 = arith.addi %max3A_1628, %add3A_1633 : vector<16xi32>
      %select_n3A_1635 = arith.select %lt3A_1631, %add3A_1634, %max3A_1628 : vector<16xi1>, vector<16xi32>
      %broadcast_in_dim3A_1636 = vector.shape_cast %select_n3A_1635 : vector<16xi32> to vector<16x1xi32>
      %gather3A_1637 = vector.shape_cast %broadcast_in_dim3A_1636 : vector<16x1xi32> to vector<16xi32>
      %gather3A_1638 = tpu.dynamic_gather %select_n3A_1624[%gather3A_1637] in [0] : vector<16xi32>, vector<16xi32> -> vector<16xi32>
      %ge3A_1639 = arith.cmpi sge, %iota3A, %broadcast_in_dim3A_1626 : vector<16xi32>
      %select_n3A_1640 = arith.select %ge3A_1639, %gather3A_1638, %broadcast_in_dim3A_7 : vector<16xi1>, vector<16xi32>
      %add3A_1641 = arith.addi %select_n3A_1624, %select_n3A_1640 : vector<16xi32>
      %broadcast_in_dim3A_1642 = arith.constant 2 : i32
      %broadcast_in_dim3A_1643 = vector.broadcast %broadcast_in_dim3A_1642 : i32 to vector<16xi32>
      %sub3A_1644 = arith.subi %iota3A, %broadcast_in_dim3A_1643 : vector<16xi32>
      %max3A_1645 = arith.maxsi %sub3A_1644, %broadcast_in_dim3A_7 : vector<16xi32>
      %lt3A_1646 = arith.constant 0 : i32
      %lt3A_1647 = vector.broadcast %lt3A_1646 : i32 to vector<16xi32>
      %lt3A_1648 = arith.cmpi slt, %max3A_1645, %lt3A_1647 : vector<16xi32>
      %add3A_1649 = arith.constant 16 : i32
      %add3A_1650 = vector.broadcast %add3A_1649 : i32 to vector<16xi32>
      %add3A_1651 = arith.addi %max3A_1645, %add3A_1650 : vector<16xi32>
      %select_n3A_1652 = arith.select %lt3A_1648, %add3A_1651, %max3A_1645 : vector<16xi1>, vector<16xi32>
      %broadcast_in_dim3A_1653 = vector.shape_cast %select_n3A_1652 : vector<16xi32> to vector<16x1xi32>
      %gather3A_1654 = vector.shape_cast %broadcast_in_dim3A_1653 : vector<16x1xi32> to vector<16xi32>
      %gather3A_1655 = tpu.dynamic_gather %add3A_1641[%gather3A_1654] in [0] : vector<16xi32>, vector<16xi32> -> vector<16xi32>
      %ge3A_1656 = arith.cmpi sge, %iota3A, %broadcast_in_dim3A_1643 : vector<16xi32>
      %select_n3A_1657 = arith.select %ge3A_1656, %gather3A_1655, %broadcast_in_dim3A_7 : vector<16xi1>, vector<16xi32>
      %add3A_1658 = arith.addi %add3A_1641, %select_n3A_1657 : vector<16xi32>
      %broadcast_in_dim3A_1659 = arith.constant 4 : i32
      %broadcast_in_dim3A_1660 = vector.broadcast %broadcast_in_dim3A_1659 : i32 to vector<16xi32>
      %sub3A_1661 = arith.subi %iota3A, %broadcast_in_dim3A_1660 : vector<16xi32>
      %max3A_1662 = arith.maxsi %sub3A_1661, %broadcast_in_dim3A_7 : vector<16xi32>
      %lt3A_1663 = arith.constant 0 : i32
      %lt3A_1664 = vector.broadcast %lt3A_1663 : i32 to vector<16xi32>
      %lt3A_1665 = arith.cmpi slt, %max3A_1662, %lt3A_1664 : vector<16xi32>
      %add3A_1666 = arith.constant 16 : i32
      %add3A_1667 = vector.broadcast %add3A_1666 : i32 to vector<16xi32>
      %add3A_1668 = arith.addi %max3A_1662, %add3A_1667 : vector<16xi32>
      %select_n3A_1669 = arith.select %lt3A_1665, %add3A_1668, %max3A_1662 : vector<16xi1>, vector<16xi32>
      %broadcast_in_dim3A_1670 = vector.shape_cast %select_n3A_1669 : vector<16xi32> to vector<16x1xi32>
      %gather3A_1671 = vector.shape_cast %broadcast_in_dim3A_1670 : vector<16x1xi32> to vector<16xi32>
      %gather3A_1672 = tpu.dynamic_gather %add3A_1658[%gather3A_1671] in [0] : vector<16xi32>, vector<16xi32> -> vector<16xi32>
      %ge3A_1673 = arith.cmpi sge, %iota3A, %broadcast_in_dim3A_1660 : vector<16xi32>
      %select_n3A_1674 = arith.select %ge3A_1673, %gather3A_1672, %broadcast_in_dim3A_7 : vector<16xi1>, vector<16xi32>
      %add3A_1675 = arith.addi %add3A_1658, %select_n3A_1674 : vector<16xi32>
      %broadcast_in_dim3A_1676 = arith.constant 8 : i32
      %broadcast_in_dim3A_1677 = vector.broadcast %broadcast_in_dim3A_1676 : i32 to vector<16xi32>
      %sub3A_1678 = arith.subi %iota3A, %broadcast_in_dim3A_1677 : vector<16xi32>
      %max3A_1679 = arith.maxsi %sub3A_1678, %broadcast_in_dim3A_7 : vector<16xi32>
      %lt3A_1680 = arith.constant 0 : i32
      %lt3A_1681 = vector.broadcast %lt3A_1680 : i32 to vector<16xi32>
      %lt3A_1682 = arith.cmpi slt, %max3A_1679, %lt3A_1681 : vector<16xi32>
      %add3A_1683 = arith.constant 16 : i32
      %add3A_1684 = vector.broadcast %add3A_1683 : i32 to vector<16xi32>
      %add3A_1685 = arith.addi %max3A_1679, %add3A_1684 : vector<16xi32>
      %select_n3A_1686 = arith.select %lt3A_1682, %add3A_1685, %max3A_1679 : vector<16xi1>, vector<16xi32>
      %broadcast_in_dim3A_1687 = vector.shape_cast %select_n3A_1686 : vector<16xi32> to vector<16x1xi32>
      %gather3A_1688 = vector.shape_cast %broadcast_in_dim3A_1687 : vector<16x1xi32> to vector<16xi32>
      %gather3A_1689 = tpu.dynamic_gather %add3A_1675[%gather3A_1688] in [0] : vector<16xi32>, vector<16xi32> -> vector<16xi32>
      %ge3A_1690 = arith.cmpi sge, %iota3A, %broadcast_in_dim3A_1677 : vector<16xi32>
      %select_n3A_1691 = arith.select %ge3A_1690, %gather3A_1689, %broadcast_in_dim3A_7 : vector<16xi1>, vector<16xi32>
      %add3A_1692 = arith.addi %add3A_1675, %select_n3A_1691 : vector<16xi32>
      %add3A_1693 = arith.addi %add3A_1618, %add3A_1692 : vector<16xi32>
      %sub3A_1694 = arith.subi %add3A_1693, %broadcast_in_dim3A_5 : vector<16xi32>
      %get3A_1695 = arith.index_cast %add3A_1620 : i32 to index
      %get3A_1696 = tpu.vector_load %arg11[%get3A_1695] {strides = array<i32>} : memref<1024xf32, #tpu.memory_space<vmem>>, vector<16xf32>,
      tpu.vector_store_idx %arg14[%sub3A_1694], %get3A_1696 masked %le3A_1623 : memref<512xf32, #tpu.memory_space<vmem>>[vector<16xi32>], vector<16xf32>, vector<16xi1>
      %get3A_1697 = arith.index_cast %add3A_1620 : i32 to index
      %get3A_1698 = tpu.vector_load %arg12[%get3A_1697] {strides = array<i32>} : memref<1024xf32, #tpu.memory_space<vmem>>, vector<16xf32>,
      tpu.vector_store_idx %arg15[%sub3A_1694], %get3A_1698 masked %le3A_1623 : memref<512xf32, #tpu.memory_space<vmem>>[vector<16xi32>], vector<16xf32>, vector<16xi1>
      %get3A_1699 = arith.index_cast %add3A_1620 : i32 to index
      %get3A_1700 = tpu.vector_load %arg13[%get3A_1699] {strides = array<i32>} : memref<1024xf32, #tpu.memory_space<vmem>>, vector<16xf32>,
      tpu.vector_store_idx %arg16[%sub3A_1694], %get3A_1700 masked %le3A_1623 : memref<512xf32, #tpu.memory_space<vmem>>[vector<16xi32>], vector<16xf32>, vector<16xi1>
      %lt3A_1701 = arith.constant 0 : i32
      %lt3A_1702 = vector.broadcast %lt3A_1701 : i32 to vector<16xi32>
      %lt3A_1703 = arith.cmpi slt, %broadcast_in_dim3A_9, %lt3A_1702 : vector<16xi32>
      %add3A_1704 = arith.constant 16 : i32
      %add3A_1705 = vector.broadcast %add3A_1704 : i32 to vector<16xi32>
      %add3A_1706 = arith.addi %broadcast_in_dim3A_9, %add3A_1705 : vector<16xi32>
      %select_n3A_1707 = arith.select %lt3A_1703, %add3A_1706, %broadcast_in_dim3A_9 : vector<16xi1>, vector<16xi32>
      %broadcast_in_dim3A_1708 = vector.shape_cast %select_n3A_1707 : vector<16xi32> to vector<16x1xi32>
      %gather3A_1709 = vector.shape_cast %broadcast_in_dim3A_1708 : vector<16x1xi32> to vector<16xi32>
      %gather3A_1710 = tpu.dynamic_gather %add3A_1692[%gather3A_1709] in [0] : vector<16xi32>, vector<16xi32> -> vector<16xi32>
      %add3A_1711 = arith.addi %add3A_1618, %gather3A_1710 : vector<16xi32>
      %add3A_1712 = arith.constant 256 : i32
      %add3A_1713 = arith.addi %mul3A_36, %add3A_1712 : i32
      %get3A_1714 = arith.constant 256 : index
      %get3A_1715 = tpu.vector_load %arg10[%get3A_1714] {strides = array<i32>} : memref<512xf32, #tpu.memory_space<vmem>>, vector<16xf32>,
      %le3A_1716 = arith.cmpf ole, %get3A_1715, %broadcast_in_dim3A_1 : vector<16xf32>
      %select_n3A_1717 = arith.select %le3A_1716, %broadcast_in_dim3A_5, %broadcast_in_dim3A_7 : vector<16xi1>, vector<16xi32>
      %broadcast_in_dim3A_1718 = arith.constant 1 : i32
      %broadcast_in_dim3A_1719 = vector.broadcast %broadcast_in_dim3A_1718 : i32 to vector<16xi32>
      %sub3A_1720 = arith.subi %iota3A, %broadcast_in_dim3A_1719 : vector<16xi32>
      %max3A_1721 = arith.maxsi %sub3A_1720, %broadcast_in_dim3A_7 : vector<16xi32>
      %lt3A_1722 = arith.constant 0 : i32
      %lt3A_1723 = vector.broadcast %lt3A_1722 : i32 to vector<16xi32>
      %lt3A_1724 = arith.cmpi slt, %max3A_1721, %lt3A_1723 : vector<16xi32>
      %add3A_1725 = arith.constant 16 : i32
      %add3A_1726 = vector.broadcast %add3A_1725 : i32 to vector<16xi32>
      %add3A_1727 = arith.addi %max3A_1721, %add3A_1726 : vector<16xi32>
      %select_n3A_1728 = arith.select %lt3A_1724, %add3A_1727, %max3A_1721 : vector<16xi1>, vector<16xi32>
      %broadcast_in_dim3A_1729 = vector.shape_cast %select_n3A_1728 : vector<16xi32> to vector<16x1xi32>
      %gather3A_1730 = vector.shape_cast %broadcast_in_dim3A_1729 : vector<16x1xi32> to vector<16xi32>
      %gather3A_1731 = tpu.dynamic_gather %select_n3A_1717[%gather3A_1730] in [0] : vector<16xi32>, vector<16xi32> -> vector<16xi32>
      %ge3A_1732 = arith.cmpi sge, %iota3A, %broadcast_in_dim3A_1719 : vector<16xi32>
      %select_n3A_1733 = arith.select %ge3A_1732, %gather3A_1731, %broadcast_in_dim3A_7 : vector<16xi1>, vector<16xi32>
      %add3A_1734 = arith.addi %select_n3A_1717, %select_n3A_1733 : vector<16xi32>
      %broadcast_in_dim3A_1735 = arith.constant 2 : i32
      %broadcast_in_dim3A_1736 = vector.broadcast %broadcast_in_dim3A_1735 : i32 to vector<16xi32>
      %sub3A_1737 = arith.subi %iota3A, %broadcast_in_dim3A_1736 : vector<16xi32>
      %max3A_1738 = arith.maxsi %sub3A_1737, %broadcast_in_dim3A_7 : vector<16xi32>
      %lt3A_1739 = arith.constant 0 : i32
      %lt3A_1740 = vector.broadcast %lt3A_1739 : i32 to vector<16xi32>
      %lt3A_1741 = arith.cmpi slt, %max3A_1738, %lt3A_1740 : vector<16xi32>
      %add3A_1742 = arith.constant 16 : i32
      %add3A_1743 = vector.broadcast %add3A_1742 : i32 to vector<16xi32>
      %add3A_1744 = arith.addi %max3A_1738, %add3A_1743 : vector<16xi32>
      %select_n3A_1745 = arith.select %lt3A_1741, %add3A_1744, %max3A_1738 : vector<16xi1>, vector<16xi32>
      %broadcast_in_dim3A_1746 = vector.shape_cast %select_n3A_1745 : vector<16xi32> to vector<16x1xi32>
      %gather3A_1747 = vector.shape_cast %broadcast_in_dim3A_1746 : vector<16x1xi32> to vector<16xi32>
      %gather3A_1748 = tpu.dynamic_gather %add3A_1734[%gather3A_1747] in [0] : vector<16xi32>, vector<16xi32> -> vector<16xi32>
      %ge3A_1749 = arith.cmpi sge, %iota3A, %broadcast_in_dim3A_1736 : vector<16xi32>
      %select_n3A_1750 = arith.select %ge3A_1749, %gather3A_1748, %broadcast_in_dim3A_7 : vector<16xi1>, vector<16xi32>
      %add3A_1751 = arith.addi %add3A_1734, %select_n3A_1750 : vector<16xi32>
      %broadcast_in_dim3A_1752 = arith.constant 4 : i32
      %broadcast_in_dim3A_1753 = vector.broadcast %broadcast_in_dim3A_1752 : i32 to vector<16xi32>
      %sub3A_1754 = arith.subi %iota3A, %broadcast_in_dim3A_1753 : vector<16xi32>
      %max3A_1755 = arith.maxsi %sub3A_1754, %broadcast_in_dim3A_7 : vector<16xi32>
      %lt3A_1756 = arith.constant 0 : i32
      %lt3A_1757 = vector.broadcast %lt3A_1756 : i32 to vector<16xi32>
      %lt3A_1758 = arith.cmpi slt, %max3A_1755, %lt3A_1757 : vector<16xi32>
      %add3A_1759 = arith.constant 16 : i32
      %add3A_1760 = vector.broadcast %add3A_1759 : i32 to vector<16xi32>
      %add3A_1761 = arith.addi %max3A_1755, %add3A_1760 : vector<16xi32>
      %select_n3A_1762 = arith.select %lt3A_1758, %add3A_1761, %max3A_1755 : vector<16xi1>, vector<16xi32>
      %broadcast_in_dim3A_1763 = vector.shape_cast %select_n3A_1762 : vector<16xi32> to vector<16x1xi32>
      %gather3A_1764 = vector.shape_cast %broadcast_in_dim3A_1763 : vector<16x1xi32> to vector<16xi32>
      %gather3A_1765 = tpu.dynamic_gather %add3A_1751[%gather3A_1764] in [0] : vector<16xi32>, vector<16xi32> -> vector<16xi32>
      %ge3A_1766 = arith.cmpi sge, %iota3A, %broadcast_in_dim3A_1753 : vector<16xi32>
      %select_n3A_1767 = arith.select %ge3A_1766, %gather3A_1765, %broadcast_in_dim3A_7 : vector<16xi1>, vector<16xi32>
      %add3A_1768 = arith.addi %add3A_1751, %select_n3A_1767 : vector<16xi32>
      %broadcast_in_dim3A_1769 = arith.constant 8 : i32
      %broadcast_in_dim3A_1770 = vector.broadcast %broadcast_in_dim3A_1769 : i32 to vector<16xi32>
      %sub3A_1771 = arith.subi %iota3A, %broadcast_in_dim3A_1770 : vector<16xi32>
      %max3A_1772 = arith.maxsi %sub3A_1771, %broadcast_in_dim3A_7 : vector<16xi32>
      %lt3A_1773 = arith.constant 0 : i32
      %lt3A_1774 = vector.broadcast %lt3A_1773 : i32 to vector<16xi32>
      %lt3A_1775 = arith.cmpi slt, %max3A_1772, %lt3A_1774 : vector<16xi32>
      %add3A_1776 = arith.constant 16 : i32
      %add3A_1777 = vector.broadcast %add3A_1776 : i32 to vector<16xi32>
      %add3A_1778 = arith.addi %max3A_1772, %add3A_1777 : vector<16xi32>
      %select_n3A_1779 = arith.select %lt3A_1775, %add3A_1778, %max3A_1772 : vector<16xi1>, vector<16xi32>
      %broadcast_in_dim3A_1780 = vector.shape_cast %select_n3A_1779 : vector<16xi32> to vector<16x1xi32>
      %gather3A_1781 = vector.shape_cast %broadcast_in_dim3A_1780 : vector<16x1xi32> to vector<16xi32>
      %gather3A_1782 = tpu.dynamic_gather %add3A_1768[%gather3A_1781] in [0] : vector<16xi32>, vector<16xi32> -> vector<16xi32>
      %ge3A_1783 = arith.cmpi sge, %iota3A, %broadcast_in_dim3A_1770 : vector<16xi32>
      %select_n3A_1784 = arith.select %ge3A_1783, %gather3A_1782, %broadcast_in_dim3A_7 : vector<16xi1>, vector<16xi32>
      %add3A_1785 = arith.addi %add3A_1768, %select_n3A_1784 : vector<16xi32>
      %add3A_1786 = arith.addi %add3A_1711, %add3A_1785 : vector<16xi32>
      %sub3A_1787 = arith.subi %add3A_1786, %broadcast_in_dim3A_5 : vector<16xi32>
      %get3A_1788 = arith.index_cast %add3A_1713 : i32 to index
      %get3A_1789 = tpu.vector_load %arg11[%get3A_1788] {strides = array<i32>} : memref<1024xf32, #tpu.memory_space<vmem>>, vector<16xf32>,
      tpu.vector_store_idx %arg14[%sub3A_1787], %get3A_1789 masked %le3A_1716 : memref<512xf32, #tpu.memory_space<vmem>>[vector<16xi32>], vector<16xf32>, vector<16xi1>
      %get3A_1790 = arith.index_cast %add3A_1713 : i32 to index
      %get3A_1791 = tpu.vector_load %arg12[%get3A_1790] {strides = array<i32>} : memref<1024xf32, #tpu.memory_space<vmem>>, vector<16xf32>,
      tpu.vector_store_idx %arg15[%sub3A_1787], %get3A_1791 masked %le3A_1716 : memref<512xf32, #tpu.memory_space<vmem>>[vector<16xi32>], vector<16xf32>, vector<16xi1>
      %get3A_1792 = arith.index_cast %add3A_1713 : i32 to index
      %get3A_1793 = tpu.vector_load %arg13[%get3A_1792] {strides = array<i32>} : memref<1024xf32, #tpu.memory_space<vmem>>, vector<16xf32>,
      tpu.vector_store_idx %arg16[%sub3A_1787], %get3A_1793 masked %le3A_1716 : memref<512xf32, #tpu.memory_space<vmem>>[vector<16xi32>], vector<16xf32>, vector<16xi1>
      %lt3A_1794 = arith.constant 0 : i32
      %lt3A_1795 = vector.broadcast %lt3A_1794 : i32 to vector<16xi32>
      %lt3A_1796 = arith.cmpi slt, %broadcast_in_dim3A_9, %lt3A_1795 : vector<16xi32>
      %add3A_1797 = arith.constant 16 : i32
      %add3A_1798 = vector.broadcast %add3A_1797 : i32 to vector<16xi32>
      %add3A_1799 = arith.addi %broadcast_in_dim3A_9, %add3A_1798 : vector<16xi32>
      %select_n3A_1800 = arith.select %lt3A_1796, %add3A_1799, %broadcast_in_dim3A_9 : vector<16xi1>, vector<16xi32>
      %broadcast_in_dim3A_1801 = vector.shape_cast %select_n3A_1800 : vector<16xi32> to vector<16x1xi32>
      %gather3A_1802 = vector.shape_cast %broadcast_in_dim3A_1801 : vector<16x1xi32> to vector<16xi32>
      %gather3A_1803 = tpu.dynamic_gather %add3A_1785[%gather3A_1802] in [0] : vector<16xi32>, vector<16xi32> -> vector<16xi32>
      %add3A_1804 = arith.addi %add3A_1711, %gather3A_1803 : vector<16xi32>
      %add3A_1805 = arith.constant 272 : i32
      %add3A_1806 = arith.addi %mul3A_36, %add3A_1805 : i32
      %get3A_1807 = arith.constant 272 : index
      %get3A_1808 = tpu.vector_load %arg10[%get3A_1807] {strides = array<i32>} : memref<512xf32, #tpu.memory_space<vmem>>, vector<16xf32>,
      %le3A_1809 = arith.cmpf ole, %get3A_1808, %broadcast_in_dim3A_1 : vector<16xf32>
      %select_n3A_1810 = arith.select %le3A_1809, %broadcast_in_dim3A_5, %broadcast_in_dim3A_7 : vector<16xi1>, vector<16xi32>
      %broadcast_in_dim3A_1811 = arith.constant 1 : i32
      %broadcast_in_dim3A_1812 = vector.broadcast %broadcast_in_dim3A_1811 : i32 to vector<16xi32>
      %sub3A_1813 = arith.subi %iota3A, %broadcast_in_dim3A_1812 : vector<16xi32>
      %max3A_1814 = arith.maxsi %sub3A_1813, %broadcast_in_dim3A_7 : vector<16xi32>
      %lt3A_1815 = arith.constant 0 : i32
      %lt3A_1816 = vector.broadcast %lt3A_1815 : i32 to vector<16xi32>
      %lt3A_1817 = arith.cmpi slt, %max3A_1814, %lt3A_1816 : vector<16xi32>
      %add3A_1818 = arith.constant 16 : i32
      %add3A_1819 = vector.broadcast %add3A_1818 : i32 to vector<16xi32>
      %add3A_1820 = arith.addi %max3A_1814, %add3A_1819 : vector<16xi32>
      %select_n3A_1821 = arith.select %lt3A_1817, %add3A_1820, %max3A_1814 : vector<16xi1>, vector<16xi32>
      %broadcast_in_dim3A_1822 = vector.shape_cast %select_n3A_1821 : vector<16xi32> to vector<16x1xi32>
      %gather3A_1823 = vector.shape_cast %broadcast_in_dim3A_1822 : vector<16x1xi32> to vector<16xi32>
      %gather3A_1824 = tpu.dynamic_gather %select_n3A_1810[%gather3A_1823] in [0] : vector<16xi32>, vector<16xi32> -> vector<16xi32>
      %ge3A_1825 = arith.cmpi sge, %iota3A, %broadcast_in_dim3A_1812 : vector<16xi32>
      %select_n3A_1826 = arith.select %ge3A_1825, %gather3A_1824, %broadcast_in_dim3A_7 : vector<16xi1>, vector<16xi32>
      %add3A_1827 = arith.addi %select_n3A_1810, %select_n3A_1826 : vector<16xi32>
      %broadcast_in_dim3A_1828 = arith.constant 2 : i32
      %broadcast_in_dim3A_1829 = vector.broadcast %broadcast_in_dim3A_1828 : i32 to vector<16xi32>
      %sub3A_1830 = arith.subi %iota3A, %broadcast_in_dim3A_1829 : vector<16xi32>
      %max3A_1831 = arith.maxsi %sub3A_1830, %broadcast_in_dim3A_7 : vector<16xi32>
      %lt3A_1832 = arith.constant 0 : i32
      %lt3A_1833 = vector.broadcast %lt3A_1832 : i32 to vector<16xi32>
      %lt3A_1834 = arith.cmpi slt, %max3A_1831, %lt3A_1833 : vector<16xi32>
      %add3A_1835 = arith.constant 16 : i32
      %add3A_1836 = vector.broadcast %add3A_1835 : i32 to vector<16xi32>
      %add3A_1837 = arith.addi %max3A_1831, %add3A_1836 : vector<16xi32>
      %select_n3A_1838 = arith.select %lt3A_1834, %add3A_1837, %max3A_1831 : vector<16xi1>, vector<16xi32>
      %broadcast_in_dim3A_1839 = vector.shape_cast %select_n3A_1838 : vector<16xi32> to vector<16x1xi32>
      %gather3A_1840 = vector.shape_cast %broadcast_in_dim3A_1839 : vector<16x1xi32> to vector<16xi32>
      %gather3A_1841 = tpu.dynamic_gather %add3A_1827[%gather3A_1840] in [0] : vector<16xi32>, vector<16xi32> -> vector<16xi32>
      %ge3A_1842 = arith.cmpi sge, %iota3A, %broadcast_in_dim3A_1829 : vector<16xi32>
      %select_n3A_1843 = arith.select %ge3A_1842, %gather3A_1841, %broadcast_in_dim3A_7 : vector<16xi1>, vector<16xi32>
      %add3A_1844 = arith.addi %add3A_1827, %select_n3A_1843 : vector<16xi32>
      %broadcast_in_dim3A_1845 = arith.constant 4 : i32
      %broadcast_in_dim3A_1846 = vector.broadcast %broadcast_in_dim3A_1845 : i32 to vector<16xi32>
      %sub3A_1847 = arith.subi %iota3A, %broadcast_in_dim3A_1846 : vector<16xi32>
      %max3A_1848 = arith.maxsi %sub3A_1847, %broadcast_in_dim3A_7 : vector<16xi32>
      %lt3A_1849 = arith.constant 0 : i32
      %lt3A_1850 = vector.broadcast %lt3A_1849 : i32 to vector<16xi32>
      %lt3A_1851 = arith.cmpi slt, %max3A_1848, %lt3A_1850 : vector<16xi32>
      %add3A_1852 = arith.constant 16 : i32
      %add3A_1853 = vector.broadcast %add3A_1852 : i32 to vector<16xi32>
      %add3A_1854 = arith.addi %max3A_1848, %add3A_1853 : vector<16xi32>
      %select_n3A_1855 = arith.select %lt3A_1851, %add3A_1854, %max3A_1848 : vector<16xi1>, vector<16xi32>
      %broadcast_in_dim3A_1856 = vector.shape_cast %select_n3A_1855 : vector<16xi32> to vector<16x1xi32>
      %gather3A_1857 = vector.shape_cast %broadcast_in_dim3A_1856 : vector<16x1xi32> to vector<16xi32>
      %gather3A_1858 = tpu.dynamic_gather %add3A_1844[%gather3A_1857] in [0] : vector<16xi32>, vector<16xi32> -> vector<16xi32>
      %ge3A_1859 = arith.cmpi sge, %iota3A, %broadcast_in_dim3A_1846 : vector<16xi32>
      %select_n3A_1860 = arith.select %ge3A_1859, %gather3A_1858, %broadcast_in_dim3A_7 : vector<16xi1>, vector<16xi32>
      %add3A_1861 = arith.addi %add3A_1844, %select_n3A_1860 : vector<16xi32>
      %broadcast_in_dim3A_1862 = arith.constant 8 : i32
      %broadcast_in_dim3A_1863 = vector.broadcast %broadcast_in_dim3A_1862 : i32 to vector<16xi32>
      %sub3A_1864 = arith.subi %iota3A, %broadcast_in_dim3A_1863 : vector<16xi32>
      %max3A_1865 = arith.maxsi %sub3A_1864, %broadcast_in_dim3A_7 : vector<16xi32>
      %lt3A_1866 = arith.constant 0 : i32
      %lt3A_1867 = vector.broadcast %lt3A_1866 : i32 to vector<16xi32>
      %lt3A_1868 = arith.cmpi slt, %max3A_1865, %lt3A_1867 : vector<16xi32>
      %add3A_1869 = arith.constant 16 : i32
      %add3A_1870 = vector.broadcast %add3A_1869 : i32 to vector<16xi32>
      %add3A_1871 = arith.addi %max3A_1865, %add3A_1870 : vector<16xi32>
      %select_n3A_1872 = arith.select %lt3A_1868, %add3A_1871, %max3A_1865 : vector<16xi1>, vector<16xi32>
      %broadcast_in_dim3A_1873 = vector.shape_cast %select_n3A_1872 : vector<16xi32> to vector<16x1xi32>
      %gather3A_1874 = vector.shape_cast %broadcast_in_dim3A_1873 : vector<16x1xi32> to vector<16xi32>
      %gather3A_1875 = tpu.dynamic_gather %add3A_1861[%gather3A_1874] in [0] : vector<16xi32>, vector<16xi32> -> vector<16xi32>
      %ge3A_1876 = arith.cmpi sge, %iota3A, %broadcast_in_dim3A_1863 : vector<16xi32>
      %select_n3A_1877 = arith.select %ge3A_1876, %gather3A_1875, %broadcast_in_dim3A_7 : vector<16xi1>, vector<16xi32>
      %add3A_1878 = arith.addi %add3A_1861, %select_n3A_1877 : vector<16xi32>
      %add3A_1879 = arith.addi %add3A_1804, %add3A_1878 : vector<16xi32>
      %sub3A_1880 = arith.subi %add3A_1879, %broadcast_in_dim3A_5 : vector<16xi32>
      %get3A_1881 = arith.index_cast %add3A_1806 : i32 to index
      %get3A_1882 = tpu.vector_load %arg11[%get3A_1881] {strides = array<i32>} : memref<1024xf32, #tpu.memory_space<vmem>>, vector<16xf32>,
      tpu.vector_store_idx %arg14[%sub3A_1880], %get3A_1882 masked %le3A_1809 : memref<512xf32, #tpu.memory_space<vmem>>[vector<16xi32>], vector<16xf32>, vector<16xi1>
      %get3A_1883 = arith.index_cast %add3A_1806 : i32 to index
      %get3A_1884 = tpu.vector_load %arg12[%get3A_1883] {strides = array<i32>} : memref<1024xf32, #tpu.memory_space<vmem>>, vector<16xf32>,
      tpu.vector_store_idx %arg15[%sub3A_1880], %get3A_1884 masked %le3A_1809 : memref<512xf32, #tpu.memory_space<vmem>>[vector<16xi32>], vector<16xf32>, vector<16xi1>
      %get3A_1885 = arith.index_cast %add3A_1806 : i32 to index
      %get3A_1886 = tpu.vector_load %arg13[%get3A_1885] {strides = array<i32>} : memref<1024xf32, #tpu.memory_space<vmem>>, vector<16xf32>,
      tpu.vector_store_idx %arg16[%sub3A_1880], %get3A_1886 masked %le3A_1809 : memref<512xf32, #tpu.memory_space<vmem>>[vector<16xi32>], vector<16xf32>, vector<16xi1>
      %lt3A_1887 = arith.constant 0 : i32
      %lt3A_1888 = vector.broadcast %lt3A_1887 : i32 to vector<16xi32>
      %lt3A_1889 = arith.cmpi slt, %broadcast_in_dim3A_9, %lt3A_1888 : vector<16xi32>
      %add3A_1890 = arith.constant 16 : i32
      %add3A_1891 = vector.broadcast %add3A_1890 : i32 to vector<16xi32>
      %add3A_1892 = arith.addi %broadcast_in_dim3A_9, %add3A_1891 : vector<16xi32>
      %select_n3A_1893 = arith.select %lt3A_1889, %add3A_1892, %broadcast_in_dim3A_9 : vector<16xi1>, vector<16xi32>
      %broadcast_in_dim3A_1894 = vector.shape_cast %select_n3A_1893 : vector<16xi32> to vector<16x1xi32>
      %gather3A_1895 = vector.shape_cast %broadcast_in_dim3A_1894 : vector<16x1xi32> to vector<16xi32>
      %gather3A_1896 = tpu.dynamic_gather %add3A_1878[%gather3A_1895] in [0] : vector<16xi32>, vector<16xi32> -> vector<16xi32>
      %add3A_1897 = arith.addi %add3A_1804, %gather3A_1896 : vector<16xi32>
      %add3A_1898 = arith.constant 288 : i32
      %add3A_1899 = arith.addi %mul3A_36, %add3A_1898 : i32
      %get3A_1900 = arith.constant 288 : index
      %get3A_1901 = tpu.vector_load %arg10[%get3A_1900] {strides = array<i32>} : memref<512xf32, #tpu.memory_space<vmem>>, vector<16xf32>,
      %le3A_1902 = arith.cmpf ole, %get3A_1901, %broadcast_in_dim3A_1 : vector<16xf32>
      %select_n3A_1903 = arith.select %le3A_1902, %broadcast_in_dim3A_5, %broadcast_in_dim3A_7 : vector<16xi1>, vector<16xi32>
      %broadcast_in_dim3A_1904 = arith.constant 1 : i32
      %broadcast_in_dim3A_1905 = vector.broadcast %broadcast_in_dim3A_1904 : i32 to vector<16xi32>
      %sub3A_1906 = arith.subi %iota3A, %broadcast_in_dim3A_1905 : vector<16xi32>
      %max3A_1907 = arith.maxsi %sub3A_1906, %broadcast_in_dim3A_7 : vector<16xi32>
      %lt3A_1908 = arith.constant 0 : i32
      %lt3A_1909 = vector.broadcast %lt3A_1908 : i32 to vector<16xi32>
      %lt3A_1910 = arith.cmpi slt, %max3A_1907, %lt3A_1909 : vector<16xi32>
      %add3A_1911 = arith.constant 16 : i32
      %add3A_1912 = vector.broadcast %add3A_1911 : i32 to vector<16xi32>
      %add3A_1913 = arith.addi %max3A_1907, %add3A_1912 : vector<16xi32>
      %select_n3A_1914 = arith.select %lt3A_1910, %add3A_1913, %max3A_1907 : vector<16xi1>, vector<16xi32>
      %broadcast_in_dim3A_1915 = vector.shape_cast %select_n3A_1914 : vector<16xi32> to vector<16x1xi32>
      %gather3A_1916 = vector.shape_cast %broadcast_in_dim3A_1915 : vector<16x1xi32> to vector<16xi32>
      %gather3A_1917 = tpu.dynamic_gather %select_n3A_1903[%gather3A_1916] in [0] : vector<16xi32>, vector<16xi32> -> vector<16xi32>
      %ge3A_1918 = arith.cmpi sge, %iota3A, %broadcast_in_dim3A_1905 : vector<16xi32>
      %select_n3A_1919 = arith.select %ge3A_1918, %gather3A_1917, %broadcast_in_dim3A_7 : vector<16xi1>, vector<16xi32>
      %add3A_1920 = arith.addi %select_n3A_1903, %select_n3A_1919 : vector<16xi32>
      %broadcast_in_dim3A_1921 = arith.constant 2 : i32
      %broadcast_in_dim3A_1922 = vector.broadcast %broadcast_in_dim3A_1921 : i32 to vector<16xi32>
      %sub3A_1923 = arith.subi %iota3A, %broadcast_in_dim3A_1922 : vector<16xi32>
      %max3A_1924 = arith.maxsi %sub3A_1923, %broadcast_in_dim3A_7 : vector<16xi32>
      %lt3A_1925 = arith.constant 0 : i32
      %lt3A_1926 = vector.broadcast %lt3A_1925 : i32 to vector<16xi32>
      %lt3A_1927 = arith.cmpi slt, %max3A_1924, %lt3A_1926 : vector<16xi32>
      %add3A_1928 = arith.constant 16 : i32
      %add3A_1929 = vector.broadcast %add3A_1928 : i32 to vector<16xi32>
      %add3A_1930 = arith.addi %max3A_1924, %add3A_1929 : vector<16xi32>
      %select_n3A_1931 = arith.select %lt3A_1927, %add3A_1930, %max3A_1924 : vector<16xi1>, vector<16xi32>
      %broadcast_in_dim3A_1932 = vector.shape_cast %select_n3A_1931 : vector<16xi32> to vector<16x1xi32>
      %gather3A_1933 = vector.shape_cast %broadcast_in_dim3A_1932 : vector<16x1xi32> to vector<16xi32>
      %gather3A_1934 = tpu.dynamic_gather %add3A_1920[%gather3A_1933] in [0] : vector<16xi32>, vector<16xi32> -> vector<16xi32>
      %ge3A_1935 = arith.cmpi sge, %iota3A, %broadcast_in_dim3A_1922 : vector<16xi32>
      %select_n3A_1936 = arith.select %ge3A_1935, %gather3A_1934, %broadcast_in_dim3A_7 : vector<16xi1>, vector<16xi32>
      %add3A_1937 = arith.addi %add3A_1920, %select_n3A_1936 : vector<16xi32>
      %broadcast_in_dim3A_1938 = arith.constant 4 : i32
      %broadcast_in_dim3A_1939 = vector.broadcast %broadcast_in_dim3A_1938 : i32 to vector<16xi32>
      %sub3A_1940 = arith.subi %iota3A, %broadcast_in_dim3A_1939 : vector<16xi32>
      %max3A_1941 = arith.maxsi %sub3A_1940, %broadcast_in_dim3A_7 : vector<16xi32>
      %lt3A_1942 = arith.constant 0 : i32
      %lt3A_1943 = vector.broadcast %lt3A_1942 : i32 to vector<16xi32>
      %lt3A_1944 = arith.cmpi slt, %max3A_1941, %lt3A_1943 : vector<16xi32>
      %add3A_1945 = arith.constant 16 : i32
      %add3A_1946 = vector.broadcast %add3A_1945 : i32 to vector<16xi32>
      %add3A_1947 = arith.addi %max3A_1941, %add3A_1946 : vector<16xi32>
      %select_n3A_1948 = arith.select %lt3A_1944, %add3A_1947, %max3A_1941 : vector<16xi1>, vector<16xi32>
      %broadcast_in_dim3A_1949 = vector.shape_cast %select_n3A_1948 : vector<16xi32> to vector<16x1xi32>
      %gather3A_1950 = vector.shape_cast %broadcast_in_dim3A_1949 : vector<16x1xi32> to vector<16xi32>
      %gather3A_1951 = tpu.dynamic_gather %add3A_1937[%gather3A_1950] in [0] : vector<16xi32>, vector<16xi32> -> vector<16xi32>
      %ge3A_1952 = arith.cmpi sge, %iota3A, %broadcast_in_dim3A_1939 : vector<16xi32>
      %select_n3A_1953 = arith.select %ge3A_1952, %gather3A_1951, %broadcast_in_dim3A_7 : vector<16xi1>, vector<16xi32>
      %add3A_1954 = arith.addi %add3A_1937, %select_n3A_1953 : vector<16xi32>
      %broadcast_in_dim3A_1955 = arith.constant 8 : i32
      %broadcast_in_dim3A_1956 = vector.broadcast %broadcast_in_dim3A_1955 : i32 to vector<16xi32>
      %sub3A_1957 = arith.subi %iota3A, %broadcast_in_dim3A_1956 : vector<16xi32>
      %max3A_1958 = arith.maxsi %sub3A_1957, %broadcast_in_dim3A_7 : vector<16xi32>
      %lt3A_1959 = arith.constant 0 : i32
      %lt3A_1960 = vector.broadcast %lt3A_1959 : i32 to vector<16xi32>
      %lt3A_1961 = arith.cmpi slt, %max3A_1958, %lt3A_1960 : vector<16xi32>
      %add3A_1962 = arith.constant 16 : i32
      %add3A_1963 = vector.broadcast %add3A_1962 : i32 to vector<16xi32>
      %add3A_1964 = arith.addi %max3A_1958, %add3A_1963 : vector<16xi32>
      %select_n3A_1965 = arith.select %lt3A_1961, %add3A_1964, %max3A_1958 : vector<16xi1>, vector<16xi32>
      %broadcast_in_dim3A_1966 = vector.shape_cast %select_n3A_1965 : vector<16xi32> to vector<16x1xi32>
      %gather3A_1967 = vector.shape_cast %broadcast_in_dim3A_1966 : vector<16x1xi32> to vector<16xi32>
      %gather3A_1968 = tpu.dynamic_gather %add3A_1954[%gather3A_1967] in [0] : vector<16xi32>, vector<16xi32> -> vector<16xi32>
      %ge3A_1969 = arith.cmpi sge, %iota3A, %broadcast_in_dim3A_1956 : vector<16xi32>
      %select_n3A_1970 = arith.select %ge3A_1969, %gather3A_1968, %broadcast_in_dim3A_7 : vector<16xi1>, vector<16xi32>
      %add3A_1971 = arith.addi %add3A_1954, %select_n3A_1970 : vector<16xi32>
      %add3A_1972 = arith.addi %add3A_1897, %add3A_1971 : vector<16xi32>
      %sub3A_1973 = arith.subi %add3A_1972, %broadcast_in_dim3A_5 : vector<16xi32>
      %get3A_1974 = arith.index_cast %add3A_1899 : i32 to index
      %get3A_1975 = tpu.vector_load %arg11[%get3A_1974] {strides = array<i32>} : memref<1024xf32, #tpu.memory_space<vmem>>, vector<16xf32>,
      tpu.vector_store_idx %arg14[%sub3A_1973], %get3A_1975 masked %le3A_1902 : memref<512xf32, #tpu.memory_space<vmem>>[vector<16xi32>], vector<16xf32>, vector<16xi1>
      %get3A_1976 = arith.index_cast %add3A_1899 : i32 to index
      %get3A_1977 = tpu.vector_load %arg12[%get3A_1976] {strides = array<i32>} : memref<1024xf32, #tpu.memory_space<vmem>>, vector<16xf32>,
      tpu.vector_store_idx %arg15[%sub3A_1973], %get3A_1977 masked %le3A_1902 : memref<512xf32, #tpu.memory_space<vmem>>[vector<16xi32>], vector<16xf32>, vector<16xi1>
      %get3A_1978 = arith.index_cast %add3A_1899 : i32 to index
      %get3A_1979 = tpu.vector_load %arg13[%get3A_1978] {strides = array<i32>} : memref<1024xf32, #tpu.memory_space<vmem>>, vector<16xf32>,
      tpu.vector_store_idx %arg16[%sub3A_1973], %get3A_1979 masked %le3A_1902 : memref<512xf32, #tpu.memory_space<vmem>>[vector<16xi32>], vector<16xf32>, vector<16xi1>
      %lt3A_1980 = arith.constant 0 : i32
      %lt3A_1981 = vector.broadcast %lt3A_1980 : i32 to vector<16xi32>
      %lt3A_1982 = arith.cmpi slt, %broadcast_in_dim3A_9, %lt3A_1981 : vector<16xi32>
      %add3A_1983 = arith.constant 16 : i32
      %add3A_1984 = vector.broadcast %add3A_1983 : i32 to vector<16xi32>
      %add3A_1985 = arith.addi %broadcast_in_dim3A_9, %add3A_1984 : vector<16xi32>
      %select_n3A_1986 = arith.select %lt3A_1982, %add3A_1985, %broadcast_in_dim3A_9 : vector<16xi1>, vector<16xi32>
      %broadcast_in_dim3A_1987 = vector.shape_cast %select_n3A_1986 : vector<16xi32> to vector<16x1xi32>
      %gather3A_1988 = vector.shape_cast %broadcast_in_dim3A_1987 : vector<16x1xi32> to vector<16xi32>
      %gather3A_1989 = tpu.dynamic_gather %add3A_1971[%gather3A_1988] in [0] : vector<16xi32>, vector<16xi32> -> vector<16xi32>
      %add3A_1990 = arith.addi %add3A_1897, %gather3A_1989 : vector<16xi32>
      %add3A_1991 = arith.constant 304 : i32
      %add3A_1992 = arith.addi %mul3A_36, %add3A_1991 : i32
      %get3A_1993 = arith.constant 304 : index
      %get3A_1994 = tpu.vector_load %arg10[%get3A_1993] {strides = array<i32>} : memref<512xf32, #tpu.memory_space<vmem>>, vector<16xf32>,
      %le3A_1995 = arith.cmpf ole, %get3A_1994, %broadcast_in_dim3A_1 : vector<16xf32>
      %select_n3A_1996 = arith.select %le3A_1995, %broadcast_in_dim3A_5, %broadcast_in_dim3A_7 : vector<16xi1>, vector<16xi32>
      %broadcast_in_dim3A_1997 = arith.constant 1 : i32
      %broadcast_in_dim3A_1998 = vector.broadcast %broadcast_in_dim3A_1997 : i32 to vector<16xi32>
      %sub3A_1999 = arith.subi %iota3A, %broadcast_in_dim3A_1998 : vector<16xi32>
      %max3A_2000 = arith.maxsi %sub3A_1999, %broadcast_in_dim3A_7 : vector<16xi32>
      %lt3A_2001 = arith.constant 0 : i32
      %lt3A_2002 = vector.broadcast %lt3A_2001 : i32 to vector<16xi32>
      %lt3A_2003 = arith.cmpi slt, %max3A_2000, %lt3A_2002 : vector<16xi32>
      %add3A_2004 = arith.constant 16 : i32
      %add3A_2005 = vector.broadcast %add3A_2004 : i32 to vector<16xi32>
      %add3A_2006 = arith.addi %max3A_2000, %add3A_2005 : vector<16xi32>
      %select_n3A_2007 = arith.select %lt3A_2003, %add3A_2006, %max3A_2000 : vector<16xi1>, vector<16xi32>
      %broadcast_in_dim3A_2008 = vector.shape_cast %select_n3A_2007 : vector<16xi32> to vector<16x1xi32>
      %gather3A_2009 = vector.shape_cast %broadcast_in_dim3A_2008 : vector<16x1xi32> to vector<16xi32>
      %gather3A_2010 = tpu.dynamic_gather %select_n3A_1996[%gather3A_2009] in [0] : vector<16xi32>, vector<16xi32> -> vector<16xi32>
      %ge3A_2011 = arith.cmpi sge, %iota3A, %broadcast_in_dim3A_1998 : vector<16xi32>
      %select_n3A_2012 = arith.select %ge3A_2011, %gather3A_2010, %broadcast_in_dim3A_7 : vector<16xi1>, vector<16xi32>
      %add3A_2013 = arith.addi %select_n3A_1996, %select_n3A_2012 : vector<16xi32>
      %broadcast_in_dim3A_2014 = arith.constant 2 : i32
      %broadcast_in_dim3A_2015 = vector.broadcast %broadcast_in_dim3A_2014 : i32 to vector<16xi32>
      %sub3A_2016 = arith.subi %iota3A, %broadcast_in_dim3A_2015 : vector<16xi32>
      %max3A_2017 = arith.maxsi %sub3A_2016, %broadcast_in_dim3A_7 : vector<16xi32>
      %lt3A_2018 = arith.constant 0 : i32
      %lt3A_2019 = vector.broadcast %lt3A_2018 : i32 to vector<16xi32>
      %lt3A_2020 = arith.cmpi slt, %max3A_2017, %lt3A_2019 : vector<16xi32>
      %add3A_2021 = arith.constant 16 : i32
      %add3A_2022 = vector.broadcast %add3A_2021 : i32 to vector<16xi32>
      %add3A_2023 = arith.addi %max3A_2017, %add3A_2022 : vector<16xi32>
      %select_n3A_2024 = arith.select %lt3A_2020, %add3A_2023, %max3A_2017 : vector<16xi1>, vector<16xi32>
      %broadcast_in_dim3A_2025 = vector.shape_cast %select_n3A_2024 : vector<16xi32> to vector<16x1xi32>
      %gather3A_2026 = vector.shape_cast %broadcast_in_dim3A_2025 : vector<16x1xi32> to vector<16xi32>
      %gather3A_2027 = tpu.dynamic_gather %add3A_2013[%gather3A_2026] in [0] : vector<16xi32>, vector<16xi32> -> vector<16xi32>
      %ge3A_2028 = arith.cmpi sge, %iota3A, %broadcast_in_dim3A_2015 : vector<16xi32>
      %select_n3A_2029 = arith.select %ge3A_2028, %gather3A_2027, %broadcast_in_dim3A_7 : vector<16xi1>, vector<16xi32>
      %add3A_2030 = arith.addi %add3A_2013, %select_n3A_2029 : vector<16xi32>
      %broadcast_in_dim3A_2031 = arith.constant 4 : i32
      %broadcast_in_dim3A_2032 = vector.broadcast %broadcast_in_dim3A_2031 : i32 to vector<16xi32>
      %sub3A_2033 = arith.subi %iota3A, %broadcast_in_dim3A_2032 : vector<16xi32>
      %max3A_2034 = arith.maxsi %sub3A_2033, %broadcast_in_dim3A_7 : vector<16xi32>
      %lt3A_2035 = arith.constant 0 : i32
      %lt3A_2036 = vector.broadcast %lt3A_2035 : i32 to vector<16xi32>
      %lt3A_2037 = arith.cmpi slt, %max3A_2034, %lt3A_2036 : vector<16xi32>
      %add3A_2038 = arith.constant 16 : i32
      %add3A_2039 = vector.broadcast %add3A_2038 : i32 to vector<16xi32>
      %add3A_2040 = arith.addi %max3A_2034, %add3A_2039 : vector<16xi32>
      %select_n3A_2041 = arith.select %lt3A_2037, %add3A_2040, %max3A_2034 : vector<16xi1>, vector<16xi32>
      %broadcast_in_dim3A_2042 = vector.shape_cast %select_n3A_2041 : vector<16xi32> to vector<16x1xi32>
      %gather3A_2043 = vector.shape_cast %broadcast_in_dim3A_2042 : vector<16x1xi32> to vector<16xi32>
      %gather3A_2044 = tpu.dynamic_gather %add3A_2030[%gather3A_2043] in [0] : vector<16xi32>, vector<16xi32> -> vector<16xi32>
      %ge3A_2045 = arith.cmpi sge, %iota3A, %broadcast_in_dim3A_2032 : vector<16xi32>
      %select_n3A_2046 = arith.select %ge3A_2045, %gather3A_2044, %broadcast_in_dim3A_7 : vector<16xi1>, vector<16xi32>
      %add3A_2047 = arith.addi %add3A_2030, %select_n3A_2046 : vector<16xi32>
      %broadcast_in_dim3A_2048 = arith.constant 8 : i32
      %broadcast_in_dim3A_2049 = vector.broadcast %broadcast_in_dim3A_2048 : i32 to vector<16xi32>
      %sub3A_2050 = arith.subi %iota3A, %broadcast_in_dim3A_2049 : vector<16xi32>
      %max3A_2051 = arith.maxsi %sub3A_2050, %broadcast_in_dim3A_7 : vector<16xi32>
      %lt3A_2052 = arith.constant 0 : i32
      %lt3A_2053 = vector.broadcast %lt3A_2052 : i32 to vector<16xi32>
      %lt3A_2054 = arith.cmpi slt, %max3A_2051, %lt3A_2053 : vector<16xi32>
      %add3A_2055 = arith.constant 16 : i32
      %add3A_2056 = vector.broadcast %add3A_2055 : i32 to vector<16xi32>
      %add3A_2057 = arith.addi %max3A_2051, %add3A_2056 : vector<16xi32>
      %select_n3A_2058 = arith.select %lt3A_2054, %add3A_2057, %max3A_2051 : vector<16xi1>, vector<16xi32>
      %broadcast_in_dim3A_2059 = vector.shape_cast %select_n3A_2058 : vector<16xi32> to vector<16x1xi32>
      %gather3A_2060 = vector.shape_cast %broadcast_in_dim3A_2059 : vector<16x1xi32> to vector<16xi32>
      %gather3A_2061 = tpu.dynamic_gather %add3A_2047[%gather3A_2060] in [0] : vector<16xi32>, vector<16xi32> -> vector<16xi32>
      %ge3A_2062 = arith.cmpi sge, %iota3A, %broadcast_in_dim3A_2049 : vector<16xi32>
      %select_n3A_2063 = arith.select %ge3A_2062, %gather3A_2061, %broadcast_in_dim3A_7 : vector<16xi1>, vector<16xi32>
      %add3A_2064 = arith.addi %add3A_2047, %select_n3A_2063 : vector<16xi32>
      %add3A_2065 = arith.addi %add3A_1990, %add3A_2064 : vector<16xi32>
      %sub3A_2066 = arith.subi %add3A_2065, %broadcast_in_dim3A_5 : vector<16xi32>
      %get3A_2067 = arith.index_cast %add3A_1992 : i32 to index
      %get3A_2068 = tpu.vector_load %arg11[%get3A_2067] {strides = array<i32>} : memref<1024xf32, #tpu.memory_space<vmem>>, vector<16xf32>,
      tpu.vector_store_idx %arg14[%sub3A_2066], %get3A_2068 masked %le3A_1995 : memref<512xf32, #tpu.memory_space<vmem>>[vector<16xi32>], vector<16xf32>, vector<16xi1>
      %get3A_2069 = arith.index_cast %add3A_1992 : i32 to index
      %get3A_2070 = tpu.vector_load %arg12[%get3A_2069] {strides = array<i32>} : memref<1024xf32, #tpu.memory_space<vmem>>, vector<16xf32>,
      tpu.vector_store_idx %arg15[%sub3A_2066], %get3A_2070 masked %le3A_1995 : memref<512xf32, #tpu.memory_space<vmem>>[vector<16xi32>], vector<16xf32>, vector<16xi1>
      %get3A_2071 = arith.index_cast %add3A_1992 : i32 to index
      %get3A_2072 = tpu.vector_load %arg13[%get3A_2071] {strides = array<i32>} : memref<1024xf32, #tpu.memory_space<vmem>>, vector<16xf32>,
      tpu.vector_store_idx %arg16[%sub3A_2066], %get3A_2072 masked %le3A_1995 : memref<512xf32, #tpu.memory_space<vmem>>[vector<16xi32>], vector<16xf32>, vector<16xi1>
      %lt3A_2073 = arith.constant 0 : i32
      %lt3A_2074 = vector.broadcast %lt3A_2073 : i32 to vector<16xi32>
      %lt3A_2075 = arith.cmpi slt, %broadcast_in_dim3A_9, %lt3A_2074 : vector<16xi32>
      %add3A_2076 = arith.constant 16 : i32
      %add3A_2077 = vector.broadcast %add3A_2076 : i32 to vector<16xi32>
      %add3A_2078 = arith.addi %broadcast_in_dim3A_9, %add3A_2077 : vector<16xi32>
      %select_n3A_2079 = arith.select %lt3A_2075, %add3A_2078, %broadcast_in_dim3A_9 : vector<16xi1>, vector<16xi32>
      %broadcast_in_dim3A_2080 = vector.shape_cast %select_n3A_2079 : vector<16xi32> to vector<16x1xi32>
      %gather3A_2081 = vector.shape_cast %broadcast_in_dim3A_2080 : vector<16x1xi32> to vector<16xi32>
      %gather3A_2082 = tpu.dynamic_gather %add3A_2064[%gather3A_2081] in [0] : vector<16xi32>, vector<16xi32> -> vector<16xi32>
      %add3A_2083 = arith.addi %add3A_1990, %gather3A_2082 : vector<16xi32>
      %add3A_2084 = arith.constant 320 : i32
      %add3A_2085 = arith.addi %mul3A_36, %add3A_2084 : i32
      %get3A_2086 = arith.constant 320 : index
      %get3A_2087 = tpu.vector_load %arg10[%get3A_2086] {strides = array<i32>} : memref<512xf32, #tpu.memory_space<vmem>>, vector<16xf32>,
      %le3A_2088 = arith.cmpf ole, %get3A_2087, %broadcast_in_dim3A_1 : vector<16xf32>
      %select_n3A_2089 = arith.select %le3A_2088, %broadcast_in_dim3A_5, %broadcast_in_dim3A_7 : vector<16xi1>, vector<16xi32>
      %broadcast_in_dim3A_2090 = arith.constant 1 : i32
      %broadcast_in_dim3A_2091 = vector.broadcast %broadcast_in_dim3A_2090 : i32 to vector<16xi32>
      %sub3A_2092 = arith.subi %iota3A, %broadcast_in_dim3A_2091 : vector<16xi32>
      %max3A_2093 = arith.maxsi %sub3A_2092, %broadcast_in_dim3A_7 : vector<16xi32>
      %lt3A_2094 = arith.constant 0 : i32
      %lt3A_2095 = vector.broadcast %lt3A_2094 : i32 to vector<16xi32>
      %lt3A_2096 = arith.cmpi slt, %max3A_2093, %lt3A_2095 : vector<16xi32>
      %add3A_2097 = arith.constant 16 : i32
      %add3A_2098 = vector.broadcast %add3A_2097 : i32 to vector<16xi32>
      %add3A_2099 = arith.addi %max3A_2093, %add3A_2098 : vector<16xi32>
      %select_n3A_2100 = arith.select %lt3A_2096, %add3A_2099, %max3A_2093 : vector<16xi1>, vector<16xi32>
      %broadcast_in_dim3A_2101 = vector.shape_cast %select_n3A_2100 : vector<16xi32> to vector<16x1xi32>
      %gather3A_2102 = vector.shape_cast %broadcast_in_dim3A_2101 : vector<16x1xi32> to vector<16xi32>
      %gather3A_2103 = tpu.dynamic_gather %select_n3A_2089[%gather3A_2102] in [0] : vector<16xi32>, vector<16xi32> -> vector<16xi32>
      %ge3A_2104 = arith.cmpi sge, %iota3A, %broadcast_in_dim3A_2091 : vector<16xi32>
      %select_n3A_2105 = arith.select %ge3A_2104, %gather3A_2103, %broadcast_in_dim3A_7 : vector<16xi1>, vector<16xi32>
      %add3A_2106 = arith.addi %select_n3A_2089, %select_n3A_2105 : vector<16xi32>
      %broadcast_in_dim3A_2107 = arith.constant 2 : i32
      %broadcast_in_dim3A_2108 = vector.broadcast %broadcast_in_dim3A_2107 : i32 to vector<16xi32>
      %sub3A_2109 = arith.subi %iota3A, %broadcast_in_dim3A_2108 : vector<16xi32>
      %max3A_2110 = arith.maxsi %sub3A_2109, %broadcast_in_dim3A_7 : vector<16xi32>
      %lt3A_2111 = arith.constant 0 : i32
      %lt3A_2112 = vector.broadcast %lt3A_2111 : i32 to vector<16xi32>
      %lt3A_2113 = arith.cmpi slt, %max3A_2110, %lt3A_2112 : vector<16xi32>
      %add3A_2114 = arith.constant 16 : i32
      %add3A_2115 = vector.broadcast %add3A_2114 : i32 to vector<16xi32>
      %add3A_2116 = arith.addi %max3A_2110, %add3A_2115 : vector<16xi32>
      %select_n3A_2117 = arith.select %lt3A_2113, %add3A_2116, %max3A_2110 : vector<16xi1>, vector<16xi32>
      %broadcast_in_dim3A_2118 = vector.shape_cast %select_n3A_2117 : vector<16xi32> to vector<16x1xi32>
      %gather3A_2119 = vector.shape_cast %broadcast_in_dim3A_2118 : vector<16x1xi32> to vector<16xi32>
      %gather3A_2120 = tpu.dynamic_gather %add3A_2106[%gather3A_2119] in [0] : vector<16xi32>, vector<16xi32> -> vector<16xi32>
      %ge3A_2121 = arith.cmpi sge, %iota3A, %broadcast_in_dim3A_2108 : vector<16xi32>
      %select_n3A_2122 = arith.select %ge3A_2121, %gather3A_2120, %broadcast_in_dim3A_7 : vector<16xi1>, vector<16xi32>
      %add3A_2123 = arith.addi %add3A_2106, %select_n3A_2122 : vector<16xi32>
      %broadcast_in_dim3A_2124 = arith.constant 4 : i32
      %broadcast_in_dim3A_2125 = vector.broadcast %broadcast_in_dim3A_2124 : i32 to vector<16xi32>
      %sub3A_2126 = arith.subi %iota3A, %broadcast_in_dim3A_2125 : vector<16xi32>
      %max3A_2127 = arith.maxsi %sub3A_2126, %broadcast_in_dim3A_7 : vector<16xi32>
      %lt3A_2128 = arith.constant 0 : i32
      %lt3A_2129 = vector.broadcast %lt3A_2128 : i32 to vector<16xi32>
      %lt3A_2130 = arith.cmpi slt, %max3A_2127, %lt3A_2129 : vector<16xi32>
      %add3A_2131 = arith.constant 16 : i32
      %add3A_2132 = vector.broadcast %add3A_2131 : i32 to vector<16xi32>
      %add3A_2133 = arith.addi %max3A_2127, %add3A_2132 : vector<16xi32>
      %select_n3A_2134 = arith.select %lt3A_2130, %add3A_2133, %max3A_2127 : vector<16xi1>, vector<16xi32>
      %broadcast_in_dim3A_2135 = vector.shape_cast %select_n3A_2134 : vector<16xi32> to vector<16x1xi32>
      %gather3A_2136 = vector.shape_cast %broadcast_in_dim3A_2135 : vector<16x1xi32> to vector<16xi32>
      %gather3A_2137 = tpu.dynamic_gather %add3A_2123[%gather3A_2136] in [0] : vector<16xi32>, vector<16xi32> -> vector<16xi32>
      %ge3A_2138 = arith.cmpi sge, %iota3A, %broadcast_in_dim3A_2125 : vector<16xi32>
      %select_n3A_2139 = arith.select %ge3A_2138, %gather3A_2137, %broadcast_in_dim3A_7 : vector<16xi1>, vector<16xi32>
      %add3A_2140 = arith.addi %add3A_2123, %select_n3A_2139 : vector<16xi32>
      %broadcast_in_dim3A_2141 = arith.constant 8 : i32
      %broadcast_in_dim3A_2142 = vector.broadcast %broadcast_in_dim3A_2141 : i32 to vector<16xi32>
      %sub3A_2143 = arith.subi %iota3A, %broadcast_in_dim3A_2142 : vector<16xi32>
      %max3A_2144 = arith.maxsi %sub3A_2143, %broadcast_in_dim3A_7 : vector<16xi32>
      %lt3A_2145 = arith.constant 0 : i32
      %lt3A_2146 = vector.broadcast %lt3A_2145 : i32 to vector<16xi32>
      %lt3A_2147 = arith.cmpi slt, %max3A_2144, %lt3A_2146 : vector<16xi32>
      %add3A_2148 = arith.constant 16 : i32
      %add3A_2149 = vector.broadcast %add3A_2148 : i32 to vector<16xi32>
      %add3A_2150 = arith.addi %max3A_2144, %add3A_2149 : vector<16xi32>
      %select_n3A_2151 = arith.select %lt3A_2147, %add3A_2150, %max3A_2144 : vector<16xi1>, vector<16xi32>
      %broadcast_in_dim3A_2152 = vector.shape_cast %select_n3A_2151 : vector<16xi32> to vector<16x1xi32>
      %gather3A_2153 = vector.shape_cast %broadcast_in_dim3A_2152 : vector<16x1xi32> to vector<16xi32>
      %gather3A_2154 = tpu.dynamic_gather %add3A_2140[%gather3A_2153] in [0] : vector<16xi32>, vector<16xi32> -> vector<16xi32>
      %ge3A_2155 = arith.cmpi sge, %iota3A, %broadcast_in_dim3A_2142 : vector<16xi32>
      %select_n3A_2156 = arith.select %ge3A_2155, %gather3A_2154, %broadcast_in_dim3A_7 : vector<16xi1>, vector<16xi32>
      %add3A_2157 = arith.addi %add3A_2140, %select_n3A_2156 : vector<16xi32>
      %add3A_2158 = arith.addi %add3A_2083, %add3A_2157 : vector<16xi32>
      %sub3A_2159 = arith.subi %add3A_2158, %broadcast_in_dim3A_5 : vector<16xi32>
      %get3A_2160 = arith.index_cast %add3A_2085 : i32 to index
      %get3A_2161 = tpu.vector_load %arg11[%get3A_2160] {strides = array<i32>} : memref<1024xf32, #tpu.memory_space<vmem>>, vector<16xf32>,
      tpu.vector_store_idx %arg14[%sub3A_2159], %get3A_2161 masked %le3A_2088 : memref<512xf32, #tpu.memory_space<vmem>>[vector<16xi32>], vector<16xf32>, vector<16xi1>
      %get3A_2162 = arith.index_cast %add3A_2085 : i32 to index
      %get3A_2163 = tpu.vector_load %arg12[%get3A_2162] {strides = array<i32>} : memref<1024xf32, #tpu.memory_space<vmem>>, vector<16xf32>,
      tpu.vector_store_idx %arg15[%sub3A_2159], %get3A_2163 masked %le3A_2088 : memref<512xf32, #tpu.memory_space<vmem>>[vector<16xi32>], vector<16xf32>, vector<16xi1>
      %get3A_2164 = arith.index_cast %add3A_2085 : i32 to index
      %get3A_2165 = tpu.vector_load %arg13[%get3A_2164] {strides = array<i32>} : memref<1024xf32, #tpu.memory_space<vmem>>, vector<16xf32>,
      tpu.vector_store_idx %arg16[%sub3A_2159], %get3A_2165 masked %le3A_2088 : memref<512xf32, #tpu.memory_space<vmem>>[vector<16xi32>], vector<16xf32>, vector<16xi1>
      %lt3A_2166 = arith.constant 0 : i32
      %lt3A_2167 = vector.broadcast %lt3A_2166 : i32 to vector<16xi32>
      %lt3A_2168 = arith.cmpi slt, %broadcast_in_dim3A_9, %lt3A_2167 : vector<16xi32>
      %add3A_2169 = arith.constant 16 : i32
      %add3A_2170 = vector.broadcast %add3A_2169 : i32 to vector<16xi32>
      %add3A_2171 = arith.addi %broadcast_in_dim3A_9, %add3A_2170 : vector<16xi32>
      %select_n3A_2172 = arith.select %lt3A_2168, %add3A_2171, %broadcast_in_dim3A_9 : vector<16xi1>, vector<16xi32>
      %broadcast_in_dim3A_2173 = vector.shape_cast %select_n3A_2172 : vector<16xi32> to vector<16x1xi32>
      %gather3A_2174 = vector.shape_cast %broadcast_in_dim3A_2173 : vector<16x1xi32> to vector<16xi32>
      %gather3A_2175 = tpu.dynamic_gather %add3A_2157[%gather3A_2174] in [0] : vector<16xi32>, vector<16xi32> -> vector<16xi32>
      %add3A_2176 = arith.addi %add3A_2083, %gather3A_2175 : vector<16xi32>
      %add3A_2177 = arith.constant 336 : i32
      %add3A_2178 = arith.addi %mul3A_36, %add3A_2177 : i32
      %get3A_2179 = arith.constant 336 : index
      %get3A_2180 = tpu.vector_load %arg10[%get3A_2179] {strides = array<i32>} : memref<512xf32, #tpu.memory_space<vmem>>, vector<16xf32>,
      %le3A_2181 = arith.cmpf ole, %get3A_2180, %broadcast_in_dim3A_1 : vector<16xf32>
      %select_n3A_2182 = arith.select %le3A_2181, %broadcast_in_dim3A_5, %broadcast_in_dim3A_7 : vector<16xi1>, vector<16xi32>
      %broadcast_in_dim3A_2183 = arith.constant 1 : i32
      %broadcast_in_dim3A_2184 = vector.broadcast %broadcast_in_dim3A_2183 : i32 to vector<16xi32>
      %sub3A_2185 = arith.subi %iota3A, %broadcast_in_dim3A_2184 : vector<16xi32>
      %max3A_2186 = arith.maxsi %sub3A_2185, %broadcast_in_dim3A_7 : vector<16xi32>
      %lt3A_2187 = arith.constant 0 : i32
      %lt3A_2188 = vector.broadcast %lt3A_2187 : i32 to vector<16xi32>
      %lt3A_2189 = arith.cmpi slt, %max3A_2186, %lt3A_2188 : vector<16xi32>
      %add3A_2190 = arith.constant 16 : i32
      %add3A_2191 = vector.broadcast %add3A_2190 : i32 to vector<16xi32>
      %add3A_2192 = arith.addi %max3A_2186, %add3A_2191 : vector<16xi32>
      %select_n3A_2193 = arith.select %lt3A_2189, %add3A_2192, %max3A_2186 : vector<16xi1>, vector<16xi32>
      %broadcast_in_dim3A_2194 = vector.shape_cast %select_n3A_2193 : vector<16xi32> to vector<16x1xi32>
      %gather3A_2195 = vector.shape_cast %broadcast_in_dim3A_2194 : vector<16x1xi32> to vector<16xi32>
      %gather3A_2196 = tpu.dynamic_gather %select_n3A_2182[%gather3A_2195] in [0] : vector<16xi32>, vector<16xi32> -> vector<16xi32>
      %ge3A_2197 = arith.cmpi sge, %iota3A, %broadcast_in_dim3A_2184 : vector<16xi32>
      %select_n3A_2198 = arith.select %ge3A_2197, %gather3A_2196, %broadcast_in_dim3A_7 : vector<16xi1>, vector<16xi32>
      %add3A_2199 = arith.addi %select_n3A_2182, %select_n3A_2198 : vector<16xi32>
      %broadcast_in_dim3A_2200 = arith.constant 2 : i32
      %broadcast_in_dim3A_2201 = vector.broadcast %broadcast_in_dim3A_2200 : i32 to vector<16xi32>
      %sub3A_2202 = arith.subi %iota3A, %broadcast_in_dim3A_2201 : vector<16xi32>
      %max3A_2203 = arith.maxsi %sub3A_2202, %broadcast_in_dim3A_7 : vector<16xi32>
      %lt3A_2204 = arith.constant 0 : i32
      %lt3A_2205 = vector.broadcast %lt3A_2204 : i32 to vector<16xi32>
      %lt3A_2206 = arith.cmpi slt, %max3A_2203, %lt3A_2205 : vector<16xi32>
      %add3A_2207 = arith.constant 16 : i32
      %add3A_2208 = vector.broadcast %add3A_2207 : i32 to vector<16xi32>
      %add3A_2209 = arith.addi %max3A_2203, %add3A_2208 : vector<16xi32>
      %select_n3A_2210 = arith.select %lt3A_2206, %add3A_2209, %max3A_2203 : vector<16xi1>, vector<16xi32>
      %broadcast_in_dim3A_2211 = vector.shape_cast %select_n3A_2210 : vector<16xi32> to vector<16x1xi32>
      %gather3A_2212 = vector.shape_cast %broadcast_in_dim3A_2211 : vector<16x1xi32> to vector<16xi32>
      %gather3A_2213 = tpu.dynamic_gather %add3A_2199[%gather3A_2212] in [0] : vector<16xi32>, vector<16xi32> -> vector<16xi32>
      %ge3A_2214 = arith.cmpi sge, %iota3A, %broadcast_in_dim3A_2201 : vector<16xi32>
      %select_n3A_2215 = arith.select %ge3A_2214, %gather3A_2213, %broadcast_in_dim3A_7 : vector<16xi1>, vector<16xi32>
      %add3A_2216 = arith.addi %add3A_2199, %select_n3A_2215 : vector<16xi32>
      %broadcast_in_dim3A_2217 = arith.constant 4 : i32
      %broadcast_in_dim3A_2218 = vector.broadcast %broadcast_in_dim3A_2217 : i32 to vector<16xi32>
      %sub3A_2219 = arith.subi %iota3A, %broadcast_in_dim3A_2218 : vector<16xi32>
      %max3A_2220 = arith.maxsi %sub3A_2219, %broadcast_in_dim3A_7 : vector<16xi32>
      %lt3A_2221 = arith.constant 0 : i32
      %lt3A_2222 = vector.broadcast %lt3A_2221 : i32 to vector<16xi32>
      %lt3A_2223 = arith.cmpi slt, %max3A_2220, %lt3A_2222 : vector<16xi32>
      %add3A_2224 = arith.constant 16 : i32
      %add3A_2225 = vector.broadcast %add3A_2224 : i32 to vector<16xi32>
      %add3A_2226 = arith.addi %max3A_2220, %add3A_2225 : vector<16xi32>
      %select_n3A_2227 = arith.select %lt3A_2223, %add3A_2226, %max3A_2220 : vector<16xi1>, vector<16xi32>
      %broadcast_in_dim3A_2228 = vector.shape_cast %select_n3A_2227 : vector<16xi32> to vector<16x1xi32>
      %gather3A_2229 = vector.shape_cast %broadcast_in_dim3A_2228 : vector<16x1xi32> to vector<16xi32>
      %gather3A_2230 = tpu.dynamic_gather %add3A_2216[%gather3A_2229] in [0] : vector<16xi32>, vector<16xi32> -> vector<16xi32>
      %ge3A_2231 = arith.cmpi sge, %iota3A, %broadcast_in_dim3A_2218 : vector<16xi32>
      %select_n3A_2232 = arith.select %ge3A_2231, %gather3A_2230, %broadcast_in_dim3A_7 : vector<16xi1>, vector<16xi32>
      %add3A_2233 = arith.addi %add3A_2216, %select_n3A_2232 : vector<16xi32>
      %broadcast_in_dim3A_2234 = arith.constant 8 : i32
      %broadcast_in_dim3A_2235 = vector.broadcast %broadcast_in_dim3A_2234 : i32 to vector<16xi32>
      %sub3A_2236 = arith.subi %iota3A, %broadcast_in_dim3A_2235 : vector<16xi32>
      %max3A_2237 = arith.maxsi %sub3A_2236, %broadcast_in_dim3A_7 : vector<16xi32>
      %lt3A_2238 = arith.constant 0 : i32
      %lt3A_2239 = vector.broadcast %lt3A_2238 : i32 to vector<16xi32>
      %lt3A_2240 = arith.cmpi slt, %max3A_2237, %lt3A_2239 : vector<16xi32>
      %add3A_2241 = arith.constant 16 : i32
      %add3A_2242 = vector.broadcast %add3A_2241 : i32 to vector<16xi32>
      %add3A_2243 = arith.addi %max3A_2237, %add3A_2242 : vector<16xi32>
      %select_n3A_2244 = arith.select %lt3A_2240, %add3A_2243, %max3A_2237 : vector<16xi1>, vector<16xi32>
      %broadcast_in_dim3A_2245 = vector.shape_cast %select_n3A_2244 : vector<16xi32> to vector<16x1xi32>
      %gather3A_2246 = vector.shape_cast %broadcast_in_dim3A_2245 : vector<16x1xi32> to vector<16xi32>
      %gather3A_2247 = tpu.dynamic_gather %add3A_2233[%gather3A_2246] in [0] : vector<16xi32>, vector<16xi32> -> vector<16xi32>
      %ge3A_2248 = arith.cmpi sge, %iota3A, %broadcast_in_dim3A_2235 : vector<16xi32>
      %select_n3A_2249 = arith.select %ge3A_2248, %gather3A_2247, %broadcast_in_dim3A_7 : vector<16xi1>, vector<16xi32>
      %add3A_2250 = arith.addi %add3A_2233, %select_n3A_2249 : vector<16xi32>
      %add3A_2251 = arith.addi %add3A_2176, %add3A_2250 : vector<16xi32>
      %sub3A_2252 = arith.subi %add3A_2251, %broadcast_in_dim3A_5 : vector<16xi32>
      %get3A_2253 = arith.index_cast %add3A_2178 : i32 to index
      %get3A_2254 = tpu.vector_load %arg11[%get3A_2253] {strides = array<i32>} : memref<1024xf32, #tpu.memory_space<vmem>>, vector<16xf32>,
      tpu.vector_store_idx %arg14[%sub3A_2252], %get3A_2254 masked %le3A_2181 : memref<512xf32, #tpu.memory_space<vmem>>[vector<16xi32>], vector<16xf32>, vector<16xi1>
      %get3A_2255 = arith.index_cast %add3A_2178 : i32 to index
      %get3A_2256 = tpu.vector_load %arg12[%get3A_2255] {strides = array<i32>} : memref<1024xf32, #tpu.memory_space<vmem>>, vector<16xf32>,
      tpu.vector_store_idx %arg15[%sub3A_2252], %get3A_2256 masked %le3A_2181 : memref<512xf32, #tpu.memory_space<vmem>>[vector<16xi32>], vector<16xf32>, vector<16xi1>
      %get3A_2257 = arith.index_cast %add3A_2178 : i32 to index
      %get3A_2258 = tpu.vector_load %arg13[%get3A_2257] {strides = array<i32>} : memref<1024xf32, #tpu.memory_space<vmem>>, vector<16xf32>,
      tpu.vector_store_idx %arg16[%sub3A_2252], %get3A_2258 masked %le3A_2181 : memref<512xf32, #tpu.memory_space<vmem>>[vector<16xi32>], vector<16xf32>, vector<16xi1>
      %lt3A_2259 = arith.constant 0 : i32
      %lt3A_2260 = vector.broadcast %lt3A_2259 : i32 to vector<16xi32>
      %lt3A_2261 = arith.cmpi slt, %broadcast_in_dim3A_9, %lt3A_2260 : vector<16xi32>
      %add3A_2262 = arith.constant 16 : i32
      %add3A_2263 = vector.broadcast %add3A_2262 : i32 to vector<16xi32>
      %add3A_2264 = arith.addi %broadcast_in_dim3A_9, %add3A_2263 : vector<16xi32>
      %select_n3A_2265 = arith.select %lt3A_2261, %add3A_2264, %broadcast_in_dim3A_9 : vector<16xi1>, vector<16xi32>
      %broadcast_in_dim3A_2266 = vector.shape_cast %select_n3A_2265 : vector<16xi32> to vector<16x1xi32>
      %gather3A_2267 = vector.shape_cast %broadcast_in_dim3A_2266 : vector<16x1xi32> to vector<16xi32>
      %gather3A_2268 = tpu.dynamic_gather %add3A_2250[%gather3A_2267] in [0] : vector<16xi32>, vector<16xi32> -> vector<16xi32>
      %add3A_2269 = arith.addi %add3A_2176, %gather3A_2268 : vector<16xi32>
      %add3A_2270 = arith.constant 352 : i32
      %add3A_2271 = arith.addi %mul3A_36, %add3A_2270 : i32
      %get3A_2272 = arith.constant 352 : index
      %get3A_2273 = tpu.vector_load %arg10[%get3A_2272] {strides = array<i32>} : memref<512xf32, #tpu.memory_space<vmem>>, vector<16xf32>,
      %le3A_2274 = arith.cmpf ole, %get3A_2273, %broadcast_in_dim3A_1 : vector<16xf32>
      %select_n3A_2275 = arith.select %le3A_2274, %broadcast_in_dim3A_5, %broadcast_in_dim3A_7 : vector<16xi1>, vector<16xi32>
      %broadcast_in_dim3A_2276 = arith.constant 1 : i32
      %broadcast_in_dim3A_2277 = vector.broadcast %broadcast_in_dim3A_2276 : i32 to vector<16xi32>
      %sub3A_2278 = arith.subi %iota3A, %broadcast_in_dim3A_2277 : vector<16xi32>
      %max3A_2279 = arith.maxsi %sub3A_2278, %broadcast_in_dim3A_7 : vector<16xi32>
      %lt3A_2280 = arith.constant 0 : i32
      %lt3A_2281 = vector.broadcast %lt3A_2280 : i32 to vector<16xi32>
      %lt3A_2282 = arith.cmpi slt, %max3A_2279, %lt3A_2281 : vector<16xi32>
      %add3A_2283 = arith.constant 16 : i32
      %add3A_2284 = vector.broadcast %add3A_2283 : i32 to vector<16xi32>
      %add3A_2285 = arith.addi %max3A_2279, %add3A_2284 : vector<16xi32>
      %select_n3A_2286 = arith.select %lt3A_2282, %add3A_2285, %max3A_2279 : vector<16xi1>, vector<16xi32>
      %broadcast_in_dim3A_2287 = vector.shape_cast %select_n3A_2286 : vector<16xi32> to vector<16x1xi32>
      %gather3A_2288 = vector.shape_cast %broadcast_in_dim3A_2287 : vector<16x1xi32> to vector<16xi32>
      %gather3A_2289 = tpu.dynamic_gather %select_n3A_2275[%gather3A_2288] in [0] : vector<16xi32>, vector<16xi32> -> vector<16xi32>
      %ge3A_2290 = arith.cmpi sge, %iota3A, %broadcast_in_dim3A_2277 : vector<16xi32>
      %select_n3A_2291 = arith.select %ge3A_2290, %gather3A_2289, %broadcast_in_dim3A_7 : vector<16xi1>, vector<16xi32>
      %add3A_2292 = arith.addi %select_n3A_2275, %select_n3A_2291 : vector<16xi32>
      %broadcast_in_dim3A_2293 = arith.constant 2 : i32
      %broadcast_in_dim3A_2294 = vector.broadcast %broadcast_in_dim3A_2293 : i32 to vector<16xi32>
      %sub3A_2295 = arith.subi %iota3A, %broadcast_in_dim3A_2294 : vector<16xi32>
      %max3A_2296 = arith.maxsi %sub3A_2295, %broadcast_in_dim3A_7 : vector<16xi32>
      %lt3A_2297 = arith.constant 0 : i32
      %lt3A_2298 = vector.broadcast %lt3A_2297 : i32 to vector<16xi32>
      %lt3A_2299 = arith.cmpi slt, %max3A_2296, %lt3A_2298 : vector<16xi32>
      %add3A_2300 = arith.constant 16 : i32
      %add3A_2301 = vector.broadcast %add3A_2300 : i32 to vector<16xi32>
      %add3A_2302 = arith.addi %max3A_2296, %add3A_2301 : vector<16xi32>
      %select_n3A_2303 = arith.select %lt3A_2299, %add3A_2302, %max3A_2296 : vector<16xi1>, vector<16xi32>
      %broadcast_in_dim3A_2304 = vector.shape_cast %select_n3A_2303 : vector<16xi32> to vector<16x1xi32>
      %gather3A_2305 = vector.shape_cast %broadcast_in_dim3A_2304 : vector<16x1xi32> to vector<16xi32>
      %gather3A_2306 = tpu.dynamic_gather %add3A_2292[%gather3A_2305] in [0] : vector<16xi32>, vector<16xi32> -> vector<16xi32>
      %ge3A_2307 = arith.cmpi sge, %iota3A, %broadcast_in_dim3A_2294 : vector<16xi32>
      %select_n3A_2308 = arith.select %ge3A_2307, %gather3A_2306, %broadcast_in_dim3A_7 : vector<16xi1>, vector<16xi32>
      %add3A_2309 = arith.addi %add3A_2292, %select_n3A_2308 : vector<16xi32>
      %broadcast_in_dim3A_2310 = arith.constant 4 : i32
      %broadcast_in_dim3A_2311 = vector.broadcast %broadcast_in_dim3A_2310 : i32 to vector<16xi32>
      %sub3A_2312 = arith.subi %iota3A, %broadcast_in_dim3A_2311 : vector<16xi32>
      %max3A_2313 = arith.maxsi %sub3A_2312, %broadcast_in_dim3A_7 : vector<16xi32>
      %lt3A_2314 = arith.constant 0 : i32
      %lt3A_2315 = vector.broadcast %lt3A_2314 : i32 to vector<16xi32>
      %lt3A_2316 = arith.cmpi slt, %max3A_2313, %lt3A_2315 : vector<16xi32>
      %add3A_2317 = arith.constant 16 : i32
      %add3A_2318 = vector.broadcast %add3A_2317 : i32 to vector<16xi32>
      %add3A_2319 = arith.addi %max3A_2313, %add3A_2318 : vector<16xi32>
      %select_n3A_2320 = arith.select %lt3A_2316, %add3A_2319, %max3A_2313 : vector<16xi1>, vector<16xi32>
      %broadcast_in_dim3A_2321 = vector.shape_cast %select_n3A_2320 : vector<16xi32> to vector<16x1xi32>
      %gather3A_2322 = vector.shape_cast %broadcast_in_dim3A_2321 : vector<16x1xi32> to vector<16xi32>
      %gather3A_2323 = tpu.dynamic_gather %add3A_2309[%gather3A_2322] in [0] : vector<16xi32>, vector<16xi32> -> vector<16xi32>
      %ge3A_2324 = arith.cmpi sge, %iota3A, %broadcast_in_dim3A_2311 : vector<16xi32>
      %select_n3A_2325 = arith.select %ge3A_2324, %gather3A_2323, %broadcast_in_dim3A_7 : vector<16xi1>, vector<16xi32>
      %add3A_2326 = arith.addi %add3A_2309, %select_n3A_2325 : vector<16xi32>
      %broadcast_in_dim3A_2327 = arith.constant 8 : i32
      %broadcast_in_dim3A_2328 = vector.broadcast %broadcast_in_dim3A_2327 : i32 to vector<16xi32>
      %sub3A_2329 = arith.subi %iota3A, %broadcast_in_dim3A_2328 : vector<16xi32>
      %max3A_2330 = arith.maxsi %sub3A_2329, %broadcast_in_dim3A_7 : vector<16xi32>
      %lt3A_2331 = arith.constant 0 : i32
      %lt3A_2332 = vector.broadcast %lt3A_2331 : i32 to vector<16xi32>
      %lt3A_2333 = arith.cmpi slt, %max3A_2330, %lt3A_2332 : vector<16xi32>
      %add3A_2334 = arith.constant 16 : i32
      %add3A_2335 = vector.broadcast %add3A_2334 : i32 to vector<16xi32>
      %add3A_2336 = arith.addi %max3A_2330, %add3A_2335 : vector<16xi32>
      %select_n3A_2337 = arith.select %lt3A_2333, %add3A_2336, %max3A_2330 : vector<16xi1>, vector<16xi32>
      %broadcast_in_dim3A_2338 = vector.shape_cast %select_n3A_2337 : vector<16xi32> to vector<16x1xi32>
      %gather3A_2339 = vector.shape_cast %broadcast_in_dim3A_2338 : vector<16x1xi32> to vector<16xi32>
      %gather3A_2340 = tpu.dynamic_gather %add3A_2326[%gather3A_2339] in [0] : vector<16xi32>, vector<16xi32> -> vector<16xi32>
      %ge3A_2341 = arith.cmpi sge, %iota3A, %broadcast_in_dim3A_2328 : vector<16xi32>
      %select_n3A_2342 = arith.select %ge3A_2341, %gather3A_2340, %broadcast_in_dim3A_7 : vector<16xi1>, vector<16xi32>
      %add3A_2343 = arith.addi %add3A_2326, %select_n3A_2342 : vector<16xi32>
      %add3A_2344 = arith.addi %add3A_2269, %add3A_2343 : vector<16xi32>
      %sub3A_2345 = arith.subi %add3A_2344, %broadcast_in_dim3A_5 : vector<16xi32>
      %get3A_2346 = arith.index_cast %add3A_2271 : i32 to index
      %get3A_2347 = tpu.vector_load %arg11[%get3A_2346] {strides = array<i32>} : memref<1024xf32, #tpu.memory_space<vmem>>, vector<16xf32>,
      tpu.vector_store_idx %arg14[%sub3A_2345], %get3A_2347 masked %le3A_2274 : memref<512xf32, #tpu.memory_space<vmem>>[vector<16xi32>], vector<16xf32>, vector<16xi1>
      %get3A_2348 = arith.index_cast %add3A_2271 : i32 to index
      %get3A_2349 = tpu.vector_load %arg12[%get3A_2348] {strides = array<i32>} : memref<1024xf32, #tpu.memory_space<vmem>>, vector<16xf32>,
      tpu.vector_store_idx %arg15[%sub3A_2345], %get3A_2349 masked %le3A_2274 : memref<512xf32, #tpu.memory_space<vmem>>[vector<16xi32>], vector<16xf32>, vector<16xi1>
      %get3A_2350 = arith.index_cast %add3A_2271 : i32 to index
      %get3A_2351 = tpu.vector_load %arg13[%get3A_2350] {strides = array<i32>} : memref<1024xf32, #tpu.memory_space<vmem>>, vector<16xf32>,
      tpu.vector_store_idx %arg16[%sub3A_2345], %get3A_2351 masked %le3A_2274 : memref<512xf32, #tpu.memory_space<vmem>>[vector<16xi32>], vector<16xf32>, vector<16xi1>
      %lt3A_2352 = arith.constant 0 : i32
      %lt3A_2353 = vector.broadcast %lt3A_2352 : i32 to vector<16xi32>
      %lt3A_2354 = arith.cmpi slt, %broadcast_in_dim3A_9, %lt3A_2353 : vector<16xi32>
      %add3A_2355 = arith.constant 16 : i32
      %add3A_2356 = vector.broadcast %add3A_2355 : i32 to vector<16xi32>
      %add3A_2357 = arith.addi %broadcast_in_dim3A_9, %add3A_2356 : vector<16xi32>
      %select_n3A_2358 = arith.select %lt3A_2354, %add3A_2357, %broadcast_in_dim3A_9 : vector<16xi1>, vector<16xi32>
      %broadcast_in_dim3A_2359 = vector.shape_cast %select_n3A_2358 : vector<16xi32> to vector<16x1xi32>
      %gather3A_2360 = vector.shape_cast %broadcast_in_dim3A_2359 : vector<16x1xi32> to vector<16xi32>
      %gather3A_2361 = tpu.dynamic_gather %add3A_2343[%gather3A_2360] in [0] : vector<16xi32>, vector<16xi32> -> vector<16xi32>
      %add3A_2362 = arith.addi %add3A_2269, %gather3A_2361 : vector<16xi32>
      %add3A_2363 = arith.constant 368 : i32
      %add3A_2364 = arith.addi %mul3A_36, %add3A_2363 : i32
      %get3A_2365 = arith.constant 368 : index
      %get3A_2366 = tpu.vector_load %arg10[%get3A_2365] {strides = array<i32>} : memref<512xf32, #tpu.memory_space<vmem>>, vector<16xf32>,
      %le3A_2367 = arith.cmpf ole, %get3A_2366, %broadcast_in_dim3A_1 : vector<16xf32>
      %select_n3A_2368 = arith.select %le3A_2367, %broadcast_in_dim3A_5, %broadcast_in_dim3A_7 : vector<16xi1>, vector<16xi32>
      %broadcast_in_dim3A_2369 = arith.constant 1 : i32
      %broadcast_in_dim3A_2370 = vector.broadcast %broadcast_in_dim3A_2369 : i32 to vector<16xi32>
      %sub3A_2371 = arith.subi %iota3A, %broadcast_in_dim3A_2370 : vector<16xi32>
      %max3A_2372 = arith.maxsi %sub3A_2371, %broadcast_in_dim3A_7 : vector<16xi32>
      %lt3A_2373 = arith.constant 0 : i32
      %lt3A_2374 = vector.broadcast %lt3A_2373 : i32 to vector<16xi32>
      %lt3A_2375 = arith.cmpi slt, %max3A_2372, %lt3A_2374 : vector<16xi32>
      %add3A_2376 = arith.constant 16 : i32
      %add3A_2377 = vector.broadcast %add3A_2376 : i32 to vector<16xi32>
      %add3A_2378 = arith.addi %max3A_2372, %add3A_2377 : vector<16xi32>
      %select_n3A_2379 = arith.select %lt3A_2375, %add3A_2378, %max3A_2372 : vector<16xi1>, vector<16xi32>
      %broadcast_in_dim3A_2380 = vector.shape_cast %select_n3A_2379 : vector<16xi32> to vector<16x1xi32>
      %gather3A_2381 = vector.shape_cast %broadcast_in_dim3A_2380 : vector<16x1xi32> to vector<16xi32>
      %gather3A_2382 = tpu.dynamic_gather %select_n3A_2368[%gather3A_2381] in [0] : vector<16xi32>, vector<16xi32> -> vector<16xi32>
      %ge3A_2383 = arith.cmpi sge, %iota3A, %broadcast_in_dim3A_2370 : vector<16xi32>
      %select_n3A_2384 = arith.select %ge3A_2383, %gather3A_2382, %broadcast_in_dim3A_7 : vector<16xi1>, vector<16xi32>
      %add3A_2385 = arith.addi %select_n3A_2368, %select_n3A_2384 : vector<16xi32>
      %broadcast_in_dim3A_2386 = arith.constant 2 : i32
      %broadcast_in_dim3A_2387 = vector.broadcast %broadcast_in_dim3A_2386 : i32 to vector<16xi32>
      %sub3A_2388 = arith.subi %iota3A, %broadcast_in_dim3A_2387 : vector<16xi32>
      %max3A_2389 = arith.maxsi %sub3A_2388, %broadcast_in_dim3A_7 : vector<16xi32>
      %lt3A_2390 = arith.constant 0 : i32
      %lt3A_2391 = vector.broadcast %lt3A_2390 : i32 to vector<16xi32>
      %lt3A_2392 = arith.cmpi slt, %max3A_2389, %lt3A_2391 : vector<16xi32>
      %add3A_2393 = arith.constant 16 : i32
      %add3A_2394 = vector.broadcast %add3A_2393 : i32 to vector<16xi32>
      %add3A_2395 = arith.addi %max3A_2389, %add3A_2394 : vector<16xi32>
      %select_n3A_2396 = arith.select %lt3A_2392, %add3A_2395, %max3A_2389 : vector<16xi1>, vector<16xi32>
      %broadcast_in_dim3A_2397 = vector.shape_cast %select_n3A_2396 : vector<16xi32> to vector<16x1xi32>
      %gather3A_2398 = vector.shape_cast %broadcast_in_dim3A_2397 : vector<16x1xi32> to vector<16xi32>
      %gather3A_2399 = tpu.dynamic_gather %add3A_2385[%gather3A_2398] in [0] : vector<16xi32>, vector<16xi32> -> vector<16xi32>
      %ge3A_2400 = arith.cmpi sge, %iota3A, %broadcast_in_dim3A_2387 : vector<16xi32>
      %select_n3A_2401 = arith.select %ge3A_2400, %gather3A_2399, %broadcast_in_dim3A_7 : vector<16xi1>, vector<16xi32>
      %add3A_2402 = arith.addi %add3A_2385, %select_n3A_2401 : vector<16xi32>
      %broadcast_in_dim3A_2403 = arith.constant 4 : i32
      %broadcast_in_dim3A_2404 = vector.broadcast %broadcast_in_dim3A_2403 : i32 to vector<16xi32>
      %sub3A_2405 = arith.subi %iota3A, %broadcast_in_dim3A_2404 : vector<16xi32>
      %max3A_2406 = arith.maxsi %sub3A_2405, %broadcast_in_dim3A_7 : vector<16xi32>
      %lt3A_2407 = arith.constant 0 : i32
      %lt3A_2408 = vector.broadcast %lt3A_2407 : i32 to vector<16xi32>
      %lt3A_2409 = arith.cmpi slt, %max3A_2406, %lt3A_2408 : vector<16xi32>
      %add3A_2410 = arith.constant 16 : i32
      %add3A_2411 = vector.broadcast %add3A_2410 : i32 to vector<16xi32>
      %add3A_2412 = arith.addi %max3A_2406, %add3A_2411 : vector<16xi32>
      %select_n3A_2413 = arith.select %lt3A_2409, %add3A_2412, %max3A_2406 : vector<16xi1>, vector<16xi32>
      %broadcast_in_dim3A_2414 = vector.shape_cast %select_n3A_2413 : vector<16xi32> to vector<16x1xi32>
      %gather3A_2415 = vector.shape_cast %broadcast_in_dim3A_2414 : vector<16x1xi32> to vector<16xi32>
      %gather3A_2416 = tpu.dynamic_gather %add3A_2402[%gather3A_2415] in [0] : vector<16xi32>, vector<16xi32> -> vector<16xi32>
      %ge3A_2417 = arith.cmpi sge, %iota3A, %broadcast_in_dim3A_2404 : vector<16xi32>
      %select_n3A_2418 = arith.select %ge3A_2417, %gather3A_2416, %broadcast_in_dim3A_7 : vector<16xi1>, vector<16xi32>
      %add3A_2419 = arith.addi %add3A_2402, %select_n3A_2418 : vector<16xi32>
      %broadcast_in_dim3A_2420 = arith.constant 8 : i32
      %broadcast_in_dim3A_2421 = vector.broadcast %broadcast_in_dim3A_2420 : i32 to vector<16xi32>
      %sub3A_2422 = arith.subi %iota3A, %broadcast_in_dim3A_2421 : vector<16xi32>
      %max3A_2423 = arith.maxsi %sub3A_2422, %broadcast_in_dim3A_7 : vector<16xi32>
      %lt3A_2424 = arith.constant 0 : i32
      %lt3A_2425 = vector.broadcast %lt3A_2424 : i32 to vector<16xi32>
      %lt3A_2426 = arith.cmpi slt, %max3A_2423, %lt3A_2425 : vector<16xi32>
      %add3A_2427 = arith.constant 16 : i32
      %add3A_2428 = vector.broadcast %add3A_2427 : i32 to vector<16xi32>
      %add3A_2429 = arith.addi %max3A_2423, %add3A_2428 : vector<16xi32>
      %select_n3A_2430 = arith.select %lt3A_2426, %add3A_2429, %max3A_2423 : vector<16xi1>, vector<16xi32>
      %broadcast_in_dim3A_2431 = vector.shape_cast %select_n3A_2430 : vector<16xi32> to vector<16x1xi32>
      %gather3A_2432 = vector.shape_cast %broadcast_in_dim3A_2431 : vector<16x1xi32> to vector<16xi32>
      %gather3A_2433 = tpu.dynamic_gather %add3A_2419[%gather3A_2432] in [0] : vector<16xi32>, vector<16xi32> -> vector<16xi32>
      %ge3A_2434 = arith.cmpi sge, %iota3A, %broadcast_in_dim3A_2421 : vector<16xi32>
      %select_n3A_2435 = arith.select %ge3A_2434, %gather3A_2433, %broadcast_in_dim3A_7 : vector<16xi1>, vector<16xi32>
      %add3A_2436 = arith.addi %add3A_2419, %select_n3A_2435 : vector<16xi32>
      %add3A_2437 = arith.addi %add3A_2362, %add3A_2436 : vector<16xi32>
      %sub3A_2438 = arith.subi %add3A_2437, %broadcast_in_dim3A_5 : vector<16xi32>
      %get3A_2439 = arith.index_cast %add3A_2364 : i32 to index
      %get3A_2440 = tpu.vector_load %arg11[%get3A_2439] {strides = array<i32>} : memref<1024xf32, #tpu.memory_space<vmem>>, vector<16xf32>,
      tpu.vector_store_idx %arg14[%sub3A_2438], %get3A_2440 masked %le3A_2367 : memref<512xf32, #tpu.memory_space<vmem>>[vector<16xi32>], vector<16xf32>, vector<16xi1>
      %get3A_2441 = arith.index_cast %add3A_2364 : i32 to index
      %get3A_2442 = tpu.vector_load %arg12[%get3A_2441] {strides = array<i32>} : memref<1024xf32, #tpu.memory_space<vmem>>, vector<16xf32>,
      tpu.vector_store_idx %arg15[%sub3A_2438], %get3A_2442 masked %le3A_2367 : memref<512xf32, #tpu.memory_space<vmem>>[vector<16xi32>], vector<16xf32>, vector<16xi1>
      %get3A_2443 = arith.index_cast %add3A_2364 : i32 to index
      %get3A_2444 = tpu.vector_load %arg13[%get3A_2443] {strides = array<i32>} : memref<1024xf32, #tpu.memory_space<vmem>>, vector<16xf32>,
      tpu.vector_store_idx %arg16[%sub3A_2438], %get3A_2444 masked %le3A_2367 : memref<512xf32, #tpu.memory_space<vmem>>[vector<16xi32>], vector<16xf32>, vector<16xi1>
      %lt3A_2445 = arith.constant 0 : i32
      %lt3A_2446 = vector.broadcast %lt3A_2445 : i32 to vector<16xi32>
      %lt3A_2447 = arith.cmpi slt, %broadcast_in_dim3A_9, %lt3A_2446 : vector<16xi32>
      %add3A_2448 = arith.constant 16 : i32
      %add3A_2449 = vector.broadcast %add3A_2448 : i32 to vector<16xi32>
      %add3A_2450 = arith.addi %broadcast_in_dim3A_9, %add3A_2449 : vector<16xi32>
      %select_n3A_2451 = arith.select %lt3A_2447, %add3A_2450, %broadcast_in_dim3A_9 : vector<16xi1>, vector<16xi32>
      %broadcast_in_dim3A_2452 = vector.shape_cast %select_n3A_2451 : vector<16xi32> to vector<16x1xi32>
      %gather3A_2453 = vector.shape_cast %broadcast_in_dim3A_2452 : vector<16x1xi32> to vector<16xi32>
      %gather3A_2454 = tpu.dynamic_gather %add3A_2436[%gather3A_2453] in [0] : vector<16xi32>, vector<16xi32> -> vector<16xi32>
      %add3A_2455 = arith.addi %add3A_2362, %gather3A_2454 : vector<16xi32>
      %add3A_2456 = arith.constant 384 : i32
      %add3A_2457 = arith.addi %mul3A_36, %add3A_2456 : i32
      %get3A_2458 = arith.constant 384 : index
      %get3A_2459 = tpu.vector_load %arg10[%get3A_2458] {strides = array<i32>} : memref<512xf32, #tpu.memory_space<vmem>>, vector<16xf32>,
      %le3A_2460 = arith.cmpf ole, %get3A_2459, %broadcast_in_dim3A_1 : vector<16xf32>
      %select_n3A_2461 = arith.select %le3A_2460, %broadcast_in_dim3A_5, %broadcast_in_dim3A_7 : vector<16xi1>, vector<16xi32>
      %broadcast_in_dim3A_2462 = arith.constant 1 : i32
      %broadcast_in_dim3A_2463 = vector.broadcast %broadcast_in_dim3A_2462 : i32 to vector<16xi32>
      %sub3A_2464 = arith.subi %iota3A, %broadcast_in_dim3A_2463 : vector<16xi32>
      %max3A_2465 = arith.maxsi %sub3A_2464, %broadcast_in_dim3A_7 : vector<16xi32>
      %lt3A_2466 = arith.constant 0 : i32
      %lt3A_2467 = vector.broadcast %lt3A_2466 : i32 to vector<16xi32>
      %lt3A_2468 = arith.cmpi slt, %max3A_2465, %lt3A_2467 : vector<16xi32>
      %add3A_2469 = arith.constant 16 : i32
      %add3A_2470 = vector.broadcast %add3A_2469 : i32 to vector<16xi32>
      %add3A_2471 = arith.addi %max3A_2465, %add3A_2470 : vector<16xi32>
      %select_n3A_2472 = arith.select %lt3A_2468, %add3A_2471, %max3A_2465 : vector<16xi1>, vector<16xi32>
      %broadcast_in_dim3A_2473 = vector.shape_cast %select_n3A_2472 : vector<16xi32> to vector<16x1xi32>
      %gather3A_2474 = vector.shape_cast %broadcast_in_dim3A_2473 : vector<16x1xi32> to vector<16xi32>
      %gather3A_2475 = tpu.dynamic_gather %select_n3A_2461[%gather3A_2474] in [0] : vector<16xi32>, vector<16xi32> -> vector<16xi32>
      %ge3A_2476 = arith.cmpi sge, %iota3A, %broadcast_in_dim3A_2463 : vector<16xi32>
      %select_n3A_2477 = arith.select %ge3A_2476, %gather3A_2475, %broadcast_in_dim3A_7 : vector<16xi1>, vector<16xi32>
      %add3A_2478 = arith.addi %select_n3A_2461, %select_n3A_2477 : vector<16xi32>
      %broadcast_in_dim3A_2479 = arith.constant 2 : i32
      %broadcast_in_dim3A_2480 = vector.broadcast %broadcast_in_dim3A_2479 : i32 to vector<16xi32>
      %sub3A_2481 = arith.subi %iota3A, %broadcast_in_dim3A_2480 : vector<16xi32>
      %max3A_2482 = arith.maxsi %sub3A_2481, %broadcast_in_dim3A_7 : vector<16xi32>
      %lt3A_2483 = arith.constant 0 : i32
      %lt3A_2484 = vector.broadcast %lt3A_2483 : i32 to vector<16xi32>
      %lt3A_2485 = arith.cmpi slt, %max3A_2482, %lt3A_2484 : vector<16xi32>
      %add3A_2486 = arith.constant 16 : i32
      %add3A_2487 = vector.broadcast %add3A_2486 : i32 to vector<16xi32>
      %add3A_2488 = arith.addi %max3A_2482, %add3A_2487 : vector<16xi32>
      %select_n3A_2489 = arith.select %lt3A_2485, %add3A_2488, %max3A_2482 : vector<16xi1>, vector<16xi32>
      %broadcast_in_dim3A_2490 = vector.shape_cast %select_n3A_2489 : vector<16xi32> to vector<16x1xi32>
      %gather3A_2491 = vector.shape_cast %broadcast_in_dim3A_2490 : vector<16x1xi32> to vector<16xi32>
      %gather3A_2492 = tpu.dynamic_gather %add3A_2478[%gather3A_2491] in [0] : vector<16xi32>, vector<16xi32> -> vector<16xi32>
      %ge3A_2493 = arith.cmpi sge, %iota3A, %broadcast_in_dim3A_2480 : vector<16xi32>
      %select_n3A_2494 = arith.select %ge3A_2493, %gather3A_2492, %broadcast_in_dim3A_7 : vector<16xi1>, vector<16xi32>
      %add3A_2495 = arith.addi %add3A_2478, %select_n3A_2494 : vector<16xi32>
      %broadcast_in_dim3A_2496 = arith.constant 4 : i32
      %broadcast_in_dim3A_2497 = vector.broadcast %broadcast_in_dim3A_2496 : i32 to vector<16xi32>
      %sub3A_2498 = arith.subi %iota3A, %broadcast_in_dim3A_2497 : vector<16xi32>
      %max3A_2499 = arith.maxsi %sub3A_2498, %broadcast_in_dim3A_7 : vector<16xi32>
      %lt3A_2500 = arith.constant 0 : i32
      %lt3A_2501 = vector.broadcast %lt3A_2500 : i32 to vector<16xi32>
      %lt3A_2502 = arith.cmpi slt, %max3A_2499, %lt3A_2501 : vector<16xi32>
      %add3A_2503 = arith.constant 16 : i32
      %add3A_2504 = vector.broadcast %add3A_2503 : i32 to vector<16xi32>
      %add3A_2505 = arith.addi %max3A_2499, %add3A_2504 : vector<16xi32>
      %select_n3A_2506 = arith.select %lt3A_2502, %add3A_2505, %max3A_2499 : vector<16xi1>, vector<16xi32>
      %broadcast_in_dim3A_2507 = vector.shape_cast %select_n3A_2506 : vector<16xi32> to vector<16x1xi32>
      %gather3A_2508 = vector.shape_cast %broadcast_in_dim3A_2507 : vector<16x1xi32> to vector<16xi32>
      %gather3A_2509 = tpu.dynamic_gather %add3A_2495[%gather3A_2508] in [0] : vector<16xi32>, vector<16xi32> -> vector<16xi32>
      %ge3A_2510 = arith.cmpi sge, %iota3A, %broadcast_in_dim3A_2497 : vector<16xi32>
      %select_n3A_2511 = arith.select %ge3A_2510, %gather3A_2509, %broadcast_in_dim3A_7 : vector<16xi1>, vector<16xi32>
      %add3A_2512 = arith.addi %add3A_2495, %select_n3A_2511 : vector<16xi32>
      %broadcast_in_dim3A_2513 = arith.constant 8 : i32
      %broadcast_in_dim3A_2514 = vector.broadcast %broadcast_in_dim3A_2513 : i32 to vector<16xi32>
      %sub3A_2515 = arith.subi %iota3A, %broadcast_in_dim3A_2514 : vector<16xi32>
      %max3A_2516 = arith.maxsi %sub3A_2515, %broadcast_in_dim3A_7 : vector<16xi32>
      %lt3A_2517 = arith.constant 0 : i32
      %lt3A_2518 = vector.broadcast %lt3A_2517 : i32 to vector<16xi32>
      %lt3A_2519 = arith.cmpi slt, %max3A_2516, %lt3A_2518 : vector<16xi32>
      %add3A_2520 = arith.constant 16 : i32
      %add3A_2521 = vector.broadcast %add3A_2520 : i32 to vector<16xi32>
      %add3A_2522 = arith.addi %max3A_2516, %add3A_2521 : vector<16xi32>
      %select_n3A_2523 = arith.select %lt3A_2519, %add3A_2522, %max3A_2516 : vector<16xi1>, vector<16xi32>
      %broadcast_in_dim3A_2524 = vector.shape_cast %select_n3A_2523 : vector<16xi32> to vector<16x1xi32>
      %gather3A_2525 = vector.shape_cast %broadcast_in_dim3A_2524 : vector<16x1xi32> to vector<16xi32>
      %gather3A_2526 = tpu.dynamic_gather %add3A_2512[%gather3A_2525] in [0] : vector<16xi32>, vector<16xi32> -> vector<16xi32>
      %ge3A_2527 = arith.cmpi sge, %iota3A, %broadcast_in_dim3A_2514 : vector<16xi32>
      %select_n3A_2528 = arith.select %ge3A_2527, %gather3A_2526, %broadcast_in_dim3A_7 : vector<16xi1>, vector<16xi32>
      %add3A_2529 = arith.addi %add3A_2512, %select_n3A_2528 : vector<16xi32>
      %add3A_2530 = arith.addi %add3A_2455, %add3A_2529 : vector<16xi32>
      %sub3A_2531 = arith.subi %add3A_2530, %broadcast_in_dim3A_5 : vector<16xi32>
      %get3A_2532 = arith.index_cast %add3A_2457 : i32 to index
      %get3A_2533 = tpu.vector_load %arg11[%get3A_2532] {strides = array<i32>} : memref<1024xf32, #tpu.memory_space<vmem>>, vector<16xf32>,
      tpu.vector_store_idx %arg14[%sub3A_2531], %get3A_2533 masked %le3A_2460 : memref<512xf32, #tpu.memory_space<vmem>>[vector<16xi32>], vector<16xf32>, vector<16xi1>
      %get3A_2534 = arith.index_cast %add3A_2457 : i32 to index
      %get3A_2535 = tpu.vector_load %arg12[%get3A_2534] {strides = array<i32>} : memref<1024xf32, #tpu.memory_space<vmem>>, vector<16xf32>,
      tpu.vector_store_idx %arg15[%sub3A_2531], %get3A_2535 masked %le3A_2460 : memref<512xf32, #tpu.memory_space<vmem>>[vector<16xi32>], vector<16xf32>, vector<16xi1>
      %get3A_2536 = arith.index_cast %add3A_2457 : i32 to index
      %get3A_2537 = tpu.vector_load %arg13[%get3A_2536] {strides = array<i32>} : memref<1024xf32, #tpu.memory_space<vmem>>, vector<16xf32>,
      tpu.vector_store_idx %arg16[%sub3A_2531], %get3A_2537 masked %le3A_2460 : memref<512xf32, #tpu.memory_space<vmem>>[vector<16xi32>], vector<16xf32>, vector<16xi1>
      %lt3A_2538 = arith.constant 0 : i32
      %lt3A_2539 = vector.broadcast %lt3A_2538 : i32 to vector<16xi32>
      %lt3A_2540 = arith.cmpi slt, %broadcast_in_dim3A_9, %lt3A_2539 : vector<16xi32>
      %add3A_2541 = arith.constant 16 : i32
      %add3A_2542 = vector.broadcast %add3A_2541 : i32 to vector<16xi32>
      %add3A_2543 = arith.addi %broadcast_in_dim3A_9, %add3A_2542 : vector<16xi32>
      %select_n3A_2544 = arith.select %lt3A_2540, %add3A_2543, %broadcast_in_dim3A_9 : vector<16xi1>, vector<16xi32>
      %broadcast_in_dim3A_2545 = vector.shape_cast %select_n3A_2544 : vector<16xi32> to vector<16x1xi32>
      %gather3A_2546 = vector.shape_cast %broadcast_in_dim3A_2545 : vector<16x1xi32> to vector<16xi32>
      %gather3A_2547 = tpu.dynamic_gather %add3A_2529[%gather3A_2546] in [0] : vector<16xi32>, vector<16xi32> -> vector<16xi32>
      %add3A_2548 = arith.addi %add3A_2455, %gather3A_2547 : vector<16xi32>
      %add3A_2549 = arith.constant 400 : i32
      %add3A_2550 = arith.addi %mul3A_36, %add3A_2549 : i32
      %get3A_2551 = arith.constant 400 : index
      %get3A_2552 = tpu.vector_load %arg10[%get3A_2551] {strides = array<i32>} : memref<512xf32, #tpu.memory_space<vmem>>, vector<16xf32>,
      %le3A_2553 = arith.cmpf ole, %get3A_2552, %broadcast_in_dim3A_1 : vector<16xf32>
      %select_n3A_2554 = arith.select %le3A_2553, %broadcast_in_dim3A_5, %broadcast_in_dim3A_7 : vector<16xi1>, vector<16xi32>
      %broadcast_in_dim3A_2555 = arith.constant 1 : i32
      %broadcast_in_dim3A_2556 = vector.broadcast %broadcast_in_dim3A_2555 : i32 to vector<16xi32>
      %sub3A_2557 = arith.subi %iota3A, %broadcast_in_dim3A_2556 : vector<16xi32>
      %max3A_2558 = arith.maxsi %sub3A_2557, %broadcast_in_dim3A_7 : vector<16xi32>
      %lt3A_2559 = arith.constant 0 : i32
      %lt3A_2560 = vector.broadcast %lt3A_2559 : i32 to vector<16xi32>
      %lt3A_2561 = arith.cmpi slt, %max3A_2558, %lt3A_2560 : vector<16xi32>
      %add3A_2562 = arith.constant 16 : i32
      %add3A_2563 = vector.broadcast %add3A_2562 : i32 to vector<16xi32>
      %add3A_2564 = arith.addi %max3A_2558, %add3A_2563 : vector<16xi32>
      %select_n3A_2565 = arith.select %lt3A_2561, %add3A_2564, %max3A_2558 : vector<16xi1>, vector<16xi32>
      %broadcast_in_dim3A_2566 = vector.shape_cast %select_n3A_2565 : vector<16xi32> to vector<16x1xi32>
      %gather3A_2567 = vector.shape_cast %broadcast_in_dim3A_2566 : vector<16x1xi32> to vector<16xi32>
      %gather3A_2568 = tpu.dynamic_gather %select_n3A_2554[%gather3A_2567] in [0] : vector<16xi32>, vector<16xi32> -> vector<16xi32>
      %ge3A_2569 = arith.cmpi sge, %iota3A, %broadcast_in_dim3A_2556 : vector<16xi32>
      %select_n3A_2570 = arith.select %ge3A_2569, %gather3A_2568, %broadcast_in_dim3A_7 : vector<16xi1>, vector<16xi32>
      %add3A_2571 = arith.addi %select_n3A_2554, %select_n3A_2570 : vector<16xi32>
      %broadcast_in_dim3A_2572 = arith.constant 2 : i32
      %broadcast_in_dim3A_2573 = vector.broadcast %broadcast_in_dim3A_2572 : i32 to vector<16xi32>
      %sub3A_2574 = arith.subi %iota3A, %broadcast_in_dim3A_2573 : vector<16xi32>
      %max3A_2575 = arith.maxsi %sub3A_2574, %broadcast_in_dim3A_7 : vector<16xi32>
      %lt3A_2576 = arith.constant 0 : i32
      %lt3A_2577 = vector.broadcast %lt3A_2576 : i32 to vector<16xi32>
      %lt3A_2578 = arith.cmpi slt, %max3A_2575, %lt3A_2577 : vector<16xi32>
      %add3A_2579 = arith.constant 16 : i32
      %add3A_2580 = vector.broadcast %add3A_2579 : i32 to vector<16xi32>
      %add3A_2581 = arith.addi %max3A_2575, %add3A_2580 : vector<16xi32>
      %select_n3A_2582 = arith.select %lt3A_2578, %add3A_2581, %max3A_2575 : vector<16xi1>, vector<16xi32>
      %broadcast_in_dim3A_2583 = vector.shape_cast %select_n3A_2582 : vector<16xi32> to vector<16x1xi32>
      %gather3A_2584 = vector.shape_cast %broadcast_in_dim3A_2583 : vector<16x1xi32> to vector<16xi32>
      %gather3A_2585 = tpu.dynamic_gather %add3A_2571[%gather3A_2584] in [0] : vector<16xi32>, vector<16xi32> -> vector<16xi32>
      %ge3A_2586 = arith.cmpi sge, %iota3A, %broadcast_in_dim3A_2573 : vector<16xi32>
      %select_n3A_2587 = arith.select %ge3A_2586, %gather3A_2585, %broadcast_in_dim3A_7 : vector<16xi1>, vector<16xi32>
      %add3A_2588 = arith.addi %add3A_2571, %select_n3A_2587 : vector<16xi32>
      %broadcast_in_dim3A_2589 = arith.constant 4 : i32
      %broadcast_in_dim3A_2590 = vector.broadcast %broadcast_in_dim3A_2589 : i32 to vector<16xi32>
      %sub3A_2591 = arith.subi %iota3A, %broadcast_in_dim3A_2590 : vector<16xi32>
      %max3A_2592 = arith.maxsi %sub3A_2591, %broadcast_in_dim3A_7 : vector<16xi32>
      %lt3A_2593 = arith.constant 0 : i32
      %lt3A_2594 = vector.broadcast %lt3A_2593 : i32 to vector<16xi32>
      %lt3A_2595 = arith.cmpi slt, %max3A_2592, %lt3A_2594 : vector<16xi32>
      %add3A_2596 = arith.constant 16 : i32
      %add3A_2597 = vector.broadcast %add3A_2596 : i32 to vector<16xi32>
      %add3A_2598 = arith.addi %max3A_2592, %add3A_2597 : vector<16xi32>
      %select_n3A_2599 = arith.select %lt3A_2595, %add3A_2598, %max3A_2592 : vector<16xi1>, vector<16xi32>
      %broadcast_in_dim3A_2600 = vector.shape_cast %select_n3A_2599 : vector<16xi32> to vector<16x1xi32>
      %gather3A_2601 = vector.shape_cast %broadcast_in_dim3A_2600 : vector<16x1xi32> to vector<16xi32>
      %gather3A_2602 = tpu.dynamic_gather %add3A_2588[%gather3A_2601] in [0] : vector<16xi32>, vector<16xi32> -> vector<16xi32>
      %ge3A_2603 = arith.cmpi sge, %iota3A, %broadcast_in_dim3A_2590 : vector<16xi32>
      %select_n3A_2604 = arith.select %ge3A_2603, %gather3A_2602, %broadcast_in_dim3A_7 : vector<16xi1>, vector<16xi32>
      %add3A_2605 = arith.addi %add3A_2588, %select_n3A_2604 : vector<16xi32>
      %broadcast_in_dim3A_2606 = arith.constant 8 : i32
      %broadcast_in_dim3A_2607 = vector.broadcast %broadcast_in_dim3A_2606 : i32 to vector<16xi32>
      %sub3A_2608 = arith.subi %iota3A, %broadcast_in_dim3A_2607 : vector<16xi32>
      %max3A_2609 = arith.maxsi %sub3A_2608, %broadcast_in_dim3A_7 : vector<16xi32>
      %lt3A_2610 = arith.constant 0 : i32
      %lt3A_2611 = vector.broadcast %lt3A_2610 : i32 to vector<16xi32>
      %lt3A_2612 = arith.cmpi slt, %max3A_2609, %lt3A_2611 : vector<16xi32>
      %add3A_2613 = arith.constant 16 : i32
      %add3A_2614 = vector.broadcast %add3A_2613 : i32 to vector<16xi32>
      %add3A_2615 = arith.addi %max3A_2609, %add3A_2614 : vector<16xi32>
      %select_n3A_2616 = arith.select %lt3A_2612, %add3A_2615, %max3A_2609 : vector<16xi1>, vector<16xi32>
      %broadcast_in_dim3A_2617 = vector.shape_cast %select_n3A_2616 : vector<16xi32> to vector<16x1xi32>
      %gather3A_2618 = vector.shape_cast %broadcast_in_dim3A_2617 : vector<16x1xi32> to vector<16xi32>
      %gather3A_2619 = tpu.dynamic_gather %add3A_2605[%gather3A_2618] in [0] : vector<16xi32>, vector<16xi32> -> vector<16xi32>
      %ge3A_2620 = arith.cmpi sge, %iota3A, %broadcast_in_dim3A_2607 : vector<16xi32>
      %select_n3A_2621 = arith.select %ge3A_2620, %gather3A_2619, %broadcast_in_dim3A_7 : vector<16xi1>, vector<16xi32>
      %add3A_2622 = arith.addi %add3A_2605, %select_n3A_2621 : vector<16xi32>
      %add3A_2623 = arith.addi %add3A_2548, %add3A_2622 : vector<16xi32>
      %sub3A_2624 = arith.subi %add3A_2623, %broadcast_in_dim3A_5 : vector<16xi32>
      %get3A_2625 = arith.index_cast %add3A_2550 : i32 to index
      %get3A_2626 = tpu.vector_load %arg11[%get3A_2625] {strides = array<i32>} : memref<1024xf32, #tpu.memory_space<vmem>>, vector<16xf32>,
      tpu.vector_store_idx %arg14[%sub3A_2624], %get3A_2626 masked %le3A_2553 : memref<512xf32, #tpu.memory_space<vmem>>[vector<16xi32>], vector<16xf32>, vector<16xi1>
      %get3A_2627 = arith.index_cast %add3A_2550 : i32 to index
      %get3A_2628 = tpu.vector_load %arg12[%get3A_2627] {strides = array<i32>} : memref<1024xf32, #tpu.memory_space<vmem>>, vector<16xf32>,
      tpu.vector_store_idx %arg15[%sub3A_2624], %get3A_2628 masked %le3A_2553 : memref<512xf32, #tpu.memory_space<vmem>>[vector<16xi32>], vector<16xf32>, vector<16xi1>
      %get3A_2629 = arith.index_cast %add3A_2550 : i32 to index
      %get3A_2630 = tpu.vector_load %arg13[%get3A_2629] {strides = array<i32>} : memref<1024xf32, #tpu.memory_space<vmem>>, vector<16xf32>,
      tpu.vector_store_idx %arg16[%sub3A_2624], %get3A_2630 masked %le3A_2553 : memref<512xf32, #tpu.memory_space<vmem>>[vector<16xi32>], vector<16xf32>, vector<16xi1>
      %lt3A_2631 = arith.constant 0 : i32
      %lt3A_2632 = vector.broadcast %lt3A_2631 : i32 to vector<16xi32>
      %lt3A_2633 = arith.cmpi slt, %broadcast_in_dim3A_9, %lt3A_2632 : vector<16xi32>
      %add3A_2634 = arith.constant 16 : i32
      %add3A_2635 = vector.broadcast %add3A_2634 : i32 to vector<16xi32>
      %add3A_2636 = arith.addi %broadcast_in_dim3A_9, %add3A_2635 : vector<16xi32>
      %select_n3A_2637 = arith.select %lt3A_2633, %add3A_2636, %broadcast_in_dim3A_9 : vector<16xi1>, vector<16xi32>
      %broadcast_in_dim3A_2638 = vector.shape_cast %select_n3A_2637 : vector<16xi32> to vector<16x1xi32>
      %gather3A_2639 = vector.shape_cast %broadcast_in_dim3A_2638 : vector<16x1xi32> to vector<16xi32>
      %gather3A_2640 = tpu.dynamic_gather %add3A_2622[%gather3A_2639] in [0] : vector<16xi32>, vector<16xi32> -> vector<16xi32>
      %add3A_2641 = arith.addi %add3A_2548, %gather3A_2640 : vector<16xi32>
      %add3A_2642 = arith.constant 416 : i32
      %add3A_2643 = arith.addi %mul3A_36, %add3A_2642 : i32
      %get3A_2644 = arith.constant 416 : index
      %get3A_2645 = tpu.vector_load %arg10[%get3A_2644] {strides = array<i32>} : memref<512xf32, #tpu.memory_space<vmem>>, vector<16xf32>,
      %le3A_2646 = arith.cmpf ole, %get3A_2645, %broadcast_in_dim3A_1 : vector<16xf32>
      %select_n3A_2647 = arith.select %le3A_2646, %broadcast_in_dim3A_5, %broadcast_in_dim3A_7 : vector<16xi1>, vector<16xi32>
      %broadcast_in_dim3A_2648 = arith.constant 1 : i32
      %broadcast_in_dim3A_2649 = vector.broadcast %broadcast_in_dim3A_2648 : i32 to vector<16xi32>
      %sub3A_2650 = arith.subi %iota3A, %broadcast_in_dim3A_2649 : vector<16xi32>
      %max3A_2651 = arith.maxsi %sub3A_2650, %broadcast_in_dim3A_7 : vector<16xi32>
      %lt3A_2652 = arith.constant 0 : i32
      %lt3A_2653 = vector.broadcast %lt3A_2652 : i32 to vector<16xi32>
      %lt3A_2654 = arith.cmpi slt, %max3A_2651, %lt3A_2653 : vector<16xi32>
      %add3A_2655 = arith.constant 16 : i32
      %add3A_2656 = vector.broadcast %add3A_2655 : i32 to vector<16xi32>
      %add3A_2657 = arith.addi %max3A_2651, %add3A_2656 : vector<16xi32>
      %select_n3A_2658 = arith.select %lt3A_2654, %add3A_2657, %max3A_2651 : vector<16xi1>, vector<16xi32>
      %broadcast_in_dim3A_2659 = vector.shape_cast %select_n3A_2658 : vector<16xi32> to vector<16x1xi32>
      %gather3A_2660 = vector.shape_cast %broadcast_in_dim3A_2659 : vector<16x1xi32> to vector<16xi32>
      %gather3A_2661 = tpu.dynamic_gather %select_n3A_2647[%gather3A_2660] in [0] : vector<16xi32>, vector<16xi32> -> vector<16xi32>
      %ge3A_2662 = arith.cmpi sge, %iota3A, %broadcast_in_dim3A_2649 : vector<16xi32>
      %select_n3A_2663 = arith.select %ge3A_2662, %gather3A_2661, %broadcast_in_dim3A_7 : vector<16xi1>, vector<16xi32>
      %add3A_2664 = arith.addi %select_n3A_2647, %select_n3A_2663 : vector<16xi32>
      %broadcast_in_dim3A_2665 = arith.constant 2 : i32
      %broadcast_in_dim3A_2666 = vector.broadcast %broadcast_in_dim3A_2665 : i32 to vector<16xi32>
      %sub3A_2667 = arith.subi %iota3A, %broadcast_in_dim3A_2666 : vector<16xi32>
      %max3A_2668 = arith.maxsi %sub3A_2667, %broadcast_in_dim3A_7 : vector<16xi32>
      %lt3A_2669 = arith.constant 0 : i32
      %lt3A_2670 = vector.broadcast %lt3A_2669 : i32 to vector<16xi32>
      %lt3A_2671 = arith.cmpi slt, %max3A_2668, %lt3A_2670 : vector<16xi32>
      %add3A_2672 = arith.constant 16 : i32
      %add3A_2673 = vector.broadcast %add3A_2672 : i32 to vector<16xi32>
      %add3A_2674 = arith.addi %max3A_2668, %add3A_2673 : vector<16xi32>
      %select_n3A_2675 = arith.select %lt3A_2671, %add3A_2674, %max3A_2668 : vector<16xi1>, vector<16xi32>
      %broadcast_in_dim3A_2676 = vector.shape_cast %select_n3A_2675 : vector<16xi32> to vector<16x1xi32>
      %gather3A_2677 = vector.shape_cast %broadcast_in_dim3A_2676 : vector<16x1xi32> to vector<16xi32>
      %gather3A_2678 = tpu.dynamic_gather %add3A_2664[%gather3A_2677] in [0] : vector<16xi32>, vector<16xi32> -> vector<16xi32>
      %ge3A_2679 = arith.cmpi sge, %iota3A, %broadcast_in_dim3A_2666 : vector<16xi32>
      %select_n3A_2680 = arith.select %ge3A_2679, %gather3A_2678, %broadcast_in_dim3A_7 : vector<16xi1>, vector<16xi32>
      %add3A_2681 = arith.addi %add3A_2664, %select_n3A_2680 : vector<16xi32>
      %broadcast_in_dim3A_2682 = arith.constant 4 : i32
      %broadcast_in_dim3A_2683 = vector.broadcast %broadcast_in_dim3A_2682 : i32 to vector<16xi32>
      %sub3A_2684 = arith.subi %iota3A, %broadcast_in_dim3A_2683 : vector<16xi32>
      %max3A_2685 = arith.maxsi %sub3A_2684, %broadcast_in_dim3A_7 : vector<16xi32>
      %lt3A_2686 = arith.constant 0 : i32
      %lt3A_2687 = vector.broadcast %lt3A_2686 : i32 to vector<16xi32>
      %lt3A_2688 = arith.cmpi slt, %max3A_2685, %lt3A_2687 : vector<16xi32>
      %add3A_2689 = arith.constant 16 : i32
      %add3A_2690 = vector.broadcast %add3A_2689 : i32 to vector<16xi32>
      %add3A_2691 = arith.addi %max3A_2685, %add3A_2690 : vector<16xi32>
      %select_n3A_2692 = arith.select %lt3A_2688, %add3A_2691, %max3A_2685 : vector<16xi1>, vector<16xi32>
      %broadcast_in_dim3A_2693 = vector.shape_cast %select_n3A_2692 : vector<16xi32> to vector<16x1xi32>
      %gather3A_2694 = vector.shape_cast %broadcast_in_dim3A_2693 : vector<16x1xi32> to vector<16xi32>
      %gather3A_2695 = tpu.dynamic_gather %add3A_2681[%gather3A_2694] in [0] : vector<16xi32>, vector<16xi32> -> vector<16xi32>
      %ge3A_2696 = arith.cmpi sge, %iota3A, %broadcast_in_dim3A_2683 : vector<16xi32>
      %select_n3A_2697 = arith.select %ge3A_2696, %gather3A_2695, %broadcast_in_dim3A_7 : vector<16xi1>, vector<16xi32>
      %add3A_2698 = arith.addi %add3A_2681, %select_n3A_2697 : vector<16xi32>
      %broadcast_in_dim3A_2699 = arith.constant 8 : i32
      %broadcast_in_dim3A_2700 = vector.broadcast %broadcast_in_dim3A_2699 : i32 to vector<16xi32>
      %sub3A_2701 = arith.subi %iota3A, %broadcast_in_dim3A_2700 : vector<16xi32>
      %max3A_2702 = arith.maxsi %sub3A_2701, %broadcast_in_dim3A_7 : vector<16xi32>
      %lt3A_2703 = arith.constant 0 : i32
      %lt3A_2704 = vector.broadcast %lt3A_2703 : i32 to vector<16xi32>
      %lt3A_2705 = arith.cmpi slt, %max3A_2702, %lt3A_2704 : vector<16xi32>
      %add3A_2706 = arith.constant 16 : i32
      %add3A_2707 = vector.broadcast %add3A_2706 : i32 to vector<16xi32>
      %add3A_2708 = arith.addi %max3A_2702, %add3A_2707 : vector<16xi32>
      %select_n3A_2709 = arith.select %lt3A_2705, %add3A_2708, %max3A_2702 : vector<16xi1>, vector<16xi32>
      %broadcast_in_dim3A_2710 = vector.shape_cast %select_n3A_2709 : vector<16xi32> to vector<16x1xi32>
      %gather3A_2711 = vector.shape_cast %broadcast_in_dim3A_2710 : vector<16x1xi32> to vector<16xi32>
      %gather3A_2712 = tpu.dynamic_gather %add3A_2698[%gather3A_2711] in [0] : vector<16xi32>, vector<16xi32> -> vector<16xi32>
      %ge3A_2713 = arith.cmpi sge, %iota3A, %broadcast_in_dim3A_2700 : vector<16xi32>
      %select_n3A_2714 = arith.select %ge3A_2713, %gather3A_2712, %broadcast_in_dim3A_7 : vector<16xi1>, vector<16xi32>
      %add3A_2715 = arith.addi %add3A_2698, %select_n3A_2714 : vector<16xi32>
      %add3A_2716 = arith.addi %add3A_2641, %add3A_2715 : vector<16xi32>
      %sub3A_2717 = arith.subi %add3A_2716, %broadcast_in_dim3A_5 : vector<16xi32>
      %get3A_2718 = arith.index_cast %add3A_2643 : i32 to index
      %get3A_2719 = tpu.vector_load %arg11[%get3A_2718] {strides = array<i32>} : memref<1024xf32, #tpu.memory_space<vmem>>, vector<16xf32>,
      tpu.vector_store_idx %arg14[%sub3A_2717], %get3A_2719 masked %le3A_2646 : memref<512xf32, #tpu.memory_space<vmem>>[vector<16xi32>], vector<16xf32>, vector<16xi1>
      %get3A_2720 = arith.index_cast %add3A_2643 : i32 to index
      %get3A_2721 = tpu.vector_load %arg12[%get3A_2720] {strides = array<i32>} : memref<1024xf32, #tpu.memory_space<vmem>>, vector<16xf32>,
      tpu.vector_store_idx %arg15[%sub3A_2717], %get3A_2721 masked %le3A_2646 : memref<512xf32, #tpu.memory_space<vmem>>[vector<16xi32>], vector<16xf32>, vector<16xi1>
      %get3A_2722 = arith.index_cast %add3A_2643 : i32 to index
      %get3A_2723 = tpu.vector_load %arg13[%get3A_2722] {strides = array<i32>} : memref<1024xf32, #tpu.memory_space<vmem>>, vector<16xf32>,
      tpu.vector_store_idx %arg16[%sub3A_2717], %get3A_2723 masked %le3A_2646 : memref<512xf32, #tpu.memory_space<vmem>>[vector<16xi32>], vector<16xf32>, vector<16xi1>
      %lt3A_2724 = arith.constant 0 : i32
      %lt3A_2725 = vector.broadcast %lt3A_2724 : i32 to vector<16xi32>
      %lt3A_2726 = arith.cmpi slt, %broadcast_in_dim3A_9, %lt3A_2725 : vector<16xi32>
      %add3A_2727 = arith.constant 16 : i32
      %add3A_2728 = vector.broadcast %add3A_2727 : i32 to vector<16xi32>
      %add3A_2729 = arith.addi %broadcast_in_dim3A_9, %add3A_2728 : vector<16xi32>
      %select_n3A_2730 = arith.select %lt3A_2726, %add3A_2729, %broadcast_in_dim3A_9 : vector<16xi1>, vector<16xi32>
      %broadcast_in_dim3A_2731 = vector.shape_cast %select_n3A_2730 : vector<16xi32> to vector<16x1xi32>
      %gather3A_2732 = vector.shape_cast %broadcast_in_dim3A_2731 : vector<16x1xi32> to vector<16xi32>
      %gather3A_2733 = tpu.dynamic_gather %add3A_2715[%gather3A_2732] in [0] : vector<16xi32>, vector<16xi32> -> vector<16xi32>
      %add3A_2734 = arith.addi %add3A_2641, %gather3A_2733 : vector<16xi32>
      %add3A_2735 = arith.constant 432 : i32
      %add3A_2736 = arith.addi %mul3A_36, %add3A_2735 : i32
      %get3A_2737 = arith.constant 432 : index
      %get3A_2738 = tpu.vector_load %arg10[%get3A_2737] {strides = array<i32>} : memref<512xf32, #tpu.memory_space<vmem>>, vector<16xf32>,
      %le3A_2739 = arith.cmpf ole, %get3A_2738, %broadcast_in_dim3A_1 : vector<16xf32>
      %select_n3A_2740 = arith.select %le3A_2739, %broadcast_in_dim3A_5, %broadcast_in_dim3A_7 : vector<16xi1>, vector<16xi32>
      %broadcast_in_dim3A_2741 = arith.constant 1 : i32
      %broadcast_in_dim3A_2742 = vector.broadcast %broadcast_in_dim3A_2741 : i32 to vector<16xi32>
      %sub3A_2743 = arith.subi %iota3A, %broadcast_in_dim3A_2742 : vector<16xi32>
      %max3A_2744 = arith.maxsi %sub3A_2743, %broadcast_in_dim3A_7 : vector<16xi32>
      %lt3A_2745 = arith.constant 0 : i32
      %lt3A_2746 = vector.broadcast %lt3A_2745 : i32 to vector<16xi32>
      %lt3A_2747 = arith.cmpi slt, %max3A_2744, %lt3A_2746 : vector<16xi32>
      %add3A_2748 = arith.constant 16 : i32
      %add3A_2749 = vector.broadcast %add3A_2748 : i32 to vector<16xi32>
      %add3A_2750 = arith.addi %max3A_2744, %add3A_2749 : vector<16xi32>
      %select_n3A_2751 = arith.select %lt3A_2747, %add3A_2750, %max3A_2744 : vector<16xi1>, vector<16xi32>
      %broadcast_in_dim3A_2752 = vector.shape_cast %select_n3A_2751 : vector<16xi32> to vector<16x1xi32>
      %gather3A_2753 = vector.shape_cast %broadcast_in_dim3A_2752 : vector<16x1xi32> to vector<16xi32>
      %gather3A_2754 = tpu.dynamic_gather %select_n3A_2740[%gather3A_2753] in [0] : vector<16xi32>, vector<16xi32> -> vector<16xi32>
      %ge3A_2755 = arith.cmpi sge, %iota3A, %broadcast_in_dim3A_2742 : vector<16xi32>
      %select_n3A_2756 = arith.select %ge3A_2755, %gather3A_2754, %broadcast_in_dim3A_7 : vector<16xi1>, vector<16xi32>
      %add3A_2757 = arith.addi %select_n3A_2740, %select_n3A_2756 : vector<16xi32>
      %broadcast_in_dim3A_2758 = arith.constant 2 : i32
      %broadcast_in_dim3A_2759 = vector.broadcast %broadcast_in_dim3A_2758 : i32 to vector<16xi32>
      %sub3A_2760 = arith.subi %iota3A, %broadcast_in_dim3A_2759 : vector<16xi32>
      %max3A_2761 = arith.maxsi %sub3A_2760, %broadcast_in_dim3A_7 : vector<16xi32>
      %lt3A_2762 = arith.constant 0 : i32
      %lt3A_2763 = vector.broadcast %lt3A_2762 : i32 to vector<16xi32>
      %lt3A_2764 = arith.cmpi slt, %max3A_2761, %lt3A_2763 : vector<16xi32>
      %add3A_2765 = arith.constant 16 : i32
      %add3A_2766 = vector.broadcast %add3A_2765 : i32 to vector<16xi32>
      %add3A_2767 = arith.addi %max3A_2761, %add3A_2766 : vector<16xi32>
      %select_n3A_2768 = arith.select %lt3A_2764, %add3A_2767, %max3A_2761 : vector<16xi1>, vector<16xi32>
      %broadcast_in_dim3A_2769 = vector.shape_cast %select_n3A_2768 : vector<16xi32> to vector<16x1xi32>
      %gather3A_2770 = vector.shape_cast %broadcast_in_dim3A_2769 : vector<16x1xi32> to vector<16xi32>
      %gather3A_2771 = tpu.dynamic_gather %add3A_2757[%gather3A_2770] in [0] : vector<16xi32>, vector<16xi32> -> vector<16xi32>
      %ge3A_2772 = arith.cmpi sge, %iota3A, %broadcast_in_dim3A_2759 : vector<16xi32>
      %select_n3A_2773 = arith.select %ge3A_2772, %gather3A_2771, %broadcast_in_dim3A_7 : vector<16xi1>, vector<16xi32>
      %add3A_2774 = arith.addi %add3A_2757, %select_n3A_2773 : vector<16xi32>
      %broadcast_in_dim3A_2775 = arith.constant 4 : i32
      %broadcast_in_dim3A_2776 = vector.broadcast %broadcast_in_dim3A_2775 : i32 to vector<16xi32>
      %sub3A_2777 = arith.subi %iota3A, %broadcast_in_dim3A_2776 : vector<16xi32>
      %max3A_2778 = arith.maxsi %sub3A_2777, %broadcast_in_dim3A_7 : vector<16xi32>
      %lt3A_2779 = arith.constant 0 : i32
      %lt3A_2780 = vector.broadcast %lt3A_2779 : i32 to vector<16xi32>
      %lt3A_2781 = arith.cmpi slt, %max3A_2778, %lt3A_2780 : vector<16xi32>
      %add3A_2782 = arith.constant 16 : i32
      %add3A_2783 = vector.broadcast %add3A_2782 : i32 to vector<16xi32>
      %add3A_2784 = arith.addi %max3A_2778, %add3A_2783 : vector<16xi32>
      %select_n3A_2785 = arith.select %lt3A_2781, %add3A_2784, %max3A_2778 : vector<16xi1>, vector<16xi32>
      %broadcast_in_dim3A_2786 = vector.shape_cast %select_n3A_2785 : vector<16xi32> to vector<16x1xi32>
      %gather3A_2787 = vector.shape_cast %broadcast_in_dim3A_2786 : vector<16x1xi32> to vector<16xi32>
      %gather3A_2788 = tpu.dynamic_gather %add3A_2774[%gather3A_2787] in [0] : vector<16xi32>, vector<16xi32> -> vector<16xi32>
      %ge3A_2789 = arith.cmpi sge, %iota3A, %broadcast_in_dim3A_2776 : vector<16xi32>
      %select_n3A_2790 = arith.select %ge3A_2789, %gather3A_2788, %broadcast_in_dim3A_7 : vector<16xi1>, vector<16xi32>
      %add3A_2791 = arith.addi %add3A_2774, %select_n3A_2790 : vector<16xi32>
      %broadcast_in_dim3A_2792 = arith.constant 8 : i32
      %broadcast_in_dim3A_2793 = vector.broadcast %broadcast_in_dim3A_2792 : i32 to vector<16xi32>
      %sub3A_2794 = arith.subi %iota3A, %broadcast_in_dim3A_2793 : vector<16xi32>
      %max3A_2795 = arith.maxsi %sub3A_2794, %broadcast_in_dim3A_7 : vector<16xi32>
      %lt3A_2796 = arith.constant 0 : i32
      %lt3A_2797 = vector.broadcast %lt3A_2796 : i32 to vector<16xi32>
      %lt3A_2798 = arith.cmpi slt, %max3A_2795, %lt3A_2797 : vector<16xi32>
      %add3A_2799 = arith.constant 16 : i32
      %add3A_2800 = vector.broadcast %add3A_2799 : i32 to vector<16xi32>
      %add3A_2801 = arith.addi %max3A_2795, %add3A_2800 : vector<16xi32>
      %select_n3A_2802 = arith.select %lt3A_2798, %add3A_2801, %max3A_2795 : vector<16xi1>, vector<16xi32>
      %broadcast_in_dim3A_2803 = vector.shape_cast %select_n3A_2802 : vector<16xi32> to vector<16x1xi32>
      %gather3A_2804 = vector.shape_cast %broadcast_in_dim3A_2803 : vector<16x1xi32> to vector<16xi32>
      %gather3A_2805 = tpu.dynamic_gather %add3A_2791[%gather3A_2804] in [0] : vector<16xi32>, vector<16xi32> -> vector<16xi32>
      %ge3A_2806 = arith.cmpi sge, %iota3A, %broadcast_in_dim3A_2793 : vector<16xi32>
      %select_n3A_2807 = arith.select %ge3A_2806, %gather3A_2805, %broadcast_in_dim3A_7 : vector<16xi1>, vector<16xi32>
      %add3A_2808 = arith.addi %add3A_2791, %select_n3A_2807 : vector<16xi32>
      %add3A_2809 = arith.addi %add3A_2734, %add3A_2808 : vector<16xi32>
      %sub3A_2810 = arith.subi %add3A_2809, %broadcast_in_dim3A_5 : vector<16xi32>
      %get3A_2811 = arith.index_cast %add3A_2736 : i32 to index
      %get3A_2812 = tpu.vector_load %arg11[%get3A_2811] {strides = array<i32>} : memref<1024xf32, #tpu.memory_space<vmem>>, vector<16xf32>,
      tpu.vector_store_idx %arg14[%sub3A_2810], %get3A_2812 masked %le3A_2739 : memref<512xf32, #tpu.memory_space<vmem>>[vector<16xi32>], vector<16xf32>, vector<16xi1>
      %get3A_2813 = arith.index_cast %add3A_2736 : i32 to index
      %get3A_2814 = tpu.vector_load %arg12[%get3A_2813] {strides = array<i32>} : memref<1024xf32, #tpu.memory_space<vmem>>, vector<16xf32>,
      tpu.vector_store_idx %arg15[%sub3A_2810], %get3A_2814 masked %le3A_2739 : memref<512xf32, #tpu.memory_space<vmem>>[vector<16xi32>], vector<16xf32>, vector<16xi1>
      %get3A_2815 = arith.index_cast %add3A_2736 : i32 to index
      %get3A_2816 = tpu.vector_load %arg13[%get3A_2815] {strides = array<i32>} : memref<1024xf32, #tpu.memory_space<vmem>>, vector<16xf32>,
      tpu.vector_store_idx %arg16[%sub3A_2810], %get3A_2816 masked %le3A_2739 : memref<512xf32, #tpu.memory_space<vmem>>[vector<16xi32>], vector<16xf32>, vector<16xi1>
      %lt3A_2817 = arith.constant 0 : i32
      %lt3A_2818 = vector.broadcast %lt3A_2817 : i32 to vector<16xi32>
      %lt3A_2819 = arith.cmpi slt, %broadcast_in_dim3A_9, %lt3A_2818 : vector<16xi32>
      %add3A_2820 = arith.constant 16 : i32
      %add3A_2821 = vector.broadcast %add3A_2820 : i32 to vector<16xi32>
      %add3A_2822 = arith.addi %broadcast_in_dim3A_9, %add3A_2821 : vector<16xi32>
      %select_n3A_2823 = arith.select %lt3A_2819, %add3A_2822, %broadcast_in_dim3A_9 : vector<16xi1>, vector<16xi32>
      %broadcast_in_dim3A_2824 = vector.shape_cast %select_n3A_2823 : vector<16xi32> to vector<16x1xi32>
      %gather3A_2825 = vector.shape_cast %broadcast_in_dim3A_2824 : vector<16x1xi32> to vector<16xi32>
      %gather3A_2826 = tpu.dynamic_gather %add3A_2808[%gather3A_2825] in [0] : vector<16xi32>, vector<16xi32> -> vector<16xi32>
      %add3A_2827 = arith.addi %add3A_2734, %gather3A_2826 : vector<16xi32>
      %add3A_2828 = arith.constant 448 : i32
      %add3A_2829 = arith.addi %mul3A_36, %add3A_2828 : i32
      %get3A_2830 = arith.constant 448 : index
      %get3A_2831 = tpu.vector_load %arg10[%get3A_2830] {strides = array<i32>} : memref<512xf32, #tpu.memory_space<vmem>>, vector<16xf32>,
      %le3A_2832 = arith.cmpf ole, %get3A_2831, %broadcast_in_dim3A_1 : vector<16xf32>
      %select_n3A_2833 = arith.select %le3A_2832, %broadcast_in_dim3A_5, %broadcast_in_dim3A_7 : vector<16xi1>, vector<16xi32>
      %broadcast_in_dim3A_2834 = arith.constant 1 : i32
      %broadcast_in_dim3A_2835 = vector.broadcast %broadcast_in_dim3A_2834 : i32 to vector<16xi32>
      %sub3A_2836 = arith.subi %iota3A, %broadcast_in_dim3A_2835 : vector<16xi32>
      %max3A_2837 = arith.maxsi %sub3A_2836, %broadcast_in_dim3A_7 : vector<16xi32>
      %lt3A_2838 = arith.constant 0 : i32
      %lt3A_2839 = vector.broadcast %lt3A_2838 : i32 to vector<16xi32>
      %lt3A_2840 = arith.cmpi slt, %max3A_2837, %lt3A_2839 : vector<16xi32>
      %add3A_2841 = arith.constant 16 : i32
      %add3A_2842 = vector.broadcast %add3A_2841 : i32 to vector<16xi32>
      %add3A_2843 = arith.addi %max3A_2837, %add3A_2842 : vector<16xi32>
      %select_n3A_2844 = arith.select %lt3A_2840, %add3A_2843, %max3A_2837 : vector<16xi1>, vector<16xi32>
      %broadcast_in_dim3A_2845 = vector.shape_cast %select_n3A_2844 : vector<16xi32> to vector<16x1xi32>
      %gather3A_2846 = vector.shape_cast %broadcast_in_dim3A_2845 : vector<16x1xi32> to vector<16xi32>
      %gather3A_2847 = tpu.dynamic_gather %select_n3A_2833[%gather3A_2846] in [0] : vector<16xi32>, vector<16xi32> -> vector<16xi32>
      %ge3A_2848 = arith.cmpi sge, %iota3A, %broadcast_in_dim3A_2835 : vector<16xi32>
      %select_n3A_2849 = arith.select %ge3A_2848, %gather3A_2847, %broadcast_in_dim3A_7 : vector<16xi1>, vector<16xi32>
      %add3A_2850 = arith.addi %select_n3A_2833, %select_n3A_2849 : vector<16xi32>
      %broadcast_in_dim3A_2851 = arith.constant 2 : i32
      %broadcast_in_dim3A_2852 = vector.broadcast %broadcast_in_dim3A_2851 : i32 to vector<16xi32>
      %sub3A_2853 = arith.subi %iota3A, %broadcast_in_dim3A_2852 : vector<16xi32>
      %max3A_2854 = arith.maxsi %sub3A_2853, %broadcast_in_dim3A_7 : vector<16xi32>
      %lt3A_2855 = arith.constant 0 : i32
      %lt3A_2856 = vector.broadcast %lt3A_2855 : i32 to vector<16xi32>
      %lt3A_2857 = arith.cmpi slt, %max3A_2854, %lt3A_2856 : vector<16xi32>
      %add3A_2858 = arith.constant 16 : i32
      %add3A_2859 = vector.broadcast %add3A_2858 : i32 to vector<16xi32>
      %add3A_2860 = arith.addi %max3A_2854, %add3A_2859 : vector<16xi32>
      %select_n3A_2861 = arith.select %lt3A_2857, %add3A_2860, %max3A_2854 : vector<16xi1>, vector<16xi32>
      %broadcast_in_dim3A_2862 = vector.shape_cast %select_n3A_2861 : vector<16xi32> to vector<16x1xi32>
      %gather3A_2863 = vector.shape_cast %broadcast_in_dim3A_2862 : vector<16x1xi32> to vector<16xi32>
      %gather3A_2864 = tpu.dynamic_gather %add3A_2850[%gather3A_2863] in [0] : vector<16xi32>, vector<16xi32> -> vector<16xi32>
      %ge3A_2865 = arith.cmpi sge, %iota3A, %broadcast_in_dim3A_2852 : vector<16xi32>
      %select_n3A_2866 = arith.select %ge3A_2865, %gather3A_2864, %broadcast_in_dim3A_7 : vector<16xi1>, vector<16xi32>
      %add3A_2867 = arith.addi %add3A_2850, %select_n3A_2866 : vector<16xi32>
      %broadcast_in_dim3A_2868 = arith.constant 4 : i32
      %broadcast_in_dim3A_2869 = vector.broadcast %broadcast_in_dim3A_2868 : i32 to vector<16xi32>
      %sub3A_2870 = arith.subi %iota3A, %broadcast_in_dim3A_2869 : vector<16xi32>
      %max3A_2871 = arith.maxsi %sub3A_2870, %broadcast_in_dim3A_7 : vector<16xi32>
      %lt3A_2872 = arith.constant 0 : i32
      %lt3A_2873 = vector.broadcast %lt3A_2872 : i32 to vector<16xi32>
      %lt3A_2874 = arith.cmpi slt, %max3A_2871, %lt3A_2873 : vector<16xi32>
      %add3A_2875 = arith.constant 16 : i32
      %add3A_2876 = vector.broadcast %add3A_2875 : i32 to vector<16xi32>
      %add3A_2877 = arith.addi %max3A_2871, %add3A_2876 : vector<16xi32>
      %select_n3A_2878 = arith.select %lt3A_2874, %add3A_2877, %max3A_2871 : vector<16xi1>, vector<16xi32>
      %broadcast_in_dim3A_2879 = vector.shape_cast %select_n3A_2878 : vector<16xi32> to vector<16x1xi32>
      %gather3A_2880 = vector.shape_cast %broadcast_in_dim3A_2879 : vector<16x1xi32> to vector<16xi32>
      %gather3A_2881 = tpu.dynamic_gather %add3A_2867[%gather3A_2880] in [0] : vector<16xi32>, vector<16xi32> -> vector<16xi32>
      %ge3A_2882 = arith.cmpi sge, %iota3A, %broadcast_in_dim3A_2869 : vector<16xi32>
      %select_n3A_2883 = arith.select %ge3A_2882, %gather3A_2881, %broadcast_in_dim3A_7 : vector<16xi1>, vector<16xi32>
      %add3A_2884 = arith.addi %add3A_2867, %select_n3A_2883 : vector<16xi32>
      %broadcast_in_dim3A_2885 = arith.constant 8 : i32
      %broadcast_in_dim3A_2886 = vector.broadcast %broadcast_in_dim3A_2885 : i32 to vector<16xi32>
      %sub3A_2887 = arith.subi %iota3A, %broadcast_in_dim3A_2886 : vector<16xi32>
      %max3A_2888 = arith.maxsi %sub3A_2887, %broadcast_in_dim3A_7 : vector<16xi32>
      %lt3A_2889 = arith.constant 0 : i32
      %lt3A_2890 = vector.broadcast %lt3A_2889 : i32 to vector<16xi32>
      %lt3A_2891 = arith.cmpi slt, %max3A_2888, %lt3A_2890 : vector<16xi32>
      %add3A_2892 = arith.constant 16 : i32
      %add3A_2893 = vector.broadcast %add3A_2892 : i32 to vector<16xi32>
      %add3A_2894 = arith.addi %max3A_2888, %add3A_2893 : vector<16xi32>
      %select_n3A_2895 = arith.select %lt3A_2891, %add3A_2894, %max3A_2888 : vector<16xi1>, vector<16xi32>
      %broadcast_in_dim3A_2896 = vector.shape_cast %select_n3A_2895 : vector<16xi32> to vector<16x1xi32>
      %gather3A_2897 = vector.shape_cast %broadcast_in_dim3A_2896 : vector<16x1xi32> to vector<16xi32>
      %gather3A_2898 = tpu.dynamic_gather %add3A_2884[%gather3A_2897] in [0] : vector<16xi32>, vector<16xi32> -> vector<16xi32>
      %ge3A_2899 = arith.cmpi sge, %iota3A, %broadcast_in_dim3A_2886 : vector<16xi32>
      %select_n3A_2900 = arith.select %ge3A_2899, %gather3A_2898, %broadcast_in_dim3A_7 : vector<16xi1>, vector<16xi32>
      %add3A_2901 = arith.addi %add3A_2884, %select_n3A_2900 : vector<16xi32>
      %add3A_2902 = arith.addi %add3A_2827, %add3A_2901 : vector<16xi32>
      %sub3A_2903 = arith.subi %add3A_2902, %broadcast_in_dim3A_5 : vector<16xi32>
      %get3A_2904 = arith.index_cast %add3A_2829 : i32 to index
      %get3A_2905 = tpu.vector_load %arg11[%get3A_2904] {strides = array<i32>} : memref<1024xf32, #tpu.memory_space<vmem>>, vector<16xf32>,
      tpu.vector_store_idx %arg14[%sub3A_2903], %get3A_2905 masked %le3A_2832 : memref<512xf32, #tpu.memory_space<vmem>>[vector<16xi32>], vector<16xf32>, vector<16xi1>
      %get3A_2906 = arith.index_cast %add3A_2829 : i32 to index
      %get3A_2907 = tpu.vector_load %arg12[%get3A_2906] {strides = array<i32>} : memref<1024xf32, #tpu.memory_space<vmem>>, vector<16xf32>,
      tpu.vector_store_idx %arg15[%sub3A_2903], %get3A_2907 masked %le3A_2832 : memref<512xf32, #tpu.memory_space<vmem>>[vector<16xi32>], vector<16xf32>, vector<16xi1>
      %get3A_2908 = arith.index_cast %add3A_2829 : i32 to index
      %get3A_2909 = tpu.vector_load %arg13[%get3A_2908] {strides = array<i32>} : memref<1024xf32, #tpu.memory_space<vmem>>, vector<16xf32>,
      tpu.vector_store_idx %arg16[%sub3A_2903], %get3A_2909 masked %le3A_2832 : memref<512xf32, #tpu.memory_space<vmem>>[vector<16xi32>], vector<16xf32>, vector<16xi1>
      %lt3A_2910 = arith.constant 0 : i32
      %lt3A_2911 = vector.broadcast %lt3A_2910 : i32 to vector<16xi32>
      %lt3A_2912 = arith.cmpi slt, %broadcast_in_dim3A_9, %lt3A_2911 : vector<16xi32>
      %add3A_2913 = arith.constant 16 : i32
      %add3A_2914 = vector.broadcast %add3A_2913 : i32 to vector<16xi32>
      %add3A_2915 = arith.addi %broadcast_in_dim3A_9, %add3A_2914 : vector<16xi32>
      %select_n3A_2916 = arith.select %lt3A_2912, %add3A_2915, %broadcast_in_dim3A_9 : vector<16xi1>, vector<16xi32>
      %broadcast_in_dim3A_2917 = vector.shape_cast %select_n3A_2916 : vector<16xi32> to vector<16x1xi32>
      %gather3A_2918 = vector.shape_cast %broadcast_in_dim3A_2917 : vector<16x1xi32> to vector<16xi32>
      %gather3A_2919 = tpu.dynamic_gather %add3A_2901[%gather3A_2918] in [0] : vector<16xi32>, vector<16xi32> -> vector<16xi32>
      %add3A_2920 = arith.addi %add3A_2827, %gather3A_2919 : vector<16xi32>
      %add3A_2921 = arith.constant 464 : i32
      %add3A_2922 = arith.addi %mul3A_36, %add3A_2921 : i32
      %get3A_2923 = arith.constant 464 : index
      %get3A_2924 = tpu.vector_load %arg10[%get3A_2923] {strides = array<i32>} : memref<512xf32, #tpu.memory_space<vmem>>, vector<16xf32>,
      %le3A_2925 = arith.cmpf ole, %get3A_2924, %broadcast_in_dim3A_1 : vector<16xf32>
      %select_n3A_2926 = arith.select %le3A_2925, %broadcast_in_dim3A_5, %broadcast_in_dim3A_7 : vector<16xi1>, vector<16xi32>
      %broadcast_in_dim3A_2927 = arith.constant 1 : i32
      %broadcast_in_dim3A_2928 = vector.broadcast %broadcast_in_dim3A_2927 : i32 to vector<16xi32>
      %sub3A_2929 = arith.subi %iota3A, %broadcast_in_dim3A_2928 : vector<16xi32>
      %max3A_2930 = arith.maxsi %sub3A_2929, %broadcast_in_dim3A_7 : vector<16xi32>
      %lt3A_2931 = arith.constant 0 : i32
      %lt3A_2932 = vector.broadcast %lt3A_2931 : i32 to vector<16xi32>
      %lt3A_2933 = arith.cmpi slt, %max3A_2930, %lt3A_2932 : vector<16xi32>
      %add3A_2934 = arith.constant 16 : i32
      %add3A_2935 = vector.broadcast %add3A_2934 : i32 to vector<16xi32>
      %add3A_2936 = arith.addi %max3A_2930, %add3A_2935 : vector<16xi32>
      %select_n3A_2937 = arith.select %lt3A_2933, %add3A_2936, %max3A_2930 : vector<16xi1>, vector<16xi32>
      %broadcast_in_dim3A_2938 = vector.shape_cast %select_n3A_2937 : vector<16xi32> to vector<16x1xi32>
      %gather3A_2939 = vector.shape_cast %broadcast_in_dim3A_2938 : vector<16x1xi32> to vector<16xi32>
      %gather3A_2940 = tpu.dynamic_gather %select_n3A_2926[%gather3A_2939] in [0] : vector<16xi32>, vector<16xi32> -> vector<16xi32>
      %ge3A_2941 = arith.cmpi sge, %iota3A, %broadcast_in_dim3A_2928 : vector<16xi32>
      %select_n3A_2942 = arith.select %ge3A_2941, %gather3A_2940, %broadcast_in_dim3A_7 : vector<16xi1>, vector<16xi32>
      %add3A_2943 = arith.addi %select_n3A_2926, %select_n3A_2942 : vector<16xi32>
      %broadcast_in_dim3A_2944 = arith.constant 2 : i32
      %broadcast_in_dim3A_2945 = vector.broadcast %broadcast_in_dim3A_2944 : i32 to vector<16xi32>
      %sub3A_2946 = arith.subi %iota3A, %broadcast_in_dim3A_2945 : vector<16xi32>
      %max3A_2947 = arith.maxsi %sub3A_2946, %broadcast_in_dim3A_7 : vector<16xi32>
      %lt3A_2948 = arith.constant 0 : i32
      %lt3A_2949 = vector.broadcast %lt3A_2948 : i32 to vector<16xi32>
      %lt3A_2950 = arith.cmpi slt, %max3A_2947, %lt3A_2949 : vector<16xi32>
      %add3A_2951 = arith.constant 16 : i32
      %add3A_2952 = vector.broadcast %add3A_2951 : i32 to vector<16xi32>
      %add3A_2953 = arith.addi %max3A_2947, %add3A_2952 : vector<16xi32>
      %select_n3A_2954 = arith.select %lt3A_2950, %add3A_2953, %max3A_2947 : vector<16xi1>, vector<16xi32>
      %broadcast_in_dim3A_2955 = vector.shape_cast %select_n3A_2954 : vector<16xi32> to vector<16x1xi32>
      %gather3A_2956 = vector.shape_cast %broadcast_in_dim3A_2955 : vector<16x1xi32> to vector<16xi32>
      %gather3A_2957 = tpu.dynamic_gather %add3A_2943[%gather3A_2956] in [0] : vector<16xi32>, vector<16xi32> -> vector<16xi32>
      %ge3A_2958 = arith.cmpi sge, %iota3A, %broadcast_in_dim3A_2945 : vector<16xi32>
      %select_n3A_2959 = arith.select %ge3A_2958, %gather3A_2957, %broadcast_in_dim3A_7 : vector<16xi1>, vector<16xi32>
      %add3A_2960 = arith.addi %add3A_2943, %select_n3A_2959 : vector<16xi32>
      %broadcast_in_dim3A_2961 = arith.constant 4 : i32
      %broadcast_in_dim3A_2962 = vector.broadcast %broadcast_in_dim3A_2961 : i32 to vector<16xi32>
      %sub3A_2963 = arith.subi %iota3A, %broadcast_in_dim3A_2962 : vector<16xi32>
      %max3A_2964 = arith.maxsi %sub3A_2963, %broadcast_in_dim3A_7 : vector<16xi32>
      %lt3A_2965 = arith.constant 0 : i32
      %lt3A_2966 = vector.broadcast %lt3A_2965 : i32 to vector<16xi32>
      %lt3A_2967 = arith.cmpi slt, %max3A_2964, %lt3A_2966 : vector<16xi32>
      %add3A_2968 = arith.constant 16 : i32
      %add3A_2969 = vector.broadcast %add3A_2968 : i32 to vector<16xi32>
      %add3A_2970 = arith.addi %max3A_2964, %add3A_2969 : vector<16xi32>
      %select_n3A_2971 = arith.select %lt3A_2967, %add3A_2970, %max3A_2964 : vector<16xi1>, vector<16xi32>
      %broadcast_in_dim3A_2972 = vector.shape_cast %select_n3A_2971 : vector<16xi32> to vector<16x1xi32>
      %gather3A_2973 = vector.shape_cast %broadcast_in_dim3A_2972 : vector<16x1xi32> to vector<16xi32>
      %gather3A_2974 = tpu.dynamic_gather %add3A_2960[%gather3A_2973] in [0] : vector<16xi32>, vector<16xi32> -> vector<16xi32>
      %ge3A_2975 = arith.cmpi sge, %iota3A, %broadcast_in_dim3A_2962 : vector<16xi32>
      %select_n3A_2976 = arith.select %ge3A_2975, %gather3A_2974, %broadcast_in_dim3A_7 : vector<16xi1>, vector<16xi32>
      %add3A_2977 = arith.addi %add3A_2960, %select_n3A_2976 : vector<16xi32>
      %broadcast_in_dim3A_2978 = arith.constant 8 : i32
      %broadcast_in_dim3A_2979 = vector.broadcast %broadcast_in_dim3A_2978 : i32 to vector<16xi32>
      %sub3A_2980 = arith.subi %iota3A, %broadcast_in_dim3A_2979 : vector<16xi32>
      %max3A_2981 = arith.maxsi %sub3A_2980, %broadcast_in_dim3A_7 : vector<16xi32>
      %lt3A_2982 = arith.constant 0 : i32
      %lt3A_2983 = vector.broadcast %lt3A_2982 : i32 to vector<16xi32>
      %lt3A_2984 = arith.cmpi slt, %max3A_2981, %lt3A_2983 : vector<16xi32>
      %add3A_2985 = arith.constant 16 : i32
      %add3A_2986 = vector.broadcast %add3A_2985 : i32 to vector<16xi32>
      %add3A_2987 = arith.addi %max3A_2981, %add3A_2986 : vector<16xi32>
      %select_n3A_2988 = arith.select %lt3A_2984, %add3A_2987, %max3A_2981 : vector<16xi1>, vector<16xi32>
      %broadcast_in_dim3A_2989 = vector.shape_cast %select_n3A_2988 : vector<16xi32> to vector<16x1xi32>
      %gather3A_2990 = vector.shape_cast %broadcast_in_dim3A_2989 : vector<16x1xi32> to vector<16xi32>
      %gather3A_2991 = tpu.dynamic_gather %add3A_2977[%gather3A_2990] in [0] : vector<16xi32>, vector<16xi32> -> vector<16xi32>
      %ge3A_2992 = arith.cmpi sge, %iota3A, %broadcast_in_dim3A_2979 : vector<16xi32>
      %select_n3A_2993 = arith.select %ge3A_2992, %gather3A_2991, %broadcast_in_dim3A_7 : vector<16xi1>, vector<16xi32>
      %add3A_2994 = arith.addi %add3A_2977, %select_n3A_2993 : vector<16xi32>
      %add3A_2995 = arith.addi %add3A_2920, %add3A_2994 : vector<16xi32>
      %sub3A_2996 = arith.subi %add3A_2995, %broadcast_in_dim3A_5 : vector<16xi32>
      %get3A_2997 = arith.index_cast %add3A_2922 : i32 to index
      %get3A_2998 = tpu.vector_load %arg11[%get3A_2997] {strides = array<i32>} : memref<1024xf32, #tpu.memory_space<vmem>>, vector<16xf32>,
      tpu.vector_store_idx %arg14[%sub3A_2996], %get3A_2998 masked %le3A_2925 : memref<512xf32, #tpu.memory_space<vmem>>[vector<16xi32>], vector<16xf32>, vector<16xi1>
      %get3A_2999 = arith.index_cast %add3A_2922 : i32 to index
      %get3A_3000 = tpu.vector_load %arg12[%get3A_2999] {strides = array<i32>} : memref<1024xf32, #tpu.memory_space<vmem>>, vector<16xf32>,
      tpu.vector_store_idx %arg15[%sub3A_2996], %get3A_3000 masked %le3A_2925 : memref<512xf32, #tpu.memory_space<vmem>>[vector<16xi32>], vector<16xf32>, vector<16xi1>
      %get3A_3001 = arith.index_cast %add3A_2922 : i32 to index
      %get3A_3002 = tpu.vector_load %arg13[%get3A_3001] {strides = array<i32>} : memref<1024xf32, #tpu.memory_space<vmem>>, vector<16xf32>,
      tpu.vector_store_idx %arg16[%sub3A_2996], %get3A_3002 masked %le3A_2925 : memref<512xf32, #tpu.memory_space<vmem>>[vector<16xi32>], vector<16xf32>, vector<16xi1>
      %lt3A_3003 = arith.constant 0 : i32
      %lt3A_3004 = vector.broadcast %lt3A_3003 : i32 to vector<16xi32>
      %lt3A_3005 = arith.cmpi slt, %broadcast_in_dim3A_9, %lt3A_3004 : vector<16xi32>
      %add3A_3006 = arith.constant 16 : i32
      %add3A_3007 = vector.broadcast %add3A_3006 : i32 to vector<16xi32>
      %add3A_3008 = arith.addi %broadcast_in_dim3A_9, %add3A_3007 : vector<16xi32>
      %select_n3A_3009 = arith.select %lt3A_3005, %add3A_3008, %broadcast_in_dim3A_9 : vector<16xi1>, vector<16xi32>
      %broadcast_in_dim3A_3010 = vector.shape_cast %select_n3A_3009 : vector<16xi32> to vector<16x1xi32>
      %gather3A_3011 = vector.shape_cast %broadcast_in_dim3A_3010 : vector<16x1xi32> to vector<16xi32>
      %gather3A_3012 = tpu.dynamic_gather %add3A_2994[%gather3A_3011] in [0] : vector<16xi32>, vector<16xi32> -> vector<16xi32>
      %add3A_3013 = arith.addi %add3A_2920, %gather3A_3012 : vector<16xi32>
      %add3A_3014 = arith.constant 480 : i32
      %add3A_3015 = arith.addi %mul3A_36, %add3A_3014 : i32
      %get3A_3016 = arith.constant 480 : index
      %get3A_3017 = tpu.vector_load %arg10[%get3A_3016] {strides = array<i32>} : memref<512xf32, #tpu.memory_space<vmem>>, vector<16xf32>,
      %le3A_3018 = arith.cmpf ole, %get3A_3017, %broadcast_in_dim3A_1 : vector<16xf32>
      %select_n3A_3019 = arith.select %le3A_3018, %broadcast_in_dim3A_5, %broadcast_in_dim3A_7 : vector<16xi1>, vector<16xi32>
      %broadcast_in_dim3A_3020 = arith.constant 1 : i32
      %broadcast_in_dim3A_3021 = vector.broadcast %broadcast_in_dim3A_3020 : i32 to vector<16xi32>
      %sub3A_3022 = arith.subi %iota3A, %broadcast_in_dim3A_3021 : vector<16xi32>
      %max3A_3023 = arith.maxsi %sub3A_3022, %broadcast_in_dim3A_7 : vector<16xi32>
      %lt3A_3024 = arith.constant 0 : i32
      %lt3A_3025 = vector.broadcast %lt3A_3024 : i32 to vector<16xi32>
      %lt3A_3026 = arith.cmpi slt, %max3A_3023, %lt3A_3025 : vector<16xi32>
      %add3A_3027 = arith.constant 16 : i32
      %add3A_3028 = vector.broadcast %add3A_3027 : i32 to vector<16xi32>
      %add3A_3029 = arith.addi %max3A_3023, %add3A_3028 : vector<16xi32>
      %select_n3A_3030 = arith.select %lt3A_3026, %add3A_3029, %max3A_3023 : vector<16xi1>, vector<16xi32>
      %broadcast_in_dim3A_3031 = vector.shape_cast %select_n3A_3030 : vector<16xi32> to vector<16x1xi32>
      %gather3A_3032 = vector.shape_cast %broadcast_in_dim3A_3031 : vector<16x1xi32> to vector<16xi32>
      %gather3A_3033 = tpu.dynamic_gather %select_n3A_3019[%gather3A_3032] in [0] : vector<16xi32>, vector<16xi32> -> vector<16xi32>
      %ge3A_3034 = arith.cmpi sge, %iota3A, %broadcast_in_dim3A_3021 : vector<16xi32>
      %select_n3A_3035 = arith.select %ge3A_3034, %gather3A_3033, %broadcast_in_dim3A_7 : vector<16xi1>, vector<16xi32>
      %add3A_3036 = arith.addi %select_n3A_3019, %select_n3A_3035 : vector<16xi32>
      %broadcast_in_dim3A_3037 = arith.constant 2 : i32
      %broadcast_in_dim3A_3038 = vector.broadcast %broadcast_in_dim3A_3037 : i32 to vector<16xi32>
      %sub3A_3039 = arith.subi %iota3A, %broadcast_in_dim3A_3038 : vector<16xi32>
      %max3A_3040 = arith.maxsi %sub3A_3039, %broadcast_in_dim3A_7 : vector<16xi32>
      %lt3A_3041 = arith.constant 0 : i32
      %lt3A_3042 = vector.broadcast %lt3A_3041 : i32 to vector<16xi32>
      %lt3A_3043 = arith.cmpi slt, %max3A_3040, %lt3A_3042 : vector<16xi32>
      %add3A_3044 = arith.constant 16 : i32
      %add3A_3045 = vector.broadcast %add3A_3044 : i32 to vector<16xi32>
      %add3A_3046 = arith.addi %max3A_3040, %add3A_3045 : vector<16xi32>
      %select_n3A_3047 = arith.select %lt3A_3043, %add3A_3046, %max3A_3040 : vector<16xi1>, vector<16xi32>
      %broadcast_in_dim3A_3048 = vector.shape_cast %select_n3A_3047 : vector<16xi32> to vector<16x1xi32>
      %gather3A_3049 = vector.shape_cast %broadcast_in_dim3A_3048 : vector<16x1xi32> to vector<16xi32>
      %gather3A_3050 = tpu.dynamic_gather %add3A_3036[%gather3A_3049] in [0] : vector<16xi32>, vector<16xi32> -> vector<16xi32>
      %ge3A_3051 = arith.cmpi sge, %iota3A, %broadcast_in_dim3A_3038 : vector<16xi32>
      %select_n3A_3052 = arith.select %ge3A_3051, %gather3A_3050, %broadcast_in_dim3A_7 : vector<16xi1>, vector<16xi32>
      %add3A_3053 = arith.addi %add3A_3036, %select_n3A_3052 : vector<16xi32>
      %broadcast_in_dim3A_3054 = arith.constant 4 : i32
      %broadcast_in_dim3A_3055 = vector.broadcast %broadcast_in_dim3A_3054 : i32 to vector<16xi32>
      %sub3A_3056 = arith.subi %iota3A, %broadcast_in_dim3A_3055 : vector<16xi32>
      %max3A_3057 = arith.maxsi %sub3A_3056, %broadcast_in_dim3A_7 : vector<16xi32>
      %lt3A_3058 = arith.constant 0 : i32
      %lt3A_3059 = vector.broadcast %lt3A_3058 : i32 to vector<16xi32>
      %lt3A_3060 = arith.cmpi slt, %max3A_3057, %lt3A_3059 : vector<16xi32>
      %add3A_3061 = arith.constant 16 : i32
      %add3A_3062 = vector.broadcast %add3A_3061 : i32 to vector<16xi32>
      %add3A_3063 = arith.addi %max3A_3057, %add3A_3062 : vector<16xi32>
      %select_n3A_3064 = arith.select %lt3A_3060, %add3A_3063, %max3A_3057 : vector<16xi1>, vector<16xi32>
      %broadcast_in_dim3A_3065 = vector.shape_cast %select_n3A_3064 : vector<16xi32> to vector<16x1xi32>
      %gather3A_3066 = vector.shape_cast %broadcast_in_dim3A_3065 : vector<16x1xi32> to vector<16xi32>
      %gather3A_3067 = tpu.dynamic_gather %add3A_3053[%gather3A_3066] in [0] : vector<16xi32>, vector<16xi32> -> vector<16xi32>
      %ge3A_3068 = arith.cmpi sge, %iota3A, %broadcast_in_dim3A_3055 : vector<16xi32>
      %select_n3A_3069 = arith.select %ge3A_3068, %gather3A_3067, %broadcast_in_dim3A_7 : vector<16xi1>, vector<16xi32>
      %add3A_3070 = arith.addi %add3A_3053, %select_n3A_3069 : vector<16xi32>
      %broadcast_in_dim3A_3071 = arith.constant 8 : i32
      %broadcast_in_dim3A_3072 = vector.broadcast %broadcast_in_dim3A_3071 : i32 to vector<16xi32>
      %sub3A_3073 = arith.subi %iota3A, %broadcast_in_dim3A_3072 : vector<16xi32>
      %max3A_3074 = arith.maxsi %sub3A_3073, %broadcast_in_dim3A_7 : vector<16xi32>
      %lt3A_3075 = arith.constant 0 : i32
      %lt3A_3076 = vector.broadcast %lt3A_3075 : i32 to vector<16xi32>
      %lt3A_3077 = arith.cmpi slt, %max3A_3074, %lt3A_3076 : vector<16xi32>
      %add3A_3078 = arith.constant 16 : i32
      %add3A_3079 = vector.broadcast %add3A_3078 : i32 to vector<16xi32>
      %add3A_3080 = arith.addi %max3A_3074, %add3A_3079 : vector<16xi32>
      %select_n3A_3081 = arith.select %lt3A_3077, %add3A_3080, %max3A_3074 : vector<16xi1>, vector<16xi32>
      %broadcast_in_dim3A_3082 = vector.shape_cast %select_n3A_3081 : vector<16xi32> to vector<16x1xi32>
      %gather3A_3083 = vector.shape_cast %broadcast_in_dim3A_3082 : vector<16x1xi32> to vector<16xi32>
      %gather3A_3084 = tpu.dynamic_gather %add3A_3070[%gather3A_3083] in [0] : vector<16xi32>, vector<16xi32> -> vector<16xi32>
      %ge3A_3085 = arith.cmpi sge, %iota3A, %broadcast_in_dim3A_3072 : vector<16xi32>
      %select_n3A_3086 = arith.select %ge3A_3085, %gather3A_3084, %broadcast_in_dim3A_7 : vector<16xi1>, vector<16xi32>
      %add3A_3087 = arith.addi %add3A_3070, %select_n3A_3086 : vector<16xi32>
      %add3A_3088 = arith.addi %add3A_3013, %add3A_3087 : vector<16xi32>
      %sub3A_3089 = arith.subi %add3A_3088, %broadcast_in_dim3A_5 : vector<16xi32>
      %get3A_3090 = arith.index_cast %add3A_3015 : i32 to index
      %get3A_3091 = tpu.vector_load %arg11[%get3A_3090] {strides = array<i32>} : memref<1024xf32, #tpu.memory_space<vmem>>, vector<16xf32>,
      tpu.vector_store_idx %arg14[%sub3A_3089], %get3A_3091 masked %le3A_3018 : memref<512xf32, #tpu.memory_space<vmem>>[vector<16xi32>], vector<16xf32>, vector<16xi1>
      %get3A_3092 = arith.index_cast %add3A_3015 : i32 to index
      %get3A_3093 = tpu.vector_load %arg12[%get3A_3092] {strides = array<i32>} : memref<1024xf32, #tpu.memory_space<vmem>>, vector<16xf32>,
      tpu.vector_store_idx %arg15[%sub3A_3089], %get3A_3093 masked %le3A_3018 : memref<512xf32, #tpu.memory_space<vmem>>[vector<16xi32>], vector<16xf32>, vector<16xi1>
      %get3A_3094 = arith.index_cast %add3A_3015 : i32 to index
      %get3A_3095 = tpu.vector_load %arg13[%get3A_3094] {strides = array<i32>} : memref<1024xf32, #tpu.memory_space<vmem>>, vector<16xf32>,
      tpu.vector_store_idx %arg16[%sub3A_3089], %get3A_3095 masked %le3A_3018 : memref<512xf32, #tpu.memory_space<vmem>>[vector<16xi32>], vector<16xf32>, vector<16xi1>
      %lt3A_3096 = arith.constant 0 : i32
      %lt3A_3097 = vector.broadcast %lt3A_3096 : i32 to vector<16xi32>
      %lt3A_3098 = arith.cmpi slt, %broadcast_in_dim3A_9, %lt3A_3097 : vector<16xi32>
      %add3A_3099 = arith.constant 16 : i32
      %add3A_3100 = vector.broadcast %add3A_3099 : i32 to vector<16xi32>
      %add3A_3101 = arith.addi %broadcast_in_dim3A_9, %add3A_3100 : vector<16xi32>
      %select_n3A_3102 = arith.select %lt3A_3098, %add3A_3101, %broadcast_in_dim3A_9 : vector<16xi1>, vector<16xi32>
      %broadcast_in_dim3A_3103 = vector.shape_cast %select_n3A_3102 : vector<16xi32> to vector<16x1xi32>
      %gather3A_3104 = vector.shape_cast %broadcast_in_dim3A_3103 : vector<16x1xi32> to vector<16xi32>
      %gather3A_3105 = tpu.dynamic_gather %add3A_3087[%gather3A_3104] in [0] : vector<16xi32>, vector<16xi32> -> vector<16xi32>
      %add3A_3106 = arith.addi %add3A_3013, %gather3A_3105 : vector<16xi32>
      %add3A_3107 = arith.constant 496 : i32
      %add3A_3108 = arith.addi %mul3A_36, %add3A_3107 : i32
      %get3A_3109 = arith.constant 496 : index
      %get3A_3110 = tpu.vector_load %arg10[%get3A_3109] {strides = array<i32>} : memref<512xf32, #tpu.memory_space<vmem>>, vector<16xf32>,
      %le3A_3111 = arith.cmpf ole, %get3A_3110, %broadcast_in_dim3A_1 : vector<16xf32>
      %select_n3A_3112 = arith.select %le3A_3111, %broadcast_in_dim3A_5, %broadcast_in_dim3A_7 : vector<16xi1>, vector<16xi32>
      %broadcast_in_dim3A_3113 = arith.constant 1 : i32
      %broadcast_in_dim3A_3114 = vector.broadcast %broadcast_in_dim3A_3113 : i32 to vector<16xi32>
      %sub3A_3115 = arith.subi %iota3A, %broadcast_in_dim3A_3114 : vector<16xi32>
      %max3A_3116 = arith.maxsi %sub3A_3115, %broadcast_in_dim3A_7 : vector<16xi32>
      %lt3A_3117 = arith.constant 0 : i32
      %lt3A_3118 = vector.broadcast %lt3A_3117 : i32 to vector<16xi32>
      %lt3A_3119 = arith.cmpi slt, %max3A_3116, %lt3A_3118 : vector<16xi32>
      %add3A_3120 = arith.constant 16 : i32
      %add3A_3121 = vector.broadcast %add3A_3120 : i32 to vector<16xi32>
      %add3A_3122 = arith.addi %max3A_3116, %add3A_3121 : vector<16xi32>
      %select_n3A_3123 = arith.select %lt3A_3119, %add3A_3122, %max3A_3116 : vector<16xi1>, vector<16xi32>
      %broadcast_in_dim3A_3124 = vector.shape_cast %select_n3A_3123 : vector<16xi32> to vector<16x1xi32>
      %gather3A_3125 = vector.shape_cast %broadcast_in_dim3A_3124 : vector<16x1xi32> to vector<16xi32>
      %gather3A_3126 = tpu.dynamic_gather %select_n3A_3112[%gather3A_3125] in [0] : vector<16xi32>, vector<16xi32> -> vector<16xi32>
      %ge3A_3127 = arith.cmpi sge, %iota3A, %broadcast_in_dim3A_3114 : vector<16xi32>
      %select_n3A_3128 = arith.select %ge3A_3127, %gather3A_3126, %broadcast_in_dim3A_7 : vector<16xi1>, vector<16xi32>
      %add3A_3129 = arith.addi %select_n3A_3112, %select_n3A_3128 : vector<16xi32>
      %broadcast_in_dim3A_3130 = arith.constant 2 : i32
      %broadcast_in_dim3A_3131 = vector.broadcast %broadcast_in_dim3A_3130 : i32 to vector<16xi32>
      %sub3A_3132 = arith.subi %iota3A, %broadcast_in_dim3A_3131 : vector<16xi32>
      %max3A_3133 = arith.maxsi %sub3A_3132, %broadcast_in_dim3A_7 : vector<16xi32>
      %lt3A_3134 = arith.constant 0 : i32
      %lt3A_3135 = vector.broadcast %lt3A_3134 : i32 to vector<16xi32>
      %lt3A_3136 = arith.cmpi slt, %max3A_3133, %lt3A_3135 : vector<16xi32>
      %add3A_3137 = arith.constant 16 : i32
      %add3A_3138 = vector.broadcast %add3A_3137 : i32 to vector<16xi32>
      %add3A_3139 = arith.addi %max3A_3133, %add3A_3138 : vector<16xi32>
      %select_n3A_3140 = arith.select %lt3A_3136, %add3A_3139, %max3A_3133 : vector<16xi1>, vector<16xi32>
      %broadcast_in_dim3A_3141 = vector.shape_cast %select_n3A_3140 : vector<16xi32> to vector<16x1xi32>
      %gather3A_3142 = vector.shape_cast %broadcast_in_dim3A_3141 : vector<16x1xi32> to vector<16xi32>
      %gather3A_3143 = tpu.dynamic_gather %add3A_3129[%gather3A_3142] in [0] : vector<16xi32>, vector<16xi32> -> vector<16xi32>
      %ge3A_3144 = arith.cmpi sge, %iota3A, %broadcast_in_dim3A_3131 : vector<16xi32>
      %select_n3A_3145 = arith.select %ge3A_3144, %gather3A_3143, %broadcast_in_dim3A_7 : vector<16xi1>, vector<16xi32>
      %add3A_3146 = arith.addi %add3A_3129, %select_n3A_3145 : vector<16xi32>
      %broadcast_in_dim3A_3147 = arith.constant 4 : i32
      %broadcast_in_dim3A_3148 = vector.broadcast %broadcast_in_dim3A_3147 : i32 to vector<16xi32>
      %sub3A_3149 = arith.subi %iota3A, %broadcast_in_dim3A_3148 : vector<16xi32>
      %max3A_3150 = arith.maxsi %sub3A_3149, %broadcast_in_dim3A_7 : vector<16xi32>
      %lt3A_3151 = arith.constant 0 : i32
      %lt3A_3152 = vector.broadcast %lt3A_3151 : i32 to vector<16xi32>
      %lt3A_3153 = arith.cmpi slt, %max3A_3150, %lt3A_3152 : vector<16xi32>
      %add3A_3154 = arith.constant 16 : i32
      %add3A_3155 = vector.broadcast %add3A_3154 : i32 to vector<16xi32>
      %add3A_3156 = arith.addi %max3A_3150, %add3A_3155 : vector<16xi32>
      %select_n3A_3157 = arith.select %lt3A_3153, %add3A_3156, %max3A_3150 : vector<16xi1>, vector<16xi32>
      %broadcast_in_dim3A_3158 = vector.shape_cast %select_n3A_3157 : vector<16xi32> to vector<16x1xi32>
      %gather3A_3159 = vector.shape_cast %broadcast_in_dim3A_3158 : vector<16x1xi32> to vector<16xi32>
      %gather3A_3160 = tpu.dynamic_gather %add3A_3146[%gather3A_3159] in [0] : vector<16xi32>, vector<16xi32> -> vector<16xi32>
      %ge3A_3161 = arith.cmpi sge, %iota3A, %broadcast_in_dim3A_3148 : vector<16xi32>
      %select_n3A_3162 = arith.select %ge3A_3161, %gather3A_3160, %broadcast_in_dim3A_7 : vector<16xi1>, vector<16xi32>
      %add3A_3163 = arith.addi %add3A_3146, %select_n3A_3162 : vector<16xi32>
      %broadcast_in_dim3A_3164 = arith.constant 8 : i32
      %broadcast_in_dim3A_3165 = vector.broadcast %broadcast_in_dim3A_3164 : i32 to vector<16xi32>
      %sub3A_3166 = arith.subi %iota3A, %broadcast_in_dim3A_3165 : vector<16xi32>
      %max3A_3167 = arith.maxsi %sub3A_3166, %broadcast_in_dim3A_7 : vector<16xi32>
      %lt3A_3168 = arith.constant 0 : i32
      %lt3A_3169 = vector.broadcast %lt3A_3168 : i32 to vector<16xi32>
      %lt3A_3170 = arith.cmpi slt, %max3A_3167, %lt3A_3169 : vector<16xi32>
      %add3A_3171 = arith.constant 16 : i32
      %add3A_3172 = vector.broadcast %add3A_3171 : i32 to vector<16xi32>
      %add3A_3173 = arith.addi %max3A_3167, %add3A_3172 : vector<16xi32>
      %select_n3A_3174 = arith.select %lt3A_3170, %add3A_3173, %max3A_3167 : vector<16xi1>, vector<16xi32>
      %broadcast_in_dim3A_3175 = vector.shape_cast %select_n3A_3174 : vector<16xi32> to vector<16x1xi32>
      %gather3A_3176 = vector.shape_cast %broadcast_in_dim3A_3175 : vector<16x1xi32> to vector<16xi32>
      %gather3A_3177 = tpu.dynamic_gather %add3A_3163[%gather3A_3176] in [0] : vector<16xi32>, vector<16xi32> -> vector<16xi32>
      %ge3A_3178 = arith.cmpi sge, %iota3A, %broadcast_in_dim3A_3165 : vector<16xi32>
      %select_n3A_3179 = arith.select %ge3A_3178, %gather3A_3177, %broadcast_in_dim3A_7 : vector<16xi1>, vector<16xi32>
      %add3A_3180 = arith.addi %add3A_3163, %select_n3A_3179 : vector<16xi32>
      %add3A_3181 = arith.addi %add3A_3106, %add3A_3180 : vector<16xi32>
      %sub3A_3182 = arith.subi %add3A_3181, %broadcast_in_dim3A_5 : vector<16xi32>
      %get3A_3183 = arith.index_cast %add3A_3108 : i32 to index
      %get3A_3184 = tpu.vector_load %arg11[%get3A_3183] {strides = array<i32>} : memref<1024xf32, #tpu.memory_space<vmem>>, vector<16xf32>,
      tpu.vector_store_idx %arg14[%sub3A_3182], %get3A_3184 masked %le3A_3111 : memref<512xf32, #tpu.memory_space<vmem>>[vector<16xi32>], vector<16xf32>, vector<16xi1>
      %get3A_3185 = arith.index_cast %add3A_3108 : i32 to index
      %get3A_3186 = tpu.vector_load %arg12[%get3A_3185] {strides = array<i32>} : memref<1024xf32, #tpu.memory_space<vmem>>, vector<16xf32>,
      tpu.vector_store_idx %arg15[%sub3A_3182], %get3A_3186 masked %le3A_3111 : memref<512xf32, #tpu.memory_space<vmem>>[vector<16xi32>], vector<16xf32>, vector<16xi1>
      %get3A_3187 = arith.index_cast %add3A_3108 : i32 to index
      %get3A_3188 = tpu.vector_load %arg13[%get3A_3187] {strides = array<i32>} : memref<1024xf32, #tpu.memory_space<vmem>>, vector<16xf32>,
      tpu.vector_store_idx %arg16[%sub3A_3182], %get3A_3188 masked %le3A_3111 : memref<512xf32, #tpu.memory_space<vmem>>[vector<16xi32>], vector<16xf32>, vector<16xi1>
      %lt3A_3189 = arith.constant 0 : i32
      %lt3A_3190 = vector.broadcast %lt3A_3189 : i32 to vector<16xi32>
      %lt3A_3191 = arith.cmpi slt, %broadcast_in_dim3A_9, %lt3A_3190 : vector<16xi32>
      %add3A_3192 = arith.constant 16 : i32
      %add3A_3193 = vector.broadcast %add3A_3192 : i32 to vector<16xi32>
      %add3A_3194 = arith.addi %broadcast_in_dim3A_9, %add3A_3193 : vector<16xi32>
      %select_n3A_3195 = arith.select %lt3A_3191, %add3A_3194, %broadcast_in_dim3A_9 : vector<16xi1>, vector<16xi32>
      %broadcast_in_dim3A_3196 = vector.shape_cast %select_n3A_3195 : vector<16xi32> to vector<16x1xi32>
      %gather3A_3197 = vector.shape_cast %broadcast_in_dim3A_3196 : vector<16x1xi32> to vector<16xi32>
      %gather3A_3198 = tpu.dynamic_gather %add3A_3180[%gather3A_3197] in [0] : vector<16xi32>, vector<16xi32> -> vector<16xi32>
      %add3A_3199 = arith.addi %add3A_3106, %gather3A_3198 : vector<16xi32>
      %swap3A_3200 = arith.constant 0 : index
      %swap3A_3201 = tpu.vector_load %arg17[%swap3A_3200] {strides = array<i32>} : memref<16xi32, #tpu.memory_space<vmem>>, vector<16xi32>,
      tpu.vector_store %arg17[%swap3A_3200], %add3A_3199 {strides = array<i32>} : memref<16xi32, #tpu.memory_space<vmem>>, vector<16xi32>,
      "tpu.region"() ({
        %run_scoped3A = tpu.sem_alloc : memref<!tpu.dma_semaphore, #tpu.memory_space<semaphore_mem>>
        %dma_start3A = arith.constant 0 : i32
        %dma_start3A_3202 = tpu.memref_slice %arg6[%add3A_18, %dma_start3A] : memref<256x512xf32, #tpu.memory_space<hbm>> -> memref<1x512xf32, #tpu.memory_space<hbm>>
        %dma_start3A_3203 = tpu.memref_squeeze %dma_start3A_3202 : memref<1x512xf32, #tpu.memory_space<hbm>> -> memref<512xf32, #tpu.memory_space<hbm>>
        %dma_start3A_3204 = arith.constant 0 : i32
        %dma_start3A_3205 = tpu.memref_slice %arg6[%add3A_18, %dma_start3A_3204] : memref<256x512xf32, #tpu.memory_space<hbm>> -> memref<1x512xf32, #tpu.memory_space<hbm>>
        %dma_start3A_3206 = tpu.memref_squeeze %dma_start3A_3205 : memref<1x512xf32, #tpu.memory_space<hbm>> -> memref<512xf32, #tpu.memory_space<hbm>>
        tpu.enqueue_dma source(%arg14 : memref<512xf32, #tpu.memory_space<vmem>>) target(%dma_start3A_3206 : memref<512xf32, #tpu.memory_space<hbm>>) target_semaphore(%run_scoped3A : memref<!tpu.dma_semaphore, #tpu.memory_space<semaphore_mem>>)
        %dma_wait3A = arith.constant 0 : i32
        %dma_wait3A_3207 = tpu.memref_slice %arg6[%add3A_18, %dma_wait3A] : memref<256x512xf32, #tpu.memory_space<hbm>> -> memref<1x512xf32, #tpu.memory_space<hbm>>
        %dma_wait3A_3208 = tpu.memref_squeeze %dma_wait3A_3207 : memref<1x512xf32, #tpu.memory_space<hbm>> -> memref<512xf32, #tpu.memory_space<hbm>>
        %dma_wait3A_3209 = arith.constant 0 : i32
        %dma_wait3A_3210 = tpu.memref_slice %arg6[%add3A_18, %dma_wait3A_3209] : memref<256x512xf32, #tpu.memory_space<hbm>> -> memref<1x512xf32, #tpu.memory_space<hbm>>
        %dma_wait3A_3211 = tpu.memref_squeeze %dma_wait3A_3210 : memref<1x512xf32, #tpu.memory_space<hbm>> -> memref<512xf32, #tpu.memory_space<hbm>>
        tpu.wait_dma2 semaphore(%run_scoped3A : memref<!tpu.dma_semaphore, #tpu.memory_space<semaphore_mem>>) src(%arg14 : memref<512xf32, #tpu.memory_space<vmem>>) dst(%dma_wait3A_3211 : memref<512xf32, #tpu.memory_space<hbm>>)
        tpu.yield
      }) : () -> ()
      "tpu.region"() ({
        %run_scoped3A = tpu.sem_alloc : memref<!tpu.dma_semaphore, #tpu.memory_space<semaphore_mem>>
        %dma_start3A = arith.constant 0 : i32
        %dma_start3A_3202 = tpu.memref_slice %arg7[%add3A_18, %dma_start3A] : memref<256x512xf32, #tpu.memory_space<hbm>> -> memref<1x512xf32, #tpu.memory_space<hbm>>
        %dma_start3A_3203 = tpu.memref_squeeze %dma_start3A_3202 : memref<1x512xf32, #tpu.memory_space<hbm>> -> memref<512xf32, #tpu.memory_space<hbm>>
        %dma_start3A_3204 = arith.constant 0 : i32
        %dma_start3A_3205 = tpu.memref_slice %arg7[%add3A_18, %dma_start3A_3204] : memref<256x512xf32, #tpu.memory_space<hbm>> -> memref<1x512xf32, #tpu.memory_space<hbm>>
        %dma_start3A_3206 = tpu.memref_squeeze %dma_start3A_3205 : memref<1x512xf32, #tpu.memory_space<hbm>> -> memref<512xf32, #tpu.memory_space<hbm>>
        tpu.enqueue_dma source(%arg15 : memref<512xf32, #tpu.memory_space<vmem>>) target(%dma_start3A_3206 : memref<512xf32, #tpu.memory_space<hbm>>) target_semaphore(%run_scoped3A : memref<!tpu.dma_semaphore, #tpu.memory_space<semaphore_mem>>)
        %dma_wait3A = arith.constant 0 : i32
        %dma_wait3A_3207 = tpu.memref_slice %arg7[%add3A_18, %dma_wait3A] : memref<256x512xf32, #tpu.memory_space<hbm>> -> memref<1x512xf32, #tpu.memory_space<hbm>>
        %dma_wait3A_3208 = tpu.memref_squeeze %dma_wait3A_3207 : memref<1x512xf32, #tpu.memory_space<hbm>> -> memref<512xf32, #tpu.memory_space<hbm>>
        %dma_wait3A_3209 = arith.constant 0 : i32
        %dma_wait3A_3210 = tpu.memref_slice %arg7[%add3A_18, %dma_wait3A_3209] : memref<256x512xf32, #tpu.memory_space<hbm>> -> memref<1x512xf32, #tpu.memory_space<hbm>>
        %dma_wait3A_3211 = tpu.memref_squeeze %dma_wait3A_3210 : memref<1x512xf32, #tpu.memory_space<hbm>> -> memref<512xf32, #tpu.memory_space<hbm>>
        tpu.wait_dma2 semaphore(%run_scoped3A : memref<!tpu.dma_semaphore, #tpu.memory_space<semaphore_mem>>) src(%arg15 : memref<512xf32, #tpu.memory_space<vmem>>) dst(%dma_wait3A_3211 : memref<512xf32, #tpu.memory_space<hbm>>)
        tpu.yield
      }) : () -> ()
      "tpu.region"() ({
        %run_scoped3A = tpu.sem_alloc : memref<!tpu.dma_semaphore, #tpu.memory_space<semaphore_mem>>
        %dma_start3A = arith.constant 0 : i32
        %dma_start3A_3202 = tpu.memref_slice %arg8[%add3A_18, %dma_start3A] : memref<256x512xf32, #tpu.memory_space<hbm>> -> memref<1x512xf32, #tpu.memory_space<hbm>>
        %dma_start3A_3203 = tpu.memref_squeeze %dma_start3A_3202 : memref<1x512xf32, #tpu.memory_space<hbm>> -> memref<512xf32, #tpu.memory_space<hbm>>
        %dma_start3A_3204 = arith.constant 0 : i32
        %dma_start3A_3205 = tpu.memref_slice %arg8[%add3A_18, %dma_start3A_3204] : memref<256x512xf32, #tpu.memory_space<hbm>> -> memref<1x512xf32, #tpu.memory_space<hbm>>
        %dma_start3A_3206 = tpu.memref_squeeze %dma_start3A_3205 : memref<1x512xf32, #tpu.memory_space<hbm>> -> memref<512xf32, #tpu.memory_space<hbm>>
        tpu.enqueue_dma source(%arg16 : memref<512xf32, #tpu.memory_space<vmem>>) target(%dma_start3A_3206 : memref<512xf32, #tpu.memory_space<hbm>>) target_semaphore(%run_scoped3A : memref<!tpu.dma_semaphore, #tpu.memory_space<semaphore_mem>>)
        %dma_wait3A = arith.constant 0 : i32
        %dma_wait3A_3207 = tpu.memref_slice %arg8[%add3A_18, %dma_wait3A] : memref<256x512xf32, #tpu.memory_space<hbm>> -> memref<1x512xf32, #tpu.memory_space<hbm>>
        %dma_wait3A_3208 = tpu.memref_squeeze %dma_wait3A_3207 : memref<1x512xf32, #tpu.memory_space<hbm>> -> memref<512xf32, #tpu.memory_space<hbm>>
        %dma_wait3A_3209 = arith.constant 0 : i32
        %dma_wait3A_3210 = tpu.memref_slice %arg8[%add3A_18, %dma_wait3A_3209] : memref<256x512xf32, #tpu.memory_space<hbm>> -> memref<1x512xf32, #tpu.memory_space<hbm>>
        %dma_wait3A_3211 = tpu.memref_squeeze %dma_wait3A_3210 : memref<1x512xf32, #tpu.memory_space<hbm>> -> memref<512xf32, #tpu.memory_space<hbm>>
        tpu.wait_dma2 semaphore(%run_scoped3A : memref<!tpu.dma_semaphore, #tpu.memory_space<semaphore_mem>>) src(%arg16 : memref<512xf32, #tpu.memory_space<vmem>>) dst(%dma_wait3A_3211 : memref<512xf32, #tpu.memory_space<hbm>>)
        tpu.yield
      }) : () -> ()
      "tpu.region"() ({
        %run_scoped3A = tpu.sem_alloc : memref<!tpu.dma_semaphore, #tpu.memory_space<semaphore_mem>>
        %dma_start3A = arith.constant 0 : i32
        %dma_start3A_3202 = tpu.memref_slice %arg9[%add3A_18, %dma_start3A] : memref<256x16xi32, #tpu.memory_space<hbm>> -> memref<1x16xi32, #tpu.memory_space<hbm>>
        %dma_start3A_3203 = tpu.memref_squeeze %dma_start3A_3202 : memref<1x16xi32, #tpu.memory_space<hbm>> -> memref<16xi32, #tpu.memory_space<hbm>>
        %dma_start3A_3204 = arith.constant 0 : i32
        %dma_start3A_3205 = tpu.memref_slice %arg9[%add3A_18, %dma_start3A_3204] : memref<256x16xi32, #tpu.memory_space<hbm>> -> memref<1x16xi32, #tpu.memory_space<hbm>>
        %dma_start3A_3206 = tpu.memref_squeeze %dma_start3A_3205 : memref<1x16xi32, #tpu.memory_space<hbm>> -> memref<16xi32, #tpu.memory_space<hbm>>
        tpu.enqueue_dma source(%arg17 : memref<16xi32, #tpu.memory_space<vmem>>) target(%dma_start3A_3206 : memref<16xi32, #tpu.memory_space<hbm>>) target_semaphore(%run_scoped3A : memref<!tpu.dma_semaphore, #tpu.memory_space<semaphore_mem>>)
        %dma_wait3A = arith.constant 0 : i32
        %dma_wait3A_3207 = tpu.memref_slice %arg9[%add3A_18, %dma_wait3A] : memref<256x16xi32, #tpu.memory_space<hbm>> -> memref<1x16xi32, #tpu.memory_space<hbm>>
        %dma_wait3A_3208 = tpu.memref_squeeze %dma_wait3A_3207 : memref<1x16xi32, #tpu.memory_space<hbm>> -> memref<16xi32, #tpu.memory_space<hbm>>
        %dma_wait3A_3209 = arith.constant 0 : i32
        %dma_wait3A_3210 = tpu.memref_slice %arg9[%add3A_18, %dma_wait3A_3209] : memref<256x16xi32, #tpu.memory_space<hbm>> -> memref<1x16xi32, #tpu.memory_space<hbm>>
        %dma_wait3A_3211 = tpu.memref_squeeze %dma_wait3A_3210 : memref<1x16xi32, #tpu.memory_space<hbm>> -> memref<16xi32, #tpu.memory_space<hbm>>
        tpu.wait_dma2 semaphore(%run_scoped3A : memref<!tpu.dma_semaphore, #tpu.memory_space<semaphore_mem>>) src(%arg17 : memref<16xi32, #tpu.memory_space<vmem>>) dst(%dma_wait3A_3211 : memref<16xi32, #tpu.memory_space<hbm>>)
        tpu.yield
      }) : () -> ()
    }
    %scan3A_14 = arith.constant 8 : i32
    return
  }
}

module attributes {stable_mosaic.version = 14 : i64} {
  func.func @_nn_interp_kernel(%arg0: i32, %arg1: i32, %arg2: i32, %arg3: memref<1x1x1x512xf32, #tpu.memory_space<smem>>, %arg4: memref<1x1x1x512xf32, #tpu.memory_space<smem>>, %arg5: memref<1x1x1x512xf32, #tpu.memory_space<smem>>, %arg6: memref<1x1x1x1xi32, #tpu.memory_space<smem>>, %arg7: memref<1x1x1x32x128xf32, #tpu.memory_space<vmem>>) attributes {dimension_semantics = [#tpu.dimension_semantics<arbitrary>, #tpu.dimension_semantics<arbitrary>, #tpu.dimension_semantics<arbitrary>], iteration_bounds = array<i64: 2, 8, 16>, scalar_prefetch = 0 : i64, scratch_operands = 0 : i64, tpu.core_type = #tpu.core_type<tc>, window_params = [{transform_indices = @transform_0, window_bounds = array<i64: 1, 1, 1, 512>}, {transform_indices = @transform_1, window_bounds = array<i64: 1, 1, 1, 512>}, {transform_indices = @transform_2, window_bounds = array<i64: 1, 1, 1, 512>}, {transform_indices = @transform_3, window_bounds = array<i64: 1, 1, 1, 1>}, {transform_indices = @transform_4, window_bounds = array<i64: 1, 1, 1, 32, 128>}]} {
    %iota3A = tpu.iota {dimensions = array<i32: 0>} : vector<32x128xi32>
    %iota3A_0 = tpu.iota {dimensions = array<i32: 1>} : vector<32x128xi32>
    %ge3A = arith.constant 64 : i32
    %ge3A_1 = vector.broadcast %ge3A : i32 to vector<32x128xi32>
    %ge3A_2 = arith.cmpi sge, %iota3A_0, %ge3A_1 : vector<32x128xi32>
    %jit3A = arith.constant 32 : i32
    %jit3A_3 = arith.constant 0 : i32
    %broadcast_in_dim3A = vector.broadcast %jit3A : i32 to vector<32x128xi32>
    %broadcast_in_dim3A_4 = vector.broadcast %jit3A_3 : i32 to vector<32x128xi32>
    %select_n3A = arith.select %ge3A_2, %broadcast_in_dim3A, %broadcast_in_dim3A_4 : vector<32x128xi1>, vector<32x128xi32>
    %mul3A = arith.constant 64 : i32
    %mul3A_5 = arith.muli %arg1, %mul3A : i32
    %add3A = vector.broadcast %mul3A_5 : i32 to vector<32x128xi32>
    %add3A_6 = arith.addi %add3A, %select_n3A : vector<32x128xi32>
    %add3A_7 = arith.addi %add3A_6, %iota3A : vector<32x128xi32>
    %convert_element_type3A = arith.sitofp %add3A_7 : vector<32x128xi32> to vector<32x128xf32>
    %mul3A_8 = arith.constant 0.00613592332 : f32
    %mul3A_9 = vector.broadcast %mul3A_8 : f32 to vector<32x128xf32>
    %mul3A_10 = arith.mulf %convert_element_type3A, %mul3A_9 : vector<32x128xf32>
    %mul3A_11 = arith.constant 64 : i32
    %mul3A_12 = arith.muli %arg2, %mul3A_11 : i32
    %and3A = arith.constant 63 : i32
    %and3A_13 = vector.broadcast %and3A : i32 to vector<32x128xi32>
    %and3A_14 = arith.andi %iota3A_0, %and3A_13 : vector<32x128xi32>
    %add3A_15 = vector.broadcast %mul3A_12 : i32 to vector<32x128xi32>
    %add3A_16 = arith.addi %add3A_15, %and3A_14 : vector<32x128xi32>
    %convert_element_type3A_17 = arith.sitofp %add3A_16 : vector<32x128xi32> to vector<32x128xf32>
    %mul3A_18 = arith.constant 0.00613592332 : f32
    %mul3A_19 = vector.broadcast %mul3A_18 : f32 to vector<32x128xf32>
    %mul3A_20 = arith.mulf %convert_element_type3A_17, %mul3A_19 : vector<32x128xf32>
    %sub3A = arith.constant 3.14159274 : f32
    %sub3A_21 = vector.broadcast %sub3A : f32 to vector<32x128xf32>
    %sub3A_22 = arith.subf %mul3A_20, %sub3A_21 : vector<32x128xf32>
    %broadcast_in_dim3A_23 = arith.constant 1.000000e+30 : f32
    %broadcast_in_dim3A_24 = vector.broadcast %broadcast_in_dim3A_23 : f32 to vector<32x128xf32>
    %broadcast_in_dim3A_25 = arith.constant 0.000000e+00 : f32
    %broadcast_in_dim3A_26 = vector.broadcast %broadcast_in_dim3A_25 : f32 to vector<32x128xf32>
    %get3A = arith.constant 0 : index
    %get3A_27 = arith.constant 0 : index
    %get3A_28 = arith.constant 0 : index
    %get3A_29 = arith.constant 0 : index
    %get3A_30 = memref.load %arg6[%get3A, %get3A_27, %get3A_28, %get3A_29] : memref<1x1x1x1xi32, #tpu.memory_space<smem>>
    %while3A = arith.constant 0 : i32
    %while3A_31 = arith.subi %get3A_30, %while3A : i32
    %while3A_32 = arith.addi %while3A, %while3A_31 : i32
    %while3A_33 = arith.constant 1 : i32
    %while3A_34 = arith.divsi %while3A_31, %while3A_33 : i32
    %while3A_35 = arith.muli %while3A_34, %while3A_33 : i32
    %while3A_36 = arith.addi %while3A, %while3A_35 : i32
    %while3A_37 = arith.constant 1 : i32
    %while3A_38:6 = scf.for %while3A_55 = %while3A to %while3A_36 step %while3A_37 iter_args(%while3A_56 = %broadcast_in_dim3A_24, %while3A_57 = %broadcast_in_dim3A_24, %while3A_58 = %broadcast_in_dim3A_24, %while3A_59 = %broadcast_in_dim3A_26, %while3A_60 = %broadcast_in_dim3A_26, %while3A_61 = %broadcast_in_dim3A_26) -> (vector<32x128xf32>, vector<32x128xf32>, vector<32x128xf32>, vector<32x128xf32>, vector<32x128xf32>, vector<32x128xf32>)  : i32 {
      %mul3A_62 = arith.constant 16 : i32
      %mul3A_63 = arith.muli %while3A_55, %mul3A_62 : i32
      %add3A_64 = arith.constant 0 : i32
      %add3A_65 = arith.addi %mul3A_63, %add3A_64 : i32
      %get3A_66 = arith.constant 0 : index
      %get3A_67 = arith.constant 0 : index
      %get3A_68 = arith.constant 0 : index
      %get3A_69 = arith.index_cast %add3A_65 : i32 to index
      %get3A_70 = memref.load %arg3[%get3A_66, %get3A_67, %get3A_68, %get3A_69] : memref<1x1x1x512xf32, #tpu.memory_space<smem>>
      %get3A_71 = arith.constant 0 : index
      %get3A_72 = arith.constant 0 : index
      %get3A_73 = arith.constant 0 : index
      %get3A_74 = arith.index_cast %add3A_65 : i32 to index
      %get3A_75 = memref.load %arg4[%get3A_71, %get3A_72, %get3A_73, %get3A_74] : memref<1x1x1x512xf32, #tpu.memory_space<smem>>
      %get3A_76 = arith.constant 0 : index
      %get3A_77 = arith.constant 0 : index
      %get3A_78 = arith.constant 0 : index
      %get3A_79 = arith.index_cast %add3A_65 : i32 to index
      %get3A_80 = memref.load %arg5[%get3A_76, %get3A_77, %get3A_78, %get3A_79] : memref<1x1x1x512xf32, #tpu.memory_space<smem>>
      %sub3A_81 = vector.broadcast %get3A_70 : f32 to vector<32x128xf32>
      %sub3A_82 = arith.subf %mul3A_10, %sub3A_81 : vector<32x128xf32>
      %sub3A_83 = vector.broadcast %get3A_75 : f32 to vector<32x128xf32>
      %sub3A_84 = arith.subf %sub3A_22, %sub3A_83 : vector<32x128xf32>
      %mul3A_85 = arith.mulf %sub3A_82, %sub3A_82 : vector<32x128xf32>
      %mul3A_86 = arith.mulf %sub3A_84, %sub3A_84 : vector<32x128xf32>
      %add3A_87 = arith.addf %mul3A_85, %mul3A_86 : vector<32x128xf32>
      %lt3A = arith.cmpf olt, %add3A_87, %while3A_56 : vector<32x128xf32>
      %min3A = arith.minimumf %while3A_56, %add3A_87 : vector<32x128xf32>
      %max3A = arith.maximumf %while3A_56, %add3A_87 : vector<32x128xf32>
      %broadcast_in_dim3A_88 = vector.broadcast %get3A_80 : f32 to vector<32x128xf32>
      %select_n3A_89 = arith.select %lt3A, %broadcast_in_dim3A_88, %while3A_59 : vector<32x128xi1>, vector<32x128xf32>
      %broadcast_in_dim3A_90 = vector.broadcast %get3A_80 : f32 to vector<32x128xf32>
      %select_n3A_91 = arith.select %lt3A, %while3A_59, %broadcast_in_dim3A_90 : vector<32x128xi1>, vector<32x128xf32>
      %lt3A_92 = arith.cmpf olt, %max3A, %while3A_57 : vector<32x128xf32>
      %min3A_93 = arith.minimumf %while3A_57, %max3A : vector<32x128xf32>
      %max3A_94 = arith.maximumf %while3A_57, %max3A : vector<32x128xf32>
      %select_n3A_95 = arith.select %lt3A_92, %select_n3A_91, %while3A_60 : vector<32x128xi1>, vector<32x128xf32>
      %select_n3A_96 = arith.select %lt3A_92, %while3A_60, %select_n3A_91 : vector<32x128xi1>, vector<32x128xf32>
      %lt3A_97 = arith.cmpf olt, %max3A_94, %while3A_58 : vector<32x128xf32>
      %min3A_98 = arith.minimumf %while3A_58, %max3A_94 : vector<32x128xf32>
      %select_n3A_99 = arith.select %lt3A_97, %select_n3A_96, %while3A_61 : vector<32x128xi1>, vector<32x128xf32>
      %add3A_100 = arith.constant 1 : i32
      %add3A_101 = arith.addi %mul3A_63, %add3A_100 : i32
      %get3A_102 = arith.constant 0 : index
      %get3A_103 = arith.constant 0 : index
      %get3A_104 = arith.constant 0 : index
      %get3A_105 = arith.index_cast %add3A_101 : i32 to index
      %get3A_106 = memref.load %arg3[%get3A_102, %get3A_103, %get3A_104, %get3A_105] : memref<1x1x1x512xf32, #tpu.memory_space<smem>>
      %get3A_107 = arith.constant 0 : index
      %get3A_108 = arith.constant 0 : index
      %get3A_109 = arith.constant 0 : index
      %get3A_110 = arith.index_cast %add3A_101 : i32 to index
      %get3A_111 = memref.load %arg4[%get3A_107, %get3A_108, %get3A_109, %get3A_110] : memref<1x1x1x512xf32, #tpu.memory_space<smem>>
      %get3A_112 = arith.constant 0 : index
      %get3A_113 = arith.constant 0 : index
      %get3A_114 = arith.constant 0 : index
      %get3A_115 = arith.index_cast %add3A_101 : i32 to index
      %get3A_116 = memref.load %arg5[%get3A_112, %get3A_113, %get3A_114, %get3A_115] : memref<1x1x1x512xf32, #tpu.memory_space<smem>>
      %sub3A_117 = vector.broadcast %get3A_106 : f32 to vector<32x128xf32>
      %sub3A_118 = arith.subf %mul3A_10, %sub3A_117 : vector<32x128xf32>
      %sub3A_119 = vector.broadcast %get3A_111 : f32 to vector<32x128xf32>
      %sub3A_120 = arith.subf %sub3A_22, %sub3A_119 : vector<32x128xf32>
      %mul3A_121 = arith.mulf %sub3A_118, %sub3A_118 : vector<32x128xf32>
      %mul3A_122 = arith.mulf %sub3A_120, %sub3A_120 : vector<32x128xf32>
      %add3A_123 = arith.addf %mul3A_121, %mul3A_122 : vector<32x128xf32>
      %lt3A_124 = arith.cmpf olt, %add3A_123, %min3A : vector<32x128xf32>
      %min3A_125 = arith.minimumf %min3A, %add3A_123 : vector<32x128xf32>
      %max3A_126 = arith.maximumf %min3A, %add3A_123 : vector<32x128xf32>
      %broadcast_in_dim3A_127 = vector.broadcast %get3A_116 : f32 to vector<32x128xf32>
      %select_n3A_128 = arith.select %lt3A_124, %broadcast_in_dim3A_127, %select_n3A_89 : vector<32x128xi1>, vector<32x128xf32>
      %broadcast_in_dim3A_129 = vector.broadcast %get3A_116 : f32 to vector<32x128xf32>
      %select_n3A_130 = arith.select %lt3A_124, %select_n3A_89, %broadcast_in_dim3A_129 : vector<32x128xi1>, vector<32x128xf32>
      %lt3A_131 = arith.cmpf olt, %max3A_126, %min3A_93 : vector<32x128xf32>
      %min3A_132 = arith.minimumf %min3A_93, %max3A_126 : vector<32x128xf32>
      %max3A_133 = arith.maximumf %min3A_93, %max3A_126 : vector<32x128xf32>
      %select_n3A_134 = arith.select %lt3A_131, %select_n3A_130, %select_n3A_95 : vector<32x128xi1>, vector<32x128xf32>
      %select_n3A_135 = arith.select %lt3A_131, %select_n3A_95, %select_n3A_130 : vector<32x128xi1>, vector<32x128xf32>
      %lt3A_136 = arith.cmpf olt, %max3A_133, %min3A_98 : vector<32x128xf32>
      %min3A_137 = arith.minimumf %min3A_98, %max3A_133 : vector<32x128xf32>
      %select_n3A_138 = arith.select %lt3A_136, %select_n3A_135, %select_n3A_99 : vector<32x128xi1>, vector<32x128xf32>
      %add3A_139 = arith.constant 2 : i32
      %add3A_140 = arith.addi %mul3A_63, %add3A_139 : i32
      %get3A_141 = arith.constant 0 : index
      %get3A_142 = arith.constant 0 : index
      %get3A_143 = arith.constant 0 : index
      %get3A_144 = arith.index_cast %add3A_140 : i32 to index
      %get3A_145 = memref.load %arg3[%get3A_141, %get3A_142, %get3A_143, %get3A_144] : memref<1x1x1x512xf32, #tpu.memory_space<smem>>
      %get3A_146 = arith.constant 0 : index
      %get3A_147 = arith.constant 0 : index
      %get3A_148 = arith.constant 0 : index
      %get3A_149 = arith.index_cast %add3A_140 : i32 to index
      %get3A_150 = memref.load %arg4[%get3A_146, %get3A_147, %get3A_148, %get3A_149] : memref<1x1x1x512xf32, #tpu.memory_space<smem>>
      %get3A_151 = arith.constant 0 : index
      %get3A_152 = arith.constant 0 : index
      %get3A_153 = arith.constant 0 : index
      %get3A_154 = arith.index_cast %add3A_140 : i32 to index
      %get3A_155 = memref.load %arg5[%get3A_151, %get3A_152, %get3A_153, %get3A_154] : memref<1x1x1x512xf32, #tpu.memory_space<smem>>
      %sub3A_156 = vector.broadcast %get3A_145 : f32 to vector<32x128xf32>
      %sub3A_157 = arith.subf %mul3A_10, %sub3A_156 : vector<32x128xf32>
      %sub3A_158 = vector.broadcast %get3A_150 : f32 to vector<32x128xf32>
      %sub3A_159 = arith.subf %sub3A_22, %sub3A_158 : vector<32x128xf32>
      %mul3A_160 = arith.mulf %sub3A_157, %sub3A_157 : vector<32x128xf32>
      %mul3A_161 = arith.mulf %sub3A_159, %sub3A_159 : vector<32x128xf32>
      %add3A_162 = arith.addf %mul3A_160, %mul3A_161 : vector<32x128xf32>
      %lt3A_163 = arith.cmpf olt, %add3A_162, %min3A_125 : vector<32x128xf32>
      %min3A_164 = arith.minimumf %min3A_125, %add3A_162 : vector<32x128xf32>
      %max3A_165 = arith.maximumf %min3A_125, %add3A_162 : vector<32x128xf32>
      %broadcast_in_dim3A_166 = vector.broadcast %get3A_155 : f32 to vector<32x128xf32>
      %select_n3A_167 = arith.select %lt3A_163, %broadcast_in_dim3A_166, %select_n3A_128 : vector<32x128xi1>, vector<32x128xf32>
      %broadcast_in_dim3A_168 = vector.broadcast %get3A_155 : f32 to vector<32x128xf32>
      %select_n3A_169 = arith.select %lt3A_163, %select_n3A_128, %broadcast_in_dim3A_168 : vector<32x128xi1>, vector<32x128xf32>
      %lt3A_170 = arith.cmpf olt, %max3A_165, %min3A_132 : vector<32x128xf32>
      %min3A_171 = arith.minimumf %min3A_132, %max3A_165 : vector<32x128xf32>
      %max3A_172 = arith.maximumf %min3A_132, %max3A_165 : vector<32x128xf32>
      %select_n3A_173 = arith.select %lt3A_170, %select_n3A_169, %select_n3A_134 : vector<32x128xi1>, vector<32x128xf32>
      %select_n3A_174 = arith.select %lt3A_170, %select_n3A_134, %select_n3A_169 : vector<32x128xi1>, vector<32x128xf32>
      %lt3A_175 = arith.cmpf olt, %max3A_172, %min3A_137 : vector<32x128xf32>
      %min3A_176 = arith.minimumf %min3A_137, %max3A_172 : vector<32x128xf32>
      %select_n3A_177 = arith.select %lt3A_175, %select_n3A_174, %select_n3A_138 : vector<32x128xi1>, vector<32x128xf32>
      %add3A_178 = arith.constant 3 : i32
      %add3A_179 = arith.addi %mul3A_63, %add3A_178 : i32
      %get3A_180 = arith.constant 0 : index
      %get3A_181 = arith.constant 0 : index
      %get3A_182 = arith.constant 0 : index
      %get3A_183 = arith.index_cast %add3A_179 : i32 to index
      %get3A_184 = memref.load %arg3[%get3A_180, %get3A_181, %get3A_182, %get3A_183] : memref<1x1x1x512xf32, #tpu.memory_space<smem>>
      %get3A_185 = arith.constant 0 : index
      %get3A_186 = arith.constant 0 : index
      %get3A_187 = arith.constant 0 : index
      %get3A_188 = arith.index_cast %add3A_179 : i32 to index
      %get3A_189 = memref.load %arg4[%get3A_185, %get3A_186, %get3A_187, %get3A_188] : memref<1x1x1x512xf32, #tpu.memory_space<smem>>
      %get3A_190 = arith.constant 0 : index
      %get3A_191 = arith.constant 0 : index
      %get3A_192 = arith.constant 0 : index
      %get3A_193 = arith.index_cast %add3A_179 : i32 to index
      %get3A_194 = memref.load %arg5[%get3A_190, %get3A_191, %get3A_192, %get3A_193] : memref<1x1x1x512xf32, #tpu.memory_space<smem>>
      %sub3A_195 = vector.broadcast %get3A_184 : f32 to vector<32x128xf32>
      %sub3A_196 = arith.subf %mul3A_10, %sub3A_195 : vector<32x128xf32>
      %sub3A_197 = vector.broadcast %get3A_189 : f32 to vector<32x128xf32>
      %sub3A_198 = arith.subf %sub3A_22, %sub3A_197 : vector<32x128xf32>
      %mul3A_199 = arith.mulf %sub3A_196, %sub3A_196 : vector<32x128xf32>
      %mul3A_200 = arith.mulf %sub3A_198, %sub3A_198 : vector<32x128xf32>
      %add3A_201 = arith.addf %mul3A_199, %mul3A_200 : vector<32x128xf32>
      %lt3A_202 = arith.cmpf olt, %add3A_201, %min3A_164 : vector<32x128xf32>
      %min3A_203 = arith.minimumf %min3A_164, %add3A_201 : vector<32x128xf32>
      %max3A_204 = arith.maximumf %min3A_164, %add3A_201 : vector<32x128xf32>
      %broadcast_in_dim3A_205 = vector.broadcast %get3A_194 : f32 to vector<32x128xf32>
      %select_n3A_206 = arith.select %lt3A_202, %broadcast_in_dim3A_205, %select_n3A_167 : vector<32x128xi1>, vector<32x128xf32>
      %broadcast_in_dim3A_207 = vector.broadcast %get3A_194 : f32 to vector<32x128xf32>
      %select_n3A_208 = arith.select %lt3A_202, %select_n3A_167, %broadcast_in_dim3A_207 : vector<32x128xi1>, vector<32x128xf32>
      %lt3A_209 = arith.cmpf olt, %max3A_204, %min3A_171 : vector<32x128xf32>
      %min3A_210 = arith.minimumf %min3A_171, %max3A_204 : vector<32x128xf32>
      %max3A_211 = arith.maximumf %min3A_171, %max3A_204 : vector<32x128xf32>
      %select_n3A_212 = arith.select %lt3A_209, %select_n3A_208, %select_n3A_173 : vector<32x128xi1>, vector<32x128xf32>
      %select_n3A_213 = arith.select %lt3A_209, %select_n3A_173, %select_n3A_208 : vector<32x128xi1>, vector<32x128xf32>
      %lt3A_214 = arith.cmpf olt, %max3A_211, %min3A_176 : vector<32x128xf32>
      %min3A_215 = arith.minimumf %min3A_176, %max3A_211 : vector<32x128xf32>
      %select_n3A_216 = arith.select %lt3A_214, %select_n3A_213, %select_n3A_177 : vector<32x128xi1>, vector<32x128xf32>
      %add3A_217 = arith.constant 4 : i32
      %add3A_218 = arith.addi %mul3A_63, %add3A_217 : i32
      %get3A_219 = arith.constant 0 : index
      %get3A_220 = arith.constant 0 : index
      %get3A_221 = arith.constant 0 : index
      %get3A_222 = arith.index_cast %add3A_218 : i32 to index
      %get3A_223 = memref.load %arg3[%get3A_219, %get3A_220, %get3A_221, %get3A_222] : memref<1x1x1x512xf32, #tpu.memory_space<smem>>
      %get3A_224 = arith.constant 0 : index
      %get3A_225 = arith.constant 0 : index
      %get3A_226 = arith.constant 0 : index
      %get3A_227 = arith.index_cast %add3A_218 : i32 to index
      %get3A_228 = memref.load %arg4[%get3A_224, %get3A_225, %get3A_226, %get3A_227] : memref<1x1x1x512xf32, #tpu.memory_space<smem>>
      %get3A_229 = arith.constant 0 : index
      %get3A_230 = arith.constant 0 : index
      %get3A_231 = arith.constant 0 : index
      %get3A_232 = arith.index_cast %add3A_218 : i32 to index
      %get3A_233 = memref.load %arg5[%get3A_229, %get3A_230, %get3A_231, %get3A_232] : memref<1x1x1x512xf32, #tpu.memory_space<smem>>
      %sub3A_234 = vector.broadcast %get3A_223 : f32 to vector<32x128xf32>
      %sub3A_235 = arith.subf %mul3A_10, %sub3A_234 : vector<32x128xf32>
      %sub3A_236 = vector.broadcast %get3A_228 : f32 to vector<32x128xf32>
      %sub3A_237 = arith.subf %sub3A_22, %sub3A_236 : vector<32x128xf32>
      %mul3A_238 = arith.mulf %sub3A_235, %sub3A_235 : vector<32x128xf32>
      %mul3A_239 = arith.mulf %sub3A_237, %sub3A_237 : vector<32x128xf32>
      %add3A_240 = arith.addf %mul3A_238, %mul3A_239 : vector<32x128xf32>
      %lt3A_241 = arith.cmpf olt, %add3A_240, %min3A_203 : vector<32x128xf32>
      %min3A_242 = arith.minimumf %min3A_203, %add3A_240 : vector<32x128xf32>
      %max3A_243 = arith.maximumf %min3A_203, %add3A_240 : vector<32x128xf32>
      %broadcast_in_dim3A_244 = vector.broadcast %get3A_233 : f32 to vector<32x128xf32>
      %select_n3A_245 = arith.select %lt3A_241, %broadcast_in_dim3A_244, %select_n3A_206 : vector<32x128xi1>, vector<32x128xf32>
      %broadcast_in_dim3A_246 = vector.broadcast %get3A_233 : f32 to vector<32x128xf32>
      %select_n3A_247 = arith.select %lt3A_241, %select_n3A_206, %broadcast_in_dim3A_246 : vector<32x128xi1>, vector<32x128xf32>
      %lt3A_248 = arith.cmpf olt, %max3A_243, %min3A_210 : vector<32x128xf32>
      %min3A_249 = arith.minimumf %min3A_210, %max3A_243 : vector<32x128xf32>
      %max3A_250 = arith.maximumf %min3A_210, %max3A_243 : vector<32x128xf32>
      %select_n3A_251 = arith.select %lt3A_248, %select_n3A_247, %select_n3A_212 : vector<32x128xi1>, vector<32x128xf32>
      %select_n3A_252 = arith.select %lt3A_248, %select_n3A_212, %select_n3A_247 : vector<32x128xi1>, vector<32x128xf32>
      %lt3A_253 = arith.cmpf olt, %max3A_250, %min3A_215 : vector<32x128xf32>
      %min3A_254 = arith.minimumf %min3A_215, %max3A_250 : vector<32x128xf32>
      %select_n3A_255 = arith.select %lt3A_253, %select_n3A_252, %select_n3A_216 : vector<32x128xi1>, vector<32x128xf32>
      %add3A_256 = arith.constant 5 : i32
      %add3A_257 = arith.addi %mul3A_63, %add3A_256 : i32
      %get3A_258 = arith.constant 0 : index
      %get3A_259 = arith.constant 0 : index
      %get3A_260 = arith.constant 0 : index
      %get3A_261 = arith.index_cast %add3A_257 : i32 to index
      %get3A_262 = memref.load %arg3[%get3A_258, %get3A_259, %get3A_260, %get3A_261] : memref<1x1x1x512xf32, #tpu.memory_space<smem>>
      %get3A_263 = arith.constant 0 : index
      %get3A_264 = arith.constant 0 : index
      %get3A_265 = arith.constant 0 : index
      %get3A_266 = arith.index_cast %add3A_257 : i32 to index
      %get3A_267 = memref.load %arg4[%get3A_263, %get3A_264, %get3A_265, %get3A_266] : memref<1x1x1x512xf32, #tpu.memory_space<smem>>
      %get3A_268 = arith.constant 0 : index
      %get3A_269 = arith.constant 0 : index
      %get3A_270 = arith.constant 0 : index
      %get3A_271 = arith.index_cast %add3A_257 : i32 to index
      %get3A_272 = memref.load %arg5[%get3A_268, %get3A_269, %get3A_270, %get3A_271] : memref<1x1x1x512xf32, #tpu.memory_space<smem>>
      %sub3A_273 = vector.broadcast %get3A_262 : f32 to vector<32x128xf32>
      %sub3A_274 = arith.subf %mul3A_10, %sub3A_273 : vector<32x128xf32>
      %sub3A_275 = vector.broadcast %get3A_267 : f32 to vector<32x128xf32>
      %sub3A_276 = arith.subf %sub3A_22, %sub3A_275 : vector<32x128xf32>
      %mul3A_277 = arith.mulf %sub3A_274, %sub3A_274 : vector<32x128xf32>
      %mul3A_278 = arith.mulf %sub3A_276, %sub3A_276 : vector<32x128xf32>
      %add3A_279 = arith.addf %mul3A_277, %mul3A_278 : vector<32x128xf32>
      %lt3A_280 = arith.cmpf olt, %add3A_279, %min3A_242 : vector<32x128xf32>
      %min3A_281 = arith.minimumf %min3A_242, %add3A_279 : vector<32x128xf32>
      %max3A_282 = arith.maximumf %min3A_242, %add3A_279 : vector<32x128xf32>
      %broadcast_in_dim3A_283 = vector.broadcast %get3A_272 : f32 to vector<32x128xf32>
      %select_n3A_284 = arith.select %lt3A_280, %broadcast_in_dim3A_283, %select_n3A_245 : vector<32x128xi1>, vector<32x128xf32>
      %broadcast_in_dim3A_285 = vector.broadcast %get3A_272 : f32 to vector<32x128xf32>
      %select_n3A_286 = arith.select %lt3A_280, %select_n3A_245, %broadcast_in_dim3A_285 : vector<32x128xi1>, vector<32x128xf32>
      %lt3A_287 = arith.cmpf olt, %max3A_282, %min3A_249 : vector<32x128xf32>
      %min3A_288 = arith.minimumf %min3A_249, %max3A_282 : vector<32x128xf32>
      %max3A_289 = arith.maximumf %min3A_249, %max3A_282 : vector<32x128xf32>
      %select_n3A_290 = arith.select %lt3A_287, %select_n3A_286, %select_n3A_251 : vector<32x128xi1>, vector<32x128xf32>
      %select_n3A_291 = arith.select %lt3A_287, %select_n3A_251, %select_n3A_286 : vector<32x128xi1>, vector<32x128xf32>
      %lt3A_292 = arith.cmpf olt, %max3A_289, %min3A_254 : vector<32x128xf32>
      %min3A_293 = arith.minimumf %min3A_254, %max3A_289 : vector<32x128xf32>
      %select_n3A_294 = arith.select %lt3A_292, %select_n3A_291, %select_n3A_255 : vector<32x128xi1>, vector<32x128xf32>
      %add3A_295 = arith.constant 6 : i32
      %add3A_296 = arith.addi %mul3A_63, %add3A_295 : i32
      %get3A_297 = arith.constant 0 : index
      %get3A_298 = arith.constant 0 : index
      %get3A_299 = arith.constant 0 : index
      %get3A_300 = arith.index_cast %add3A_296 : i32 to index
      %get3A_301 = memref.load %arg3[%get3A_297, %get3A_298, %get3A_299, %get3A_300] : memref<1x1x1x512xf32, #tpu.memory_space<smem>>
      %get3A_302 = arith.constant 0 : index
      %get3A_303 = arith.constant 0 : index
      %get3A_304 = arith.constant 0 : index
      %get3A_305 = arith.index_cast %add3A_296 : i32 to index
      %get3A_306 = memref.load %arg4[%get3A_302, %get3A_303, %get3A_304, %get3A_305] : memref<1x1x1x512xf32, #tpu.memory_space<smem>>
      %get3A_307 = arith.constant 0 : index
      %get3A_308 = arith.constant 0 : index
      %get3A_309 = arith.constant 0 : index
      %get3A_310 = arith.index_cast %add3A_296 : i32 to index
      %get3A_311 = memref.load %arg5[%get3A_307, %get3A_308, %get3A_309, %get3A_310] : memref<1x1x1x512xf32, #tpu.memory_space<smem>>
      %sub3A_312 = vector.broadcast %get3A_301 : f32 to vector<32x128xf32>
      %sub3A_313 = arith.subf %mul3A_10, %sub3A_312 : vector<32x128xf32>
      %sub3A_314 = vector.broadcast %get3A_306 : f32 to vector<32x128xf32>
      %sub3A_315 = arith.subf %sub3A_22, %sub3A_314 : vector<32x128xf32>
      %mul3A_316 = arith.mulf %sub3A_313, %sub3A_313 : vector<32x128xf32>
      %mul3A_317 = arith.mulf %sub3A_315, %sub3A_315 : vector<32x128xf32>
      %add3A_318 = arith.addf %mul3A_316, %mul3A_317 : vector<32x128xf32>
      %lt3A_319 = arith.cmpf olt, %add3A_318, %min3A_281 : vector<32x128xf32>
      %min3A_320 = arith.minimumf %min3A_281, %add3A_318 : vector<32x128xf32>
      %max3A_321 = arith.maximumf %min3A_281, %add3A_318 : vector<32x128xf32>
      %broadcast_in_dim3A_322 = vector.broadcast %get3A_311 : f32 to vector<32x128xf32>
      %select_n3A_323 = arith.select %lt3A_319, %broadcast_in_dim3A_322, %select_n3A_284 : vector<32x128xi1>, vector<32x128xf32>
      %broadcast_in_dim3A_324 = vector.broadcast %get3A_311 : f32 to vector<32x128xf32>
      %select_n3A_325 = arith.select %lt3A_319, %select_n3A_284, %broadcast_in_dim3A_324 : vector<32x128xi1>, vector<32x128xf32>
      %lt3A_326 = arith.cmpf olt, %max3A_321, %min3A_288 : vector<32x128xf32>
      %min3A_327 = arith.minimumf %min3A_288, %max3A_321 : vector<32x128xf32>
      %max3A_328 = arith.maximumf %min3A_288, %max3A_321 : vector<32x128xf32>
      %select_n3A_329 = arith.select %lt3A_326, %select_n3A_325, %select_n3A_290 : vector<32x128xi1>, vector<32x128xf32>
      %select_n3A_330 = arith.select %lt3A_326, %select_n3A_290, %select_n3A_325 : vector<32x128xi1>, vector<32x128xf32>
      %lt3A_331 = arith.cmpf olt, %max3A_328, %min3A_293 : vector<32x128xf32>
      %min3A_332 = arith.minimumf %min3A_293, %max3A_328 : vector<32x128xf32>
      %select_n3A_333 = arith.select %lt3A_331, %select_n3A_330, %select_n3A_294 : vector<32x128xi1>, vector<32x128xf32>
      %add3A_334 = arith.constant 7 : i32
      %add3A_335 = arith.addi %mul3A_63, %add3A_334 : i32
      %get3A_336 = arith.constant 0 : index
      %get3A_337 = arith.constant 0 : index
      %get3A_338 = arith.constant 0 : index
      %get3A_339 = arith.index_cast %add3A_335 : i32 to index
      %get3A_340 = memref.load %arg3[%get3A_336, %get3A_337, %get3A_338, %get3A_339] : memref<1x1x1x512xf32, #tpu.memory_space<smem>>
      %get3A_341 = arith.constant 0 : index
      %get3A_342 = arith.constant 0 : index
      %get3A_343 = arith.constant 0 : index
      %get3A_344 = arith.index_cast %add3A_335 : i32 to index
      %get3A_345 = memref.load %arg4[%get3A_341, %get3A_342, %get3A_343, %get3A_344] : memref<1x1x1x512xf32, #tpu.memory_space<smem>>
      %get3A_346 = arith.constant 0 : index
      %get3A_347 = arith.constant 0 : index
      %get3A_348 = arith.constant 0 : index
      %get3A_349 = arith.index_cast %add3A_335 : i32 to index
      %get3A_350 = memref.load %arg5[%get3A_346, %get3A_347, %get3A_348, %get3A_349] : memref<1x1x1x512xf32, #tpu.memory_space<smem>>
      %sub3A_351 = vector.broadcast %get3A_340 : f32 to vector<32x128xf32>
      %sub3A_352 = arith.subf %mul3A_10, %sub3A_351 : vector<32x128xf32>
      %sub3A_353 = vector.broadcast %get3A_345 : f32 to vector<32x128xf32>
      %sub3A_354 = arith.subf %sub3A_22, %sub3A_353 : vector<32x128xf32>
      %mul3A_355 = arith.mulf %sub3A_352, %sub3A_352 : vector<32x128xf32>
      %mul3A_356 = arith.mulf %sub3A_354, %sub3A_354 : vector<32x128xf32>
      %add3A_357 = arith.addf %mul3A_355, %mul3A_356 : vector<32x128xf32>
      %lt3A_358 = arith.cmpf olt, %add3A_357, %min3A_320 : vector<32x128xf32>
      %min3A_359 = arith.minimumf %min3A_320, %add3A_357 : vector<32x128xf32>
      %max3A_360 = arith.maximumf %min3A_320, %add3A_357 : vector<32x128xf32>
      %broadcast_in_dim3A_361 = vector.broadcast %get3A_350 : f32 to vector<32x128xf32>
      %select_n3A_362 = arith.select %lt3A_358, %broadcast_in_dim3A_361, %select_n3A_323 : vector<32x128xi1>, vector<32x128xf32>
      %broadcast_in_dim3A_363 = vector.broadcast %get3A_350 : f32 to vector<32x128xf32>
      %select_n3A_364 = arith.select %lt3A_358, %select_n3A_323, %broadcast_in_dim3A_363 : vector<32x128xi1>, vector<32x128xf32>
      %lt3A_365 = arith.cmpf olt, %max3A_360, %min3A_327 : vector<32x128xf32>
      %min3A_366 = arith.minimumf %min3A_327, %max3A_360 : vector<32x128xf32>
      %max3A_367 = arith.maximumf %min3A_327, %max3A_360 : vector<32x128xf32>
      %select_n3A_368 = arith.select %lt3A_365, %select_n3A_364, %select_n3A_329 : vector<32x128xi1>, vector<32x128xf32>
      %select_n3A_369 = arith.select %lt3A_365, %select_n3A_329, %select_n3A_364 : vector<32x128xi1>, vector<32x128xf32>
      %lt3A_370 = arith.cmpf olt, %max3A_367, %min3A_332 : vector<32x128xf32>
      %min3A_371 = arith.minimumf %min3A_332, %max3A_367 : vector<32x128xf32>
      %select_n3A_372 = arith.select %lt3A_370, %select_n3A_369, %select_n3A_333 : vector<32x128xi1>, vector<32x128xf32>
      %add3A_373 = arith.constant 8 : i32
      %add3A_374 = arith.addi %mul3A_63, %add3A_373 : i32
      %get3A_375 = arith.constant 0 : index
      %get3A_376 = arith.constant 0 : index
      %get3A_377 = arith.constant 0 : index
      %get3A_378 = arith.index_cast %add3A_374 : i32 to index
      %get3A_379 = memref.load %arg3[%get3A_375, %get3A_376, %get3A_377, %get3A_378] : memref<1x1x1x512xf32, #tpu.memory_space<smem>>
      %get3A_380 = arith.constant 0 : index
      %get3A_381 = arith.constant 0 : index
      %get3A_382 = arith.constant 0 : index
      %get3A_383 = arith.index_cast %add3A_374 : i32 to index
      %get3A_384 = memref.load %arg4[%get3A_380, %get3A_381, %get3A_382, %get3A_383] : memref<1x1x1x512xf32, #tpu.memory_space<smem>>
      %get3A_385 = arith.constant 0 : index
      %get3A_386 = arith.constant 0 : index
      %get3A_387 = arith.constant 0 : index
      %get3A_388 = arith.index_cast %add3A_374 : i32 to index
      %get3A_389 = memref.load %arg5[%get3A_385, %get3A_386, %get3A_387, %get3A_388] : memref<1x1x1x512xf32, #tpu.memory_space<smem>>
      %sub3A_390 = vector.broadcast %get3A_379 : f32 to vector<32x128xf32>
      %sub3A_391 = arith.subf %mul3A_10, %sub3A_390 : vector<32x128xf32>
      %sub3A_392 = vector.broadcast %get3A_384 : f32 to vector<32x128xf32>
      %sub3A_393 = arith.subf %sub3A_22, %sub3A_392 : vector<32x128xf32>
      %mul3A_394 = arith.mulf %sub3A_391, %sub3A_391 : vector<32x128xf32>
      %mul3A_395 = arith.mulf %sub3A_393, %sub3A_393 : vector<32x128xf32>
      %add3A_396 = arith.addf %mul3A_394, %mul3A_395 : vector<32x128xf32>
      %lt3A_397 = arith.cmpf olt, %add3A_396, %min3A_359 : vector<32x128xf32>
      %min3A_398 = arith.minimumf %min3A_359, %add3A_396 : vector<32x128xf32>
      %max3A_399 = arith.maximumf %min3A_359, %add3A_396 : vector<32x128xf32>
      %broadcast_in_dim3A_400 = vector.broadcast %get3A_389 : f32 to vector<32x128xf32>
      %select_n3A_401 = arith.select %lt3A_397, %broadcast_in_dim3A_400, %select_n3A_362 : vector<32x128xi1>, vector<32x128xf32>
      %broadcast_in_dim3A_402 = vector.broadcast %get3A_389 : f32 to vector<32x128xf32>
      %select_n3A_403 = arith.select %lt3A_397, %select_n3A_362, %broadcast_in_dim3A_402 : vector<32x128xi1>, vector<32x128xf32>
      %lt3A_404 = arith.cmpf olt, %max3A_399, %min3A_366 : vector<32x128xf32>
      %min3A_405 = arith.minimumf %min3A_366, %max3A_399 : vector<32x128xf32>
      %max3A_406 = arith.maximumf %min3A_366, %max3A_399 : vector<32x128xf32>
      %select_n3A_407 = arith.select %lt3A_404, %select_n3A_403, %select_n3A_368 : vector<32x128xi1>, vector<32x128xf32>
      %select_n3A_408 = arith.select %lt3A_404, %select_n3A_368, %select_n3A_403 : vector<32x128xi1>, vector<32x128xf32>
      %lt3A_409 = arith.cmpf olt, %max3A_406, %min3A_371 : vector<32x128xf32>
      %min3A_410 = arith.minimumf %min3A_371, %max3A_406 : vector<32x128xf32>
      %select_n3A_411 = arith.select %lt3A_409, %select_n3A_408, %select_n3A_372 : vector<32x128xi1>, vector<32x128xf32>
      %add3A_412 = arith.constant 9 : i32
      %add3A_413 = arith.addi %mul3A_63, %add3A_412 : i32
      %get3A_414 = arith.constant 0 : index
      %get3A_415 = arith.constant 0 : index
      %get3A_416 = arith.constant 0 : index
      %get3A_417 = arith.index_cast %add3A_413 : i32 to index
      %get3A_418 = memref.load %arg3[%get3A_414, %get3A_415, %get3A_416, %get3A_417] : memref<1x1x1x512xf32, #tpu.memory_space<smem>>
      %get3A_419 = arith.constant 0 : index
      %get3A_420 = arith.constant 0 : index
      %get3A_421 = arith.constant 0 : index
      %get3A_422 = arith.index_cast %add3A_413 : i32 to index
      %get3A_423 = memref.load %arg4[%get3A_419, %get3A_420, %get3A_421, %get3A_422] : memref<1x1x1x512xf32, #tpu.memory_space<smem>>
      %get3A_424 = arith.constant 0 : index
      %get3A_425 = arith.constant 0 : index
      %get3A_426 = arith.constant 0 : index
      %get3A_427 = arith.index_cast %add3A_413 : i32 to index
      %get3A_428 = memref.load %arg5[%get3A_424, %get3A_425, %get3A_426, %get3A_427] : memref<1x1x1x512xf32, #tpu.memory_space<smem>>
      %sub3A_429 = vector.broadcast %get3A_418 : f32 to vector<32x128xf32>
      %sub3A_430 = arith.subf %mul3A_10, %sub3A_429 : vector<32x128xf32>
      %sub3A_431 = vector.broadcast %get3A_423 : f32 to vector<32x128xf32>
      %sub3A_432 = arith.subf %sub3A_22, %sub3A_431 : vector<32x128xf32>
      %mul3A_433 = arith.mulf %sub3A_430, %sub3A_430 : vector<32x128xf32>
      %mul3A_434 = arith.mulf %sub3A_432, %sub3A_432 : vector<32x128xf32>
      %add3A_435 = arith.addf %mul3A_433, %mul3A_434 : vector<32x128xf32>
      %lt3A_436 = arith.cmpf olt, %add3A_435, %min3A_398 : vector<32x128xf32>
      %min3A_437 = arith.minimumf %min3A_398, %add3A_435 : vector<32x128xf32>
      %max3A_438 = arith.maximumf %min3A_398, %add3A_435 : vector<32x128xf32>
      %broadcast_in_dim3A_439 = vector.broadcast %get3A_428 : f32 to vector<32x128xf32>
      %select_n3A_440 = arith.select %lt3A_436, %broadcast_in_dim3A_439, %select_n3A_401 : vector<32x128xi1>, vector<32x128xf32>
      %broadcast_in_dim3A_441 = vector.broadcast %get3A_428 : f32 to vector<32x128xf32>
      %select_n3A_442 = arith.select %lt3A_436, %select_n3A_401, %broadcast_in_dim3A_441 : vector<32x128xi1>, vector<32x128xf32>
      %lt3A_443 = arith.cmpf olt, %max3A_438, %min3A_405 : vector<32x128xf32>
      %min3A_444 = arith.minimumf %min3A_405, %max3A_438 : vector<32x128xf32>
      %max3A_445 = arith.maximumf %min3A_405, %max3A_438 : vector<32x128xf32>
      %select_n3A_446 = arith.select %lt3A_443, %select_n3A_442, %select_n3A_407 : vector<32x128xi1>, vector<32x128xf32>
      %select_n3A_447 = arith.select %lt3A_443, %select_n3A_407, %select_n3A_442 : vector<32x128xi1>, vector<32x128xf32>
      %lt3A_448 = arith.cmpf olt, %max3A_445, %min3A_410 : vector<32x128xf32>
      %min3A_449 = arith.minimumf %min3A_410, %max3A_445 : vector<32x128xf32>
      %select_n3A_450 = arith.select %lt3A_448, %select_n3A_447, %select_n3A_411 : vector<32x128xi1>, vector<32x128xf32>
      %add3A_451 = arith.constant 10 : i32
      %add3A_452 = arith.addi %mul3A_63, %add3A_451 : i32
      %get3A_453 = arith.constant 0 : index
      %get3A_454 = arith.constant 0 : index
      %get3A_455 = arith.constant 0 : index
      %get3A_456 = arith.index_cast %add3A_452 : i32 to index
      %get3A_457 = memref.load %arg3[%get3A_453, %get3A_454, %get3A_455, %get3A_456] : memref<1x1x1x512xf32, #tpu.memory_space<smem>>
      %get3A_458 = arith.constant 0 : index
      %get3A_459 = arith.constant 0 : index
      %get3A_460 = arith.constant 0 : index
      %get3A_461 = arith.index_cast %add3A_452 : i32 to index
      %get3A_462 = memref.load %arg4[%get3A_458, %get3A_459, %get3A_460, %get3A_461] : memref<1x1x1x512xf32, #tpu.memory_space<smem>>
      %get3A_463 = arith.constant 0 : index
      %get3A_464 = arith.constant 0 : index
      %get3A_465 = arith.constant 0 : index
      %get3A_466 = arith.index_cast %add3A_452 : i32 to index
      %get3A_467 = memref.load %arg5[%get3A_463, %get3A_464, %get3A_465, %get3A_466] : memref<1x1x1x512xf32, #tpu.memory_space<smem>>
      %sub3A_468 = vector.broadcast %get3A_457 : f32 to vector<32x128xf32>
      %sub3A_469 = arith.subf %mul3A_10, %sub3A_468 : vector<32x128xf32>
      %sub3A_470 = vector.broadcast %get3A_462 : f32 to vector<32x128xf32>
      %sub3A_471 = arith.subf %sub3A_22, %sub3A_470 : vector<32x128xf32>
      %mul3A_472 = arith.mulf %sub3A_469, %sub3A_469 : vector<32x128xf32>
      %mul3A_473 = arith.mulf %sub3A_471, %sub3A_471 : vector<32x128xf32>
      %add3A_474 = arith.addf %mul3A_472, %mul3A_473 : vector<32x128xf32>
      %lt3A_475 = arith.cmpf olt, %add3A_474, %min3A_437 : vector<32x128xf32>
      %min3A_476 = arith.minimumf %min3A_437, %add3A_474 : vector<32x128xf32>
      %max3A_477 = arith.maximumf %min3A_437, %add3A_474 : vector<32x128xf32>
      %broadcast_in_dim3A_478 = vector.broadcast %get3A_467 : f32 to vector<32x128xf32>
      %select_n3A_479 = arith.select %lt3A_475, %broadcast_in_dim3A_478, %select_n3A_440 : vector<32x128xi1>, vector<32x128xf32>
      %broadcast_in_dim3A_480 = vector.broadcast %get3A_467 : f32 to vector<32x128xf32>
      %select_n3A_481 = arith.select %lt3A_475, %select_n3A_440, %broadcast_in_dim3A_480 : vector<32x128xi1>, vector<32x128xf32>
      %lt3A_482 = arith.cmpf olt, %max3A_477, %min3A_444 : vector<32x128xf32>
      %min3A_483 = arith.minimumf %min3A_444, %max3A_477 : vector<32x128xf32>
      %max3A_484 = arith.maximumf %min3A_444, %max3A_477 : vector<32x128xf32>
      %select_n3A_485 = arith.select %lt3A_482, %select_n3A_481, %select_n3A_446 : vector<32x128xi1>, vector<32x128xf32>
      %select_n3A_486 = arith.select %lt3A_482, %select_n3A_446, %select_n3A_481 : vector<32x128xi1>, vector<32x128xf32>
      %lt3A_487 = arith.cmpf olt, %max3A_484, %min3A_449 : vector<32x128xf32>
      %min3A_488 = arith.minimumf %min3A_449, %max3A_484 : vector<32x128xf32>
      %select_n3A_489 = arith.select %lt3A_487, %select_n3A_486, %select_n3A_450 : vector<32x128xi1>, vector<32x128xf32>
      %add3A_490 = arith.constant 11 : i32
      %add3A_491 = arith.addi %mul3A_63, %add3A_490 : i32
      %get3A_492 = arith.constant 0 : index
      %get3A_493 = arith.constant 0 : index
      %get3A_494 = arith.constant 0 : index
      %get3A_495 = arith.index_cast %add3A_491 : i32 to index
      %get3A_496 = memref.load %arg3[%get3A_492, %get3A_493, %get3A_494, %get3A_495] : memref<1x1x1x512xf32, #tpu.memory_space<smem>>
      %get3A_497 = arith.constant 0 : index
      %get3A_498 = arith.constant 0 : index
      %get3A_499 = arith.constant 0 : index
      %get3A_500 = arith.index_cast %add3A_491 : i32 to index
      %get3A_501 = memref.load %arg4[%get3A_497, %get3A_498, %get3A_499, %get3A_500] : memref<1x1x1x512xf32, #tpu.memory_space<smem>>
      %get3A_502 = arith.constant 0 : index
      %get3A_503 = arith.constant 0 : index
      %get3A_504 = arith.constant 0 : index
      %get3A_505 = arith.index_cast %add3A_491 : i32 to index
      %get3A_506 = memref.load %arg5[%get3A_502, %get3A_503, %get3A_504, %get3A_505] : memref<1x1x1x512xf32, #tpu.memory_space<smem>>
      %sub3A_507 = vector.broadcast %get3A_496 : f32 to vector<32x128xf32>
      %sub3A_508 = arith.subf %mul3A_10, %sub3A_507 : vector<32x128xf32>
      %sub3A_509 = vector.broadcast %get3A_501 : f32 to vector<32x128xf32>
      %sub3A_510 = arith.subf %sub3A_22, %sub3A_509 : vector<32x128xf32>
      %mul3A_511 = arith.mulf %sub3A_508, %sub3A_508 : vector<32x128xf32>
      %mul3A_512 = arith.mulf %sub3A_510, %sub3A_510 : vector<32x128xf32>
      %add3A_513 = arith.addf %mul3A_511, %mul3A_512 : vector<32x128xf32>
      %lt3A_514 = arith.cmpf olt, %add3A_513, %min3A_476 : vector<32x128xf32>
      %min3A_515 = arith.minimumf %min3A_476, %add3A_513 : vector<32x128xf32>
      %max3A_516 = arith.maximumf %min3A_476, %add3A_513 : vector<32x128xf32>
      %broadcast_in_dim3A_517 = vector.broadcast %get3A_506 : f32 to vector<32x128xf32>
      %select_n3A_518 = arith.select %lt3A_514, %broadcast_in_dim3A_517, %select_n3A_479 : vector<32x128xi1>, vector<32x128xf32>
      %broadcast_in_dim3A_519 = vector.broadcast %get3A_506 : f32 to vector<32x128xf32>
      %select_n3A_520 = arith.select %lt3A_514, %select_n3A_479, %broadcast_in_dim3A_519 : vector<32x128xi1>, vector<32x128xf32>
      %lt3A_521 = arith.cmpf olt, %max3A_516, %min3A_483 : vector<32x128xf32>
      %min3A_522 = arith.minimumf %min3A_483, %max3A_516 : vector<32x128xf32>
      %max3A_523 = arith.maximumf %min3A_483, %max3A_516 : vector<32x128xf32>
      %select_n3A_524 = arith.select %lt3A_521, %select_n3A_520, %select_n3A_485 : vector<32x128xi1>, vector<32x128xf32>
      %select_n3A_525 = arith.select %lt3A_521, %select_n3A_485, %select_n3A_520 : vector<32x128xi1>, vector<32x128xf32>
      %lt3A_526 = arith.cmpf olt, %max3A_523, %min3A_488 : vector<32x128xf32>
      %min3A_527 = arith.minimumf %min3A_488, %max3A_523 : vector<32x128xf32>
      %select_n3A_528 = arith.select %lt3A_526, %select_n3A_525, %select_n3A_489 : vector<32x128xi1>, vector<32x128xf32>
      %add3A_529 = arith.constant 12 : i32
      %add3A_530 = arith.addi %mul3A_63, %add3A_529 : i32
      %get3A_531 = arith.constant 0 : index
      %get3A_532 = arith.constant 0 : index
      %get3A_533 = arith.constant 0 : index
      %get3A_534 = arith.index_cast %add3A_530 : i32 to index
      %get3A_535 = memref.load %arg3[%get3A_531, %get3A_532, %get3A_533, %get3A_534] : memref<1x1x1x512xf32, #tpu.memory_space<smem>>
      %get3A_536 = arith.constant 0 : index
      %get3A_537 = arith.constant 0 : index
      %get3A_538 = arith.constant 0 : index
      %get3A_539 = arith.index_cast %add3A_530 : i32 to index
      %get3A_540 = memref.load %arg4[%get3A_536, %get3A_537, %get3A_538, %get3A_539] : memref<1x1x1x512xf32, #tpu.memory_space<smem>>
      %get3A_541 = arith.constant 0 : index
      %get3A_542 = arith.constant 0 : index
      %get3A_543 = arith.constant 0 : index
      %get3A_544 = arith.index_cast %add3A_530 : i32 to index
      %get3A_545 = memref.load %arg5[%get3A_541, %get3A_542, %get3A_543, %get3A_544] : memref<1x1x1x512xf32, #tpu.memory_space<smem>>
      %sub3A_546 = vector.broadcast %get3A_535 : f32 to vector<32x128xf32>
      %sub3A_547 = arith.subf %mul3A_10, %sub3A_546 : vector<32x128xf32>
      %sub3A_548 = vector.broadcast %get3A_540 : f32 to vector<32x128xf32>
      %sub3A_549 = arith.subf %sub3A_22, %sub3A_548 : vector<32x128xf32>
      %mul3A_550 = arith.mulf %sub3A_547, %sub3A_547 : vector<32x128xf32>
      %mul3A_551 = arith.mulf %sub3A_549, %sub3A_549 : vector<32x128xf32>
      %add3A_552 = arith.addf %mul3A_550, %mul3A_551 : vector<32x128xf32>
      %lt3A_553 = arith.cmpf olt, %add3A_552, %min3A_515 : vector<32x128xf32>
      %min3A_554 = arith.minimumf %min3A_515, %add3A_552 : vector<32x128xf32>
      %max3A_555 = arith.maximumf %min3A_515, %add3A_552 : vector<32x128xf32>
      %broadcast_in_dim3A_556 = vector.broadcast %get3A_545 : f32 to vector<32x128xf32>
      %select_n3A_557 = arith.select %lt3A_553, %broadcast_in_dim3A_556, %select_n3A_518 : vector<32x128xi1>, vector<32x128xf32>
      %broadcast_in_dim3A_558 = vector.broadcast %get3A_545 : f32 to vector<32x128xf32>
      %select_n3A_559 = arith.select %lt3A_553, %select_n3A_518, %broadcast_in_dim3A_558 : vector<32x128xi1>, vector<32x128xf32>
      %lt3A_560 = arith.cmpf olt, %max3A_555, %min3A_522 : vector<32x128xf32>
      %min3A_561 = arith.minimumf %min3A_522, %max3A_555 : vector<32x128xf32>
      %max3A_562 = arith.maximumf %min3A_522, %max3A_555 : vector<32x128xf32>
      %select_n3A_563 = arith.select %lt3A_560, %select_n3A_559, %select_n3A_524 : vector<32x128xi1>, vector<32x128xf32>
      %select_n3A_564 = arith.select %lt3A_560, %select_n3A_524, %select_n3A_559 : vector<32x128xi1>, vector<32x128xf32>
      %lt3A_565 = arith.cmpf olt, %max3A_562, %min3A_527 : vector<32x128xf32>
      %min3A_566 = arith.minimumf %min3A_527, %max3A_562 : vector<32x128xf32>
      %select_n3A_567 = arith.select %lt3A_565, %select_n3A_564, %select_n3A_528 : vector<32x128xi1>, vector<32x128xf32>
      %add3A_568 = arith.constant 13 : i32
      %add3A_569 = arith.addi %mul3A_63, %add3A_568 : i32
      %get3A_570 = arith.constant 0 : index
      %get3A_571 = arith.constant 0 : index
      %get3A_572 = arith.constant 0 : index
      %get3A_573 = arith.index_cast %add3A_569 : i32 to index
      %get3A_574 = memref.load %arg3[%get3A_570, %get3A_571, %get3A_572, %get3A_573] : memref<1x1x1x512xf32, #tpu.memory_space<smem>>
      %get3A_575 = arith.constant 0 : index
      %get3A_576 = arith.constant 0 : index
      %get3A_577 = arith.constant 0 : index
      %get3A_578 = arith.index_cast %add3A_569 : i32 to index
      %get3A_579 = memref.load %arg4[%get3A_575, %get3A_576, %get3A_577, %get3A_578] : memref<1x1x1x512xf32, #tpu.memory_space<smem>>
      %get3A_580 = arith.constant 0 : index
      %get3A_581 = arith.constant 0 : index
      %get3A_582 = arith.constant 0 : index
      %get3A_583 = arith.index_cast %add3A_569 : i32 to index
      %get3A_584 = memref.load %arg5[%get3A_580, %get3A_581, %get3A_582, %get3A_583] : memref<1x1x1x512xf32, #tpu.memory_space<smem>>
      %sub3A_585 = vector.broadcast %get3A_574 : f32 to vector<32x128xf32>
      %sub3A_586 = arith.subf %mul3A_10, %sub3A_585 : vector<32x128xf32>
      %sub3A_587 = vector.broadcast %get3A_579 : f32 to vector<32x128xf32>
      %sub3A_588 = arith.subf %sub3A_22, %sub3A_587 : vector<32x128xf32>
      %mul3A_589 = arith.mulf %sub3A_586, %sub3A_586 : vector<32x128xf32>
      %mul3A_590 = arith.mulf %sub3A_588, %sub3A_588 : vector<32x128xf32>
      %add3A_591 = arith.addf %mul3A_589, %mul3A_590 : vector<32x128xf32>
      %lt3A_592 = arith.cmpf olt, %add3A_591, %min3A_554 : vector<32x128xf32>
      %min3A_593 = arith.minimumf %min3A_554, %add3A_591 : vector<32x128xf32>
      %max3A_594 = arith.maximumf %min3A_554, %add3A_591 : vector<32x128xf32>
      %broadcast_in_dim3A_595 = vector.broadcast %get3A_584 : f32 to vector<32x128xf32>
      %select_n3A_596 = arith.select %lt3A_592, %broadcast_in_dim3A_595, %select_n3A_557 : vector<32x128xi1>, vector<32x128xf32>
      %broadcast_in_dim3A_597 = vector.broadcast %get3A_584 : f32 to vector<32x128xf32>
      %select_n3A_598 = arith.select %lt3A_592, %select_n3A_557, %broadcast_in_dim3A_597 : vector<32x128xi1>, vector<32x128xf32>
      %lt3A_599 = arith.cmpf olt, %max3A_594, %min3A_561 : vector<32x128xf32>
      %min3A_600 = arith.minimumf %min3A_561, %max3A_594 : vector<32x128xf32>
      %max3A_601 = arith.maximumf %min3A_561, %max3A_594 : vector<32x128xf32>
      %select_n3A_602 = arith.select %lt3A_599, %select_n3A_598, %select_n3A_563 : vector<32x128xi1>, vector<32x128xf32>
      %select_n3A_603 = arith.select %lt3A_599, %select_n3A_563, %select_n3A_598 : vector<32x128xi1>, vector<32x128xf32>
      %lt3A_604 = arith.cmpf olt, %max3A_601, %min3A_566 : vector<32x128xf32>
      %min3A_605 = arith.minimumf %min3A_566, %max3A_601 : vector<32x128xf32>
      %select_n3A_606 = arith.select %lt3A_604, %select_n3A_603, %select_n3A_567 : vector<32x128xi1>, vector<32x128xf32>
      %add3A_607 = arith.constant 14 : i32
      %add3A_608 = arith.addi %mul3A_63, %add3A_607 : i32
      %get3A_609 = arith.constant 0 : index
      %get3A_610 = arith.constant 0 : index
      %get3A_611 = arith.constant 0 : index
      %get3A_612 = arith.index_cast %add3A_608 : i32 to index
      %get3A_613 = memref.load %arg3[%get3A_609, %get3A_610, %get3A_611, %get3A_612] : memref<1x1x1x512xf32, #tpu.memory_space<smem>>
      %get3A_614 = arith.constant 0 : index
      %get3A_615 = arith.constant 0 : index
      %get3A_616 = arith.constant 0 : index
      %get3A_617 = arith.index_cast %add3A_608 : i32 to index
      %get3A_618 = memref.load %arg4[%get3A_614, %get3A_615, %get3A_616, %get3A_617] : memref<1x1x1x512xf32, #tpu.memory_space<smem>>
      %get3A_619 = arith.constant 0 : index
      %get3A_620 = arith.constant 0 : index
      %get3A_621 = arith.constant 0 : index
      %get3A_622 = arith.index_cast %add3A_608 : i32 to index
      %get3A_623 = memref.load %arg5[%get3A_619, %get3A_620, %get3A_621, %get3A_622] : memref<1x1x1x512xf32, #tpu.memory_space<smem>>
      %sub3A_624 = vector.broadcast %get3A_613 : f32 to vector<32x128xf32>
      %sub3A_625 = arith.subf %mul3A_10, %sub3A_624 : vector<32x128xf32>
      %sub3A_626 = vector.broadcast %get3A_618 : f32 to vector<32x128xf32>
      %sub3A_627 = arith.subf %sub3A_22, %sub3A_626 : vector<32x128xf32>
      %mul3A_628 = arith.mulf %sub3A_625, %sub3A_625 : vector<32x128xf32>
      %mul3A_629 = arith.mulf %sub3A_627, %sub3A_627 : vector<32x128xf32>
      %add3A_630 = arith.addf %mul3A_628, %mul3A_629 : vector<32x128xf32>
      %lt3A_631 = arith.cmpf olt, %add3A_630, %min3A_593 : vector<32x128xf32>
      %min3A_632 = arith.minimumf %min3A_593, %add3A_630 : vector<32x128xf32>
      %max3A_633 = arith.maximumf %min3A_593, %add3A_630 : vector<32x128xf32>
      %broadcast_in_dim3A_634 = vector.broadcast %get3A_623 : f32 to vector<32x128xf32>
      %select_n3A_635 = arith.select %lt3A_631, %broadcast_in_dim3A_634, %select_n3A_596 : vector<32x128xi1>, vector<32x128xf32>
      %broadcast_in_dim3A_636 = vector.broadcast %get3A_623 : f32 to vector<32x128xf32>
      %select_n3A_637 = arith.select %lt3A_631, %select_n3A_596, %broadcast_in_dim3A_636 : vector<32x128xi1>, vector<32x128xf32>
      %lt3A_638 = arith.cmpf olt, %max3A_633, %min3A_600 : vector<32x128xf32>
      %min3A_639 = arith.minimumf %min3A_600, %max3A_633 : vector<32x128xf32>
      %max3A_640 = arith.maximumf %min3A_600, %max3A_633 : vector<32x128xf32>
      %select_n3A_641 = arith.select %lt3A_638, %select_n3A_637, %select_n3A_602 : vector<32x128xi1>, vector<32x128xf32>
      %select_n3A_642 = arith.select %lt3A_638, %select_n3A_602, %select_n3A_637 : vector<32x128xi1>, vector<32x128xf32>
      %lt3A_643 = arith.cmpf olt, %max3A_640, %min3A_605 : vector<32x128xf32>
      %min3A_644 = arith.minimumf %min3A_605, %max3A_640 : vector<32x128xf32>
      %select_n3A_645 = arith.select %lt3A_643, %select_n3A_642, %select_n3A_606 : vector<32x128xi1>, vector<32x128xf32>
      %add3A_646 = arith.constant 15 : i32
      %add3A_647 = arith.addi %mul3A_63, %add3A_646 : i32
      %get3A_648 = arith.constant 0 : index
      %get3A_649 = arith.constant 0 : index
      %get3A_650 = arith.constant 0 : index
      %get3A_651 = arith.index_cast %add3A_647 : i32 to index
      %get3A_652 = memref.load %arg3[%get3A_648, %get3A_649, %get3A_650, %get3A_651] : memref<1x1x1x512xf32, #tpu.memory_space<smem>>
      %get3A_653 = arith.constant 0 : index
      %get3A_654 = arith.constant 0 : index
      %get3A_655 = arith.constant 0 : index
      %get3A_656 = arith.index_cast %add3A_647 : i32 to index
      %get3A_657 = memref.load %arg4[%get3A_653, %get3A_654, %get3A_655, %get3A_656] : memref<1x1x1x512xf32, #tpu.memory_space<smem>>
      %get3A_658 = arith.constant 0 : index
      %get3A_659 = arith.constant 0 : index
      %get3A_660 = arith.constant 0 : index
      %get3A_661 = arith.index_cast %add3A_647 : i32 to index
      %get3A_662 = memref.load %arg5[%get3A_658, %get3A_659, %get3A_660, %get3A_661] : memref<1x1x1x512xf32, #tpu.memory_space<smem>>
      %sub3A_663 = vector.broadcast %get3A_652 : f32 to vector<32x128xf32>
      %sub3A_664 = arith.subf %mul3A_10, %sub3A_663 : vector<32x128xf32>
      %sub3A_665 = vector.broadcast %get3A_657 : f32 to vector<32x128xf32>
      %sub3A_666 = arith.subf %sub3A_22, %sub3A_665 : vector<32x128xf32>
      %mul3A_667 = arith.mulf %sub3A_664, %sub3A_664 : vector<32x128xf32>
      %mul3A_668 = arith.mulf %sub3A_666, %sub3A_666 : vector<32x128xf32>
      %add3A_669 = arith.addf %mul3A_667, %mul3A_668 : vector<32x128xf32>
      %lt3A_670 = arith.cmpf olt, %add3A_669, %min3A_632 : vector<32x128xf32>
      %min3A_671 = arith.minimumf %min3A_632, %add3A_669 : vector<32x128xf32>
      %max3A_672 = arith.maximumf %min3A_632, %add3A_669 : vector<32x128xf32>
      %broadcast_in_dim3A_673 = vector.broadcast %get3A_662 : f32 to vector<32x128xf32>
      %select_n3A_674 = arith.select %lt3A_670, %broadcast_in_dim3A_673, %select_n3A_635 : vector<32x128xi1>, vector<32x128xf32>
      %broadcast_in_dim3A_675 = vector.broadcast %get3A_662 : f32 to vector<32x128xf32>
      %select_n3A_676 = arith.select %lt3A_670, %select_n3A_635, %broadcast_in_dim3A_675 : vector<32x128xi1>, vector<32x128xf32>
      %lt3A_677 = arith.cmpf olt, %max3A_672, %min3A_639 : vector<32x128xf32>
      %min3A_678 = arith.minimumf %min3A_639, %max3A_672 : vector<32x128xf32>
      %max3A_679 = arith.maximumf %min3A_639, %max3A_672 : vector<32x128xf32>
      %select_n3A_680 = arith.select %lt3A_677, %select_n3A_676, %select_n3A_641 : vector<32x128xi1>, vector<32x128xf32>
      %select_n3A_681 = arith.select %lt3A_677, %select_n3A_641, %select_n3A_676 : vector<32x128xi1>, vector<32x128xf32>
      %lt3A_682 = arith.cmpf olt, %max3A_679, %min3A_644 : vector<32x128xf32>
      %min3A_683 = arith.minimumf %min3A_644, %max3A_679 : vector<32x128xf32>
      %select_n3A_684 = arith.select %lt3A_682, %select_n3A_681, %select_n3A_645 : vector<32x128xi1>, vector<32x128xf32>
      scf.yield %min3A_671, %min3A_678, %min3A_683, %select_n3A_674, %select_n3A_680, %select_n3A_684 : vector<32x128xf32>, vector<32x128xf32>, vector<32x128xf32>, vector<32x128xf32>, vector<32x128xf32>, vector<32x128xf32>
    }
    %while3A_39 = arith.constant 1 : i32
    %while3A_40:6 = scf.for %while3A_55 = %while3A_36 to %while3A_32 step %while3A_39 iter_args(%while3A_56 = %while3A_38#0, %while3A_57 = %while3A_38#1, %while3A_58 = %while3A_38#2, %while3A_59 = %while3A_38#3, %while3A_60 = %while3A_38#4, %while3A_61 = %while3A_38#5) -> (vector<32x128xf32>, vector<32x128xf32>, vector<32x128xf32>, vector<32x128xf32>, vector<32x128xf32>, vector<32x128xf32>)  : i32 {
      %mul3A_62 = arith.constant 16 : i32
      %mul3A_63 = arith.muli %while3A_55, %mul3A_62 : i32
      %add3A_64 = arith.constant 0 : i32
      %add3A_65 = arith.addi %mul3A_63, %add3A_64 : i32
      %get3A_66 = arith.constant 0 : index
      %get3A_67 = arith.constant 0 : index
      %get3A_68 = arith.constant 0 : index
      %get3A_69 = arith.index_cast %add3A_65 : i32 to index
      %get3A_70 = memref.load %arg3[%get3A_66, %get3A_67, %get3A_68, %get3A_69] : memref<1x1x1x512xf32, #tpu.memory_space<smem>>
      %get3A_71 = arith.constant 0 : index
      %get3A_72 = arith.constant 0 : index
      %get3A_73 = arith.constant 0 : index
      %get3A_74 = arith.index_cast %add3A_65 : i32 to index
      %get3A_75 = memref.load %arg4[%get3A_71, %get3A_72, %get3A_73, %get3A_74] : memref<1x1x1x512xf32, #tpu.memory_space<smem>>
      %get3A_76 = arith.constant 0 : index
      %get3A_77 = arith.constant 0 : index
      %get3A_78 = arith.constant 0 : index
      %get3A_79 = arith.index_cast %add3A_65 : i32 to index
      %get3A_80 = memref.load %arg5[%get3A_76, %get3A_77, %get3A_78, %get3A_79] : memref<1x1x1x512xf32, #tpu.memory_space<smem>>
      %sub3A_81 = vector.broadcast %get3A_70 : f32 to vector<32x128xf32>
      %sub3A_82 = arith.subf %mul3A_10, %sub3A_81 : vector<32x128xf32>
      %sub3A_83 = vector.broadcast %get3A_75 : f32 to vector<32x128xf32>
      %sub3A_84 = arith.subf %sub3A_22, %sub3A_83 : vector<32x128xf32>
      %mul3A_85 = arith.mulf %sub3A_82, %sub3A_82 : vector<32x128xf32>
      %mul3A_86 = arith.mulf %sub3A_84, %sub3A_84 : vector<32x128xf32>
      %add3A_87 = arith.addf %mul3A_85, %mul3A_86 : vector<32x128xf32>
      %lt3A = arith.cmpf olt, %add3A_87, %while3A_56 : vector<32x128xf32>
      %min3A = arith.minimumf %while3A_56, %add3A_87 : vector<32x128xf32>
      %max3A = arith.maximumf %while3A_56, %add3A_87 : vector<32x128xf32>
      %broadcast_in_dim3A_88 = vector.broadcast %get3A_80 : f32 to vector<32x128xf32>
      %select_n3A_89 = arith.select %lt3A, %broadcast_in_dim3A_88, %while3A_59 : vector<32x128xi1>, vector<32x128xf32>
      %broadcast_in_dim3A_90 = vector.broadcast %get3A_80 : f32 to vector<32x128xf32>
      %select_n3A_91 = arith.select %lt3A, %while3A_59, %broadcast_in_dim3A_90 : vector<32x128xi1>, vector<32x128xf32>
      %lt3A_92 = arith.cmpf olt, %max3A, %while3A_57 : vector<32x128xf32>
      %min3A_93 = arith.minimumf %while3A_57, %max3A : vector<32x128xf32>
      %max3A_94 = arith.maximumf %while3A_57, %max3A : vector<32x128xf32>
      %select_n3A_95 = arith.select %lt3A_92, %select_n3A_91, %while3A_60 : vector<32x128xi1>, vector<32x128xf32>
      %select_n3A_96 = arith.select %lt3A_92, %while3A_60, %select_n3A_91 : vector<32x128xi1>, vector<32x128xf32>
      %lt3A_97 = arith.cmpf olt, %max3A_94, %while3A_58 : vector<32x128xf32>
      %min3A_98 = arith.minimumf %while3A_58, %max3A_94 : vector<32x128xf32>
      %select_n3A_99 = arith.select %lt3A_97, %select_n3A_96, %while3A_61 : vector<32x128xi1>, vector<32x128xf32>
      %add3A_100 = arith.constant 1 : i32
      %add3A_101 = arith.addi %mul3A_63, %add3A_100 : i32
      %get3A_102 = arith.constant 0 : index
      %get3A_103 = arith.constant 0 : index
      %get3A_104 = arith.constant 0 : index
      %get3A_105 = arith.index_cast %add3A_101 : i32 to index
      %get3A_106 = memref.load %arg3[%get3A_102, %get3A_103, %get3A_104, %get3A_105] : memref<1x1x1x512xf32, #tpu.memory_space<smem>>
      %get3A_107 = arith.constant 0 : index
      %get3A_108 = arith.constant 0 : index
      %get3A_109 = arith.constant 0 : index
      %get3A_110 = arith.index_cast %add3A_101 : i32 to index
      %get3A_111 = memref.load %arg4[%get3A_107, %get3A_108, %get3A_109, %get3A_110] : memref<1x1x1x512xf32, #tpu.memory_space<smem>>
      %get3A_112 = arith.constant 0 : index
      %get3A_113 = arith.constant 0 : index
      %get3A_114 = arith.constant 0 : index
      %get3A_115 = arith.index_cast %add3A_101 : i32 to index
      %get3A_116 = memref.load %arg5[%get3A_112, %get3A_113, %get3A_114, %get3A_115] : memref<1x1x1x512xf32, #tpu.memory_space<smem>>
      %sub3A_117 = vector.broadcast %get3A_106 : f32 to vector<32x128xf32>
      %sub3A_118 = arith.subf %mul3A_10, %sub3A_117 : vector<32x128xf32>
      %sub3A_119 = vector.broadcast %get3A_111 : f32 to vector<32x128xf32>
      %sub3A_120 = arith.subf %sub3A_22, %sub3A_119 : vector<32x128xf32>
      %mul3A_121 = arith.mulf %sub3A_118, %sub3A_118 : vector<32x128xf32>
      %mul3A_122 = arith.mulf %sub3A_120, %sub3A_120 : vector<32x128xf32>
      %add3A_123 = arith.addf %mul3A_121, %mul3A_122 : vector<32x128xf32>
      %lt3A_124 = arith.cmpf olt, %add3A_123, %min3A : vector<32x128xf32>
      %min3A_125 = arith.minimumf %min3A, %add3A_123 : vector<32x128xf32>
      %max3A_126 = arith.maximumf %min3A, %add3A_123 : vector<32x128xf32>
      %broadcast_in_dim3A_127 = vector.broadcast %get3A_116 : f32 to vector<32x128xf32>
      %select_n3A_128 = arith.select %lt3A_124, %broadcast_in_dim3A_127, %select_n3A_89 : vector<32x128xi1>, vector<32x128xf32>
      %broadcast_in_dim3A_129 = vector.broadcast %get3A_116 : f32 to vector<32x128xf32>
      %select_n3A_130 = arith.select %lt3A_124, %select_n3A_89, %broadcast_in_dim3A_129 : vector<32x128xi1>, vector<32x128xf32>
      %lt3A_131 = arith.cmpf olt, %max3A_126, %min3A_93 : vector<32x128xf32>
      %min3A_132 = arith.minimumf %min3A_93, %max3A_126 : vector<32x128xf32>
      %max3A_133 = arith.maximumf %min3A_93, %max3A_126 : vector<32x128xf32>
      %select_n3A_134 = arith.select %lt3A_131, %select_n3A_130, %select_n3A_95 : vector<32x128xi1>, vector<32x128xf32>
      %select_n3A_135 = arith.select %lt3A_131, %select_n3A_95, %select_n3A_130 : vector<32x128xi1>, vector<32x128xf32>
      %lt3A_136 = arith.cmpf olt, %max3A_133, %min3A_98 : vector<32x128xf32>
      %min3A_137 = arith.minimumf %min3A_98, %max3A_133 : vector<32x128xf32>
      %select_n3A_138 = arith.select %lt3A_136, %select_n3A_135, %select_n3A_99 : vector<32x128xi1>, vector<32x128xf32>
      %add3A_139 = arith.constant 2 : i32
      %add3A_140 = arith.addi %mul3A_63, %add3A_139 : i32
      %get3A_141 = arith.constant 0 : index
      %get3A_142 = arith.constant 0 : index
      %get3A_143 = arith.constant 0 : index
      %get3A_144 = arith.index_cast %add3A_140 : i32 to index
      %get3A_145 = memref.load %arg3[%get3A_141, %get3A_142, %get3A_143, %get3A_144] : memref<1x1x1x512xf32, #tpu.memory_space<smem>>
      %get3A_146 = arith.constant 0 : index
      %get3A_147 = arith.constant 0 : index
      %get3A_148 = arith.constant 0 : index
      %get3A_149 = arith.index_cast %add3A_140 : i32 to index
      %get3A_150 = memref.load %arg4[%get3A_146, %get3A_147, %get3A_148, %get3A_149] : memref<1x1x1x512xf32, #tpu.memory_space<smem>>
      %get3A_151 = arith.constant 0 : index
      %get3A_152 = arith.constant 0 : index
      %get3A_153 = arith.constant 0 : index
      %get3A_154 = arith.index_cast %add3A_140 : i32 to index
      %get3A_155 = memref.load %arg5[%get3A_151, %get3A_152, %get3A_153, %get3A_154] : memref<1x1x1x512xf32, #tpu.memory_space<smem>>
      %sub3A_156 = vector.broadcast %get3A_145 : f32 to vector<32x128xf32>
      %sub3A_157 = arith.subf %mul3A_10, %sub3A_156 : vector<32x128xf32>
      %sub3A_158 = vector.broadcast %get3A_150 : f32 to vector<32x128xf32>
      %sub3A_159 = arith.subf %sub3A_22, %sub3A_158 : vector<32x128xf32>
      %mul3A_160 = arith.mulf %sub3A_157, %sub3A_157 : vector<32x128xf32>
      %mul3A_161 = arith.mulf %sub3A_159, %sub3A_159 : vector<32x128xf32>
      %add3A_162 = arith.addf %mul3A_160, %mul3A_161 : vector<32x128xf32>
      %lt3A_163 = arith.cmpf olt, %add3A_162, %min3A_125 : vector<32x128xf32>
      %min3A_164 = arith.minimumf %min3A_125, %add3A_162 : vector<32x128xf32>
      %max3A_165 = arith.maximumf %min3A_125, %add3A_162 : vector<32x128xf32>
      %broadcast_in_dim3A_166 = vector.broadcast %get3A_155 : f32 to vector<32x128xf32>
      %select_n3A_167 = arith.select %lt3A_163, %broadcast_in_dim3A_166, %select_n3A_128 : vector<32x128xi1>, vector<32x128xf32>
      %broadcast_in_dim3A_168 = vector.broadcast %get3A_155 : f32 to vector<32x128xf32>
      %select_n3A_169 = arith.select %lt3A_163, %select_n3A_128, %broadcast_in_dim3A_168 : vector<32x128xi1>, vector<32x128xf32>
      %lt3A_170 = arith.cmpf olt, %max3A_165, %min3A_132 : vector<32x128xf32>
      %min3A_171 = arith.minimumf %min3A_132, %max3A_165 : vector<32x128xf32>
      %max3A_172 = arith.maximumf %min3A_132, %max3A_165 : vector<32x128xf32>
      %select_n3A_173 = arith.select %lt3A_170, %select_n3A_169, %select_n3A_134 : vector<32x128xi1>, vector<32x128xf32>
      %select_n3A_174 = arith.select %lt3A_170, %select_n3A_134, %select_n3A_169 : vector<32x128xi1>, vector<32x128xf32>
      %lt3A_175 = arith.cmpf olt, %max3A_172, %min3A_137 : vector<32x128xf32>
      %min3A_176 = arith.minimumf %min3A_137, %max3A_172 : vector<32x128xf32>
      %select_n3A_177 = arith.select %lt3A_175, %select_n3A_174, %select_n3A_138 : vector<32x128xi1>, vector<32x128xf32>
      %add3A_178 = arith.constant 3 : i32
      %add3A_179 = arith.addi %mul3A_63, %add3A_178 : i32
      %get3A_180 = arith.constant 0 : index
      %get3A_181 = arith.constant 0 : index
      %get3A_182 = arith.constant 0 : index
      %get3A_183 = arith.index_cast %add3A_179 : i32 to index
      %get3A_184 = memref.load %arg3[%get3A_180, %get3A_181, %get3A_182, %get3A_183] : memref<1x1x1x512xf32, #tpu.memory_space<smem>>
      %get3A_185 = arith.constant 0 : index
      %get3A_186 = arith.constant 0 : index
      %get3A_187 = arith.constant 0 : index
      %get3A_188 = arith.index_cast %add3A_179 : i32 to index
      %get3A_189 = memref.load %arg4[%get3A_185, %get3A_186, %get3A_187, %get3A_188] : memref<1x1x1x512xf32, #tpu.memory_space<smem>>
      %get3A_190 = arith.constant 0 : index
      %get3A_191 = arith.constant 0 : index
      %get3A_192 = arith.constant 0 : index
      %get3A_193 = arith.index_cast %add3A_179 : i32 to index
      %get3A_194 = memref.load %arg5[%get3A_190, %get3A_191, %get3A_192, %get3A_193] : memref<1x1x1x512xf32, #tpu.memory_space<smem>>
      %sub3A_195 = vector.broadcast %get3A_184 : f32 to vector<32x128xf32>
      %sub3A_196 = arith.subf %mul3A_10, %sub3A_195 : vector<32x128xf32>
      %sub3A_197 = vector.broadcast %get3A_189 : f32 to vector<32x128xf32>
      %sub3A_198 = arith.subf %sub3A_22, %sub3A_197 : vector<32x128xf32>
      %mul3A_199 = arith.mulf %sub3A_196, %sub3A_196 : vector<32x128xf32>
      %mul3A_200 = arith.mulf %sub3A_198, %sub3A_198 : vector<32x128xf32>
      %add3A_201 = arith.addf %mul3A_199, %mul3A_200 : vector<32x128xf32>
      %lt3A_202 = arith.cmpf olt, %add3A_201, %min3A_164 : vector<32x128xf32>
      %min3A_203 = arith.minimumf %min3A_164, %add3A_201 : vector<32x128xf32>
      %max3A_204 = arith.maximumf %min3A_164, %add3A_201 : vector<32x128xf32>
      %broadcast_in_dim3A_205 = vector.broadcast %get3A_194 : f32 to vector<32x128xf32>
      %select_n3A_206 = arith.select %lt3A_202, %broadcast_in_dim3A_205, %select_n3A_167 : vector<32x128xi1>, vector<32x128xf32>
      %broadcast_in_dim3A_207 = vector.broadcast %get3A_194 : f32 to vector<32x128xf32>
      %select_n3A_208 = arith.select %lt3A_202, %select_n3A_167, %broadcast_in_dim3A_207 : vector<32x128xi1>, vector<32x128xf32>
      %lt3A_209 = arith.cmpf olt, %max3A_204, %min3A_171 : vector<32x128xf32>
      %min3A_210 = arith.minimumf %min3A_171, %max3A_204 : vector<32x128xf32>
      %max3A_211 = arith.maximumf %min3A_171, %max3A_204 : vector<32x128xf32>
      %select_n3A_212 = arith.select %lt3A_209, %select_n3A_208, %select_n3A_173 : vector<32x128xi1>, vector<32x128xf32>
      %select_n3A_213 = arith.select %lt3A_209, %select_n3A_173, %select_n3A_208 : vector<32x128xi1>, vector<32x128xf32>
      %lt3A_214 = arith.cmpf olt, %max3A_211, %min3A_176 : vector<32x128xf32>
      %min3A_215 = arith.minimumf %min3A_176, %max3A_211 : vector<32x128xf32>
      %select_n3A_216 = arith.select %lt3A_214, %select_n3A_213, %select_n3A_177 : vector<32x128xi1>, vector<32x128xf32>
      %add3A_217 = arith.constant 4 : i32
      %add3A_218 = arith.addi %mul3A_63, %add3A_217 : i32
      %get3A_219 = arith.constant 0 : index
      %get3A_220 = arith.constant 0 : index
      %get3A_221 = arith.constant 0 : index
      %get3A_222 = arith.index_cast %add3A_218 : i32 to index
      %get3A_223 = memref.load %arg3[%get3A_219, %get3A_220, %get3A_221, %get3A_222] : memref<1x1x1x512xf32, #tpu.memory_space<smem>>
      %get3A_224 = arith.constant 0 : index
      %get3A_225 = arith.constant 0 : index
      %get3A_226 = arith.constant 0 : index
      %get3A_227 = arith.index_cast %add3A_218 : i32 to index
      %get3A_228 = memref.load %arg4[%get3A_224, %get3A_225, %get3A_226, %get3A_227] : memref<1x1x1x512xf32, #tpu.memory_space<smem>>
      %get3A_229 = arith.constant 0 : index
      %get3A_230 = arith.constant 0 : index
      %get3A_231 = arith.constant 0 : index
      %get3A_232 = arith.index_cast %add3A_218 : i32 to index
      %get3A_233 = memref.load %arg5[%get3A_229, %get3A_230, %get3A_231, %get3A_232] : memref<1x1x1x512xf32, #tpu.memory_space<smem>>
      %sub3A_234 = vector.broadcast %get3A_223 : f32 to vector<32x128xf32>
      %sub3A_235 = arith.subf %mul3A_10, %sub3A_234 : vector<32x128xf32>
      %sub3A_236 = vector.broadcast %get3A_228 : f32 to vector<32x128xf32>
      %sub3A_237 = arith.subf %sub3A_22, %sub3A_236 : vector<32x128xf32>
      %mul3A_238 = arith.mulf %sub3A_235, %sub3A_235 : vector<32x128xf32>
      %mul3A_239 = arith.mulf %sub3A_237, %sub3A_237 : vector<32x128xf32>
      %add3A_240 = arith.addf %mul3A_238, %mul3A_239 : vector<32x128xf32>
      %lt3A_241 = arith.cmpf olt, %add3A_240, %min3A_203 : vector<32x128xf32>
      %min3A_242 = arith.minimumf %min3A_203, %add3A_240 : vector<32x128xf32>
      %max3A_243 = arith.maximumf %min3A_203, %add3A_240 : vector<32x128xf32>
      %broadcast_in_dim3A_244 = vector.broadcast %get3A_233 : f32 to vector<32x128xf32>
      %select_n3A_245 = arith.select %lt3A_241, %broadcast_in_dim3A_244, %select_n3A_206 : vector<32x128xi1>, vector<32x128xf32>
      %broadcast_in_dim3A_246 = vector.broadcast %get3A_233 : f32 to vector<32x128xf32>
      %select_n3A_247 = arith.select %lt3A_241, %select_n3A_206, %broadcast_in_dim3A_246 : vector<32x128xi1>, vector<32x128xf32>
      %lt3A_248 = arith.cmpf olt, %max3A_243, %min3A_210 : vector<32x128xf32>
      %min3A_249 = arith.minimumf %min3A_210, %max3A_243 : vector<32x128xf32>
      %max3A_250 = arith.maximumf %min3A_210, %max3A_243 : vector<32x128xf32>
      %select_n3A_251 = arith.select %lt3A_248, %select_n3A_247, %select_n3A_212 : vector<32x128xi1>, vector<32x128xf32>
      %select_n3A_252 = arith.select %lt3A_248, %select_n3A_212, %select_n3A_247 : vector<32x128xi1>, vector<32x128xf32>
      %lt3A_253 = arith.cmpf olt, %max3A_250, %min3A_215 : vector<32x128xf32>
      %min3A_254 = arith.minimumf %min3A_215, %max3A_250 : vector<32x128xf32>
      %select_n3A_255 = arith.select %lt3A_253, %select_n3A_252, %select_n3A_216 : vector<32x128xi1>, vector<32x128xf32>
      %add3A_256 = arith.constant 5 : i32
      %add3A_257 = arith.addi %mul3A_63, %add3A_256 : i32
      %get3A_258 = arith.constant 0 : index
      %get3A_259 = arith.constant 0 : index
      %get3A_260 = arith.constant 0 : index
      %get3A_261 = arith.index_cast %add3A_257 : i32 to index
      %get3A_262 = memref.load %arg3[%get3A_258, %get3A_259, %get3A_260, %get3A_261] : memref<1x1x1x512xf32, #tpu.memory_space<smem>>
      %get3A_263 = arith.constant 0 : index
      %get3A_264 = arith.constant 0 : index
      %get3A_265 = arith.constant 0 : index
      %get3A_266 = arith.index_cast %add3A_257 : i32 to index
      %get3A_267 = memref.load %arg4[%get3A_263, %get3A_264, %get3A_265, %get3A_266] : memref<1x1x1x512xf32, #tpu.memory_space<smem>>
      %get3A_268 = arith.constant 0 : index
      %get3A_269 = arith.constant 0 : index
      %get3A_270 = arith.constant 0 : index
      %get3A_271 = arith.index_cast %add3A_257 : i32 to index
      %get3A_272 = memref.load %arg5[%get3A_268, %get3A_269, %get3A_270, %get3A_271] : memref<1x1x1x512xf32, #tpu.memory_space<smem>>
      %sub3A_273 = vector.broadcast %get3A_262 : f32 to vector<32x128xf32>
      %sub3A_274 = arith.subf %mul3A_10, %sub3A_273 : vector<32x128xf32>
      %sub3A_275 = vector.broadcast %get3A_267 : f32 to vector<32x128xf32>
      %sub3A_276 = arith.subf %sub3A_22, %sub3A_275 : vector<32x128xf32>
      %mul3A_277 = arith.mulf %sub3A_274, %sub3A_274 : vector<32x128xf32>
      %mul3A_278 = arith.mulf %sub3A_276, %sub3A_276 : vector<32x128xf32>
      %add3A_279 = arith.addf %mul3A_277, %mul3A_278 : vector<32x128xf32>
      %lt3A_280 = arith.cmpf olt, %add3A_279, %min3A_242 : vector<32x128xf32>
      %min3A_281 = arith.minimumf %min3A_242, %add3A_279 : vector<32x128xf32>
      %max3A_282 = arith.maximumf %min3A_242, %add3A_279 : vector<32x128xf32>
      %broadcast_in_dim3A_283 = vector.broadcast %get3A_272 : f32 to vector<32x128xf32>
      %select_n3A_284 = arith.select %lt3A_280, %broadcast_in_dim3A_283, %select_n3A_245 : vector<32x128xi1>, vector<32x128xf32>
      %broadcast_in_dim3A_285 = vector.broadcast %get3A_272 : f32 to vector<32x128xf32>
      %select_n3A_286 = arith.select %lt3A_280, %select_n3A_245, %broadcast_in_dim3A_285 : vector<32x128xi1>, vector<32x128xf32>
      %lt3A_287 = arith.cmpf olt, %max3A_282, %min3A_249 : vector<32x128xf32>
      %min3A_288 = arith.minimumf %min3A_249, %max3A_282 : vector<32x128xf32>
      %max3A_289 = arith.maximumf %min3A_249, %max3A_282 : vector<32x128xf32>
      %select_n3A_290 = arith.select %lt3A_287, %select_n3A_286, %select_n3A_251 : vector<32x128xi1>, vector<32x128xf32>
      %select_n3A_291 = arith.select %lt3A_287, %select_n3A_251, %select_n3A_286 : vector<32x128xi1>, vector<32x128xf32>
      %lt3A_292 = arith.cmpf olt, %max3A_289, %min3A_254 : vector<32x128xf32>
      %min3A_293 = arith.minimumf %min3A_254, %max3A_289 : vector<32x128xf32>
      %select_n3A_294 = arith.select %lt3A_292, %select_n3A_291, %select_n3A_255 : vector<32x128xi1>, vector<32x128xf32>
      %add3A_295 = arith.constant 6 : i32
      %add3A_296 = arith.addi %mul3A_63, %add3A_295 : i32
      %get3A_297 = arith.constant 0 : index
      %get3A_298 = arith.constant 0 : index
      %get3A_299 = arith.constant 0 : index
      %get3A_300 = arith.index_cast %add3A_296 : i32 to index
      %get3A_301 = memref.load %arg3[%get3A_297, %get3A_298, %get3A_299, %get3A_300] : memref<1x1x1x512xf32, #tpu.memory_space<smem>>
      %get3A_302 = arith.constant 0 : index
      %get3A_303 = arith.constant 0 : index
      %get3A_304 = arith.constant 0 : index
      %get3A_305 = arith.index_cast %add3A_296 : i32 to index
      %get3A_306 = memref.load %arg4[%get3A_302, %get3A_303, %get3A_304, %get3A_305] : memref<1x1x1x512xf32, #tpu.memory_space<smem>>
      %get3A_307 = arith.constant 0 : index
      %get3A_308 = arith.constant 0 : index
      %get3A_309 = arith.constant 0 : index
      %get3A_310 = arith.index_cast %add3A_296 : i32 to index
      %get3A_311 = memref.load %arg5[%get3A_307, %get3A_308, %get3A_309, %get3A_310] : memref<1x1x1x512xf32, #tpu.memory_space<smem>>
      %sub3A_312 = vector.broadcast %get3A_301 : f32 to vector<32x128xf32>
      %sub3A_313 = arith.subf %mul3A_10, %sub3A_312 : vector<32x128xf32>
      %sub3A_314 = vector.broadcast %get3A_306 : f32 to vector<32x128xf32>
      %sub3A_315 = arith.subf %sub3A_22, %sub3A_314 : vector<32x128xf32>
      %mul3A_316 = arith.mulf %sub3A_313, %sub3A_313 : vector<32x128xf32>
      %mul3A_317 = arith.mulf %sub3A_315, %sub3A_315 : vector<32x128xf32>
      %add3A_318 = arith.addf %mul3A_316, %mul3A_317 : vector<32x128xf32>
      %lt3A_319 = arith.cmpf olt, %add3A_318, %min3A_281 : vector<32x128xf32>
      %min3A_320 = arith.minimumf %min3A_281, %add3A_318 : vector<32x128xf32>
      %max3A_321 = arith.maximumf %min3A_281, %add3A_318 : vector<32x128xf32>
      %broadcast_in_dim3A_322 = vector.broadcast %get3A_311 : f32 to vector<32x128xf32>
      %select_n3A_323 = arith.select %lt3A_319, %broadcast_in_dim3A_322, %select_n3A_284 : vector<32x128xi1>, vector<32x128xf32>
      %broadcast_in_dim3A_324 = vector.broadcast %get3A_311 : f32 to vector<32x128xf32>
      %select_n3A_325 = arith.select %lt3A_319, %select_n3A_284, %broadcast_in_dim3A_324 : vector<32x128xi1>, vector<32x128xf32>
      %lt3A_326 = arith.cmpf olt, %max3A_321, %min3A_288 : vector<32x128xf32>
      %min3A_327 = arith.minimumf %min3A_288, %max3A_321 : vector<32x128xf32>
      %max3A_328 = arith.maximumf %min3A_288, %max3A_321 : vector<32x128xf32>
      %select_n3A_329 = arith.select %lt3A_326, %select_n3A_325, %select_n3A_290 : vector<32x128xi1>, vector<32x128xf32>
      %select_n3A_330 = arith.select %lt3A_326, %select_n3A_290, %select_n3A_325 : vector<32x128xi1>, vector<32x128xf32>
      %lt3A_331 = arith.cmpf olt, %max3A_328, %min3A_293 : vector<32x128xf32>
      %min3A_332 = arith.minimumf %min3A_293, %max3A_328 : vector<32x128xf32>
      %select_n3A_333 = arith.select %lt3A_331, %select_n3A_330, %select_n3A_294 : vector<32x128xi1>, vector<32x128xf32>
      %add3A_334 = arith.constant 7 : i32
      %add3A_335 = arith.addi %mul3A_63, %add3A_334 : i32
      %get3A_336 = arith.constant 0 : index
      %get3A_337 = arith.constant 0 : index
      %get3A_338 = arith.constant 0 : index
      %get3A_339 = arith.index_cast %add3A_335 : i32 to index
      %get3A_340 = memref.load %arg3[%get3A_336, %get3A_337, %get3A_338, %get3A_339] : memref<1x1x1x512xf32, #tpu.memory_space<smem>>
      %get3A_341 = arith.constant 0 : index
      %get3A_342 = arith.constant 0 : index
      %get3A_343 = arith.constant 0 : index
      %get3A_344 = arith.index_cast %add3A_335 : i32 to index
      %get3A_345 = memref.load %arg4[%get3A_341, %get3A_342, %get3A_343, %get3A_344] : memref<1x1x1x512xf32, #tpu.memory_space<smem>>
      %get3A_346 = arith.constant 0 : index
      %get3A_347 = arith.constant 0 : index
      %get3A_348 = arith.constant 0 : index
      %get3A_349 = arith.index_cast %add3A_335 : i32 to index
      %get3A_350 = memref.load %arg5[%get3A_346, %get3A_347, %get3A_348, %get3A_349] : memref<1x1x1x512xf32, #tpu.memory_space<smem>>
      %sub3A_351 = vector.broadcast %get3A_340 : f32 to vector<32x128xf32>
      %sub3A_352 = arith.subf %mul3A_10, %sub3A_351 : vector<32x128xf32>
      %sub3A_353 = vector.broadcast %get3A_345 : f32 to vector<32x128xf32>
      %sub3A_354 = arith.subf %sub3A_22, %sub3A_353 : vector<32x128xf32>
      %mul3A_355 = arith.mulf %sub3A_352, %sub3A_352 : vector<32x128xf32>
      %mul3A_356 = arith.mulf %sub3A_354, %sub3A_354 : vector<32x128xf32>
      %add3A_357 = arith.addf %mul3A_355, %mul3A_356 : vector<32x128xf32>
      %lt3A_358 = arith.cmpf olt, %add3A_357, %min3A_320 : vector<32x128xf32>
      %min3A_359 = arith.minimumf %min3A_320, %add3A_357 : vector<32x128xf32>
      %max3A_360 = arith.maximumf %min3A_320, %add3A_357 : vector<32x128xf32>
      %broadcast_in_dim3A_361 = vector.broadcast %get3A_350 : f32 to vector<32x128xf32>
      %select_n3A_362 = arith.select %lt3A_358, %broadcast_in_dim3A_361, %select_n3A_323 : vector<32x128xi1>, vector<32x128xf32>
      %broadcast_in_dim3A_363 = vector.broadcast %get3A_350 : f32 to vector<32x128xf32>
      %select_n3A_364 = arith.select %lt3A_358, %select_n3A_323, %broadcast_in_dim3A_363 : vector<32x128xi1>, vector<32x128xf32>
      %lt3A_365 = arith.cmpf olt, %max3A_360, %min3A_327 : vector<32x128xf32>
      %min3A_366 = arith.minimumf %min3A_327, %max3A_360 : vector<32x128xf32>
      %max3A_367 = arith.maximumf %min3A_327, %max3A_360 : vector<32x128xf32>
      %select_n3A_368 = arith.select %lt3A_365, %select_n3A_364, %select_n3A_329 : vector<32x128xi1>, vector<32x128xf32>
      %select_n3A_369 = arith.select %lt3A_365, %select_n3A_329, %select_n3A_364 : vector<32x128xi1>, vector<32x128xf32>
      %lt3A_370 = arith.cmpf olt, %max3A_367, %min3A_332 : vector<32x128xf32>
      %min3A_371 = arith.minimumf %min3A_332, %max3A_367 : vector<32x128xf32>
      %select_n3A_372 = arith.select %lt3A_370, %select_n3A_369, %select_n3A_333 : vector<32x128xi1>, vector<32x128xf32>
      %add3A_373 = arith.constant 8 : i32
      %add3A_374 = arith.addi %mul3A_63, %add3A_373 : i32
      %get3A_375 = arith.constant 0 : index
      %get3A_376 = arith.constant 0 : index
      %get3A_377 = arith.constant 0 : index
      %get3A_378 = arith.index_cast %add3A_374 : i32 to index
      %get3A_379 = memref.load %arg3[%get3A_375, %get3A_376, %get3A_377, %get3A_378] : memref<1x1x1x512xf32, #tpu.memory_space<smem>>
      %get3A_380 = arith.constant 0 : index
      %get3A_381 = arith.constant 0 : index
      %get3A_382 = arith.constant 0 : index
      %get3A_383 = arith.index_cast %add3A_374 : i32 to index
      %get3A_384 = memref.load %arg4[%get3A_380, %get3A_381, %get3A_382, %get3A_383] : memref<1x1x1x512xf32, #tpu.memory_space<smem>>
      %get3A_385 = arith.constant 0 : index
      %get3A_386 = arith.constant 0 : index
      %get3A_387 = arith.constant 0 : index
      %get3A_388 = arith.index_cast %add3A_374 : i32 to index
      %get3A_389 = memref.load %arg5[%get3A_385, %get3A_386, %get3A_387, %get3A_388] : memref<1x1x1x512xf32, #tpu.memory_space<smem>>
      %sub3A_390 = vector.broadcast %get3A_379 : f32 to vector<32x128xf32>
      %sub3A_391 = arith.subf %mul3A_10, %sub3A_390 : vector<32x128xf32>
      %sub3A_392 = vector.broadcast %get3A_384 : f32 to vector<32x128xf32>
      %sub3A_393 = arith.subf %sub3A_22, %sub3A_392 : vector<32x128xf32>
      %mul3A_394 = arith.mulf %sub3A_391, %sub3A_391 : vector<32x128xf32>
      %mul3A_395 = arith.mulf %sub3A_393, %sub3A_393 : vector<32x128xf32>
      %add3A_396 = arith.addf %mul3A_394, %mul3A_395 : vector<32x128xf32>
      %lt3A_397 = arith.cmpf olt, %add3A_396, %min3A_359 : vector<32x128xf32>
      %min3A_398 = arith.minimumf %min3A_359, %add3A_396 : vector<32x128xf32>
      %max3A_399 = arith.maximumf %min3A_359, %add3A_396 : vector<32x128xf32>
      %broadcast_in_dim3A_400 = vector.broadcast %get3A_389 : f32 to vector<32x128xf32>
      %select_n3A_401 = arith.select %lt3A_397, %broadcast_in_dim3A_400, %select_n3A_362 : vector<32x128xi1>, vector<32x128xf32>
      %broadcast_in_dim3A_402 = vector.broadcast %get3A_389 : f32 to vector<32x128xf32>
      %select_n3A_403 = arith.select %lt3A_397, %select_n3A_362, %broadcast_in_dim3A_402 : vector<32x128xi1>, vector<32x128xf32>
      %lt3A_404 = arith.cmpf olt, %max3A_399, %min3A_366 : vector<32x128xf32>
      %min3A_405 = arith.minimumf %min3A_366, %max3A_399 : vector<32x128xf32>
      %max3A_406 = arith.maximumf %min3A_366, %max3A_399 : vector<32x128xf32>
      %select_n3A_407 = arith.select %lt3A_404, %select_n3A_403, %select_n3A_368 : vector<32x128xi1>, vector<32x128xf32>
      %select_n3A_408 = arith.select %lt3A_404, %select_n3A_368, %select_n3A_403 : vector<32x128xi1>, vector<32x128xf32>
      %lt3A_409 = arith.cmpf olt, %max3A_406, %min3A_371 : vector<32x128xf32>
      %min3A_410 = arith.minimumf %min3A_371, %max3A_406 : vector<32x128xf32>
      %select_n3A_411 = arith.select %lt3A_409, %select_n3A_408, %select_n3A_372 : vector<32x128xi1>, vector<32x128xf32>
      %add3A_412 = arith.constant 9 : i32
      %add3A_413 = arith.addi %mul3A_63, %add3A_412 : i32
      %get3A_414 = arith.constant 0 : index
      %get3A_415 = arith.constant 0 : index
      %get3A_416 = arith.constant 0 : index
      %get3A_417 = arith.index_cast %add3A_413 : i32 to index
      %get3A_418 = memref.load %arg3[%get3A_414, %get3A_415, %get3A_416, %get3A_417] : memref<1x1x1x512xf32, #tpu.memory_space<smem>>
      %get3A_419 = arith.constant 0 : index
      %get3A_420 = arith.constant 0 : index
      %get3A_421 = arith.constant 0 : index
      %get3A_422 = arith.index_cast %add3A_413 : i32 to index
      %get3A_423 = memref.load %arg4[%get3A_419, %get3A_420, %get3A_421, %get3A_422] : memref<1x1x1x512xf32, #tpu.memory_space<smem>>
      %get3A_424 = arith.constant 0 : index
      %get3A_425 = arith.constant 0 : index
      %get3A_426 = arith.constant 0 : index
      %get3A_427 = arith.index_cast %add3A_413 : i32 to index
      %get3A_428 = memref.load %arg5[%get3A_424, %get3A_425, %get3A_426, %get3A_427] : memref<1x1x1x512xf32, #tpu.memory_space<smem>>
      %sub3A_429 = vector.broadcast %get3A_418 : f32 to vector<32x128xf32>
      %sub3A_430 = arith.subf %mul3A_10, %sub3A_429 : vector<32x128xf32>
      %sub3A_431 = vector.broadcast %get3A_423 : f32 to vector<32x128xf32>
      %sub3A_432 = arith.subf %sub3A_22, %sub3A_431 : vector<32x128xf32>
      %mul3A_433 = arith.mulf %sub3A_430, %sub3A_430 : vector<32x128xf32>
      %mul3A_434 = arith.mulf %sub3A_432, %sub3A_432 : vector<32x128xf32>
      %add3A_435 = arith.addf %mul3A_433, %mul3A_434 : vector<32x128xf32>
      %lt3A_436 = arith.cmpf olt, %add3A_435, %min3A_398 : vector<32x128xf32>
      %min3A_437 = arith.minimumf %min3A_398, %add3A_435 : vector<32x128xf32>
      %max3A_438 = arith.maximumf %min3A_398, %add3A_435 : vector<32x128xf32>
      %broadcast_in_dim3A_439 = vector.broadcast %get3A_428 : f32 to vector<32x128xf32>
      %select_n3A_440 = arith.select %lt3A_436, %broadcast_in_dim3A_439, %select_n3A_401 : vector<32x128xi1>, vector<32x128xf32>
      %broadcast_in_dim3A_441 = vector.broadcast %get3A_428 : f32 to vector<32x128xf32>
      %select_n3A_442 = arith.select %lt3A_436, %select_n3A_401, %broadcast_in_dim3A_441 : vector<32x128xi1>, vector<32x128xf32>
      %lt3A_443 = arith.cmpf olt, %max3A_438, %min3A_405 : vector<32x128xf32>
      %min3A_444 = arith.minimumf %min3A_405, %max3A_438 : vector<32x128xf32>
      %max3A_445 = arith.maximumf %min3A_405, %max3A_438 : vector<32x128xf32>
      %select_n3A_446 = arith.select %lt3A_443, %select_n3A_442, %select_n3A_407 : vector<32x128xi1>, vector<32x128xf32>
      %select_n3A_447 = arith.select %lt3A_443, %select_n3A_407, %select_n3A_442 : vector<32x128xi1>, vector<32x128xf32>
      %lt3A_448 = arith.cmpf olt, %max3A_445, %min3A_410 : vector<32x128xf32>
      %min3A_449 = arith.minimumf %min3A_410, %max3A_445 : vector<32x128xf32>
      %select_n3A_450 = arith.select %lt3A_448, %select_n3A_447, %select_n3A_411 : vector<32x128xi1>, vector<32x128xf32>
      %add3A_451 = arith.constant 10 : i32
      %add3A_452 = arith.addi %mul3A_63, %add3A_451 : i32
      %get3A_453 = arith.constant 0 : index
      %get3A_454 = arith.constant 0 : index
      %get3A_455 = arith.constant 0 : index
      %get3A_456 = arith.index_cast %add3A_452 : i32 to index
      %get3A_457 = memref.load %arg3[%get3A_453, %get3A_454, %get3A_455, %get3A_456] : memref<1x1x1x512xf32, #tpu.memory_space<smem>>
      %get3A_458 = arith.constant 0 : index
      %get3A_459 = arith.constant 0 : index
      %get3A_460 = arith.constant 0 : index
      %get3A_461 = arith.index_cast %add3A_452 : i32 to index
      %get3A_462 = memref.load %arg4[%get3A_458, %get3A_459, %get3A_460, %get3A_461] : memref<1x1x1x512xf32, #tpu.memory_space<smem>>
      %get3A_463 = arith.constant 0 : index
      %get3A_464 = arith.constant 0 : index
      %get3A_465 = arith.constant 0 : index
      %get3A_466 = arith.index_cast %add3A_452 : i32 to index
      %get3A_467 = memref.load %arg5[%get3A_463, %get3A_464, %get3A_465, %get3A_466] : memref<1x1x1x512xf32, #tpu.memory_space<smem>>
      %sub3A_468 = vector.broadcast %get3A_457 : f32 to vector<32x128xf32>
      %sub3A_469 = arith.subf %mul3A_10, %sub3A_468 : vector<32x128xf32>
      %sub3A_470 = vector.broadcast %get3A_462 : f32 to vector<32x128xf32>
      %sub3A_471 = arith.subf %sub3A_22, %sub3A_470 : vector<32x128xf32>
      %mul3A_472 = arith.mulf %sub3A_469, %sub3A_469 : vector<32x128xf32>
      %mul3A_473 = arith.mulf %sub3A_471, %sub3A_471 : vector<32x128xf32>
      %add3A_474 = arith.addf %mul3A_472, %mul3A_473 : vector<32x128xf32>
      %lt3A_475 = arith.cmpf olt, %add3A_474, %min3A_437 : vector<32x128xf32>
      %min3A_476 = arith.minimumf %min3A_437, %add3A_474 : vector<32x128xf32>
      %max3A_477 = arith.maximumf %min3A_437, %add3A_474 : vector<32x128xf32>
      %broadcast_in_dim3A_478 = vector.broadcast %get3A_467 : f32 to vector<32x128xf32>
      %select_n3A_479 = arith.select %lt3A_475, %broadcast_in_dim3A_478, %select_n3A_440 : vector<32x128xi1>, vector<32x128xf32>
      %broadcast_in_dim3A_480 = vector.broadcast %get3A_467 : f32 to vector<32x128xf32>
      %select_n3A_481 = arith.select %lt3A_475, %select_n3A_440, %broadcast_in_dim3A_480 : vector<32x128xi1>, vector<32x128xf32>
      %lt3A_482 = arith.cmpf olt, %max3A_477, %min3A_444 : vector<32x128xf32>
      %min3A_483 = arith.minimumf %min3A_444, %max3A_477 : vector<32x128xf32>
      %max3A_484 = arith.maximumf %min3A_444, %max3A_477 : vector<32x128xf32>
      %select_n3A_485 = arith.select %lt3A_482, %select_n3A_481, %select_n3A_446 : vector<32x128xi1>, vector<32x128xf32>
      %select_n3A_486 = arith.select %lt3A_482, %select_n3A_446, %select_n3A_481 : vector<32x128xi1>, vector<32x128xf32>
      %lt3A_487 = arith.cmpf olt, %max3A_484, %min3A_449 : vector<32x128xf32>
      %min3A_488 = arith.minimumf %min3A_449, %max3A_484 : vector<32x128xf32>
      %select_n3A_489 = arith.select %lt3A_487, %select_n3A_486, %select_n3A_450 : vector<32x128xi1>, vector<32x128xf32>
      %add3A_490 = arith.constant 11 : i32
      %add3A_491 = arith.addi %mul3A_63, %add3A_490 : i32
      %get3A_492 = arith.constant 0 : index
      %get3A_493 = arith.constant 0 : index
      %get3A_494 = arith.constant 0 : index
      %get3A_495 = arith.index_cast %add3A_491 : i32 to index
      %get3A_496 = memref.load %arg3[%get3A_492, %get3A_493, %get3A_494, %get3A_495] : memref<1x1x1x512xf32, #tpu.memory_space<smem>>
      %get3A_497 = arith.constant 0 : index
      %get3A_498 = arith.constant 0 : index
      %get3A_499 = arith.constant 0 : index
      %get3A_500 = arith.index_cast %add3A_491 : i32 to index
      %get3A_501 = memref.load %arg4[%get3A_497, %get3A_498, %get3A_499, %get3A_500] : memref<1x1x1x512xf32, #tpu.memory_space<smem>>
      %get3A_502 = arith.constant 0 : index
      %get3A_503 = arith.constant 0 : index
      %get3A_504 = arith.constant 0 : index
      %get3A_505 = arith.index_cast %add3A_491 : i32 to index
      %get3A_506 = memref.load %arg5[%get3A_502, %get3A_503, %get3A_504, %get3A_505] : memref<1x1x1x512xf32, #tpu.memory_space<smem>>
      %sub3A_507 = vector.broadcast %get3A_496 : f32 to vector<32x128xf32>
      %sub3A_508 = arith.subf %mul3A_10, %sub3A_507 : vector<32x128xf32>
      %sub3A_509 = vector.broadcast %get3A_501 : f32 to vector<32x128xf32>
      %sub3A_510 = arith.subf %sub3A_22, %sub3A_509 : vector<32x128xf32>
      %mul3A_511 = arith.mulf %sub3A_508, %sub3A_508 : vector<32x128xf32>
      %mul3A_512 = arith.mulf %sub3A_510, %sub3A_510 : vector<32x128xf32>
      %add3A_513 = arith.addf %mul3A_511, %mul3A_512 : vector<32x128xf32>
      %lt3A_514 = arith.cmpf olt, %add3A_513, %min3A_476 : vector<32x128xf32>
      %min3A_515 = arith.minimumf %min3A_476, %add3A_513 : vector<32x128xf32>
      %max3A_516 = arith.maximumf %min3A_476, %add3A_513 : vector<32x128xf32>
      %broadcast_in_dim3A_517 = vector.broadcast %get3A_506 : f32 to vector<32x128xf32>
      %select_n3A_518 = arith.select %lt3A_514, %broadcast_in_dim3A_517, %select_n3A_479 : vector<32x128xi1>, vector<32x128xf32>
      %broadcast_in_dim3A_519 = vector.broadcast %get3A_506 : f32 to vector<32x128xf32>
      %select_n3A_520 = arith.select %lt3A_514, %select_n3A_479, %broadcast_in_dim3A_519 : vector<32x128xi1>, vector<32x128xf32>
      %lt3A_521 = arith.cmpf olt, %max3A_516, %min3A_483 : vector<32x128xf32>
      %min3A_522 = arith.minimumf %min3A_483, %max3A_516 : vector<32x128xf32>
      %max3A_523 = arith.maximumf %min3A_483, %max3A_516 : vector<32x128xf32>
      %select_n3A_524 = arith.select %lt3A_521, %select_n3A_520, %select_n3A_485 : vector<32x128xi1>, vector<32x128xf32>
      %select_n3A_525 = arith.select %lt3A_521, %select_n3A_485, %select_n3A_520 : vector<32x128xi1>, vector<32x128xf32>
      %lt3A_526 = arith.cmpf olt, %max3A_523, %min3A_488 : vector<32x128xf32>
      %min3A_527 = arith.minimumf %min3A_488, %max3A_523 : vector<32x128xf32>
      %select_n3A_528 = arith.select %lt3A_526, %select_n3A_525, %select_n3A_489 : vector<32x128xi1>, vector<32x128xf32>
      %add3A_529 = arith.constant 12 : i32
      %add3A_530 = arith.addi %mul3A_63, %add3A_529 : i32
      %get3A_531 = arith.constant 0 : index
      %get3A_532 = arith.constant 0 : index
      %get3A_533 = arith.constant 0 : index
      %get3A_534 = arith.index_cast %add3A_530 : i32 to index
      %get3A_535 = memref.load %arg3[%get3A_531, %get3A_532, %get3A_533, %get3A_534] : memref<1x1x1x512xf32, #tpu.memory_space<smem>>
      %get3A_536 = arith.constant 0 : index
      %get3A_537 = arith.constant 0 : index
      %get3A_538 = arith.constant 0 : index
      %get3A_539 = arith.index_cast %add3A_530 : i32 to index
      %get3A_540 = memref.load %arg4[%get3A_536, %get3A_537, %get3A_538, %get3A_539] : memref<1x1x1x512xf32, #tpu.memory_space<smem>>
      %get3A_541 = arith.constant 0 : index
      %get3A_542 = arith.constant 0 : index
      %get3A_543 = arith.constant 0 : index
      %get3A_544 = arith.index_cast %add3A_530 : i32 to index
      %get3A_545 = memref.load %arg5[%get3A_541, %get3A_542, %get3A_543, %get3A_544] : memref<1x1x1x512xf32, #tpu.memory_space<smem>>
      %sub3A_546 = vector.broadcast %get3A_535 : f32 to vector<32x128xf32>
      %sub3A_547 = arith.subf %mul3A_10, %sub3A_546 : vector<32x128xf32>
      %sub3A_548 = vector.broadcast %get3A_540 : f32 to vector<32x128xf32>
      %sub3A_549 = arith.subf %sub3A_22, %sub3A_548 : vector<32x128xf32>
      %mul3A_550 = arith.mulf %sub3A_547, %sub3A_547 : vector<32x128xf32>
      %mul3A_551 = arith.mulf %sub3A_549, %sub3A_549 : vector<32x128xf32>
      %add3A_552 = arith.addf %mul3A_550, %mul3A_551 : vector<32x128xf32>
      %lt3A_553 = arith.cmpf olt, %add3A_552, %min3A_515 : vector<32x128xf32>
      %min3A_554 = arith.minimumf %min3A_515, %add3A_552 : vector<32x128xf32>
      %max3A_555 = arith.maximumf %min3A_515, %add3A_552 : vector<32x128xf32>
      %broadcast_in_dim3A_556 = vector.broadcast %get3A_545 : f32 to vector<32x128xf32>
      %select_n3A_557 = arith.select %lt3A_553, %broadcast_in_dim3A_556, %select_n3A_518 : vector<32x128xi1>, vector<32x128xf32>
      %broadcast_in_dim3A_558 = vector.broadcast %get3A_545 : f32 to vector<32x128xf32>
      %select_n3A_559 = arith.select %lt3A_553, %select_n3A_518, %broadcast_in_dim3A_558 : vector<32x128xi1>, vector<32x128xf32>
      %lt3A_560 = arith.cmpf olt, %max3A_555, %min3A_522 : vector<32x128xf32>
      %min3A_561 = arith.minimumf %min3A_522, %max3A_555 : vector<32x128xf32>
      %max3A_562 = arith.maximumf %min3A_522, %max3A_555 : vector<32x128xf32>
      %select_n3A_563 = arith.select %lt3A_560, %select_n3A_559, %select_n3A_524 : vector<32x128xi1>, vector<32x128xf32>
      %select_n3A_564 = arith.select %lt3A_560, %select_n3A_524, %select_n3A_559 : vector<32x128xi1>, vector<32x128xf32>
      %lt3A_565 = arith.cmpf olt, %max3A_562, %min3A_527 : vector<32x128xf32>
      %min3A_566 = arith.minimumf %min3A_527, %max3A_562 : vector<32x128xf32>
      %select_n3A_567 = arith.select %lt3A_565, %select_n3A_564, %select_n3A_528 : vector<32x128xi1>, vector<32x128xf32>
      %add3A_568 = arith.constant 13 : i32
      %add3A_569 = arith.addi %mul3A_63, %add3A_568 : i32
      %get3A_570 = arith.constant 0 : index
      %get3A_571 = arith.constant 0 : index
      %get3A_572 = arith.constant 0 : index
      %get3A_573 = arith.index_cast %add3A_569 : i32 to index
      %get3A_574 = memref.load %arg3[%get3A_570, %get3A_571, %get3A_572, %get3A_573] : memref<1x1x1x512xf32, #tpu.memory_space<smem>>
      %get3A_575 = arith.constant 0 : index
      %get3A_576 = arith.constant 0 : index
      %get3A_577 = arith.constant 0 : index
      %get3A_578 = arith.index_cast %add3A_569 : i32 to index
      %get3A_579 = memref.load %arg4[%get3A_575, %get3A_576, %get3A_577, %get3A_578] : memref<1x1x1x512xf32, #tpu.memory_space<smem>>
      %get3A_580 = arith.constant 0 : index
      %get3A_581 = arith.constant 0 : index
      %get3A_582 = arith.constant 0 : index
      %get3A_583 = arith.index_cast %add3A_569 : i32 to index
      %get3A_584 = memref.load %arg5[%get3A_580, %get3A_581, %get3A_582, %get3A_583] : memref<1x1x1x512xf32, #tpu.memory_space<smem>>
      %sub3A_585 = vector.broadcast %get3A_574 : f32 to vector<32x128xf32>
      %sub3A_586 = arith.subf %mul3A_10, %sub3A_585 : vector<32x128xf32>
      %sub3A_587 = vector.broadcast %get3A_579 : f32 to vector<32x128xf32>
      %sub3A_588 = arith.subf %sub3A_22, %sub3A_587 : vector<32x128xf32>
      %mul3A_589 = arith.mulf %sub3A_586, %sub3A_586 : vector<32x128xf32>
      %mul3A_590 = arith.mulf %sub3A_588, %sub3A_588 : vector<32x128xf32>
      %add3A_591 = arith.addf %mul3A_589, %mul3A_590 : vector<32x128xf32>
      %lt3A_592 = arith.cmpf olt, %add3A_591, %min3A_554 : vector<32x128xf32>
      %min3A_593 = arith.minimumf %min3A_554, %add3A_591 : vector<32x128xf32>
      %max3A_594 = arith.maximumf %min3A_554, %add3A_591 : vector<32x128xf32>
      %broadcast_in_dim3A_595 = vector.broadcast %get3A_584 : f32 to vector<32x128xf32>
      %select_n3A_596 = arith.select %lt3A_592, %broadcast_in_dim3A_595, %select_n3A_557 : vector<32x128xi1>, vector<32x128xf32>
      %broadcast_in_dim3A_597 = vector.broadcast %get3A_584 : f32 to vector<32x128xf32>
      %select_n3A_598 = arith.select %lt3A_592, %select_n3A_557, %broadcast_in_dim3A_597 : vector<32x128xi1>, vector<32x128xf32>
      %lt3A_599 = arith.cmpf olt, %max3A_594, %min3A_561 : vector<32x128xf32>
      %min3A_600 = arith.minimumf %min3A_561, %max3A_594 : vector<32x128xf32>
      %max3A_601 = arith.maximumf %min3A_561, %max3A_594 : vector<32x128xf32>
      %select_n3A_602 = arith.select %lt3A_599, %select_n3A_598, %select_n3A_563 : vector<32x128xi1>, vector<32x128xf32>
      %select_n3A_603 = arith.select %lt3A_599, %select_n3A_563, %select_n3A_598 : vector<32x128xi1>, vector<32x128xf32>
      %lt3A_604 = arith.cmpf olt, %max3A_601, %min3A_566 : vector<32x128xf32>
      %min3A_605 = arith.minimumf %min3A_566, %max3A_601 : vector<32x128xf32>
      %select_n3A_606 = arith.select %lt3A_604, %select_n3A_603, %select_n3A_567 : vector<32x128xi1>, vector<32x128xf32>
      %add3A_607 = arith.constant 14 : i32
      %add3A_608 = arith.addi %mul3A_63, %add3A_607 : i32
      %get3A_609 = arith.constant 0 : index
      %get3A_610 = arith.constant 0 : index
      %get3A_611 = arith.constant 0 : index
      %get3A_612 = arith.index_cast %add3A_608 : i32 to index
      %get3A_613 = memref.load %arg3[%get3A_609, %get3A_610, %get3A_611, %get3A_612] : memref<1x1x1x512xf32, #tpu.memory_space<smem>>
      %get3A_614 = arith.constant 0 : index
      %get3A_615 = arith.constant 0 : index
      %get3A_616 = arith.constant 0 : index
      %get3A_617 = arith.index_cast %add3A_608 : i32 to index
      %get3A_618 = memref.load %arg4[%get3A_614, %get3A_615, %get3A_616, %get3A_617] : memref<1x1x1x512xf32, #tpu.memory_space<smem>>
      %get3A_619 = arith.constant 0 : index
      %get3A_620 = arith.constant 0 : index
      %get3A_621 = arith.constant 0 : index
      %get3A_622 = arith.index_cast %add3A_608 : i32 to index
      %get3A_623 = memref.load %arg5[%get3A_619, %get3A_620, %get3A_621, %get3A_622] : memref<1x1x1x512xf32, #tpu.memory_space<smem>>
      %sub3A_624 = vector.broadcast %get3A_613 : f32 to vector<32x128xf32>
      %sub3A_625 = arith.subf %mul3A_10, %sub3A_624 : vector<32x128xf32>
      %sub3A_626 = vector.broadcast %get3A_618 : f32 to vector<32x128xf32>
      %sub3A_627 = arith.subf %sub3A_22, %sub3A_626 : vector<32x128xf32>
      %mul3A_628 = arith.mulf %sub3A_625, %sub3A_625 : vector<32x128xf32>
      %mul3A_629 = arith.mulf %sub3A_627, %sub3A_627 : vector<32x128xf32>
      %add3A_630 = arith.addf %mul3A_628, %mul3A_629 : vector<32x128xf32>
      %lt3A_631 = arith.cmpf olt, %add3A_630, %min3A_593 : vector<32x128xf32>
      %min3A_632 = arith.minimumf %min3A_593, %add3A_630 : vector<32x128xf32>
      %max3A_633 = arith.maximumf %min3A_593, %add3A_630 : vector<32x128xf32>
      %broadcast_in_dim3A_634 = vector.broadcast %get3A_623 : f32 to vector<32x128xf32>
      %select_n3A_635 = arith.select %lt3A_631, %broadcast_in_dim3A_634, %select_n3A_596 : vector<32x128xi1>, vector<32x128xf32>
      %broadcast_in_dim3A_636 = vector.broadcast %get3A_623 : f32 to vector<32x128xf32>
      %select_n3A_637 = arith.select %lt3A_631, %select_n3A_596, %broadcast_in_dim3A_636 : vector<32x128xi1>, vector<32x128xf32>
      %lt3A_638 = arith.cmpf olt, %max3A_633, %min3A_600 : vector<32x128xf32>
      %min3A_639 = arith.minimumf %min3A_600, %max3A_633 : vector<32x128xf32>
      %max3A_640 = arith.maximumf %min3A_600, %max3A_633 : vector<32x128xf32>
      %select_n3A_641 = arith.select %lt3A_638, %select_n3A_637, %select_n3A_602 : vector<32x128xi1>, vector<32x128xf32>
      %select_n3A_642 = arith.select %lt3A_638, %select_n3A_602, %select_n3A_637 : vector<32x128xi1>, vector<32x128xf32>
      %lt3A_643 = arith.cmpf olt, %max3A_640, %min3A_605 : vector<32x128xf32>
      %min3A_644 = arith.minimumf %min3A_605, %max3A_640 : vector<32x128xf32>
      %select_n3A_645 = arith.select %lt3A_643, %select_n3A_642, %select_n3A_606 : vector<32x128xi1>, vector<32x128xf32>
      %add3A_646 = arith.constant 15 : i32
      %add3A_647 = arith.addi %mul3A_63, %add3A_646 : i32
      %get3A_648 = arith.constant 0 : index
      %get3A_649 = arith.constant 0 : index
      %get3A_650 = arith.constant 0 : index
      %get3A_651 = arith.index_cast %add3A_647 : i32 to index
      %get3A_652 = memref.load %arg3[%get3A_648, %get3A_649, %get3A_650, %get3A_651] : memref<1x1x1x512xf32, #tpu.memory_space<smem>>
      %get3A_653 = arith.constant 0 : index
      %get3A_654 = arith.constant 0 : index
      %get3A_655 = arith.constant 0 : index
      %get3A_656 = arith.index_cast %add3A_647 : i32 to index
      %get3A_657 = memref.load %arg4[%get3A_653, %get3A_654, %get3A_655, %get3A_656] : memref<1x1x1x512xf32, #tpu.memory_space<smem>>
      %get3A_658 = arith.constant 0 : index
      %get3A_659 = arith.constant 0 : index
      %get3A_660 = arith.constant 0 : index
      %get3A_661 = arith.index_cast %add3A_647 : i32 to index
      %get3A_662 = memref.load %arg5[%get3A_658, %get3A_659, %get3A_660, %get3A_661] : memref<1x1x1x512xf32, #tpu.memory_space<smem>>
      %sub3A_663 = vector.broadcast %get3A_652 : f32 to vector<32x128xf32>
      %sub3A_664 = arith.subf %mul3A_10, %sub3A_663 : vector<32x128xf32>
      %sub3A_665 = vector.broadcast %get3A_657 : f32 to vector<32x128xf32>
      %sub3A_666 = arith.subf %sub3A_22, %sub3A_665 : vector<32x128xf32>
      %mul3A_667 = arith.mulf %sub3A_664, %sub3A_664 : vector<32x128xf32>
      %mul3A_668 = arith.mulf %sub3A_666, %sub3A_666 : vector<32x128xf32>
      %add3A_669 = arith.addf %mul3A_667, %mul3A_668 : vector<32x128xf32>
      %lt3A_670 = arith.cmpf olt, %add3A_669, %min3A_632 : vector<32x128xf32>
      %min3A_671 = arith.minimumf %min3A_632, %add3A_669 : vector<32x128xf32>
      %max3A_672 = arith.maximumf %min3A_632, %add3A_669 : vector<32x128xf32>
      %broadcast_in_dim3A_673 = vector.broadcast %get3A_662 : f32 to vector<32x128xf32>
      %select_n3A_674 = arith.select %lt3A_670, %broadcast_in_dim3A_673, %select_n3A_635 : vector<32x128xi1>, vector<32x128xf32>
      %broadcast_in_dim3A_675 = vector.broadcast %get3A_662 : f32 to vector<32x128xf32>
      %select_n3A_676 = arith.select %lt3A_670, %select_n3A_635, %broadcast_in_dim3A_675 : vector<32x128xi1>, vector<32x128xf32>
      %lt3A_677 = arith.cmpf olt, %max3A_672, %min3A_639 : vector<32x128xf32>
      %min3A_678 = arith.minimumf %min3A_639, %max3A_672 : vector<32x128xf32>
      %max3A_679 = arith.maximumf %min3A_639, %max3A_672 : vector<32x128xf32>
      %select_n3A_680 = arith.select %lt3A_677, %select_n3A_676, %select_n3A_641 : vector<32x128xi1>, vector<32x128xf32>
      %select_n3A_681 = arith.select %lt3A_677, %select_n3A_641, %select_n3A_676 : vector<32x128xi1>, vector<32x128xf32>
      %lt3A_682 = arith.cmpf olt, %max3A_679, %min3A_644 : vector<32x128xf32>
      %min3A_683 = arith.minimumf %min3A_644, %max3A_679 : vector<32x128xf32>
      %select_n3A_684 = arith.select %lt3A_682, %select_n3A_681, %select_n3A_645 : vector<32x128xi1>, vector<32x128xf32>
      scf.yield %min3A_671, %min3A_678, %min3A_683, %select_n3A_674, %select_n3A_680, %select_n3A_684 : vector<32x128xf32>, vector<32x128xf32>, vector<32x128xf32>, vector<32x128xf32>, vector<32x128xf32>, vector<32x128xf32>
    }
    %add3A_41 = arith.addf %while3A_40#0, %while3A_40#1 : vector<32x128xf32>
    %add3A_42 = arith.addf %add3A_41, %while3A_40#2 : vector<32x128xf32>
    %mul3A_43 = arith.mulf %while3A_40#3, %while3A_40#0 : vector<32x128xf32>
    %mul3A_44 = arith.mulf %while3A_40#4, %while3A_40#1 : vector<32x128xf32>
    %add3A_45 = arith.addf %mul3A_43, %mul3A_44 : vector<32x128xf32>
    %mul3A_46 = arith.mulf %while3A_40#5, %while3A_40#2 : vector<32x128xf32>
    %add3A_47 = arith.addf %add3A_45, %mul3A_46 : vector<32x128xf32>
    %div3A = arith.divf %add3A_47, %add3A_42 : vector<32x128xf32>
    %swap3A = arith.constant 0 : index
    %swap3A_48 = arith.constant 0 : index
    %swap3A_49 = arith.constant 0 : index
    %swap3A_50 = arith.constant 0 : index
    %swap3A_51 = arith.constant 0 : index
    %swap3A_52 = vector.load %arg7[%swap3A, %swap3A_48, %swap3A_49, %swap3A_50, %swap3A_51] : memref<1x1x1x32x128xf32, #tpu.memory_space<vmem>>, vector<1x1x1x32x128xf32>
    %swap3A_53 = vector.shape_cast %swap3A_52 : vector<1x1x1x32x128xf32> to vector<32x128xf32>
    %swap3A_54 = vector.shape_cast %div3A : vector<32x128xf32> to vector<1x1x1x32x128xf32>
    tpu.vector_store %arg7[%swap3A, %swap3A_48, %swap3A_49, %swap3A_50, %swap3A_51], %swap3A_54 {strides = array<i32>} : memref<1x1x1x32x128xf32, #tpu.memory_space<vmem>>, vector<1x1x1x32x128xf32>,
    return
  }
  func.func @transform_0(%arg0: i32, %arg1: i32, %arg2: i32) -> (i32, i32, i32, i32) {
    %mul3A = arith.constant 16 : i32
    %mul3A_0 = arith.muli %arg1, %mul3A : i32
    %add3A = arith.addi %mul3A_0, %arg2 : i32
    %c0_i32 = arith.constant 0 : i32
    %c0_i32_1 = arith.constant 0 : i32
    %c0_i32_2 = arith.constant 0 : i32
    return %arg0, %add3A, %c0_i32, %c0_i32_1 : i32, i32, i32, i32
  }
  func.func @transform_1(%arg0: i32, %arg1: i32, %arg2: i32) -> (i32, i32, i32, i32) {
    %mul3A = arith.constant 16 : i32
    %mul3A_0 = arith.muli %arg1, %mul3A : i32
    %add3A = arith.addi %mul3A_0, %arg2 : i32
    %c0_i32 = arith.constant 0 : i32
    %c0_i32_1 = arith.constant 0 : i32
    %c0_i32_2 = arith.constant 0 : i32
    return %arg0, %add3A, %c0_i32, %c0_i32_1 : i32, i32, i32, i32
  }
  func.func @transform_2(%arg0: i32, %arg1: i32, %arg2: i32) -> (i32, i32, i32, i32) {
    %mul3A = arith.constant 16 : i32
    %mul3A_0 = arith.muli %arg1, %mul3A : i32
    %add3A = arith.addi %mul3A_0, %arg2 : i32
    %c0_i32 = arith.constant 0 : i32
    %c0_i32_1 = arith.constant 0 : i32
    %c0_i32_2 = arith.constant 0 : i32
    return %arg0, %add3A, %c0_i32, %c0_i32_1 : i32, i32, i32, i32
  }
  func.func @transform_3(%arg0: i32, %arg1: i32, %arg2: i32) -> (i32, i32, i32, i32) {
    %mul3A = arith.constant 16 : i32
    %mul3A_0 = arith.muli %arg1, %mul3A : i32
    %add3A = arith.addi %mul3A_0, %arg2 : i32
    %c0_i32 = arith.constant 0 : i32
    %c0_i32_1 = arith.constant 0 : i32
    %c0_i32_2 = arith.constant 0 : i32
    return %arg0, %add3A, %c0_i32, %c0_i32_1 : i32, i32, i32, i32
  }
  func.func @transform_4(%arg0: i32, %arg1: i32, %arg2: i32) -> (i32, i32, i32, i32, i32) {
    %c0_i32 = arith.constant 0 : i32
    %c0_i32_0 = arith.constant 0 : i32
    %c0_i32_1 = arith.constant 0 : i32
    return %arg0, %arg1, %arg2, %c0_i32, %c0_i32_0 : i32, i32, i32, i32, i32
  }
}

module attributes {stable_mosaic.version = 14 : i64} {
  func.func @_sht_loss_kernel(%arg0: memref<2x8x16x32x128xf32, #tpu.memory_space<vmem>>, %arg1: memref<16x64x64xf32, #tpu.memory_space<vmem>>, %arg2: memref<3200x256xf32, #tpu.memory_space<vmem>>, %arg3: memref<3200x256xf32, #tpu.memory_space<vmem>>, %arg4: memref<1x1xf32, #tpu.memory_space<smem>>) attributes {dimension_semantics = [], scalar_prefetch = 0 : i64, scratch_operands = 0 : i64, tpu.core_type = #tpu.core_type<tc>} {
    %get3A = arith.constant 0 : index
    %get3A_0 = arith.constant 0 : index
    %get3A_1 = arith.constant 0 : index
    %get3A_2 = arith.constant 0 : index
    %get3A_3 = arith.constant 0 : index
    %get3A_4 = vector.load %arg0[%get3A, %get3A_0, %get3A_1, %get3A_2, %get3A_3] : memref<2x8x16x32x128xf32, #tpu.memory_space<vmem>>, vector<1x8x16x32x128xf32>
    %get3A_5 = vector.shape_cast %get3A_4 : vector<1x8x16x32x128xf32> to vector<8x16x32x128xf32>
    %get3A_6 = arith.constant 1 : index
    %get3A_7 = arith.constant 0 : index
    %get3A_8 = arith.constant 0 : index
    %get3A_9 = arith.constant 0 : index
    %get3A_10 = arith.constant 0 : index
    %get3A_11 = vector.load %arg0[%get3A_6, %get3A_7, %get3A_8, %get3A_9, %get3A_10] : memref<2x8x16x32x128xf32, #tpu.memory_space<vmem>>, vector<1x8x16x32x128xf32>
    %get3A_12 = vector.shape_cast %get3A_11 : vector<1x8x16x32x128xf32> to vector<8x16x32x128xf32>
    %sub3A = arith.subf %get3A_5, %get3A_12 : vector<8x16x32x128xf32>
    %broadcast_in_dim3A = arith.constant 0.000000e+00 : f32
    %broadcast_in_dim3A_13 = vector.broadcast %broadcast_in_dim3A : f32 to vector<256x64xf32>
    %broadcast_in_dim3A_14 = arith.constant 0.000000e+00 : f32
    %broadcast_in_dim3A_15 = vector.broadcast %broadcast_in_dim3A_14 : f32 to vector<256x64xf32>
    %slice3A = vector.extract_strided_slice %sub3A {offsets = [0, 0, 0, 0], sizes = [8, 1, 32, 128], strides = [1, 1, 1, 1]} : vector<8x16x32x128xf32> to vector<8x1x32x128xf32>
    %squeeze3A = vector.shape_cast %slice3A : vector<8x1x32x128xf32> to vector<8x32x128xf32>
    %slice3A_16 = vector.extract_strided_slice %squeeze3A {offsets = [0, 0, 0], sizes = [8, 32, 64], strides = [1, 1, 1]} : vector<8x32x128xf32> to vector<8x32x64xf32>
    %reshape3A = vector.shape_cast %slice3A_16 : vector<8x32x64xf32> to vector<256x64xf32>
    %slice3A_17 = vector.extract_strided_slice %squeeze3A {offsets = [0, 0, 64], sizes = [8, 32, 64], strides = [1, 1, 1]} : vector<8x32x128xf32> to vector<8x32x64xf32>
    %reshape3A_18 = vector.shape_cast %slice3A_17 : vector<8x32x64xf32> to vector<256x64xf32>
    %get3A_19 = arith.constant 0 : index
    %get3A_20 = arith.constant 0 : index
    %get3A_21 = arith.constant 0 : index
    %get3A_22 = vector.load %arg1[%get3A_19, %get3A_20, %get3A_21] : memref<16x64x64xf32, #tpu.memory_space<vmem>>, vector<1x64x64xf32>
    %get3A_23 = vector.shape_cast %get3A_22 : vector<1x64x64xf32> to vector<64x64xf32>
    %dot_general3A = arith.constant dense<0.000000e+00> : vector<256x64xf32>
    %dot_general3A_24 = tpu.matmul %reshape3A, %get3A_23, %dot_general3A {dimension_numbers = #tpu.dot_dimension_numbers<[1], [0], [0], [1], [0, 0, 1, 1], [], []>, transpose_lhs_hint = false} : vector<256x64xf32>, vector<64x64xf32>, vector<256x64xf32> -> vector<256x64xf32>
    %add3A = arith.addf %broadcast_in_dim3A_13, %dot_general3A_24 : vector<256x64xf32>
    %dot_general3A_25 = arith.constant dense<0.000000e+00> : vector<256x64xf32>
    %dot_general3A_26 = tpu.matmul %reshape3A_18, %get3A_23, %dot_general3A_25 {dimension_numbers = #tpu.dot_dimension_numbers<[1], [0], [0], [1], [0, 0, 1, 1], [], []>, transpose_lhs_hint = false} : vector<256x64xf32>, vector<64x64xf32>, vector<256x64xf32> -> vector<256x64xf32>
    %add3A_27 = arith.addf %broadcast_in_dim3A_15, %dot_general3A_26 : vector<256x64xf32>
    %slice3A_28 = vector.extract_strided_slice %sub3A {offsets = [0, 1, 0, 0], sizes = [8, 1, 32, 128], strides = [1, 1, 1, 1]} : vector<8x16x32x128xf32> to vector<8x1x32x128xf32>
    %squeeze3A_29 = vector.shape_cast %slice3A_28 : vector<8x1x32x128xf32> to vector<8x32x128xf32>
    %slice3A_30 = vector.extract_strided_slice %squeeze3A_29 {offsets = [0, 0, 0], sizes = [8, 32, 64], strides = [1, 1, 1]} : vector<8x32x128xf32> to vector<8x32x64xf32>
    %reshape3A_31 = vector.shape_cast %slice3A_30 : vector<8x32x64xf32> to vector<256x64xf32>
    %slice3A_32 = vector.extract_strided_slice %squeeze3A_29 {offsets = [0, 0, 64], sizes = [8, 32, 64], strides = [1, 1, 1]} : vector<8x32x128xf32> to vector<8x32x64xf32>
    %reshape3A_33 = vector.shape_cast %slice3A_32 : vector<8x32x64xf32> to vector<256x64xf32>
    %get3A_34 = arith.constant 1 : index
    %get3A_35 = arith.constant 0 : index
    %get3A_36 = arith.constant 0 : index
    %get3A_37 = vector.load %arg1[%get3A_34, %get3A_35, %get3A_36] : memref<16x64x64xf32, #tpu.memory_space<vmem>>, vector<1x64x64xf32>
    %get3A_38 = vector.shape_cast %get3A_37 : vector<1x64x64xf32> to vector<64x64xf32>
    %dot_general3A_39 = arith.constant dense<0.000000e+00> : vector<256x64xf32>
    %dot_general3A_40 = tpu.matmul %reshape3A_31, %get3A_38, %dot_general3A_39 {dimension_numbers = #tpu.dot_dimension_numbers<[1], [0], [0], [1], [0, 0, 1, 1], [], []>, transpose_lhs_hint = false} : vector<256x64xf32>, vector<64x64xf32>, vector<256x64xf32> -> vector<256x64xf32>
    %add3A_41 = arith.addf %add3A, %dot_general3A_40 : vector<256x64xf32>
    %dot_general3A_42 = arith.constant dense<0.000000e+00> : vector<256x64xf32>
    %dot_general3A_43 = tpu.matmul %reshape3A_33, %get3A_38, %dot_general3A_42 {dimension_numbers = #tpu.dot_dimension_numbers<[1], [0], [0], [1], [0, 0, 1, 1], [], []>, transpose_lhs_hint = false} : vector<256x64xf32>, vector<64x64xf32>, vector<256x64xf32> -> vector<256x64xf32>
    %add3A_44 = arith.addf %add3A_27, %dot_general3A_43 : vector<256x64xf32>
    %slice3A_45 = vector.extract_strided_slice %sub3A {offsets = [0, 2, 0, 0], sizes = [8, 1, 32, 128], strides = [1, 1, 1, 1]} : vector<8x16x32x128xf32> to vector<8x1x32x128xf32>
    %squeeze3A_46 = vector.shape_cast %slice3A_45 : vector<8x1x32x128xf32> to vector<8x32x128xf32>
    %slice3A_47 = vector.extract_strided_slice %squeeze3A_46 {offsets = [0, 0, 0], sizes = [8, 32, 64], strides = [1, 1, 1]} : vector<8x32x128xf32> to vector<8x32x64xf32>
    %reshape3A_48 = vector.shape_cast %slice3A_47 : vector<8x32x64xf32> to vector<256x64xf32>
    %slice3A_49 = vector.extract_strided_slice %squeeze3A_46 {offsets = [0, 0, 64], sizes = [8, 32, 64], strides = [1, 1, 1]} : vector<8x32x128xf32> to vector<8x32x64xf32>
    %reshape3A_50 = vector.shape_cast %slice3A_49 : vector<8x32x64xf32> to vector<256x64xf32>
    %get3A_51 = arith.constant 2 : index
    %get3A_52 = arith.constant 0 : index
    %get3A_53 = arith.constant 0 : index
    %get3A_54 = vector.load %arg1[%get3A_51, %get3A_52, %get3A_53] : memref<16x64x64xf32, #tpu.memory_space<vmem>>, vector<1x64x64xf32>
    %get3A_55 = vector.shape_cast %get3A_54 : vector<1x64x64xf32> to vector<64x64xf32>
    %dot_general3A_56 = arith.constant dense<0.000000e+00> : vector<256x64xf32>
    %dot_general3A_57 = tpu.matmul %reshape3A_48, %get3A_55, %dot_general3A_56 {dimension_numbers = #tpu.dot_dimension_numbers<[1], [0], [0], [1], [0, 0, 1, 1], [], []>, transpose_lhs_hint = false} : vector<256x64xf32>, vector<64x64xf32>, vector<256x64xf32> -> vector<256x64xf32>
    %add3A_58 = arith.addf %add3A_41, %dot_general3A_57 : vector<256x64xf32>
    %dot_general3A_59 = arith.constant dense<0.000000e+00> : vector<256x64xf32>
    %dot_general3A_60 = tpu.matmul %reshape3A_50, %get3A_55, %dot_general3A_59 {dimension_numbers = #tpu.dot_dimension_numbers<[1], [0], [0], [1], [0, 0, 1, 1], [], []>, transpose_lhs_hint = false} : vector<256x64xf32>, vector<64x64xf32>, vector<256x64xf32> -> vector<256x64xf32>
    %add3A_61 = arith.addf %add3A_44, %dot_general3A_60 : vector<256x64xf32>
    %slice3A_62 = vector.extract_strided_slice %sub3A {offsets = [0, 3, 0, 0], sizes = [8, 1, 32, 128], strides = [1, 1, 1, 1]} : vector<8x16x32x128xf32> to vector<8x1x32x128xf32>
    %squeeze3A_63 = vector.shape_cast %slice3A_62 : vector<8x1x32x128xf32> to vector<8x32x128xf32>
    %slice3A_64 = vector.extract_strided_slice %squeeze3A_63 {offsets = [0, 0, 0], sizes = [8, 32, 64], strides = [1, 1, 1]} : vector<8x32x128xf32> to vector<8x32x64xf32>
    %reshape3A_65 = vector.shape_cast %slice3A_64 : vector<8x32x64xf32> to vector<256x64xf32>
    %slice3A_66 = vector.extract_strided_slice %squeeze3A_63 {offsets = [0, 0, 64], sizes = [8, 32, 64], strides = [1, 1, 1]} : vector<8x32x128xf32> to vector<8x32x64xf32>
    %reshape3A_67 = vector.shape_cast %slice3A_66 : vector<8x32x64xf32> to vector<256x64xf32>
    %get3A_68 = arith.constant 3 : index
    %get3A_69 = arith.constant 0 : index
    %get3A_70 = arith.constant 0 : index
    %get3A_71 = vector.load %arg1[%get3A_68, %get3A_69, %get3A_70] : memref<16x64x64xf32, #tpu.memory_space<vmem>>, vector<1x64x64xf32>
    %get3A_72 = vector.shape_cast %get3A_71 : vector<1x64x64xf32> to vector<64x64xf32>
    %dot_general3A_73 = arith.constant dense<0.000000e+00> : vector<256x64xf32>
    %dot_general3A_74 = tpu.matmul %reshape3A_65, %get3A_72, %dot_general3A_73 {dimension_numbers = #tpu.dot_dimension_numbers<[1], [0], [0], [1], [0, 0, 1, 1], [], []>, transpose_lhs_hint = false} : vector<256x64xf32>, vector<64x64xf32>, vector<256x64xf32> -> vector<256x64xf32>
    %add3A_75 = arith.addf %add3A_58, %dot_general3A_74 : vector<256x64xf32>
    %dot_general3A_76 = arith.constant dense<0.000000e+00> : vector<256x64xf32>
    %dot_general3A_77 = tpu.matmul %reshape3A_67, %get3A_72, %dot_general3A_76 {dimension_numbers = #tpu.dot_dimension_numbers<[1], [0], [0], [1], [0, 0, 1, 1], [], []>, transpose_lhs_hint = false} : vector<256x64xf32>, vector<64x64xf32>, vector<256x64xf32> -> vector<256x64xf32>
    %add3A_78 = arith.addf %add3A_61, %dot_general3A_77 : vector<256x64xf32>
    %slice3A_79 = vector.extract_strided_slice %sub3A {offsets = [0, 4, 0, 0], sizes = [8, 1, 32, 128], strides = [1, 1, 1, 1]} : vector<8x16x32x128xf32> to vector<8x1x32x128xf32>
    %squeeze3A_80 = vector.shape_cast %slice3A_79 : vector<8x1x32x128xf32> to vector<8x32x128xf32>
    %slice3A_81 = vector.extract_strided_slice %squeeze3A_80 {offsets = [0, 0, 0], sizes = [8, 32, 64], strides = [1, 1, 1]} : vector<8x32x128xf32> to vector<8x32x64xf32>
    %reshape3A_82 = vector.shape_cast %slice3A_81 : vector<8x32x64xf32> to vector<256x64xf32>
    %slice3A_83 = vector.extract_strided_slice %squeeze3A_80 {offsets = [0, 0, 64], sizes = [8, 32, 64], strides = [1, 1, 1]} : vector<8x32x128xf32> to vector<8x32x64xf32>
    %reshape3A_84 = vector.shape_cast %slice3A_83 : vector<8x32x64xf32> to vector<256x64xf32>
    %get3A_85 = arith.constant 4 : index
    %get3A_86 = arith.constant 0 : index
    %get3A_87 = arith.constant 0 : index
    %get3A_88 = vector.load %arg1[%get3A_85, %get3A_86, %get3A_87] : memref<16x64x64xf32, #tpu.memory_space<vmem>>, vector<1x64x64xf32>
    %get3A_89 = vector.shape_cast %get3A_88 : vector<1x64x64xf32> to vector<64x64xf32>
    %dot_general3A_90 = arith.constant dense<0.000000e+00> : vector<256x64xf32>
    %dot_general3A_91 = tpu.matmul %reshape3A_82, %get3A_89, %dot_general3A_90 {dimension_numbers = #tpu.dot_dimension_numbers<[1], [0], [0], [1], [0, 0, 1, 1], [], []>, transpose_lhs_hint = false} : vector<256x64xf32>, vector<64x64xf32>, vector<256x64xf32> -> vector<256x64xf32>
    %add3A_92 = arith.addf %add3A_75, %dot_general3A_91 : vector<256x64xf32>
    %dot_general3A_93 = arith.constant dense<0.000000e+00> : vector<256x64xf32>
    %dot_general3A_94 = tpu.matmul %reshape3A_84, %get3A_89, %dot_general3A_93 {dimension_numbers = #tpu.dot_dimension_numbers<[1], [0], [0], [1], [0, 0, 1, 1], [], []>, transpose_lhs_hint = false} : vector<256x64xf32>, vector<64x64xf32>, vector<256x64xf32> -> vector<256x64xf32>
    %add3A_95 = arith.addf %add3A_78, %dot_general3A_94 : vector<256x64xf32>
    %slice3A_96 = vector.extract_strided_slice %sub3A {offsets = [0, 5, 0, 0], sizes = [8, 1, 32, 128], strides = [1, 1, 1, 1]} : vector<8x16x32x128xf32> to vector<8x1x32x128xf32>
    %squeeze3A_97 = vector.shape_cast %slice3A_96 : vector<8x1x32x128xf32> to vector<8x32x128xf32>
    %slice3A_98 = vector.extract_strided_slice %squeeze3A_97 {offsets = [0, 0, 0], sizes = [8, 32, 64], strides = [1, 1, 1]} : vector<8x32x128xf32> to vector<8x32x64xf32>
    %reshape3A_99 = vector.shape_cast %slice3A_98 : vector<8x32x64xf32> to vector<256x64xf32>
    %slice3A_100 = vector.extract_strided_slice %squeeze3A_97 {offsets = [0, 0, 64], sizes = [8, 32, 64], strides = [1, 1, 1]} : vector<8x32x128xf32> to vector<8x32x64xf32>
    %reshape3A_101 = vector.shape_cast %slice3A_100 : vector<8x32x64xf32> to vector<256x64xf32>
    %get3A_102 = arith.constant 5 : index
    %get3A_103 = arith.constant 0 : index
    %get3A_104 = arith.constant 0 : index
    %get3A_105 = vector.load %arg1[%get3A_102, %get3A_103, %get3A_104] : memref<16x64x64xf32, #tpu.memory_space<vmem>>, vector<1x64x64xf32>
    %get3A_106 = vector.shape_cast %get3A_105 : vector<1x64x64xf32> to vector<64x64xf32>
    %dot_general3A_107 = arith.constant dense<0.000000e+00> : vector<256x64xf32>
    %dot_general3A_108 = tpu.matmul %reshape3A_99, %get3A_106, %dot_general3A_107 {dimension_numbers = #tpu.dot_dimension_numbers<[1], [0], [0], [1], [0, 0, 1, 1], [], []>, transpose_lhs_hint = false} : vector<256x64xf32>, vector<64x64xf32>, vector<256x64xf32> -> vector<256x64xf32>
    %add3A_109 = arith.addf %add3A_92, %dot_general3A_108 : vector<256x64xf32>
    %dot_general3A_110 = arith.constant dense<0.000000e+00> : vector<256x64xf32>
    %dot_general3A_111 = tpu.matmul %reshape3A_101, %get3A_106, %dot_general3A_110 {dimension_numbers = #tpu.dot_dimension_numbers<[1], [0], [0], [1], [0, 0, 1, 1], [], []>, transpose_lhs_hint = false} : vector<256x64xf32>, vector<64x64xf32>, vector<256x64xf32> -> vector<256x64xf32>
    %add3A_112 = arith.addf %add3A_95, %dot_general3A_111 : vector<256x64xf32>
    %slice3A_113 = vector.extract_strided_slice %sub3A {offsets = [0, 6, 0, 0], sizes = [8, 1, 32, 128], strides = [1, 1, 1, 1]} : vector<8x16x32x128xf32> to vector<8x1x32x128xf32>
    %squeeze3A_114 = vector.shape_cast %slice3A_113 : vector<8x1x32x128xf32> to vector<8x32x128xf32>
    %slice3A_115 = vector.extract_strided_slice %squeeze3A_114 {offsets = [0, 0, 0], sizes = [8, 32, 64], strides = [1, 1, 1]} : vector<8x32x128xf32> to vector<8x32x64xf32>
    %reshape3A_116 = vector.shape_cast %slice3A_115 : vector<8x32x64xf32> to vector<256x64xf32>
    %slice3A_117 = vector.extract_strided_slice %squeeze3A_114 {offsets = [0, 0, 64], sizes = [8, 32, 64], strides = [1, 1, 1]} : vector<8x32x128xf32> to vector<8x32x64xf32>
    %reshape3A_118 = vector.shape_cast %slice3A_117 : vector<8x32x64xf32> to vector<256x64xf32>
    %get3A_119 = arith.constant 6 : index
    %get3A_120 = arith.constant 0 : index
    %get3A_121 = arith.constant 0 : index
    %get3A_122 = vector.load %arg1[%get3A_119, %get3A_120, %get3A_121] : memref<16x64x64xf32, #tpu.memory_space<vmem>>, vector<1x64x64xf32>
    %get3A_123 = vector.shape_cast %get3A_122 : vector<1x64x64xf32> to vector<64x64xf32>
    %dot_general3A_124 = arith.constant dense<0.000000e+00> : vector<256x64xf32>
    %dot_general3A_125 = tpu.matmul %reshape3A_116, %get3A_123, %dot_general3A_124 {dimension_numbers = #tpu.dot_dimension_numbers<[1], [0], [0], [1], [0, 0, 1, 1], [], []>, transpose_lhs_hint = false} : vector<256x64xf32>, vector<64x64xf32>, vector<256x64xf32> -> vector<256x64xf32>
    %add3A_126 = arith.addf %add3A_109, %dot_general3A_125 : vector<256x64xf32>
    %dot_general3A_127 = arith.constant dense<0.000000e+00> : vector<256x64xf32>
    %dot_general3A_128 = tpu.matmul %reshape3A_118, %get3A_123, %dot_general3A_127 {dimension_numbers = #tpu.dot_dimension_numbers<[1], [0], [0], [1], [0, 0, 1, 1], [], []>, transpose_lhs_hint = false} : vector<256x64xf32>, vector<64x64xf32>, vector<256x64xf32> -> vector<256x64xf32>
    %add3A_129 = arith.addf %add3A_112, %dot_general3A_128 : vector<256x64xf32>
    %slice3A_130 = vector.extract_strided_slice %sub3A {offsets = [0, 7, 0, 0], sizes = [8, 1, 32, 128], strides = [1, 1, 1, 1]} : vector<8x16x32x128xf32> to vector<8x1x32x128xf32>
    %squeeze3A_131 = vector.shape_cast %slice3A_130 : vector<8x1x32x128xf32> to vector<8x32x128xf32>
    %slice3A_132 = vector.extract_strided_slice %squeeze3A_131 {offsets = [0, 0, 0], sizes = [8, 32, 64], strides = [1, 1, 1]} : vector<8x32x128xf32> to vector<8x32x64xf32>
    %reshape3A_133 = vector.shape_cast %slice3A_132 : vector<8x32x64xf32> to vector<256x64xf32>
    %slice3A_134 = vector.extract_strided_slice %squeeze3A_131 {offsets = [0, 0, 64], sizes = [8, 32, 64], strides = [1, 1, 1]} : vector<8x32x128xf32> to vector<8x32x64xf32>
    %reshape3A_135 = vector.shape_cast %slice3A_134 : vector<8x32x64xf32> to vector<256x64xf32>
    %get3A_136 = arith.constant 7 : index
    %get3A_137 = arith.constant 0 : index
    %get3A_138 = arith.constant 0 : index
    %get3A_139 = vector.load %arg1[%get3A_136, %get3A_137, %get3A_138] : memref<16x64x64xf32, #tpu.memory_space<vmem>>, vector<1x64x64xf32>
    %get3A_140 = vector.shape_cast %get3A_139 : vector<1x64x64xf32> to vector<64x64xf32>
    %dot_general3A_141 = arith.constant dense<0.000000e+00> : vector<256x64xf32>
    %dot_general3A_142 = tpu.matmul %reshape3A_133, %get3A_140, %dot_general3A_141 {dimension_numbers = #tpu.dot_dimension_numbers<[1], [0], [0], [1], [0, 0, 1, 1], [], []>, transpose_lhs_hint = false} : vector<256x64xf32>, vector<64x64xf32>, vector<256x64xf32> -> vector<256x64xf32>
    %add3A_143 = arith.addf %add3A_126, %dot_general3A_142 : vector<256x64xf32>
    %dot_general3A_144 = arith.constant dense<0.000000e+00> : vector<256x64xf32>
    %dot_general3A_145 = tpu.matmul %reshape3A_135, %get3A_140, %dot_general3A_144 {dimension_numbers = #tpu.dot_dimension_numbers<[1], [0], [0], [1], [0, 0, 1, 1], [], []>, transpose_lhs_hint = false} : vector<256x64xf32>, vector<64x64xf32>, vector<256x64xf32> -> vector<256x64xf32>
    %add3A_146 = arith.addf %add3A_129, %dot_general3A_145 : vector<256x64xf32>
    %slice3A_147 = vector.extract_strided_slice %sub3A {offsets = [0, 8, 0, 0], sizes = [8, 1, 32, 128], strides = [1, 1, 1, 1]} : vector<8x16x32x128xf32> to vector<8x1x32x128xf32>
    %squeeze3A_148 = vector.shape_cast %slice3A_147 : vector<8x1x32x128xf32> to vector<8x32x128xf32>
    %slice3A_149 = vector.extract_strided_slice %squeeze3A_148 {offsets = [0, 0, 0], sizes = [8, 32, 64], strides = [1, 1, 1]} : vector<8x32x128xf32> to vector<8x32x64xf32>
    %reshape3A_150 = vector.shape_cast %slice3A_149 : vector<8x32x64xf32> to vector<256x64xf32>
    %slice3A_151 = vector.extract_strided_slice %squeeze3A_148 {offsets = [0, 0, 64], sizes = [8, 32, 64], strides = [1, 1, 1]} : vector<8x32x128xf32> to vector<8x32x64xf32>
    %reshape3A_152 = vector.shape_cast %slice3A_151 : vector<8x32x64xf32> to vector<256x64xf32>
    %get3A_153 = arith.constant 8 : index
    %get3A_154 = arith.constant 0 : index
    %get3A_155 = arith.constant 0 : index
    %get3A_156 = vector.load %arg1[%get3A_153, %get3A_154, %get3A_155] : memref<16x64x64xf32, #tpu.memory_space<vmem>>, vector<1x64x64xf32>
    %get3A_157 = vector.shape_cast %get3A_156 : vector<1x64x64xf32> to vector<64x64xf32>
    %dot_general3A_158 = arith.constant dense<0.000000e+00> : vector<256x64xf32>
    %dot_general3A_159 = tpu.matmul %reshape3A_150, %get3A_157, %dot_general3A_158 {dimension_numbers = #tpu.dot_dimension_numbers<[1], [0], [0], [1], [0, 0, 1, 1], [], []>, transpose_lhs_hint = false} : vector<256x64xf32>, vector<64x64xf32>, vector<256x64xf32> -> vector<256x64xf32>
    %add3A_160 = arith.addf %add3A_143, %dot_general3A_159 : vector<256x64xf32>
    %dot_general3A_161 = arith.constant dense<0.000000e+00> : vector<256x64xf32>
    %dot_general3A_162 = tpu.matmul %reshape3A_152, %get3A_157, %dot_general3A_161 {dimension_numbers = #tpu.dot_dimension_numbers<[1], [0], [0], [1], [0, 0, 1, 1], [], []>, transpose_lhs_hint = false} : vector<256x64xf32>, vector<64x64xf32>, vector<256x64xf32> -> vector<256x64xf32>
    %add3A_163 = arith.addf %add3A_146, %dot_general3A_162 : vector<256x64xf32>
    %slice3A_164 = vector.extract_strided_slice %sub3A {offsets = [0, 9, 0, 0], sizes = [8, 1, 32, 128], strides = [1, 1, 1, 1]} : vector<8x16x32x128xf32> to vector<8x1x32x128xf32>
    %squeeze3A_165 = vector.shape_cast %slice3A_164 : vector<8x1x32x128xf32> to vector<8x32x128xf32>
    %slice3A_166 = vector.extract_strided_slice %squeeze3A_165 {offsets = [0, 0, 0], sizes = [8, 32, 64], strides = [1, 1, 1]} : vector<8x32x128xf32> to vector<8x32x64xf32>
    %reshape3A_167 = vector.shape_cast %slice3A_166 : vector<8x32x64xf32> to vector<256x64xf32>
    %slice3A_168 = vector.extract_strided_slice %squeeze3A_165 {offsets = [0, 0, 64], sizes = [8, 32, 64], strides = [1, 1, 1]} : vector<8x32x128xf32> to vector<8x32x64xf32>
    %reshape3A_169 = vector.shape_cast %slice3A_168 : vector<8x32x64xf32> to vector<256x64xf32>
    %get3A_170 = arith.constant 9 : index
    %get3A_171 = arith.constant 0 : index
    %get3A_172 = arith.constant 0 : index
    %get3A_173 = vector.load %arg1[%get3A_170, %get3A_171, %get3A_172] : memref<16x64x64xf32, #tpu.memory_space<vmem>>, vector<1x64x64xf32>
    %get3A_174 = vector.shape_cast %get3A_173 : vector<1x64x64xf32> to vector<64x64xf32>
    %dot_general3A_175 = arith.constant dense<0.000000e+00> : vector<256x64xf32>
    %dot_general3A_176 = tpu.matmul %reshape3A_167, %get3A_174, %dot_general3A_175 {dimension_numbers = #tpu.dot_dimension_numbers<[1], [0], [0], [1], [0, 0, 1, 1], [], []>, transpose_lhs_hint = false} : vector<256x64xf32>, vector<64x64xf32>, vector<256x64xf32> -> vector<256x64xf32>
    %add3A_177 = arith.addf %add3A_160, %dot_general3A_176 : vector<256x64xf32>
    %dot_general3A_178 = arith.constant dense<0.000000e+00> : vector<256x64xf32>
    %dot_general3A_179 = tpu.matmul %reshape3A_169, %get3A_174, %dot_general3A_178 {dimension_numbers = #tpu.dot_dimension_numbers<[1], [0], [0], [1], [0, 0, 1, 1], [], []>, transpose_lhs_hint = false} : vector<256x64xf32>, vector<64x64xf32>, vector<256x64xf32> -> vector<256x64xf32>
    %add3A_180 = arith.addf %add3A_163, %dot_general3A_179 : vector<256x64xf32>
    %slice3A_181 = vector.extract_strided_slice %sub3A {offsets = [0, 10, 0, 0], sizes = [8, 1, 32, 128], strides = [1, 1, 1, 1]} : vector<8x16x32x128xf32> to vector<8x1x32x128xf32>
    %squeeze3A_182 = vector.shape_cast %slice3A_181 : vector<8x1x32x128xf32> to vector<8x32x128xf32>
    %slice3A_183 = vector.extract_strided_slice %squeeze3A_182 {offsets = [0, 0, 0], sizes = [8, 32, 64], strides = [1, 1, 1]} : vector<8x32x128xf32> to vector<8x32x64xf32>
    %reshape3A_184 = vector.shape_cast %slice3A_183 : vector<8x32x64xf32> to vector<256x64xf32>
    %slice3A_185 = vector.extract_strided_slice %squeeze3A_182 {offsets = [0, 0, 64], sizes = [8, 32, 64], strides = [1, 1, 1]} : vector<8x32x128xf32> to vector<8x32x64xf32>
    %reshape3A_186 = vector.shape_cast %slice3A_185 : vector<8x32x64xf32> to vector<256x64xf32>
    %get3A_187 = arith.constant 10 : index
    %get3A_188 = arith.constant 0 : index
    %get3A_189 = arith.constant 0 : index
    %get3A_190 = vector.load %arg1[%get3A_187, %get3A_188, %get3A_189] : memref<16x64x64xf32, #tpu.memory_space<vmem>>, vector<1x64x64xf32>
    %get3A_191 = vector.shape_cast %get3A_190 : vector<1x64x64xf32> to vector<64x64xf32>
    %dot_general3A_192 = arith.constant dense<0.000000e+00> : vector<256x64xf32>
    %dot_general3A_193 = tpu.matmul %reshape3A_184, %get3A_191, %dot_general3A_192 {dimension_numbers = #tpu.dot_dimension_numbers<[1], [0], [0], [1], [0, 0, 1, 1], [], []>, transpose_lhs_hint = false} : vector<256x64xf32>, vector<64x64xf32>, vector<256x64xf32> -> vector<256x64xf32>
    %add3A_194 = arith.addf %add3A_177, %dot_general3A_193 : vector<256x64xf32>
    %dot_general3A_195 = arith.constant dense<0.000000e+00> : vector<256x64xf32>
    %dot_general3A_196 = tpu.matmul %reshape3A_186, %get3A_191, %dot_general3A_195 {dimension_numbers = #tpu.dot_dimension_numbers<[1], [0], [0], [1], [0, 0, 1, 1], [], []>, transpose_lhs_hint = false} : vector<256x64xf32>, vector<64x64xf32>, vector<256x64xf32> -> vector<256x64xf32>
    %add3A_197 = arith.addf %add3A_180, %dot_general3A_196 : vector<256x64xf32>
    %slice3A_198 = vector.extract_strided_slice %sub3A {offsets = [0, 11, 0, 0], sizes = [8, 1, 32, 128], strides = [1, 1, 1, 1]} : vector<8x16x32x128xf32> to vector<8x1x32x128xf32>
    %squeeze3A_199 = vector.shape_cast %slice3A_198 : vector<8x1x32x128xf32> to vector<8x32x128xf32>
    %slice3A_200 = vector.extract_strided_slice %squeeze3A_199 {offsets = [0, 0, 0], sizes = [8, 32, 64], strides = [1, 1, 1]} : vector<8x32x128xf32> to vector<8x32x64xf32>
    %reshape3A_201 = vector.shape_cast %slice3A_200 : vector<8x32x64xf32> to vector<256x64xf32>
    %slice3A_202 = vector.extract_strided_slice %squeeze3A_199 {offsets = [0, 0, 64], sizes = [8, 32, 64], strides = [1, 1, 1]} : vector<8x32x128xf32> to vector<8x32x64xf32>
    %reshape3A_203 = vector.shape_cast %slice3A_202 : vector<8x32x64xf32> to vector<256x64xf32>
    %get3A_204 = arith.constant 11 : index
    %get3A_205 = arith.constant 0 : index
    %get3A_206 = arith.constant 0 : index
    %get3A_207 = vector.load %arg1[%get3A_204, %get3A_205, %get3A_206] : memref<16x64x64xf32, #tpu.memory_space<vmem>>, vector<1x64x64xf32>
    %get3A_208 = vector.shape_cast %get3A_207 : vector<1x64x64xf32> to vector<64x64xf32>
    %dot_general3A_209 = arith.constant dense<0.000000e+00> : vector<256x64xf32>
    %dot_general3A_210 = tpu.matmul %reshape3A_201, %get3A_208, %dot_general3A_209 {dimension_numbers = #tpu.dot_dimension_numbers<[1], [0], [0], [1], [0, 0, 1, 1], [], []>, transpose_lhs_hint = false} : vector<256x64xf32>, vector<64x64xf32>, vector<256x64xf32> -> vector<256x64xf32>
    %add3A_211 = arith.addf %add3A_194, %dot_general3A_210 : vector<256x64xf32>
    %dot_general3A_212 = arith.constant dense<0.000000e+00> : vector<256x64xf32>
    %dot_general3A_213 = tpu.matmul %reshape3A_203, %get3A_208, %dot_general3A_212 {dimension_numbers = #tpu.dot_dimension_numbers<[1], [0], [0], [1], [0, 0, 1, 1], [], []>, transpose_lhs_hint = false} : vector<256x64xf32>, vector<64x64xf32>, vector<256x64xf32> -> vector<256x64xf32>
    %add3A_214 = arith.addf %add3A_197, %dot_general3A_213 : vector<256x64xf32>
    %slice3A_215 = vector.extract_strided_slice %sub3A {offsets = [0, 12, 0, 0], sizes = [8, 1, 32, 128], strides = [1, 1, 1, 1]} : vector<8x16x32x128xf32> to vector<8x1x32x128xf32>
    %squeeze3A_216 = vector.shape_cast %slice3A_215 : vector<8x1x32x128xf32> to vector<8x32x128xf32>
    %slice3A_217 = vector.extract_strided_slice %squeeze3A_216 {offsets = [0, 0, 0], sizes = [8, 32, 64], strides = [1, 1, 1]} : vector<8x32x128xf32> to vector<8x32x64xf32>
    %reshape3A_218 = vector.shape_cast %slice3A_217 : vector<8x32x64xf32> to vector<256x64xf32>
    %slice3A_219 = vector.extract_strided_slice %squeeze3A_216 {offsets = [0, 0, 64], sizes = [8, 32, 64], strides = [1, 1, 1]} : vector<8x32x128xf32> to vector<8x32x64xf32>
    %reshape3A_220 = vector.shape_cast %slice3A_219 : vector<8x32x64xf32> to vector<256x64xf32>
    %get3A_221 = arith.constant 12 : index
    %get3A_222 = arith.constant 0 : index
    %get3A_223 = arith.constant 0 : index
    %get3A_224 = vector.load %arg1[%get3A_221, %get3A_222, %get3A_223] : memref<16x64x64xf32, #tpu.memory_space<vmem>>, vector<1x64x64xf32>
    %get3A_225 = vector.shape_cast %get3A_224 : vector<1x64x64xf32> to vector<64x64xf32>
    %dot_general3A_226 = arith.constant dense<0.000000e+00> : vector<256x64xf32>
    %dot_general3A_227 = tpu.matmul %reshape3A_218, %get3A_225, %dot_general3A_226 {dimension_numbers = #tpu.dot_dimension_numbers<[1], [0], [0], [1], [0, 0, 1, 1], [], []>, transpose_lhs_hint = false} : vector<256x64xf32>, vector<64x64xf32>, vector<256x64xf32> -> vector<256x64xf32>
    %add3A_228 = arith.addf %add3A_211, %dot_general3A_227 : vector<256x64xf32>
    %dot_general3A_229 = arith.constant dense<0.000000e+00> : vector<256x64xf32>
    %dot_general3A_230 = tpu.matmul %reshape3A_220, %get3A_225, %dot_general3A_229 {dimension_numbers = #tpu.dot_dimension_numbers<[1], [0], [0], [1], [0, 0, 1, 1], [], []>, transpose_lhs_hint = false} : vector<256x64xf32>, vector<64x64xf32>, vector<256x64xf32> -> vector<256x64xf32>
    %add3A_231 = arith.addf %add3A_214, %dot_general3A_230 : vector<256x64xf32>
    %slice3A_232 = vector.extract_strided_slice %sub3A {offsets = [0, 13, 0, 0], sizes = [8, 1, 32, 128], strides = [1, 1, 1, 1]} : vector<8x16x32x128xf32> to vector<8x1x32x128xf32>
    %squeeze3A_233 = vector.shape_cast %slice3A_232 : vector<8x1x32x128xf32> to vector<8x32x128xf32>
    %slice3A_234 = vector.extract_strided_slice %squeeze3A_233 {offsets = [0, 0, 0], sizes = [8, 32, 64], strides = [1, 1, 1]} : vector<8x32x128xf32> to vector<8x32x64xf32>
    %reshape3A_235 = vector.shape_cast %slice3A_234 : vector<8x32x64xf32> to vector<256x64xf32>
    %slice3A_236 = vector.extract_strided_slice %squeeze3A_233 {offsets = [0, 0, 64], sizes = [8, 32, 64], strides = [1, 1, 1]} : vector<8x32x128xf32> to vector<8x32x64xf32>
    %reshape3A_237 = vector.shape_cast %slice3A_236 : vector<8x32x64xf32> to vector<256x64xf32>
    %get3A_238 = arith.constant 13 : index
    %get3A_239 = arith.constant 0 : index
    %get3A_240 = arith.constant 0 : index
    %get3A_241 = vector.load %arg1[%get3A_238, %get3A_239, %get3A_240] : memref<16x64x64xf32, #tpu.memory_space<vmem>>, vector<1x64x64xf32>
    %get3A_242 = vector.shape_cast %get3A_241 : vector<1x64x64xf32> to vector<64x64xf32>
    %dot_general3A_243 = arith.constant dense<0.000000e+00> : vector<256x64xf32>
    %dot_general3A_244 = tpu.matmul %reshape3A_235, %get3A_242, %dot_general3A_243 {dimension_numbers = #tpu.dot_dimension_numbers<[1], [0], [0], [1], [0, 0, 1, 1], [], []>, transpose_lhs_hint = false} : vector<256x64xf32>, vector<64x64xf32>, vector<256x64xf32> -> vector<256x64xf32>
    %add3A_245 = arith.addf %add3A_228, %dot_general3A_244 : vector<256x64xf32>
    %dot_general3A_246 = arith.constant dense<0.000000e+00> : vector<256x64xf32>
    %dot_general3A_247 = tpu.matmul %reshape3A_237, %get3A_242, %dot_general3A_246 {dimension_numbers = #tpu.dot_dimension_numbers<[1], [0], [0], [1], [0, 0, 1, 1], [], []>, transpose_lhs_hint = false} : vector<256x64xf32>, vector<64x64xf32>, vector<256x64xf32> -> vector<256x64xf32>
    %add3A_248 = arith.addf %add3A_231, %dot_general3A_247 : vector<256x64xf32>
    %slice3A_249 = vector.extract_strided_slice %sub3A {offsets = [0, 14, 0, 0], sizes = [8, 1, 32, 128], strides = [1, 1, 1, 1]} : vector<8x16x32x128xf32> to vector<8x1x32x128xf32>
    %squeeze3A_250 = vector.shape_cast %slice3A_249 : vector<8x1x32x128xf32> to vector<8x32x128xf32>
    %slice3A_251 = vector.extract_strided_slice %squeeze3A_250 {offsets = [0, 0, 0], sizes = [8, 32, 64], strides = [1, 1, 1]} : vector<8x32x128xf32> to vector<8x32x64xf32>
    %reshape3A_252 = vector.shape_cast %slice3A_251 : vector<8x32x64xf32> to vector<256x64xf32>
    %slice3A_253 = vector.extract_strided_slice %squeeze3A_250 {offsets = [0, 0, 64], sizes = [8, 32, 64], strides = [1, 1, 1]} : vector<8x32x128xf32> to vector<8x32x64xf32>
    %reshape3A_254 = vector.shape_cast %slice3A_253 : vector<8x32x64xf32> to vector<256x64xf32>
    %get3A_255 = arith.constant 14 : index
    %get3A_256 = arith.constant 0 : index
    %get3A_257 = arith.constant 0 : index
    %get3A_258 = vector.load %arg1[%get3A_255, %get3A_256, %get3A_257] : memref<16x64x64xf32, #tpu.memory_space<vmem>>, vector<1x64x64xf32>
    %get3A_259 = vector.shape_cast %get3A_258 : vector<1x64x64xf32> to vector<64x64xf32>
    %dot_general3A_260 = arith.constant dense<0.000000e+00> : vector<256x64xf32>
    %dot_general3A_261 = tpu.matmul %reshape3A_252, %get3A_259, %dot_general3A_260 {dimension_numbers = #tpu.dot_dimension_numbers<[1], [0], [0], [1], [0, 0, 1, 1], [], []>, transpose_lhs_hint = false} : vector<256x64xf32>, vector<64x64xf32>, vector<256x64xf32> -> vector<256x64xf32>
    %add3A_262 = arith.addf %add3A_245, %dot_general3A_261 : vector<256x64xf32>
    %dot_general3A_263 = arith.constant dense<0.000000e+00> : vector<256x64xf32>
    %dot_general3A_264 = tpu.matmul %reshape3A_254, %get3A_259, %dot_general3A_263 {dimension_numbers = #tpu.dot_dimension_numbers<[1], [0], [0], [1], [0, 0, 1, 1], [], []>, transpose_lhs_hint = false} : vector<256x64xf32>, vector<64x64xf32>, vector<256x64xf32> -> vector<256x64xf32>
    %add3A_265 = arith.addf %add3A_248, %dot_general3A_264 : vector<256x64xf32>
    %slice3A_266 = vector.extract_strided_slice %sub3A {offsets = [0, 15, 0, 0], sizes = [8, 1, 32, 128], strides = [1, 1, 1, 1]} : vector<8x16x32x128xf32> to vector<8x1x32x128xf32>
    %squeeze3A_267 = vector.shape_cast %slice3A_266 : vector<8x1x32x128xf32> to vector<8x32x128xf32>
    %slice3A_268 = vector.extract_strided_slice %squeeze3A_267 {offsets = [0, 0, 0], sizes = [8, 32, 64], strides = [1, 1, 1]} : vector<8x32x128xf32> to vector<8x32x64xf32>
    %reshape3A_269 = vector.shape_cast %slice3A_268 : vector<8x32x64xf32> to vector<256x64xf32>
    %slice3A_270 = vector.extract_strided_slice %squeeze3A_267 {offsets = [0, 0, 64], sizes = [8, 32, 64], strides = [1, 1, 1]} : vector<8x32x128xf32> to vector<8x32x64xf32>
    %reshape3A_271 = vector.shape_cast %slice3A_270 : vector<8x32x64xf32> to vector<256x64xf32>
    %get3A_272 = arith.constant 15 : index
    %get3A_273 = arith.constant 0 : index
    %get3A_274 = arith.constant 0 : index
    %get3A_275 = vector.load %arg1[%get3A_272, %get3A_273, %get3A_274] : memref<16x64x64xf32, #tpu.memory_space<vmem>>, vector<1x64x64xf32>
    %get3A_276 = vector.shape_cast %get3A_275 : vector<1x64x64xf32> to vector<64x64xf32>
    %dot_general3A_277 = arith.constant dense<0.000000e+00> : vector<256x64xf32>
    %dot_general3A_278 = tpu.matmul %reshape3A_269, %get3A_276, %dot_general3A_277 {dimension_numbers = #tpu.dot_dimension_numbers<[1], [0], [0], [1], [0, 0, 1, 1], [], []>, transpose_lhs_hint = false} : vector<256x64xf32>, vector<64x64xf32>, vector<256x64xf32> -> vector<256x64xf32>
    %add3A_279 = arith.addf %add3A_262, %dot_general3A_278 : vector<256x64xf32>
    %dot_general3A_280 = arith.constant dense<0.000000e+00> : vector<256x64xf32>
    %dot_general3A_281 = tpu.matmul %reshape3A_271, %get3A_276, %dot_general3A_280 {dimension_numbers = #tpu.dot_dimension_numbers<[1], [0], [0], [1], [0, 0, 1, 1], [], []>, transpose_lhs_hint = false} : vector<256x64xf32>, vector<64x64xf32>, vector<256x64xf32> -> vector<256x64xf32>
    %add3A_282 = arith.addf %add3A_265, %dot_general3A_281 : vector<256x64xf32>
    %get3A_283 = arith.constant 0 : index
    %get3A_284 = arith.constant 0 : index
    %get3A_285 = vector.load %arg2[%get3A_283, %get3A_284] : memref<3200x256xf32, #tpu.memory_space<vmem>>, vector<3200x256xf32>
    %dot_general3A_286 = arith.constant dense<0.000000e+00> : vector<3200x64xf32>
    %dot_general3A_287 = tpu.matmul %get3A_285, %add3A_279, %dot_general3A_286 {dimension_numbers = #tpu.dot_dimension_numbers<[1], [0], [0], [1], [0, 0, 1, 1], [], []>, transpose_lhs_hint = false} : vector<3200x256xf32>, vector<256x64xf32>, vector<3200x64xf32> -> vector<3200x64xf32>
    %get3A_288 = arith.constant 0 : index
    %get3A_289 = arith.constant 0 : index
    %get3A_290 = vector.load %arg3[%get3A_288, %get3A_289] : memref<3200x256xf32, #tpu.memory_space<vmem>>, vector<3200x256xf32>
    %dot_general3A_291 = arith.constant dense<0.000000e+00> : vector<3200x64xf32>
    %dot_general3A_292 = tpu.matmul %get3A_290, %add3A_282, %dot_general3A_291 {dimension_numbers = #tpu.dot_dimension_numbers<[1], [0], [0], [1], [0, 0, 1, 1], [], []>, transpose_lhs_hint = false} : vector<3200x256xf32>, vector<256x64xf32>, vector<3200x64xf32> -> vector<3200x64xf32>
    %add3A_293 = arith.addf %dot_general3A_287, %dot_general3A_292 : vector<3200x64xf32>
    %iota3A = tpu.iota {dimensions = array<i32: 0>} : vector<3200x64xi32>
    %jit3A = arith.constant 64 : i32
    %eq3A = arith.constant 0 : i32
    %eq3A_294 = arith.cmpi eq, %jit3A, %eq3A : i32
    %jit3A_295 = arith.constant 1 : i32
    %select_n3A = arith.select %eq3A_294, %jit3A_295, %jit3A : i32
    %rem3A = vector.broadcast %select_n3A : i32 to vector<3200x64xi32>
    %rem3A_296 = arith.remsi %iota3A, %rem3A : vector<3200x64xi32>
    %ne3A = arith.constant 0 : i32
    %ne3A_297 = vector.broadcast %ne3A : i32 to vector<3200x64xi32>
    %ne3A_298 = arith.cmpi ne, %rem3A_296, %ne3A_297 : vector<3200x64xi32>
    %lt3A = arith.constant 0 : i32
    %lt3A_299 = vector.broadcast %lt3A : i32 to vector<3200x64xi32>
    %lt3A_300 = arith.cmpi slt, %rem3A_296, %lt3A_299 : vector<3200x64xi32>
    %lt3A_301 = arith.constant 0 : i32
    %lt3A_302 = arith.cmpi slt, %select_n3A, %lt3A_301 : i32
    %ne3A_303 = vector.broadcast %lt3A_302 : i1 to vector<3200x64xi1>
    %ne3A_304 = vector.broadcast %ne3A_303 : vector<3200x64xi1> to vector<3200x64xi1>
    %ne3A_305 = arith.xori %lt3A_300, %ne3A_304 : vector<3200x64xi1>
    %and3A = arith.andi %ne3A_305, %ne3A_298 : vector<3200x64xi1>
    %add3A_306 = vector.broadcast %select_n3A : i32 to vector<3200x64xi32>
    %add3A_307 = arith.addi %rem3A_296, %add3A_306 : vector<3200x64xi32>
    %select_n3A_308 = arith.select %and3A, %add3A_307, %rem3A_296 : vector<3200x64xi1>, vector<3200x64xi32>
    %iota3A_309 = tpu.iota {dimensions = array<i32: 1>} : vector<3200x64xi32>
    %eq3A_310 = arith.cmpi eq, %select_n3A_308, %iota3A_309 : vector<3200x64xi32>
    %jit3A_311 = arith.constant 0.000000e+00 : f32
    %broadcast_in_dim3A_312 = vector.broadcast %jit3A_311 : f32 to vector<3200x64xf32>
    %select_n3A_313 = arith.select %eq3A_310, %add3A_293, %broadcast_in_dim3A_312 : vector<3200x64xi1>, vector<3200x64xf32>
    %mul3A = arith.mulf %select_n3A_313, %select_n3A_313 : vector<3200x64xf32>
    %reduce_sum3A = vector.shape_cast %mul3A : vector<3200x64xf32> to vector<1x3200x64xf32>
    %reduce_sum3A_314 = arith.constant dense<0.000000e+00> : vector<1xf32>
    %reduce_sum3A_315 = vector.multi_reduction <add>, %reduce_sum3A, %reduce_sum3A_314 [1, 2] : vector<1x3200x64xf32> to vector<1xf32>
    %reduce_sum3A_316 = vector.shape_cast %reduce_sum3A_315 : vector<1xf32> to vector<1x1x1xf32>
    %reduce_sum3A_317 = vector.extract %reduce_sum3A_316[0, 0, 0] : f32 from vector<1x1x1xf32>
    %div3A = arith.constant 2.500000e+03 : f32
    %div3A_318 = arith.divf %reduce_sum3A_317, %div3A : f32
    %swap3A = arith.constant 0 : index
    %swap3A_319 = arith.constant 0 : index
    %swap3A_320 = memref.load %arg4[%swap3A, %swap3A_319] : memref<1x1xf32, #tpu.memory_space<smem>>
    memref.store %div3A_318, %arg4[%swap3A, %swap3A_319] : memref<1x1xf32, #tpu.memory_space<smem>>
    return
  }
}

</mosaic_0001>

<sc_bundles>
// kernel: kernel.5.cloned.1.call-start
scs
__scs_entry_jumppad:
0x0: {  	(pc) =	sbr.rel $0x88, $3  }
0x1: {  	(tag) =	ssettag $0x0;
	lr =	simm.s32 $0x1  }
0x2: {  	[smem:$0x3F9F] =	sst lr;
	_ =	strace $0xD0000000  }
0x3: {  	_ = 	snop  }
0x4: {  	_ = 	snop  }
0x5: {  	_ = 	snop  }
0x6: {  	_ = 	snop  }
0x7: {  	_ = 	snop  }
__scs_overlays_trampoline_lowered:
0x8: {  	[smem:$0x3FAE] =	sst s0  }
0x9: {  	[smem:$0x3FAF] =	sst s1  }
0xa: {  	[smem:$0x3FB0] =	sst s2  }
0xb: {  	[smem:$0x3FB1] =	sst s3  }
0xc: {  	[smem:$0x3FB2] =	sst s4  }
0xd: {  	[smem:$0x3FB3] =	sst s5  }
0xe: {  	[smem:$0x3FB4] =	sst s6  }
0xf: {  	[smem:$0x3FB5] =	sst s7  }
0x10: {  	[smem:$0x3FB6] =	sst s8  }
0x11: {  	[smem:$0x3FB7] =	sst s9;
	s0 =	simm.s32 @!p0 $0x0  }
0x12: {  	s1 =	sld [smem:$0x3F9D];
	s0 =	simm.s32 @p0 $0x1  }
0x13: {  	[smem:$0x3FB8] =	sst s0;
	s0 =	simm.s32 @!p1 $0x0  }
0x14: {  	s2 =	sld [smem:$0x3F9C];
	s0 =	simm.s32 @p1 $0x1  }
0x15: {  	[smem:$0x3FB9] =	sst s0;
	s0 =	simm.s32 @!p2 $0x0  }
0x16: {  	s3 =	sld [smem:$0x3FDB];
	s0 =	simm.s32 @p2 $0x1  }
0x17: {  	s4 =	simm.s32 $0x1BF5;
	[smem:$0x3FBB] =	sst s0  }
0x18: {  	s0 =	sld [smem:$0x3F9E];
	_ =	swait.ge [sflag:s4], $0x0  }
0x19: {  	s7 =	sld [smem:$0x3F9F]  }
0x1a: {  	s8 =	sadd.s32 $0xFFFFE003, lr  }
0x1b: {  	s9 =	sadd.s32 $0xFFFFFEF7, lr;
	s5 =	simm.s32 $0xFFFFFFFF;
	p2 =	slt.u32 s8, $0xFFFFF086  }
0x1c: {  	p1 =	slt.u32 s9, $0xF7A;
	s5 =	simm.s32 @!p2 $0x0  }
0x1d: {  	s5 =	simm.s32 @p1 $0x1;
	p0 =	seq.s32 s7, s2  }
0x1e: {  	s7 =	smul.u32 @!p0 $0xF7A, s2;
	p2 =	seq.s32 @!p0 s5, $0x0  }
0x1f: {  	s9 =	smul.u32 $0xF7A, s1;
	s8 =	simm.s32 @!p0 $0x1BF5;
	p2 =	por !p2, p0  }
0x20: {  	[sflag:s8] =	ssyncset.s32 @!p0 $0xFFFFF086;
	s6 =	sadd.s32 @!p0 s3, s7;
	s7 =	simm.s32 @!p0 $0x108  }
0x21: {  	s3 =	sadd.s32 s3, s9;
	s6 =	sadd.s32 @!p0 $0x88, s6;
	s7 =	simm.s32 @p2 $0x1082  }
0x22: {  	[simem:s7], [sflag:s8] =	dma.local @!p0 [hbm:s6], $0xF7A  }
0x23: {  	s9 =	sor.u32 $0xD0000000, s2;
	s6 =	simm.s32 $0x108;
	_ =	swait.ge @!p0 [sflag:s8], $0x0  }
0x24: {  	s3 =	sadd.s32 $0x88, s3;
	s6 =	simm.s32 @!p1 $0x1082;
	[sflag:s4] =	ssyncset.s32 $0xFFFFF086  }
0x25: {  	[simem:s6], [sflag:s4] =	dma.local [hbm:s3], $0xF7A  }
0x26: {  	[smem:$0x3F9F] =	sst s1;
	(tag) =	ssettag s2;
	_ =	strace s9  }
0x27: {  	s1 =	sld [smem:$0x3FAF]  }
0x28: {  	s2 =	sld [smem:$0x3FB0]  }
0x29: {  	s4 =	sld [smem:$0x3FB2]  }
0x2a: {  	p0 =	seq.s32 s5, $0x0;
	s5 =	sld [smem:$0x3FB3]  }
0x2b: {  	s6 =	sld [smem:$0x3FB4]  }
0x2c: {  	s7 =	sld [smem:$0x3FB5]  }
0x2d: {  	s3 =	simm.s32 $0x108;
	s8 =	sld [smem:$0x3FB6]  }
0x2e: {  	s3 =	simm.s32 @!p0 $0x1082;
	s9 =	sld [smem:$0x3FB7]  }
0x2f: {  	lr =	sadd.s32 s0, s3;
	s0 =	sld [smem:$0x3FAE]  }
0x30: {  	s3 =	sld [smem:$0x3FB1]  }
0x31: {  	[smem:$0x3FBA] =	sst s10  }
0x32: {  	s10 =	sld [smem:$0x3FB8];
	_ =	sdelay $0x3  }
0x33: {  	p0 =	seq.s32 s10, $0x1;
	s10 =	sld [smem:$0x3FBA];
	_ =	sdelay $0x3  }
0x34: {  	[smem:$0x3FBA] =	sst s10  }
0x35: {  	s10 =	sld [smem:$0x3FB9];
	_ =	sdelay $0x3  }
0x36: {  	p1 =	seq.s32 s10, $0x1;
	s10 =	sld [smem:$0x3FBA];
	_ =	sdelay $0x3  }
0x37: {  	[smem:$0x3FBA] =	sst s10  }
0x38: {  	s10 =	sld [smem:$0x3FBB]  }
0x39: {  	_ = 	snop;
	(pc) =	sbr.ind lr, $3  }
0x3a: {  	_ = 	snop  }
0x3b: {  	_ = 	snop  }
0x3c: {  	p2 =	seq.s32 s10, $0x1;
	s10 =	sld [smem:$0x3FBA]  }
0x3d: {  	_ =	shalt  }
0x3e: {  	_ =	shalt  }
0x3f: {  	_ =	shalt  }
0x40: {  	_ =	shalt  }
0x41: {  	_ =	shalt  }
0x42: {  	_ =	shalt  }
0x43: {  	_ =	shalt  }
0x44: {  	_ =	shalt  }
0x45: {  	_ =	shalt  }
0x46: {  	_ =	shalt  }
0x47: {  	_ =	shalt  }
0x48: {  	_ =	shalt  }
0x49: {  	_ =	shalt  }
0x4a: {  	_ =	shalt  }
0x4b: {  	_ =	shalt  }
0x4c: {  	_ =	shalt  }
0x4d: {  	_ =	shalt  }
0x4e: {  	_ =	shalt  }
0x4f: {  	_ =	shalt  }
0x50: {  	_ =	shalt  }
0x51: {  	_ =	shalt  }
0x52: {  	_ =	shalt  }
0x53: {  	_ =	shalt  }
0x54: {  	_ =	shalt  }
0x55: {  	_ =	shalt  }
0x56: {  	_ =	shalt  }
0x57: {  	_ =	shalt  }
0x58: {  	_ =	shalt  }
0x59: {  	_ =	shalt  }
0x5a: {  	_ =	shalt  }
0x5b: {  	_ =	shalt  }
0x5c: {  	_ =	shalt  }
0x5d: {  	_ =	shalt  }
0x5e: {  	_ =	shalt  }
0x5f: {  	_ =	shalt  }
0x60: {  	_ =	shalt  }
0x61: {  	_ =	shalt  }
0x62: {  	_ =	shalt  }
0x63: {  	_ =	shalt  }
0x64: {  	_ =	shalt  }
0x65: {  	_ =	shalt  }
0x66: {  	_ =	shalt  }
0x67: {  	_ =	shalt  }
0x68: {  	_ =	shalt  }
0x69: {  	_ =	shalt  }
0x6a: {  	_ =	shalt  }
0x6b: {  	_ =	shalt  }
0x6c: {  	_ =	shalt  }
0x6d: {  	_ =	shalt  }
0x6e: {  	_ =	shalt  }
0x6f: {  	_ =	shalt  }
0x70: {  	_ =	shalt  }
0x71: {  	_ =	shalt  }
0x72: {  	_ =	shalt  }
0x73: {  	_ =	shalt  }
0x74: {  	_ =	shalt  }
0x75: {  	_ =	shalt  }
0x76: {  	_ =	shalt  }
0x77: {  	_ =	shalt  }
0x78: {  	_ =	shalt  }
0x79: {  	_ =	shalt  }
0x7a: {  	_ =	shalt  }
0x7b: {  	_ =	shalt  }
0x7c: {  	_ =	shalt  }
0x7d: {  	_ =	shalt  }
0x7e: {  	_ =	shalt  }
0x7f: {  	_ =	shalt  }
0x80: {  	_ =	shalt  }
0x81: {  	_ =	shalt  }
0x82: {  	_ =	shalt  }
0x83: {  	_ =	shalt  }
0x84: {  	_ =	shalt  }
0x85: {  	_ =	shalt  }
0x86: {  	_ =	shalt  }
0x87: {  	_ =	shalt  }
.Lfunc_end0:
.L_simem_size_0:
called_computation_lowered:
.L_overlay_start_0:
0x88: {  	s2 =	sld [smem:$0x3FD9]  }
0x89: {  	s3 =	sld [smem:$0x3FFE];
	_ =	sdelay $0x1  }
0x8a: {  	s1 =	srdreg.scid  }
0x8b: {  	s0 =	sand.u32 $0x1, s1  }
0x8c: {  	s16 =	sshll.u32 s0, $0xA;
	s2 =	sadd.s32 s3, s2  }
0x8d: {  	s2 =	sadd.s32 s2, s16  }
0x8e: {  	[smem:$0x3FC6] =	sst s2  }
0x8f: {  	_ = 	snop  }
0x90: {  	(tm) =	ssettm $0x1  }
0x91: {  	s17 =	sld [smem:$0x3FFB];
	_ =	sdelay $0x3  }
0x92: {  	_ =	strace s17  }
0x93: {  	s2 =	sld [smem:$0x3FFC];
	_ =	sdelay $0x3  }
0x94: {  	_ =	strace s2  }
0x95: {  	s2 =	sld [smem:$0x3FFD];
	_ =	sdelay $0x3  }
0x96: {  	_ =	strace s2  }
0x97: {  	_ =	strace $0x8FFFFFFF  }
0x98: {  	s18 =	sld [smem:$0x3FDB];
	_ =	sdelay $0x1  }
0x99: {  	s19 =	simm.s32 $_scs_section_size  }
0x9a: {  	s4 =	simm.s32 $_size__tile_overlayer_lowered;
	s5 =	simm.s32 $_tile_overlayer_lowered  }
0x9b: {  	s22 =	simm.s32 $0x1BFF;
	s21 =	sshll.u32 s5, $0x1;
	s2 =	sadd.s32 s19, s18  }
0x9c: {  	s6 =	simm.s32 $0x0;
	s20 =	sshll.u32 s4, $0x1;
	s4 =	sadd.s32 s21, s2  }
0x9d: {  	[timem:s6], [sflag:s22] =	dma.local [hbm:s4], s20  }
0x9e: {  	_ =	swait.ge [sflag:s22], s20  }
0x9f: {  	s3 =	ssub.s32 $0x0, s20;
	[sflag:s22] =	ssyncset.done $0x0  }
0xa0: {  	[sflag:s22] =	ssyncadd.s32 s3;
	_ =	sdelay $0x1  }
0xa1: {  	s23 =	simm.s32 $0x1B8B  }
0xa2: {  	_ =	swait.ge [sflag:s23], $0x1  }
0xa3: {  	[sflag:s23] =	ssyncset.done $0x0  }
0xa4: {  	s25 =	simm.s32 $0x1B8E;
	s24 =	sld [smem:$0x3FFE];
	[sflag:s23] =	ssyncadd.s32 $0xFFFFFFFF  }
0xa5: {  	s26 =	simm.s32 $execute0_lowered;
	[smem:$0x3FD2] =	sst s25  }
0xa6: {  	s4 =	sshll.u32 s26, $0x1;
	_ =	strace $0x80000046;
	[dreg:$0x1] =	wrdreg $0xFFFFFFFF  }
0xa7: {  	s28 =	simm.s32 $_size_execute0_lowered;
	s2 =	sadd.s32 s2, s4;
	[dreg:$0x0] =	wrdreg $0x0  }
0xa8: {  	s4 =	sshll.u32 s28, $0x1;
	[dreg:$0x2] =	wrdreg s2  }
0xa9: {  	[dreg:$0x3] =	wrdreg s4  }
0xaa: {  	[dreg:$0x4] =	wrdreg $0xC0  }
0xab: {  	_ =	task [dreg:s6], $0x5FFFF  }
0xac: {  	[dreg:$0x1] =	wrdreg $0xFFFFFFFF  }
0xad: {  	[dreg:$0x0] =	wrdreg $0x60  }
0xae: {  	[dreg:$0x2] =	wrdreg s24  }
0xaf: {  	[dreg:$0x3] =	wrdreg $0x9  }
0xb0: {  	_ =	task.clear_ibuf [dreg:s6], $0x4FFFF;
	_ =	strace $0x90000046  }
0xb1: {  	s29 =	simm.s32 $0x9;
	_ =	strace $0x80000048  }
0xb2: {  	_ =	swait.ge [sflag:s29], $0x1  }
0xb3: {  	[sflag:s29] =	ssyncadd.s32 $0xFFFFFFFF  }
0xb4: {  	_ =	strace $0x90000048  }
0xb5: {  	_ =	sfence  }
0xb6: {  	s30 =	sld [smem:$0x0];
	_ =	sdelay $0x2  }
0xb7: {  	s31 =	sshll.u32 s1, $0xD;
	s1 =	sshrl.u32 s1, $0x2  }
0xb8: {  	s3 =	sand.u32 $0x4000, s31;
	s1 =	sadd.s32 s1, s30  }
0xb9: {  	s0 =	sor.u32 s3, s0;
	s1 =	sshll.u32 s1, $0x11  }
0xba: {  	s0 =	sor.u32 s1, s0  }
0xbb: {  	s0 =	sadd.s32 $0x8F2B, s0  }
0xbc: {  	[sflag:s0] =	ssyncadd.remote.s32 $0x1  }
0xbd: {  	_ =	sfence.sel $0xFFFF  }
0xbe: {  	[dreg:$0x0] =	wrdreg $0xFFFFFFFF;
	(pc) =	sbr.abs _section_cstart, $3  }
0xbf: {  	[dreg:$0x1] =	wrdreg $0xFFFFFFFF  }
0xc0: {  	_ =	task.clear_ibuf [dreg:s6], $0x2FFFF;
	_ =	strace $0x9FFFFFFF  }
0xc1: {  	(tm) =	ssettm $0x7FFFFFFF  }
tec
execute0_lowered:
.L_overlay_start_1:
0x0: {  	(tag) =	ssettag $0x1  }
0x1: {  	s0 =	srdreg.scid  }
0x2: {  	s5 =	stileid.u32;
	s1 =	rddreg [dreg:$0x0]  }
0x3: {  	s14 =	simm.s32 $0x0;
	s11 =	simm.s32 $0x1400;
	s0 =	sand.u32 $0x1, s0  }
0x4: {  	s2 =	sshll.u32 s5, $0xD;
	[smem:$0x7FF] =	sst s14;
	s23 =	sadd.s32 $0xE00, s1  }
0x5: {  	s24 =	sadd.s32 $0xC00, s1;
	s25 =	sshll.u32 s5, $0xB;
	s6 =	sadd.s32 $0xA00, s1  }
0x6: {  	s5 =	sshll.u32 s5, $0x6;
	_ =	strace $0x80000047;
	[dreg:$0x8] =	wrdreg s23  }
0x7: {  	s3 =	sshll.u32 s0, $0xC;
	[dreg:$0x9] =	wrdreg s24;
	s4 =	sshll.u32 s0, $0xA  }
0x8: {  	[dreg:$0xa] =	wrdreg s6;
	s0 =	ssub.s32 $0x2, s0;
	s6 =	sand.u32 $0x200, s5  }
0x9: {  	s31 =	sor.u32 $0x1C0, s5;
	s10 =	sor.u32 $0x1D0, s5;
	[dreg:$0x7] =	wrdreg s11  }
0xa: {  	s2 =	sor.u32 s3, s2;
	s3 =	sor.u32 s4, s25;
	s26 =	sshrl.u32 s0, $0x1  }
0xb: {  	s15 =	sor.u32 $0x10, s6;
	s16 =	sor.u32 $0x20, s6;
	s17 =	sor.u32 $0x30, s6  }
0xc: {  	s18 =	sor.u32 $0x40, s6;
	s19 =	sor.u32 $0x50, s6;
	s20 =	sor.u32 $0x60, s6  }
0xd: {  	s21 =	sor.u32 $0x70, s6;
	s22 =	sor.u32 $0x80, s6;
	s23 =	sor.u32 $0x90, s6  }
0xe: {  	s24 =	sor.u32 $0xA0, s6;
	s28 =	sor.u32 $0xC0, s6;
	s29 =	sor.u32 $0xD0, s6  }
0xf: {  	s30 =	sor.u32 $0xE0, s6;
	[dreg:$0xb] =	wrdreg s10;
	s12 =	sor.u32 $0x140, s6  }
0x10: {  	s25 =	sor.u32 $0x120, s6;
	s13 =	sor.u32 $0x150, s6;
	[dreg:$0xd] =	wrdreg s12  }
0x11: {  	v0 =	vimm.s32 $0xEDCBA987;
	v1 =	vimm.s32 $0x65432100;
	s10 =	sor.u32 $0x180, s6;
	s11 =	sor.u32 $0x190, s6;
	[dreg:$0xe] =	wrdreg s13  }
0x12: {  	v4 =	vimm.s32 $0x54321000;
	v5 =	vimm.s32 $0xDCBA9876;
	v6 =	vimm.s32 $0xBA987654;
	s2 =	sshrl.u32 s2, $0x3;
	s3 =	sshrl.u32 s3, $0x3;
	[dreg:$0x12] =	wrdreg s10  }
0x13: {  	v7 =	vimm.s32 $0x32100000;
	v8 =	vimm.s32 $0xE40000;
	vm0 =	vmmov $0x3;
	s0 =	ssub.s32 s0, s26;
	[dreg:$0x10] =	wrdreg s11;
	s12 =	sor.u32 $0x1A0, s6  }
0x14: {  	vm1 =	vmmov $0xf;
	vm2 =	vcmask $0x3F30;
	v0 =	vunpack.c.l.s4.s8 v0;
	s13 =	sor.u32 $0x1B0, s6;
	s2 =	sadd.s32 s2, s1;
	[dreg:$0x14] =	wrdreg s12  }
0x15: {  	v2 =	vunpack.c.l.s4.s8 v1;
	v1 =	vimm.f32 $0.0e+00;
	v5 =	vunpack.c.l.s4.s8 v5;
	s1 =	sadd.s32 s3, s1;
	s0 =	smax.u32 s0, $0x1;
	[dreg:$0x13] =	wrdreg s13  }
0x16: {  	v4 =	vunpack.c.l.s4.s8 v4;
	v6 =	vunpack.c.l.s4.s8 v6;
	v7 =	vunpack.c.l.s4.s8 v7;
	s26 =	sor.u32 $0xB0, s6;
	s1 =	sadd.s32 $0x9000, s1;
	[dreg:$0xc] =	wrdreg s0  }
0x17: {  	v8 =	vunpack.c.l.s2.s4 v8;
	v3 =	vunpack.c.0.s8.s32 v0;
	v5 =	vunpack.c.0.s8.s32 v5;
	s10 =	simm.s32 $0x1000;
	s4 =	sadd.s32 $0xE000, s2;
	[dreg:$0x2] =	wrdreg s1  }
0x18: {  	v2 =	vunpack.c.0.s8.s32 v2;
	v4 =	vunpack.c.0.s8.s32 v4;
	v6 =	vunpack.c.0.s8.s32 v6;
	s11 =	simm.s32 $0x1200;
	s7 =	sadd.s32 $0xA000, s2;
	[dreg:$0x3] =	wrdreg s4  }
0x19: {  	v7 =	vunpack.c.0.s8.s32 v7;
	v8 =	vunpack.c.l.s4.s8 v8;
	s3 =	sor.u32 $0x1F0, s5;
	v5 =	vand.u32 $0xF, v5;
	s8 =	sadd.s32 $0x5000, s2;
	[dreg:$0x4] =	wrdreg s7  }
0x1a: {  	v3 =	vand.u32 $0xF, v3;
	s12 =	simm.s32 $0x0;
	s9 =	sadd.s32 $0x1000, s2;
	v4 =	vcombine.low v4, v5;
	v5 =	vand.u32 $0xF, v6;
	[dreg:$0x5] =	wrdreg s8  }
0x1b: {  	v8 =	vunpack.c.0.s8.s32 v8;
	s2 =	sor.u32 $0x110, s6;
	[dreg:$0x6] =	wrdreg s9;
	s1 =	sor.u32 $0x1E0, s5;
	v5 =	vcombine.low v7, v5;
	v7 =	vimm.s32 $0x7060504  }
0x1c: {  	v0 =	vimm.f32 $1.000000000e+06;
	v2 =	vcombine.low v2, v3;
	s5 =	sor.u32 $0xF0, s6;
	s4 =	sor.u32 $0x100, s6;
	s8 =	sor.u32 $0x160, s6;
	v7 =	vunpack.c.0.s8.s32 v7  }
0x1d: {  	v3 =	vimm.s32 $0x0;
	v6 =	vlaneseq.u32;
	s7 =	sor.u32 $0x130, s6;
	s9 =	sor.u32 $0x170, s6;
	v8 =	vand.u32 $0x3, v8;
	[dreg:$0xf] =	wrdreg s8  }
0x1e: {  	[dreg:$0x11] =	wrdreg s9;
	s8 =	simm.s32 $0x1;
	s9 =	simm.s32 $0xE00;
	v7 =	vsel vm2, v7, v8;
	vm2 =	vmmov $0xff;
	v8 =	vimm.s32 $0xF  }
.LBB2_1:
0x1f: {  	[dreg:$0x15] =	wrdreg s12  }
0x20: {  	s13 =	rddreg [dreg:$0x8];
	s0 =	simm.s32 $0x200  }
0x21: {  	[tilespmem:s0], [sflag:$0x1] =	stream.linear.gather [hbm4b:s13+s14], $0x400, $0x38;
	[tilespmem:$0x1480] =	vst v63  }
0x22: {  	_ =	swait.ge [sflag:s8], $0x400  }
0x23: {  	[sflag:s8] =	ssyncset.done $0x0  }
0x24: {  	s13 =	simm.s32 $0x600;
	s0 =	rddreg [dreg:$0x9];
	[sflag:s8] =	ssyncadd.s32 $0xFFFFFC00  }
0x25: {  	[tilespmem:s13], [sflag:$0x1] =	stream.linear.gather [hbm4b:s0+s14], $0x400, $0x38;
	[tilespmem:$0x1480] =	vst v63  }
0x26: {  	_ =	swait.ge [sflag:s8], $0x400  }
0x27: {  	[sflag:s8] =	ssyncset.done $0x0  }
0x28: {  	s13 =	simm.s32 $0xA00;
	s0 =	rddreg [dreg:$0xa];
	[sflag:s8] =	ssyncadd.s32 $0xFFFFFC00  }
0x29: {  	[tilespmem:s13], [sflag:$0x1] =	stream.linear.gather [hbm4b:s0+s14], $0x400, $0x38;
	[tilespmem:$0x1480] =	vst v63  }
0x2a: {  	_ =	swait.ge [sflag:s8], $0x400  }
0x2b: {  	[sflag:s8] =	ssyncset.done $0x0  }
0x2c: {  	s12 =	simm.s32 $0x0;
	[sflag:s8] =	ssyncadd.s32 $0xFFFFFC00  }
.LBB2_2:
0x2d: {  	s13 =	rddreg [dreg:$0x6]  }
0x2e: {  	s0 =	simm.s32 $0x80;
	s8 =	simm.s32 $0x400;
	s13 =	sadd.s32 s12, s13  }
0x2f: {  	[tilespmem:s14], [sflag:$0x1] =	stream.strided.gather [hbm4b:s13+s0], $0x200, s8, s0, $0x38;
	[tilespmem:$0x1480] =	vst v63  }
0x30: {  	s8 =	simm.s32 $0x1  }
0x31: {  	s13 =	simm.s32 $0x1;
	_ =	swait.ge [sflag:s8], $0x200  }
0x32: {  	s14 =	simm.s32 $0x1;
	[sflag:s13] =	ssyncset.done $0x0  }
0x33: {  	[sflag:s14] =	ssyncadd.s32 $0xFFFFFE00  }
0x34: {  	[tilespmem:$0xE00] =	vst v0  }
0x35: {  	[tilespmem:$0x1000] =	vst v1  }
0x36: {  	[tilespmem:$0x1200] =	vst v1  }
0x37: {  	[tilespmem:$0xE10] =	vst v0  }
0x38: {  	[tilespmem:$0x1010] =	vst v1  }
0x39: {  	[tilespmem:$0x1210] =	vst v1  }
0x3a: {  	[tilespmem:$0xE20] =	vst v0  }
0x3b: {  	[tilespmem:$0x1020] =	vst v1  }
0x3c: {  	[tilespmem:$0x1220] =	vst v1  }
0x3d: {  	[tilespmem:$0xE30] =	vst v0  }
0x3e: {  	[tilespmem:$0x1030] =	vst v1  }
0x3f: {  	[tilespmem:$0x1230] =	vst v1  }
0x40: {  	[tilespmem:$0xE40] =	vst v0  }
0x41: {  	[tilespmem:$0x1040] =	vst v1  }
0x42: {  	[tilespmem:$0x1240] =	vst v1  }
0x43: {  	[tilespmem:$0xE50] =	vst v0  }
0x44: {  	[tilespmem:$0x1050] =	vst v1  }
0x45: {  	[tilespmem:$0x1250] =	vst v1  }
0x46: {  	[tilespmem:$0xE60] =	vst v0  }
0x47: {  	[tilespmem:$0x1060] =	vst v1  }
0x48: {  	[tilespmem:$0x1260] =	vst v1  }
0x49: {  	[tilespmem:$0xE70] =	vst v0  }
0x4a: {  	[tilespmem:$0x1070] =	vst v1  }
0x4b: {  	[tilespmem:$0x1270] =	vst v1  }
0x4c: {  	[tilespmem:$0xE80] =	vst v0  }
0x4d: {  	[tilespmem:$0x1080] =	vst v1  }
0x4e: {  	[tilespmem:$0x1280] =	vst v1  }
0x4f: {  	[tilespmem:$0xE90] =	vst v0  }
0x50: {  	[tilespmem:$0x1090] =	vst v1  }
0x51: {  	[tilespmem:$0x1290] =	vst v1  }
0x52: {  	[tilespmem:$0xEA0] =	vst v0  }
0x53: {  	[tilespmem:$0x10A0] =	vst v1  }
0x54: {  	[tilespmem:$0x12A0] =	vst v1  }
0x55: {  	[tilespmem:$0xEB0] =	vst v0  }
0x56: {  	[tilespmem:$0x10B0] =	vst v1  }
0x57: {  	[tilespmem:$0x12B0] =	vst v1  }
0x58: {  	[tilespmem:$0xEC0] =	vst v0  }
0x59: {  	[tilespmem:$0x10C0] =	vst v1  }
0x5a: {  	[tilespmem:$0x12C0] =	vst v1  }
0x5b: {  	[tilespmem:$0xED0] =	vst v0  }
0x5c: {  	[tilespmem:$0x10D0] =	vst v1  }
0x5d: {  	[tilespmem:$0x12D0] =	vst v1  }
0x5e: {  	[tilespmem:$0xEE0] =	vst v0  }
0x5f: {  	[tilespmem:$0x10E0] =	vst v1  }
0x60: {  	[tilespmem:$0x12E0] =	vst v1  }
0x61: {  	[tilespmem:$0xEF0] =	vst v0  }
0x62: {  	[tilespmem:$0x10F0] =	vst v1  }
0x63: {  	[tilespmem:$0x12F0] =	vst v1  }
0x64: {  	[tilespmem:$0xF00] =	vst v0  }
0x65: {  	[tilespmem:$0x1100] =	vst v1  }
0x66: {  	[tilespmem:$0x1300] =	vst v1  }
0x67: {  	[tilespmem:$0xF10] =	vst v0  }
0x68: {  	[tilespmem:$0x1110] =	vst v1  }
0x69: {  	[tilespmem:$0x1310] =	vst v1  }
0x6a: {  	[tilespmem:$0xF20] =	vst v0  }
0x6b: {  	[tilespmem:$0x1120] =	vst v1  }
0x6c: {  	[tilespmem:$0x1320] =	vst v1  }
0x6d: {  	[tilespmem:$0xF30] =	vst v0  }
0x6e: {  	[tilespmem:$0x1130] =	vst v1  }
0x6f: {  	[tilespmem:$0x1330] =	vst v1  }
0x70: {  	[tilespmem:$0xF40] =	vst v0  }
0x71: {  	[tilespmem:$0x1140] =	vst v1  }
0x72: {  	[tilespmem:$0x1340] =	vst v1  }
0x73: {  	[tilespmem:$0xF50] =	vst v0  }
0x74: {  	[tilespmem:$0x1150] =	vst v1  }
0x75: {  	[tilespmem:$0x1350] =	vst v1  }
0x76: {  	[tilespmem:$0xF60] =	vst v0  }
0x77: {  	[tilespmem:$0x1160] =	vst v1  }
0x78: {  	[tilespmem:$0x1360] =	vst v1  }
0x79: {  	[tilespmem:$0xF70] =	vst v0  }
0x7a: {  	[tilespmem:$0x1170] =	vst v1  }
0x7b: {  	[tilespmem:$0x1370] =	vst v1  }
0x7c: {  	[tilespmem:$0xF80] =	vst v0  }
0x7d: {  	[tilespmem:$0x1180] =	vst v1;
	v9 =	vld [tilespmem:$0x0]  }
0x7e: {  	[tilespmem:$0x1380] =	vst v1  }
0x7f: {  	[tilespmem:$0xF90] =	vst v0  }
0x80: {  	[tilespmem:$0x1190] =	vst v1  }
0x81: {  	[tilespmem:$0x1390] =	vst v1  }
0x82: {  	[tilespmem:$0xFA0] =	vst v0;
	vm4 =	vle.f32 v9, $0.0e+00  }
0x83: {  	[tilespmem:$0x11A0] =	vst v1;
	v9 =	vsel vm4, $0x1, v3  }
0x84: {  	[tilespmem:$0x13A0] =	vst v1;
	v10 =	vperm.xlane v9, v2  }
0x85: {  	vm3 =	veq.s32 v6, $0x0;
	[tilespmem:$0xFB0] =	vst v0  }
0x86: {  	[tilespmem:$0x11B0] =	vst v1;
	v10 =	vsel vm3, $0x0, v10  }
0x87: {  	[tilespmem:$0x13B0] =	vst v1;
	v9 =	vadd.s32 v9, v10  }
0x88: {  	[tilespmem:$0xFC0] =	vst v0;
	v10 =	vperm.xlane v9, v4  }
0x89: {  	[tilespmem:$0x11C0] =	vst v1  }
0x8a: {  	[tilespmem:$0x13C0] =	vst v1;
	v10 =	vsel vm0, $0x0, v10  }
0x8b: {  	[tilespmem:$0xFD0] =	vst v0;
	v9 =	vadd.s32 v10, v9  }
0x8c: {  	[tilespmem:$0x11D0] =	vst v1;
	v10 =	vperm.xlane v9, v5  }
0x8d: {  	[tilespmem:$0x13D0] =	vst v1  }
0x8e: {  	[tilespmem:$0xFE0] =	vst v0;
	v10 =	vsel vm1, $0x0, v10  }
0x8f: {  	[tilespmem:$0x11E0] =	vst v1;
	v9 =	vadd.s32 v10, v9  }
0x90: {  	[tilespmem:$0x13E0] =	vst v1;
	v10 =	vperm.xlane v9, v7  }
0x91: {  	[tilespmem:$0xFF0] =	vst v0  }
0x92: {  	[tilespmem:$0x11F0] =	vst v1;
	v10 =	vsel vm2, $0x0, v10  }
0x93: {  	[tilespmem:$0x13F0] =	vst v1;
	v9 =	vadd.s32 v10, v9  }
0x94: {  	v11 =	vld [tilespmem:s6+$0x200];
	v10 =	vadd.s32 $0xFFFFFFFF, v9;
	_ =	sdelay $0x4  }
0x95: {  	[tilespmem:v10+s9+$0x0] =	vst.idx.msk vm4, v11  }
0x96: {  	v11 =	vld [tilespmem:s6+$0x600];
	_ =	sdelay $0x4  }
0x97: {  	[tilespmem:v10+s10+$0x0] =	vst.idx.msk vm4, v11  }
0x98: {  	v11 =	vld [tilespmem:s6+$0xA00];
	_ =	sdelay $0x4  }
0x99: {  	[tilespmem:v10+s11+$0x0] =	vst.idx.msk vm4, v11  }
0x9a: {  	v10 =	vld [tilespmem:$0x10];
	_ =	sdelay $0x4  }
0x9b: {  	vm9 =	vle.f32 v10, $0.0e+00  }
0x9c: {  	v10 =	vsel vm9, $0x1, v3  }
0x9d: {  	v11 =	vperm.xlane v10, v2;
	_ =	sdelay $0x1  }
0x9e: {  	v11 =	vsel vm3, $0x0, v11  }
0x9f: {  	v10 =	vadd.s32 v10, v11  }
0xa0: {  	v11 =	vperm.xlane v10, v4;
	_ =	sdelay $0x1  }
0xa1: {  	v11 =	vsel vm0, $0x0, v11  }
0xa2: {  	v10 =	vadd.s32 v11, v10  }
0xa3: {  	v11 =	vperm.xlane v10, v5;
	_ =	sdelay $0x1  }
0xa4: {  	v11 =	vsel vm1, $0x0, v11  }
0xa5: {  	v10 =	vadd.s32 v11, v10  }
0xa6: {  	v11 =	vperm.xlane v10, v7;
	_ =	sdelay $0x1  }
0xa7: {  	v9 =	vperm.xlane v9, v8;
	v11 =	vsel vm2, $0x0, v11  }
0xa8: {  	v10 =	vadd.s32 v11, v10  }
0xa9: {  	v11 =	vadd.s32 v10, v9  }
0xaa: {  	v12 =	vld [tilespmem:s15+$0x200];
	v11 =	vadd.s32 $0xFFFFFFFF, v11;
	_ =	sdelay $0x4  }
0xab: {  	[tilespmem:v11+s9+$0x0] =	vst.idx.msk vm9, v12  }
0xac: {  	v12 =	vld [tilespmem:s15+$0x600];
	_ =	sdelay $0x4  }
0xad: {  	[tilespmem:v11+s10+$0x0] =	vst.idx.msk vm9, v12  }
0xae: {  	v12 =	vld [tilespmem:s15+$0xA00];
	_ =	sdelay $0x4  }
0xaf: {  	[tilespmem:v11+s11+$0x0] =	vst.idx.msk vm9, v12  }
0xb0: {  	v11 =	vld [tilespmem:$0x20];
	_ =	sdelay $0x4  }
0xb1: {  	vm10 =	vle.f32 v11, $0.0e+00  }
0xb2: {  	v11 =	vsel vm10, $0x1, v3  }
0xb3: {  	v52 =	vperm.xlane v11, v2;
	_ =	sdelay $0x1  }
0xb4: {  	v12 =	vsel vm3, $0x0, v52  }
0xb5: {  	v11 =	vadd.s32 v11, v12  }
0xb6: {  	v12 =	vperm.xlane v11, v4;
	_ =	sdelay $0x1  }
0xb7: {  	v12 =	vsel vm0, $0x0, v12  }
0xb8: {  	v11 =	vadd.s32 v12, v11  }
0xb9: {  	v12 =	vperm.xlane v11, v5;
	_ =	sdelay $0x1  }
0xba: {  	v12 =	vsel vm1, $0x0, v12  }
0xbb: {  	v11 =	vadd.s32 v12, v11  }
0xbc: {  	v12 =	vperm.xlane v11, v7  }
0xbd: {  	v10 =	vperm.xlane v10, v8  }
0xbe: {  	v12 =	vsel vm2, $0x0, v12  }
0xbf: {  	v9 =	vadd.s32 v9, v10;
	v10 =	vadd.s32 v12, v11  }
0xc0: {  	v11 =	vadd.s32 v10, v9  }
0xc1: {  	v53 =	vld [tilespmem:s16+$0x200];
	v11 =	vadd.s32 $0xFFFFFFFF, v11;
	_ =	sdelay $0x4  }
0xc2: {  	[tilespmem:v11+s9+$0x0] =	vst.idx.msk vm10, v53  }
0xc3: {  	v12 =	vld [tilespmem:s16+$0x600];
	_ =	sdelay $0x4  }
0xc4: {  	[tilespmem:v11+s10+$0x0] =	vst.idx.msk vm10, v12  }
0xc5: {  	v12 =	vld [tilespmem:s16+$0xA00];
	_ =	sdelay $0x4  }
0xc6: {  	[tilespmem:v11+s11+$0x0] =	vst.idx.msk vm10, v12  }
0xc7: {  	v11 =	vld [tilespmem:$0x30];
	_ =	sdelay $0x4  }
0xc8: {  	vm11 =	vle.f32 v11, $0.0e+00  }
0xc9: {  	v11 =	vsel vm11, $0x1, v3  }
0xca: {  	v54 =	vperm.xlane v11, v2;
	_ =	sdelay $0x1  }
0xcb: {  	v12 =	vsel vm3, $0x0, v54  }
0xcc: {  	v11 =	vadd.s32 v11, v12  }
0xcd: {  	v12 =	vperm.xlane v11, v4;
	_ =	sdelay $0x1  }
0xce: {  	v12 =	vsel vm0, $0x0, v12  }
0xcf: {  	v11 =	vadd.s32 v12, v11  }
0xd0: {  	v12 =	vperm.xlane v11, v5;
	_ =	sdelay $0x1  }
0xd1: {  	v12 =	vsel vm1, $0x0, v12  }
0xd2: {  	v11 =	vadd.s32 v12, v11  }
0xd3: {  	v12 =	vperm.xlane v11, v7  }
0xd4: {  	v10 =	vperm.xlane v10, v8  }
0xd5: {  	v12 =	vsel vm2, $0x0, v12  }
0xd6: {  	v9 =	vadd.s32 v9, v10;
	v10 =	vadd.s32 v12, v11  }
0xd7: {  	v11 =	vadd.s32 v10, v9  }
0xd8: {  	v55 =	vld [tilespmem:s17+$0x200];
	v11 =	vadd.s32 $0xFFFFFFFF, v11;
	_ =	sdelay $0x4  }
0xd9: {  	[tilespmem:v11+s9+$0x0] =	vst.idx.msk vm11, v55  }
0xda: {  	v12 =	vld [tilespmem:s17+$0x600];
	_ =	sdelay $0x4  }
0xdb: {  	[tilespmem:v11+s10+$0x0] =	vst.idx.msk vm11, v12  }
0xdc: {  	v12 =	vld [tilespmem:s17+$0xA00];
	_ =	sdelay $0x4  }
0xdd: {  	[tilespmem:v11+s11+$0x0] =	vst.idx.msk vm11, v12  }
0xde: {  	v11 =	vld [tilespmem:$0x40];
	_ =	sdelay $0x4  }
0xdf: {  	vm12 =	vle.f32 v11, $0.0e+00  }
0xe0: {  	v11 =	vsel vm12, $0x1, v3  }
0xe1: {  	v56 =	vperm.xlane v11, v2;
	_ =	sdelay $0x1  }
0xe2: {  	v12 =	vsel vm3, $0x0, v56  }
0xe3: {  	v11 =	vadd.s32 v11, v12  }
0xe4: {  	v12 =	vperm.xlane v11, v4;
	_ =	sdelay $0x1  }
0xe5: {  	v12 =	vsel vm0, $0x0, v12  }
0xe6: {  	v11 =	vadd.s32 v12, v11  }
0xe7: {  	v12 =	vperm.xlane v11, v5;
	_ =	sdelay $0x1  }
0xe8: {  	v12 =	vsel vm1, $0x0, v12  }
0xe9: {  	v11 =	vadd.s32 v12, v11  }
0xea: {  	v12 =	vperm.xlane v11, v7  }
0xeb: {  	v10 =	vperm.xlane v10, v8  }
0xec: {  	v12 =	vsel vm2, $0x0, v12  }
0xed: {  	v9 =	vadd.s32 v9, v10;
	v10 =	vadd.s32 v12, v11  }
0xee: {  	v11 =	vadd.s32 v10, v9  }
0xef: {  	v57 =	vld [tilespmem:s18+$0x200];
	v11 =	vadd.s32 $0xFFFFFFFF, v11;
	_ =	sdelay $0x4  }
0xf0: {  	[tilespmem:v11+s9+$0x0] =	vst.idx.msk vm12, v57  }
0xf1: {  	v12 =	vld [tilespmem:s18+$0x600];
	_ =	sdelay $0x4  }
0xf2: {  	[tilespmem:v11+s10+$0x0] =	vst.idx.msk vm12, v12  }
0xf3: {  	v12 =	vld [tilespmem:s18+$0xA00];
	_ =	sdelay $0x4  }
0xf4: {  	[tilespmem:v11+s11+$0x0] =	vst.idx.msk vm12, v12  }
0xf5: {  	v11 =	vld [tilespmem:$0x50];
	_ =	sdelay $0x4  }
0xf6: {  	vm13 =	vle.f32 v11, $0.0e+00  }
0xf7: {  	v11 =	vsel vm13, $0x1, v3  }
0xf8: {  	v58 =	vperm.xlane v11, v2;
	_ =	sdelay $0x1  }
0xf9: {  	v12 =	vsel vm3, $0x0, v58  }
0xfa: {  	v11 =	vadd.s32 v11, v12  }
0xfb: {  	v12 =	vperm.xlane v11, v4;
	_ =	sdelay $0x1  }
0xfc: {  	v12 =	vsel vm0, $0x0, v12  }
0xfd: {  	v11 =	vadd.s32 v12, v11  }
0xfe: {  	v12 =	vperm.xlane v11, v5;
	_ =	sdelay $0x1  }
0xff: {  	v12 =	vsel vm1, $0x0, v12  }
0x100: {  	v11 =	vadd.s32 v12, v11  }
0x101: {  	v12 =	vperm.xlane v11, v7  }
0x102: {  	v10 =	vperm.xlane v10, v8  }
0x103: {  	v12 =	vsel vm2, $0x0, v12  }
0x104: {  	v9 =	vadd.s32 v9, v10;
	v10 =	vadd.s32 v12, v11  }
0x105: {  	v11 =	vadd.s32 v10, v9  }
0x106: {  	v59 =	vld [tilespmem:s19+$0x200];
	v11 =	vadd.s32 $0xFFFFFFFF, v11;
	_ =	sdelay $0x4  }
0x107: {  	[tilespmem:v11+s9+$0x0] =	vst.idx.msk vm13, v59  }
0x108: {  	v12 =	vld [tilespmem:s19+$0x600];
	_ =	sdelay $0x4  }
0x109: {  	[tilespmem:v11+s10+$0x0] =	vst.idx.msk vm13, v12  }
0x10a: {  	v12 =	vld [tilespmem:s19+$0xA00];
	_ =	sdelay $0x4  }
0x10b: {  	[tilespmem:v11+s11+$0x0] =	vst.idx.msk vm13, v12  }
0x10c: {  	v11 =	vld [tilespmem:$0x60];
	_ =	sdelay $0x4  }
0x10d: {  	vm14 =	vle.f32 v11, $0.0e+00  }
0x10e: {  	v11 =	vsel vm14, $0x1, v3  }
0x10f: {  	v60 =	vperm.xlane v11, v2;
	_ =	sdelay $0x1  }
0x110: {  	v12 =	vsel vm3, $0x0, v60  }
0x111: {  	v11 =	vadd.s32 v11, v12  }
0x112: {  	v12 =	vperm.xlane v11, v4;
	_ =	sdelay $0x1  }
0x113: {  	v12 =	vsel vm0, $0x0, v12  }
0x114: {  	v11 =	vadd.s32 v12, v11  }
0x115: {  	v12 =	vperm.xlane v11, v5;
	_ =	sdelay $0x1  }
0x116: {  	v12 =	vsel vm1, $0x0, v12  }
0x117: {  	v11 =	vadd.s32 v12, v11  }
0x118: {  	v12 =	vperm.xlane v11, v7  }
0x119: {  	v10 =	vperm.xlane v10, v8  }
0x11a: {  	v12 =	vsel vm2, $0x0, v12  }
0x11b: {  	v9 =	vadd.s32 v9, v10;
	v10 =	vadd.s32 v12, v11  }
0x11c: {  	v11 =	vadd.s32 v10, v9  }
0x11d: {  	v61 =	vld [tilespmem:s20+$0x200];
	v11 =	vadd.s32 $0xFFFFFFFF, v11;
	_ =	sdelay $0x4  }
0x11e: {  	[tilespmem:v11+s9+$0x0] =	vst.idx.msk vm14, v61  }
0x11f: {  	v12 =	vld [tilespmem:s20+$0x600];
	_ =	sdelay $0x4  }
0x120: {  	[tilespmem:v11+s10+$0x0] =	vst.idx.msk vm14, v12  }
0x121: {  	v12 =	vld [tilespmem:s20+$0xA00];
	_ =	sdelay $0x4  }
0x122: {  	[tilespmem:v11+s11+$0x0] =	vst.idx.msk vm14, v12  }
0x123: {  	v11 =	vld [tilespmem:$0x70];
	_ =	sdelay $0x4  }
0x124: {  	vm15 =	vle.f32 v11, $0.0e+00  }
0x125: {  	v11 =	vsel vm15, $0x1, v3  }
0x126: {  	v62 =	vperm.xlane v11, v2;
	_ =	sdelay $0x1  }
0x127: {  	v12 =	vsel vm3, $0x0, v62  }
0x128: {  	v11 =	vadd.s32 v11, v12  }
0x129: {  	v12 =	vperm.xlane v11, v4;
	_ =	sdelay $0x1  }
0x12a: {  	v12 =	vsel vm0, $0x0, v12  }
0x12b: {  	v11 =	vadd.s32 v12, v11  }
0x12c: {  	v12 =	vperm.xlane v11, v5;
	_ =	sdelay $0x1  }
0x12d: {  	v12 =	vsel vm1, $0x0, v12  }
0x12e: {  	v11 =	vadd.s32 v12, v11  }
0x12f: {  	v12 =	vperm.xlane v11, v7  }
0x130: {  	v10 =	vperm.xlane v10, v8  }
0x131: {  	v12 =	vsel vm2, $0x0, v12  }
0x132: {  	v9 =	vadd.s32 v9, v10;
	v10 =	vadd.s32 v12, v11  }
0x133: {  	v11 =	vadd.s32 v10, v9  }
0x134: {  	v63 =	vld [tilespmem:s21+$0x200];
	v11 =	vadd.s32 $0xFFFFFFFF, v11;
	_ =	sdelay $0x4  }
0x135: {  	[tilespmem:v11+s9+$0x0] =	vst.idx.msk vm15, v63  }
0x136: {  	v12 =	vld [tilespmem:s21+$0x600];
	_ =	sdelay $0x4  }
0x137: {  	[tilespmem:v11+s10+$0x0] =	vst.idx.msk vm15, v12  }
0x138: {  	v12 =	vld [tilespmem:s21+$0xA00];
	_ =	sdelay $0x4  }
0x139: {  	[tilespmem:v11+s11+$0x0] =	vst.idx.msk vm15, v12  }
0x13a: {  	v11 =	vld [tilespmem:$0x80];
	_ =	sdelay $0x4  }
0x13b: {  	vm8 =	vle.f32 v11, $0.0e+00  }
0x13c: {  	v11 =	vsel vm8, $0x1, v3  }
0x13d: {  	v16 =	vperm.xlane v11, v2;
	_ =	sdelay $0x1  }
0x13e: {  	v12 =	vsel vm3, $0x0, v16  }
0x13f: {  	v11 =	vadd.s32 v11, v12  }
0x140: {  	v12 =	vperm.xlane v11, v4;
	_ =	sdelay $0x1  }
0x141: {  	v12 =	vsel vm0, $0x0, v12  }
0x142: {  	v11 =	vadd.s32 v12, v11  }
0x143: {  	v12 =	vperm.xlane v11, v5;
	_ =	sdelay $0x1  }
0x144: {  	v12 =	vsel vm1, $0x0, v12  }
0x145: {  	v11 =	vadd.s32 v12, v11  }
0x146: {  	v12 =	vperm.xlane v11, v7  }
0x147: {  	v10 =	vperm.xlane v10, v8  }
0x148: {  	v12 =	vsel vm2, $0x0, v12  }
0x149: {  	v9 =	vadd.s32 v9, v10;
	v10 =	vadd.s32 v12, v11  }
0x14a: {  	v11 =	vadd.s32 v10, v9  }
0x14b: {  	v17 =	vld [tilespmem:s22+$0x200];
	v11 =	vadd.s32 $0xFFFFFFFF, v11;
	_ =	sdelay $0x4  }
0x14c: {  	[tilespmem:v11+s9+$0x0] =	vst.idx.msk vm8, v17  }
0x14d: {  	v12 =	vld [tilespmem:s22+$0x600];
	_ =	sdelay $0x4  }
0x14e: {  	[tilespmem:v11+s10+$0x0] =	vst.idx.msk vm8, v12  }
0x14f: {  	v12 =	vld [tilespmem:s22+$0xA00];
	_ =	sdelay $0x4  }
0x150: {  	[tilespmem:v11+s11+$0x0] =	vst.idx.msk vm8, v12  }
0x151: {  	v11 =	vld [tilespmem:$0x90];
	_ =	sdelay $0x4  }
0x152: {  	vm9 =	vle.f32 v11, $0.0e+00  }
0x153: {  	v11 =	vsel vm9, $0x1, v3  }
0x154: {  	v18 =	vperm.xlane v11, v2;
	_ =	sdelay $0x1  }
0x155: {  	v12 =	vsel vm3, $0x0, v18  }
0x156: {  	v11 =	vadd.s32 v11, v12  }
0x157: {  	v12 =	vperm.xlane v11, v4;
	_ =	sdelay $0x1  }
0x158: {  	v12 =	vsel vm0, $0x0, v12  }
0x159: {  	v11 =	vadd.s32 v12, v11  }
0x15a: {  	v12 =	vperm.xlane v11, v5;
	_ =	sdelay $0x1  }
0x15b: {  	v12 =	vsel vm1, $0x0, v12  }
0x15c: {  	v11 =	vadd.s32 v12, v11  }
0x15d: {  	v12 =	vperm.xlane v11, v7  }
0x15e: {  	v10 =	vperm.xlane v10, v8  }
0x15f: {  	v12 =	vsel vm2, $0x0, v12  }
0x160: {  	v9 =	vadd.s32 v9, v10;
	v10 =	vadd.s32 v12, v11  }
0x161: {  	v11 =	vadd.s32 v10, v9  }
0x162: {  	v19 =	vld [tilespmem:s23+$0x200];
	v11 =	vadd.s32 $0xFFFFFFFF, v11;
	_ =	sdelay $0x4  }
0x163: {  	[tilespmem:v11+s9+$0x0] =	vst.idx.msk vm9, v19  }
0x164: {  	v12 =	vld [tilespmem:s23+$0x600];
	_ =	sdelay $0x4  }
0x165: {  	[tilespmem:v11+s10+$0x0] =	vst.idx.msk vm9, v12  }
0x166: {  	v12 =	vld [tilespmem:s23+$0xA00];
	_ =	sdelay $0x4  }
0x167: {  	[tilespmem:v11+s11+$0x0] =	vst.idx.msk vm9, v12  }
0x168: {  	v11 =	vld [tilespmem:$0xA0];
	_ =	sdelay $0x4  }
0x169: {  	vm10 =	vle.f32 v11, $0.0e+00  }
0x16a: {  	v11 =	vsel vm10, $0x1, v3  }
0x16b: {  	v20 =	vperm.xlane v11, v2;
	_ =	sdelay $0x1  }
0x16c: {  	v12 =	vsel vm3, $0x0, v20  }
0x16d: {  	v11 =	vadd.s32 v11, v12  }
0x16e: {  	v12 =	vperm.xlane v11, v4;
	_ =	sdelay $0x1  }
0x16f: {  	v12 =	vsel vm0, $0x0, v12  }
0x170: {  	v11 =	vadd.s32 v12, v11  }
0x171: {  	v12 =	vperm.xlane v11, v5;
	_ =	sdelay $0x1  }
0x172: {  	v12 =	vsel vm1, $0x0, v12  }
0x173: {  	v11 =	vadd.s32 v12, v11  }
0x174: {  	v12 =	vperm.xlane v11, v7  }
0x175: {  	v10 =	vperm.xlane v10, v8  }
0x176: {  	v12 =	vsel vm2, $0x0, v12  }
0x177: {  	v9 =	vadd.s32 v9, v10;
	v10 =	vadd.s32 v12, v11  }
0x178: {  	v11 =	vadd.s32 v10, v9  }
0x179: {  	v21 =	vld [tilespmem:s24+$0x200];
	v11 =	vadd.s32 $0xFFFFFFFF, v11;
	_ =	sdelay $0x4  }
0x17a: {  	[tilespmem:v11+s9+$0x0] =	vst.idx.msk vm10, v21  }
0x17b: {  	v12 =	vld [tilespmem:s24+$0x600];
	_ =	sdelay $0x4  }
0x17c: {  	[tilespmem:v11+s10+$0x0] =	vst.idx.msk vm10, v12  }
0x17d: {  	v12 =	vld [tilespmem:s24+$0xA00];
	_ =	sdelay $0x4  }
0x17e: {  	[tilespmem:v11+s11+$0x0] =	vst.idx.msk vm10, v12  }
0x17f: {  	v11 =	vld [tilespmem:$0xB0];
	_ =	sdelay $0x4  }
0x180: {  	vm11 =	vle.f32 v11, $0.0e+00  }
0x181: {  	v11 =	vsel vm11, $0x1, v3  }
0x182: {  	v22 =	vperm.xlane v11, v2;
	_ =	sdelay $0x1  }
0x183: {  	v12 =	vsel vm3, $0x0, v22  }
0x184: {  	v11 =	vadd.s32 v11, v12  }
0x185: {  	v12 =	vperm.xlane v11, v4;
	_ =	sdelay $0x1  }
0x186: {  	v12 =	vsel vm0, $0x0, v12  }
0x187: {  	v11 =	vadd.s32 v12, v11  }
0x188: {  	v12 =	vperm.xlane v11, v5;
	_ =	sdelay $0x1  }
0x189: {  	v12 =	vsel vm1, $0x0, v12  }
0x18a: {  	v11 =	vadd.s32 v12, v11  }
0x18b: {  	v12 =	vperm.xlane v11, v7  }
0x18c: {  	v10 =	vperm.xlane v10, v8  }
0x18d: {  	v12 =	vsel vm2, $0x0, v12  }
0x18e: {  	v9 =	vadd.s32 v9, v10;
	v10 =	vadd.s32 v12, v11  }
0x18f: {  	v11 =	vadd.s32 v10, v9  }
0x190: {  	v23 =	vld [tilespmem:s26+$0x200];
	v11 =	vadd.s32 $0xFFFFFFFF, v11;
	_ =	sdelay $0x4  }
0x191: {  	[tilespmem:v11+s9+$0x0] =	vst.idx.msk vm11, v23  }
0x192: {  	v12 =	vld [tilespmem:s26+$0x600];
	_ =	sdelay $0x4  }
0x193: {  	[tilespmem:v11+s10+$0x0] =	vst.idx.msk vm11, v12  }
0x194: {  	v12 =	vld [tilespmem:s26+$0xA00];
	_ =	sdelay $0x4  }
0x195: {  	[tilespmem:v11+s11+$0x0] =	vst.idx.msk vm11, v12  }
0x196: {  	v11 =	vld [tilespmem:$0xC0];
	_ =	sdelay $0x4  }
0x197: {  	vm12 =	vle.f32 v11, $0.0e+00  }
0x198: {  	v11 =	vsel vm12, $0x1, v3  }
0x199: {  	v24 =	vperm.xlane v11, v2;
	_ =	sdelay $0x1  }
0x19a: {  	v12 =	vsel vm3, $0x0, v24  }
0x19b: {  	v11 =	vadd.s32 v11, v12  }
0x19c: {  	v12 =	vperm.xlane v11, v4;
	_ =	sdelay $0x1  }
0x19d: {  	v12 =	vsel vm0, $0x0, v12  }
0x19e: {  	v11 =	vadd.s32 v12, v11  }
0x19f: {  	v12 =	vperm.xlane v11, v5;
	_ =	sdelay $0x1  }
0x1a0: {  	v12 =	vsel vm1, $0x0, v12  }
0x1a1: {  	v11 =	vadd.s32 v12, v11  }
0x1a2: {  	v12 =	vperm.xlane v11, v7  }
0x1a3: {  	v10 =	vperm.xlane v10, v8  }
0x1a4: {  	v12 =	vsel vm2, $0x0, v12  }
0x1a5: {  	v9 =	vadd.s32 v9, v10;
	v10 =	vadd.s32 v12, v11  }
0x1a6: {  	v11 =	vadd.s32 v10, v9  }
0x1a7: {  	v25 =	vld [tilespmem:s28+$0x200];
	v11 =	vadd.s32 $0xFFFFFFFF, v11;
	_ =	sdelay $0x4  }
0x1a8: {  	[tilespmem:v11+s9+$0x0] =	vst.idx.msk vm12, v25  }
0x1a9: {  	v12 =	vld [tilespmem:s28+$0x600];
	_ =	sdelay $0x4  }
0x1aa: {  	[tilespmem:v11+s10+$0x0] =	vst.idx.msk vm12, v12  }
0x1ab: {  	v12 =	vld [tilespmem:s28+$0xA00];
	_ =	sdelay $0x4  }
0x1ac: {  	[tilespmem:v11+s11+$0x0] =	vst.idx.msk vm12, v12  }
0x1ad: {  	v11 =	vld [tilespmem:$0xD0];
	_ =	sdelay $0x4  }
0x1ae: {  	vm13 =	vle.f32 v11, $0.0e+00  }
0x1af: {  	v11 =	vsel vm13, $0x1, v3  }
0x1b0: {  	v26 =	vperm.xlane v11, v2;
	_ =	sdelay $0x1  }
0x1b1: {  	v12 =	vsel vm3, $0x0, v26  }
0x1b2: {  	v11 =	vadd.s32 v11, v12  }
0x1b3: {  	v12 =	vperm.xlane v11, v4;
	_ =	sdelay $0x1  }
0x1b4: {  	v12 =	vsel vm0, $0x0, v12  }
0x1b5: {  	v11 =	vadd.s32 v12, v11  }
0x1b6: {  	v12 =	vperm.xlane v11, v5;
	_ =	sdelay $0x1  }
0x1b7: {  	v12 =	vsel vm1, $0x0, v12  }
0x1b8: {  	v11 =	vadd.s32 v12, v11  }
0x1b9: {  	v12 =	vperm.xlane v11, v7  }
0x1ba: {  	v10 =	vperm.xlane v10, v8  }
0x1bb: {  	v12 =	vsel vm2, $0x0, v12  }
0x1bc: {  	v9 =	vadd.s32 v9, v10;
	v10 =	vadd.s32 v12, v11  }
0x1bd: {  	v11 =	vadd.s32 v10, v9  }
0x1be: {  	v27 =	vld [tilespmem:s29+$0x200];
	v11 =	vadd.s32 $0xFFFFFFFF, v11;
	_ =	sdelay $0x4  }
0x1bf: {  	[tilespmem:v11+s9+$0x0] =	vst.idx.msk vm13, v27  }
0x1c0: {  	v12 =	vld [tilespmem:s29+$0x600];
	_ =	sdelay $0x4  }
0x1c1: {  	[tilespmem:v11+s10+$0x0] =	vst.idx.msk vm13, v12  }
0x1c2: {  	v12 =	vld [tilespmem:s29+$0xA00];
	_ =	sdelay $0x4  }
0x1c3: {  	[tilespmem:v11+s11+$0x0] =	vst.idx.msk vm13, v12  }
0x1c4: {  	v11 =	vld [tilespmem:$0xE0];
	_ =	sdelay $0x4  }
0x1c5: {  	vm14 =	vle.f32 v11, $0.0e+00  }
0x1c6: {  	v11 =	vsel vm14, $0x1, v3  }
0x1c7: {  	v28 =	vperm.xlane v11, v2;
	_ =	sdelay $0x1  }
0x1c8: {  	v12 =	vsel vm3, $0x0, v28  }
0x1c9: {  	v11 =	vadd.s32 v11, v12  }
0x1ca: {  	v12 =	vperm.xlane v11, v4;
	_ =	sdelay $0x1  }
0x1cb: {  	v12 =	vsel vm0, $0x0, v12  }
0x1cc: {  	v11 =	vadd.s32 v12, v11  }
0x1cd: {  	v12 =	vperm.xlane v11, v5;
	_ =	sdelay $0x1  }
0x1ce: {  	v12 =	vsel vm1, $0x0, v12  }
0x1cf: {  	v11 =	vadd.s32 v12, v11  }
0x1d0: {  	v12 =	vperm.xlane v11, v7  }
0x1d1: {  	v10 =	vperm.xlane v10, v8  }
0x1d2: {  	v12 =	vsel vm2, $0x0, v12  }
0x1d3: {  	v9 =	vadd.s32 v9, v10;
	v10 =	vadd.s32 v12, v11  }
0x1d4: {  	v11 =	vadd.s32 v10, v9  }
0x1d5: {  	v29 =	vld [tilespmem:s30+$0x200];
	v11 =	vadd.s32 $0xFFFFFFFF, v11;
	_ =	sdelay $0x4  }
0x1d6: {  	[tilespmem:v11+s9+$0x0] =	vst.idx.msk vm14, v29  }
0x1d7: {  	v12 =	vld [tilespmem:s30+$0x600];
	_ =	sdelay $0x4  }
0x1d8: {  	[tilespmem:v11+s10+$0x0] =	vst.idx.msk vm14, v12  }
0x1d9: {  	v12 =	vld [tilespmem:s30+$0xA00];
	_ =	sdelay $0x4  }
0x1da: {  	[tilespmem:v11+s11+$0x0] =	vst.idx.msk vm14, v12  }
0x1db: {  	v11 =	vld [tilespmem:$0xF0];
	_ =	sdelay $0x4  }
0x1dc: {  	vm15 =	vle.f32 v11, $0.0e+00  }
0x1dd: {  	v11 =	vsel vm15, $0x1, v3  }
0x1de: {  	v30 =	vperm.xlane v11, v2;
	_ =	sdelay $0x1  }
0x1df: {  	v12 =	vsel vm3, $0x0, v30  }
0x1e0: {  	v11 =	vadd.s32 v11, v12  }
0x1e1: {  	v12 =	vperm.xlane v11, v4;
	_ =	sdelay $0x1  }
0x1e2: {  	v12 =	vsel vm0, $0x0, v12  }
0x1e3: {  	v11 =	vadd.s32 v12, v11  }
0x1e4: {  	v12 =	vperm.xlane v11, v5;
	_ =	sdelay $0x1  }
0x1e5: {  	v12 =	vsel vm1, $0x0, v12  }
0x1e6: {  	v11 =	vadd.s32 v12, v11  }
0x1e7: {  	v12 =	vperm.xlane v11, v7  }
0x1e8: {  	v10 =	vperm.xlane v10, v8  }
0x1e9: {  	v12 =	vsel vm2, $0x0, v12  }
0x1ea: {  	v9 =	vadd.s32 v9, v10;
	v10 =	vadd.s32 v12, v11  }
0x1eb: {  	v11 =	vadd.s32 v10, v9  }
0x1ec: {  	v31 =	vld [tilespmem:s5+$0x200];
	v11 =	vadd.s32 $0xFFFFFFFF, v11;
	_ =	sdelay $0x4  }
0x1ed: {  	[tilespmem:v11+s9+$0x0] =	vst.idx.msk vm15, v31  }
0x1ee: {  	v12 =	vld [tilespmem:s5+$0x600];
	_ =	sdelay $0x4  }
0x1ef: {  	[tilespmem:v11+s10+$0x0] =	vst.idx.msk vm15, v12  }
0x1f0: {  	v12 =	vld [tilespmem:s5+$0xA00];
	_ =	sdelay $0x4  }
0x1f1: {  	[tilespmem:v11+s11+$0x0] =	vst.idx.msk vm15, v12  }
0x1f2: {  	v11 =	vld [tilespmem:$0x100];
	_ =	sdelay $0x4  }
0x1f3: {  	vm8 =	vle.f32 v11, $0.0e+00  }
0x1f4: {  	v11 =	vsel vm8, $0x1, v3  }
0x1f5: {  	v32 =	vperm.xlane v11, v2;
	_ =	sdelay $0x1  }
0x1f6: {  	v12 =	vsel vm3, $0x0, v32  }
0x1f7: {  	v11 =	vadd.s32 v11, v12  }
0x1f8: {  	v12 =	vperm.xlane v11, v4;
	_ =	sdelay $0x1  }
0x1f9: {  	v12 =	vsel vm0, $0x0, v12  }
0x1fa: {  	v11 =	vadd.s32 v12, v11  }
0x1fb: {  	v12 =	vperm.xlane v11, v5;
	_ =	sdelay $0x1  }
0x1fc: {  	v12 =	vsel vm1, $0x0, v12  }
0x1fd: {  	v11 =	vadd.s32 v12, v11  }
0x1fe: {  	v12 =	vperm.xlane v11, v7  }
0x1ff: {  	v10 =	vperm.xlane v10, v8  }
0x200: {  	v12 =	vsel vm2, $0x0, v12  }
0x201: {  	v9 =	vadd.s32 v9, v10;
	v10 =	vadd.s32 v12, v11  }
0x202: {  	v11 =	vadd.s32 v10, v9  }
0x203: {  	v33 =	vld [tilespmem:s4+$0x200];
	v11 =	vadd.s32 $0xFFFFFFFF, v11;
	_ =	sdelay $0x4  }
0x204: {  	[tilespmem:v11+s9+$0x0] =	vst.idx.msk vm8, v33  }
0x205: {  	v12 =	vld [tilespmem:s4+$0x600];
	_ =	sdelay $0x4  }
0x206: {  	[tilespmem:v11+s10+$0x0] =	vst.idx.msk vm8, v12  }
0x207: {  	v12 =	vld [tilespmem:s4+$0xA00];
	_ =	sdelay $0x4  }
0x208: {  	[tilespmem:v11+s11+$0x0] =	vst.idx.msk vm8, v12  }
0x209: {  	v11 =	vld [tilespmem:$0x110];
	_ =	sdelay $0x4  }
0x20a: {  	vm9 =	vle.f32 v11, $0.0e+00  }
0x20b: {  	v11 =	vsel vm9, $0x1, v3  }
0x20c: {  	v34 =	vperm.xlane v11, v2;
	_ =	sdelay $0x1  }
0x20d: {  	v12 =	vsel vm3, $0x0, v34  }
0x20e: {  	v11 =	vadd.s32 v11, v12  }
0x20f: {  	v12 =	vperm.xlane v11, v4;
	_ =	sdelay $0x1  }
0x210: {  	v12 =	vsel vm0, $0x0, v12  }
0x211: {  	v11 =	vadd.s32 v12, v11  }
0x212: {  	v12 =	vperm.xlane v11, v5;
	_ =	sdelay $0x1  }
0x213: {  	v12 =	vsel vm1, $0x0, v12  }
0x214: {  	v11 =	vadd.s32 v12, v11  }
0x215: {  	v12 =	vperm.xlane v11, v7  }
0x216: {  	v10 =	vperm.xlane v10, v8  }
0x217: {  	v12 =	vsel vm2, $0x0, v12  }
0x218: {  	v9 =	vadd.s32 v9, v10;
	v10 =	vadd.s32 v12, v11  }
0x219: {  	v11 =	vadd.s32 v10, v9  }
0x21a: {  	v35 =	vld [tilespmem:s2+$0x200];
	v11 =	vadd.s32 $0xFFFFFFFF, v11;
	_ =	sdelay $0x4  }
0x21b: {  	[tilespmem:v11+s9+$0x0] =	vst.idx.msk vm9, v35  }
0x21c: {  	v12 =	vld [tilespmem:s2+$0x600];
	_ =	sdelay $0x4  }
0x21d: {  	[tilespmem:v11+s10+$0x0] =	vst.idx.msk vm9, v12  }
0x21e: {  	v12 =	vld [tilespmem:s2+$0xA00];
	_ =	sdelay $0x4  }
0x21f: {  	[tilespmem:v11+s11+$0x0] =	vst.idx.msk vm9, v12  }
0x220: {  	v11 =	vld [tilespmem:$0x120];
	_ =	sdelay $0x4  }
0x221: {  	vm10 =	vle.f32 v11, $0.0e+00  }
0x222: {  	v11 =	vsel vm10, $0x1, v3  }
0x223: {  	v36 =	vperm.xlane v11, v2;
	_ =	sdelay $0x1  }
0x224: {  	v12 =	vsel vm3, $0x0, v36  }
0x225: {  	v11 =	vadd.s32 v11, v12  }
0x226: {  	v12 =	vperm.xlane v11, v4;
	_ =	sdelay $0x1  }
0x227: {  	v12 =	vsel vm0, $0x0, v12  }
0x228: {  	v11 =	vadd.s32 v12, v11  }
0x229: {  	v12 =	vperm.xlane v11, v5;
	_ =	sdelay $0x1  }
0x22a: {  	v12 =	vsel vm1, $0x0, v12  }
0x22b: {  	v11 =	vadd.s32 v12, v11  }
0x22c: {  	v12 =	vperm.xlane v11, v7  }
0x22d: {  	v10 =	vperm.xlane v10, v8  }
0x22e: {  	v12 =	vsel vm2, $0x0, v12  }
0x22f: {  	v9 =	vadd.s32 v9, v10;
	v10 =	vadd.s32 v12, v11  }
0x230: {  	v11 =	vadd.s32 v10, v9  }
0x231: {  	v37 =	vld [tilespmem:s25+$0x200];
	v11 =	vadd.s32 $0xFFFFFFFF, v11;
	_ =	sdelay $0x4  }
0x232: {  	[tilespmem:v11+s9+$0x0] =	vst.idx.msk vm10, v37  }
0x233: {  	v12 =	vld [tilespmem:s25+$0x600];
	_ =	sdelay $0x4  }
0x234: {  	[tilespmem:v11+s10+$0x0] =	vst.idx.msk vm10, v12  }
0x235: {  	v12 =	vld [tilespmem:s25+$0xA00];
	_ =	sdelay $0x4  }
0x236: {  	[tilespmem:v11+s11+$0x0] =	vst.idx.msk vm10, v12  }
0x237: {  	v11 =	vld [tilespmem:$0x130];
	_ =	sdelay $0x4  }
0x238: {  	vm11 =	vle.f32 v11, $0.0e+00  }
0x239: {  	v11 =	vsel vm11, $0x1, v3  }
0x23a: {  	v38 =	vperm.xlane v11, v2;
	_ =	sdelay $0x1  }
0x23b: {  	v12 =	vsel vm3, $0x0, v38  }
0x23c: {  	v11 =	vadd.s32 v11, v12  }
0x23d: {  	v12 =	vperm.xlane v11, v4;
	_ =	sdelay $0x1  }
0x23e: {  	v12 =	vsel vm0, $0x0, v12  }
0x23f: {  	v11 =	vadd.s32 v12, v11  }
0x240: {  	v12 =	vperm.xlane v11, v5;
	_ =	sdelay $0x1  }
0x241: {  	v12 =	vsel vm1, $0x0, v12  }
0x242: {  	v11 =	vadd.s32 v12, v11  }
0x243: {  	v12 =	vperm.xlane v11, v7  }
0x244: {  	v10 =	vperm.xlane v10, v8  }
0x245: {  	v12 =	vsel vm2, $0x0, v12  }
0x246: {  	v9 =	vadd.s32 v9, v10;
	v10 =	vadd.s32 v12, v11  }
0x247: {  	v11 =	vadd.s32 v10, v9  }
0x248: {  	v39 =	vld [tilespmem:s7+$0x200];
	v11 =	vadd.s32 $0xFFFFFFFF, v11;
	_ =	sdelay $0x4  }
0x249: {  	[tilespmem:v11+s9+$0x0] =	vst.idx.msk vm11, v39  }
0x24a: {  	v12 =	vld [tilespmem:s7+$0x600];
	_ =	sdelay $0x4  }
0x24b: {  	[tilespmem:v11+s10+$0x0] =	vst.idx.msk vm11, v12  }
0x24c: {  	v12 =	vld [tilespmem:s7+$0xA00];
	_ =	sdelay $0x4  }
0x24d: {  	[tilespmem:v11+s11+$0x0] =	vst.idx.msk vm11, v12  }
0x24e: {  	v11 =	vld [tilespmem:$0x140];
	_ =	sdelay $0x4  }
0x24f: {  	vm12 =	vle.f32 v11, $0.0e+00  }
0x250: {  	v11 =	vsel vm12, $0x1, v3  }
0x251: {  	v40 =	vperm.xlane v11, v2;
	_ =	sdelay $0x1  }
0x252: {  	v12 =	vsel vm3, $0x0, v40  }
0x253: {  	v11 =	vadd.s32 v11, v12  }
0x254: {  	v12 =	vperm.xlane v11, v4;
	_ =	sdelay $0x1  }
0x255: {  	v12 =	vsel vm0, $0x0, v12  }
0x256: {  	v11 =	vadd.s32 v12, v11  }
0x257: {  	v12 =	vperm.xlane v11, v5;
	_ =	sdelay $0x1  }
0x258: {  	v12 =	vsel vm1, $0x0, v12  }
0x259: {  	v11 =	vadd.s32 v12, v11  }
0x25a: {  	v12 =	vperm.xlane v11, v7  }
0x25b: {  	v10 =	vperm.xlane v10, v8  }
0x25c: {  	v12 =	vsel vm2, $0x0, v12  }
0x25d: {  	v9 =	vadd.s32 v9, v10;
	v10 =	vadd.s32 v12, v11  }
0x25e: {  	s8 =	rddreg [dreg:$0xd];
	v11 =	vadd.s32 v10, v9  }
0x25f: {  	v41 =	vld [tilespmem:s8+$0x200];
	v11 =	vadd.s32 $0xFFFFFFFF, v11;
	_ =	sdelay $0x4  }
0x260: {  	[tilespmem:v11+s9+$0x0] =	vst.idx.msk vm12, v41  }
0x261: {  	v12 =	vld [tilespmem:s8+$0x600];
	_ =	sdelay $0x4  }
0x262: {  	[tilespmem:v11+s10+$0x0] =	vst.idx.msk vm12, v12  }
0x263: {  	v12 =	vld [tilespmem:s8+$0xA00];
	_ =	sdelay $0x4  }
0x264: {  	[tilespmem:v11+s11+$0x0] =	vst.idx.msk vm12, v12  }
0x265: {  	v11 =	vld [tilespmem:$0x150];
	_ =	sdelay $0x4  }
0x266: {  	vm13 =	vle.f32 v11, $0.0e+00  }
0x267: {  	v11 =	vsel vm13, $0x1, v3  }
0x268: {  	v42 =	vperm.xlane v11, v2;
	_ =	sdelay $0x1  }
0x269: {  	v12 =	vsel vm3, $0x0, v42  }
0x26a: {  	v11 =	vadd.s32 v11, v12  }
0x26b: {  	v12 =	vperm.xlane v11, v4;
	_ =	sdelay $0x1  }
0x26c: {  	v12 =	vsel vm0, $0x0, v12  }
0x26d: {  	v11 =	vadd.s32 v12, v11  }
0x26e: {  	v12 =	vperm.xlane v11, v5;
	_ =	sdelay $0x1  }
0x26f: {  	v12 =	vsel vm1, $0x0, v12  }
0x270: {  	v11 =	vadd.s32 v12, v11  }
0x271: {  	v12 =	vperm.xlane v11, v7  }
0x272: {  	v10 =	vperm.xlane v10, v8  }
0x273: {  	v12 =	vsel vm2, $0x0, v12  }
0x274: {  	v9 =	vadd.s32 v9, v10;
	v10 =	vadd.s32 v12, v11  }
0x275: {  	s13 =	rddreg [dreg:$0xe];
	v11 =	vadd.s32 v10, v9  }
0x276: {  	v43 =	vld [tilespmem:s13+$0x200];
	v11 =	vadd.s32 $0xFFFFFFFF, v11;
	_ =	sdelay $0x4  }
0x277: {  	[tilespmem:v11+s9+$0x0] =	vst.idx.msk vm13, v43  }
0x278: {  	v12 =	vld [tilespmem:s13+$0x600];
	_ =	sdelay $0x4  }
0x279: {  	[tilespmem:v11+s10+$0x0] =	vst.idx.msk vm13, v12  }
0x27a: {  	v12 =	vld [tilespmem:s13+$0xA00];
	_ =	sdelay $0x4  }
0x27b: {  	[tilespmem:v11+s11+$0x0] =	vst.idx.msk vm13, v12  }
0x27c: {  	v11 =	vld [tilespmem:$0x160];
	_ =	sdelay $0x4  }
0x27d: {  	vm14 =	vle.f32 v11, $0.0e+00  }
0x27e: {  	v11 =	vsel vm14, $0x1, v3  }
0x27f: {  	v44 =	vperm.xlane v11, v2;
	_ =	sdelay $0x1  }
0x280: {  	v12 =	vsel vm3, $0x0, v44  }
0x281: {  	v11 =	vadd.s32 v11, v12  }
0x282: {  	v12 =	vperm.xlane v11, v4;
	_ =	sdelay $0x1  }
0x283: {  	v12 =	vsel vm0, $0x0, v12  }
0x284: {  	v11 =	vadd.s32 v12, v11  }
0x285: {  	v12 =	vperm.xlane v11, v5;
	_ =	sdelay $0x1  }
0x286: {  	v12 =	vsel vm1, $0x0, v12  }
0x287: {  	v11 =	vadd.s32 v12, v11  }
0x288: {  	v12 =	vperm.xlane v11, v7  }
0x289: {  	v10 =	vperm.xlane v10, v8  }
0x28a: {  	v12 =	vsel vm2, $0x0, v12  }
0x28b: {  	v9 =	vadd.s32 v9, v10;
	v10 =	vadd.s32 v12, v11  }
0x28c: {  	s14 =	rddreg [dreg:$0xf];
	v11 =	vadd.s32 v10, v9  }
0x28d: {  	v45 =	vld [tilespmem:s14+$0x200];
	v11 =	vadd.s32 $0xFFFFFFFF, v11;
	_ =	sdelay $0x4  }
0x28e: {  	[tilespmem:v11+s9+$0x0] =	vst.idx.msk vm14, v45  }
0x28f: {  	v12 =	vld [tilespmem:s14+$0x600];
	_ =	sdelay $0x4  }
0x290: {  	[tilespmem:v11+s10+$0x0] =	vst.idx.msk vm14, v12  }
0x291: {  	v12 =	vld [tilespmem:s14+$0xA00];
	_ =	sdelay $0x4  }
0x292: {  	[tilespmem:v11+s11+$0x0] =	vst.idx.msk vm14, v12  }
0x293: {  	v11 =	vld [tilespmem:$0x170];
	_ =	sdelay $0x4  }
0x294: {  	vm15 =	vle.f32 v11, $0.0e+00  }
0x295: {  	v11 =	vsel vm15, $0x1, v3  }
0x296: {  	v46 =	vperm.xlane v11, v2;
	_ =	sdelay $0x1  }
0x297: {  	v12 =	vsel vm3, $0x0, v46  }
0x298: {  	v11 =	vadd.s32 v11, v12  }
0x299: {  	v12 =	vperm.xlane v11, v4;
	_ =	sdelay $0x1  }
0x29a: {  	v12 =	vsel vm0, $0x0, v12  }
0x29b: {  	v11 =	vadd.s32 v12, v11  }
0x29c: {  	v12 =	vperm.xlane v11, v5;
	_ =	sdelay $0x1  }
0x29d: {  	v12 =	vsel vm1, $0x0, v12  }
0x29e: {  	v11 =	vadd.s32 v12, v11  }
0x29f: {  	v12 =	vperm.xlane v11, v7  }
0x2a0: {  	v10 =	vperm.xlane v10, v8  }
0x2a1: {  	v12 =	vsel vm2, $0x0, v12  }
0x2a2: {  	v9 =	vadd.s32 v9, v10;
	v10 =	vadd.s32 v12, v11  }
0x2a3: {  	s8 =	rddreg [dreg:$0x11];
	v11 =	vadd.s32 v10, v9  }
0x2a4: {  	v47 =	vld [tilespmem:s8+$0x200];
	v11 =	vadd.s32 $0xFFFFFFFF, v11;
	_ =	sdelay $0x4  }
0x2a5: {  	[tilespmem:v11+s9+$0x0] =	vst.idx.msk vm15, v47  }
0x2a6: {  	v12 =	vld [tilespmem:s8+$0x600];
	_ =	sdelay $0x4  }
0x2a7: {  	[tilespmem:v11+s10+$0x0] =	vst.idx.msk vm15, v12  }
0x2a8: {  	v12 =	vld [tilespmem:s8+$0xA00];
	_ =	sdelay $0x4  }
0x2a9: {  	[tilespmem:v11+s11+$0x0] =	vst.idx.msk vm15, v12  }
0x2aa: {  	v11 =	vld [tilespmem:$0x180];
	_ =	sdelay $0x4  }
0x2ab: {  	vm8 =	vle.f32 v11, $0.0e+00  }
0x2ac: {  	v11 =	vsel vm8, $0x1, v3  }
0x2ad: {  	v48 =	vperm.xlane v11, v2;
	_ =	sdelay $0x1  }
0x2ae: {  	v12 =	vsel vm3, $0x0, v48  }
0x2af: {  	v11 =	vadd.s32 v11, v12  }
0x2b0: {  	v12 =	vperm.xlane v11, v4;
	_ =	sdelay $0x1  }
0x2b1: {  	v12 =	vsel vm0, $0x0, v12  }
0x2b2: {  	v11 =	vadd.s32 v12, v11  }
0x2b3: {  	v12 =	vperm.xlane v11, v5;
	_ =	sdelay $0x1  }
0x2b4: {  	v12 =	vsel vm1, $0x0, v12  }
0x2b5: {  	v11 =	vadd.s32 v12, v11  }
0x2b6: {  	v12 =	vperm.xlane v11, v7  }
0x2b7: {  	v10 =	vperm.xlane v10, v8  }
0x2b8: {  	v12 =	vsel vm2, $0x0, v12  }
0x2b9: {  	v9 =	vadd.s32 v9, v10;
	v10 =	vadd.s32 v12, v11  }
0x2ba: {  	s13 =	rddreg [dreg:$0x12];
	v11 =	vadd.s32 v10, v9  }
0x2bb: {  	v49 =	vld [tilespmem:s13+$0x200];
	v11 =	vadd.s32 $0xFFFFFFFF, v11;
	_ =	sdelay $0x4  }
0x2bc: {  	[tilespmem:v11+s9+$0x0] =	vst.idx.msk vm8, v49  }
0x2bd: {  	v12 =	vld [tilespmem:s13+$0x600];
	_ =	sdelay $0x4  }
0x2be: {  	[tilespmem:v11+s10+$0x0] =	vst.idx.msk vm8, v12  }
0x2bf: {  	v12 =	vld [tilespmem:s13+$0xA00];
	_ =	sdelay $0x4  }
0x2c0: {  	[tilespmem:v11+s11+$0x0] =	vst.idx.msk vm8, v12  }
0x2c1: {  	v11 =	vld [tilespmem:$0x190];
	_ =	sdelay $0x4  }
0x2c2: {  	vm9 =	vle.f32 v11, $0.0e+00  }
0x2c3: {  	v11 =	vsel vm9, $0x1, v3  }
0x2c4: {  	v50 =	vperm.xlane v11, v2;
	_ =	sdelay $0x1  }
0x2c5: {  	v12 =	vsel vm3, $0x0, v50  }
0x2c6: {  	v11 =	vadd.s32 v11, v12  }
0x2c7: {  	v12 =	vperm.xlane v11, v4;
	_ =	sdelay $0x1  }
0x2c8: {  	v12 =	vsel vm0, $0x0, v12  }
0x2c9: {  	v11 =	vadd.s32 v12, v11  }
0x2ca: {  	v12 =	vperm.xlane v11, v5;
	_ =	sdelay $0x1  }
0x2cb: {  	v12 =	vsel vm1, $0x0, v12  }
0x2cc: {  	v11 =	vadd.s32 v12, v11  }
0x2cd: {  	v12 =	vperm.xlane v11, v7  }
0x2ce: {  	v10 =	vperm.xlane v10, v8  }
0x2cf: {  	v12 =	vsel vm2, $0x0, v12  }
0x2d0: {  	v9 =	vadd.s32 v9, v10;
	v10 =	vadd.s32 v12, v11  }
0x2d1: {  	s14 =	rddreg [dreg:$0x10];
	v11 =	vadd.s32 v10, v9  }
0x2d2: {  	v51 =	vld [tilespmem:s14+$0x200];
	v11 =	vadd.s32 $0xFFFFFFFF, v11;
	_ =	sdelay $0x4  }
0x2d3: {  	[tilespmem:v11+s9+$0x0] =	vst.idx.msk vm9, v51  }
0x2d4: {  	v12 =	vld [tilespmem:s14+$0x600];
	_ =	sdelay $0x4  }
0x2d5: {  	[tilespmem:v11+s10+$0x0] =	vst.idx.msk vm9, v12  }
0x2d6: {  	v12 =	vld [tilespmem:s14+$0xA00];
	_ =	sdelay $0x4  }
0x2d7: {  	[tilespmem:v11+s11+$0x0] =	vst.idx.msk vm9, v12  }
0x2d8: {  	v11 =	vld [tilespmem:$0x1A0];
	_ =	sdelay $0x4  }
0x2d9: {  	vm10 =	vle.f32 v11, $0.0e+00  }
0x2da: {  	v11 =	vsel vm10, $0x1, v3  }
0x2db: {  	v52 =	vperm.xlane v11, v2;
	_ =	sdelay $0x1  }
0x2dc: {  	v12 =	vsel vm3, $0x0, v52  }
0x2dd: {  	v11 =	vadd.s32 v11, v12  }
0x2de: {  	v12 =	vperm.xlane v11, v4;
	_ =	sdelay $0x1  }
0x2df: {  	v12 =	vsel vm0, $0x0, v12  }
0x2e0: {  	v11 =	vadd.s32 v12, v11  }
0x2e1: {  	v12 =	vperm.xlane v11, v5;
	_ =	sdelay $0x1  }
0x2e2: {  	v12 =	vsel vm1, $0x0, v12  }
0x2e3: {  	v11 =	vadd.s32 v12, v11  }
0x2e4: {  	v12 =	vperm.xlane v11, v7  }
0x2e5: {  	v10 =	vperm.xlane v10, v8  }
0x2e6: {  	v12 =	vsel vm2, $0x0, v12  }
0x2e7: {  	v9 =	vadd.s32 v9, v10;
	v10 =	vadd.s32 v12, v11  }
0x2e8: {  	s8 =	rddreg [dreg:$0x14];
	v11 =	vadd.s32 v10, v9  }
0x2e9: {  	v53 =	vld [tilespmem:s8+$0x200];
	v11 =	vadd.s32 $0xFFFFFFFF, v11;
	_ =	sdelay $0x4  }
0x2ea: {  	[tilespmem:v11+s9+$0x0] =	vst.idx.msk vm10, v53  }
0x2eb: {  	v12 =	vld [tilespmem:s8+$0x600];
	_ =	sdelay $0x4  }
0x2ec: {  	[tilespmem:v11+s10+$0x0] =	vst.idx.msk vm10, v12  }
0x2ed: {  	v12 =	vld [tilespmem:s8+$0xA00];
	_ =	sdelay $0x4  }
0x2ee: {  	[tilespmem:v11+s11+$0x0] =	vst.idx.msk vm10, v12  }
0x2ef: {  	v11 =	vld [tilespmem:$0x1B0];
	_ =	sdelay $0x4  }
0x2f0: {  	vm11 =	vle.f32 v11, $0.0e+00  }
0x2f1: {  	v11 =	vsel vm11, $0x1, v3  }
0x2f2: {  	v54 =	vperm.xlane v11, v2;
	_ =	sdelay $0x1  }
0x2f3: {  	v12 =	vsel vm3, $0x0, v54  }
0x2f4: {  	v11 =	vadd.s32 v11, v12  }
0x2f5: {  	v12 =	vperm.xlane v11, v4;
	_ =	sdelay $0x1  }
0x2f6: {  	v12 =	vsel vm0, $0x0, v12  }
0x2f7: {  	v11 =	vadd.s32 v12, v11  }
0x2f8: {  	v12 =	vperm.xlane v11, v5;
	_ =	sdelay $0x1  }
0x2f9: {  	v12 =	vsel vm1, $0x0, v12  }
0x2fa: {  	v11 =	vadd.s32 v12, v11  }
0x2fb: {  	v12 =	vperm.xlane v11, v7  }
0x2fc: {  	v10 =	vperm.xlane v10, v8  }
0x2fd: {  	v12 =	vsel vm2, $0x0, v12  }
0x2fe: {  	v9 =	vadd.s32 v9, v10;
	v10 =	vadd.s32 v12, v11  }
0x2ff: {  	s13 =	rddreg [dreg:$0x13];
	v11 =	vadd.s32 v10, v9  }
0x300: {  	v55 =	vld [tilespmem:s13+$0x200];
	v11 =	vadd.s32 $0xFFFFFFFF, v11;
	_ =	sdelay $0x4  }
0x301: {  	[tilespmem:v11+s9+$0x0] =	vst.idx.msk vm11, v55  }
0x302: {  	v12 =	vld [tilespmem:s13+$0x600];
	_ =	sdelay $0x4  }
0x303: {  	[tilespmem:v11+s10+$0x0] =	vst.idx.msk vm11, v12  }
0x304: {  	v12 =	vld [tilespmem:s13+$0xA00];
	_ =	sdelay $0x4  }
0x305: {  	[tilespmem:v11+s11+$0x0] =	vst.idx.msk vm11, v12  }
0x306: {  	v11 =	vld [tilespmem:$0x1C0];
	_ =	sdelay $0x4  }
0x307: {  	vm12 =	vle.f32 v11, $0.0e+00  }
0x308: {  	v11 =	vsel vm12, $0x1, v3  }
0x309: {  	v56 =	vperm.xlane v11, v2;
	_ =	sdelay $0x1  }
0x30a: {  	v12 =	vsel vm3, $0x0, v56  }
0x30b: {  	v11 =	vadd.s32 v11, v12  }
0x30c: {  	v12 =	vperm.xlane v11, v4;
	_ =	sdelay $0x1  }
0x30d: {  	v12 =	vsel vm0, $0x0, v12  }
0x30e: {  	v11 =	vadd.s32 v12, v11  }
0x30f: {  	v12 =	vperm.xlane v11, v5;
	_ =	sdelay $0x1  }
0x310: {  	v12 =	vsel vm1, $0x0, v12  }
0x311: {  	v11 =	vadd.s32 v12, v11  }
0x312: {  	v12 =	vperm.xlane v11, v7  }
0x313: {  	v10 =	vperm.xlane v10, v8  }
0x314: {  	v12 =	vsel vm2, $0x0, v12  }
0x315: {  	v9 =	vadd.s32 v9, v10;
	v10 =	vadd.s32 v12, v11  }
0x316: {  	v11 =	vadd.s32 v10, v9  }
0x317: {  	v57 =	vld [tilespmem:s31+$0x200];
	v11 =	vadd.s32 $0xFFFFFFFF, v11;
	_ =	sdelay $0x4  }
0x318: {  	[tilespmem:v11+s9+$0x0] =	vst.idx.msk vm12, v57  }
0x319: {  	v12 =	vld [tilespmem:s31+$0x600];
	_ =	sdelay $0x4  }
0x31a: {  	[tilespmem:v11+s10+$0x0] =	vst.idx.msk vm12, v12  }
0x31b: {  	v12 =	vld [tilespmem:s31+$0xA00];
	_ =	sdelay $0x4  }
0x31c: {  	[tilespmem:v11+s11+$0x0] =	vst.idx.msk vm12, v12  }
0x31d: {  	v11 =	vld [tilespmem:$0x1D0];
	_ =	sdelay $0x4  }
0x31e: {  	vm13 =	vle.f32 v11, $0.0e+00  }
0x31f: {  	v11 =	vsel vm13, $0x1, v3  }
0x320: {  	v58 =	vperm.xlane v11, v2;
	_ =	sdelay $0x1  }
0x321: {  	v12 =	vsel vm3, $0x0, v58  }
0x322: {  	v11 =	vadd.s32 v11, v12  }
0x323: {  	v12 =	vperm.xlane v11, v4;
	_ =	sdelay $0x1  }
0x324: {  	v12 =	vsel vm0, $0x0, v12  }
0x325: {  	v11 =	vadd.s32 v12, v11  }
0x326: {  	v12 =	vperm.xlane v11, v5;
	_ =	sdelay $0x1  }
0x327: {  	v12 =	vsel vm1, $0x0, v12  }
0x328: {  	v11 =	vadd.s32 v12, v11  }
0x329: {  	v12 =	vperm.xlane v11, v7  }
0x32a: {  	v10 =	vperm.xlane v10, v8  }
0x32b: {  	v12 =	vsel vm2, $0x0, v12  }
0x32c: {  	v9 =	vadd.s32 v9, v10;
	v10 =	vadd.s32 v12, v11  }
0x32d: {  	s14 =	rddreg [dreg:$0xb];
	v11 =	vadd.s32 v10, v9  }
0x32e: {  	v59 =	vld [tilespmem:s14+$0x200];
	v11 =	vadd.s32 $0xFFFFFFFF, v11;
	_ =	sdelay $0x4  }
0x32f: {  	[tilespmem:v11+s9+$0x0] =	vst.idx.msk vm13, v59  }
0x330: {  	v12 =	vld [tilespmem:s14+$0x600];
	_ =	sdelay $0x4  }
0x331: {  	[tilespmem:v11+s10+$0x0] =	vst.idx.msk vm13, v12  }
0x332: {  	v12 =	vld [tilespmem:s14+$0xA00];
	_ =	sdelay $0x4  }
0x333: {  	[tilespmem:v11+s11+$0x0] =	vst.idx.msk vm13, v12  }
0x334: {  	v11 =	vld [tilespmem:$0x1E0];
	_ =	sdelay $0x4  }
0x335: {  	vm14 =	vle.f32 v11, $0.0e+00  }
0x336: {  	v11 =	vsel vm14, $0x1, v3  }
0x337: {  	v60 =	vperm.xlane v11, v2;
	_ =	sdelay $0x1  }
0x338: {  	v12 =	vsel vm3, $0x0, v60  }
0x339: {  	v11 =	vadd.s32 v11, v12  }
0x33a: {  	v12 =	vperm.xlane v11, v4;
	_ =	sdelay $0x1  }
0x33b: {  	v12 =	vsel vm0, $0x0, v12  }
0x33c: {  	v11 =	vadd.s32 v12, v11  }
0x33d: {  	v12 =	vperm.xlane v11, v5;
	_ =	sdelay $0x1  }
0x33e: {  	v12 =	vsel vm1, $0x0, v12  }
0x33f: {  	v11 =	vadd.s32 v12, v11  }
0x340: {  	v12 =	vperm.xlane v11, v7  }
0x341: {  	v10 =	vperm.xlane v10, v8  }
0x342: {  	v12 =	vsel vm2, $0x0, v12  }
0x343: {  	v9 =	vadd.s32 v9, v10;
	v10 =	vadd.s32 v12, v11  }
0x344: {  	v11 =	vadd.s32 v10, v9  }
0x345: {  	v61 =	vld [tilespmem:s1+$0x200];
	v11 =	vadd.s32 $0xFFFFFFFF, v11;
	_ =	sdelay $0x4  }
0x346: {  	[tilespmem:v11+s9+$0x0] =	vst.idx.msk vm14, v61  }
0x347: {  	v12 =	vld [tilespmem:s1+$0x600];
	_ =	sdelay $0x4  }
0x348: {  	[tilespmem:v11+s10+$0x0] =	vst.idx.msk vm14, v12  }
0x349: {  	v12 =	vld [tilespmem:s1+$0xA00];
	_ =	sdelay $0x4  }
0x34a: {  	[tilespmem:v11+s11+$0x0] =	vst.idx.msk vm14, v12  }
0x34b: {  	v11 =	vld [tilespmem:$0x1F0];
	_ =	sdelay $0x4  }
0x34c: {  	vm15 =	vle.f32 v11, $0.0e+00  }
0x34d: {  	v11 =	vsel vm15, $0x1, v3  }
0x34e: {  	v62 =	vperm.xlane v11, v2;
	_ =	sdelay $0x1  }
0x34f: {  	v12 =	vsel vm3, $0x0, v62  }
0x350: {  	v11 =	vadd.s32 v11, v12  }
0x351: {  	v12 =	vperm.xlane v11, v4;
	_ =	sdelay $0x1  }
0x352: {  	v12 =	vsel vm0, $0x0, v12  }
0x353: {  	v11 =	vadd.s32 v12, v11  }
0x354: {  	v12 =	vperm.xlane v11, v5;
	_ =	sdelay $0x1  }
0x355: {  	v12 =	vsel vm1, $0x0, v12  }
0x356: {  	v11 =	vadd.s32 v12, v11  }
0x357: {  	v12 =	vperm.xlane v11, v7  }
0x358: {  	v10 =	vperm.xlane v10, v8  }
0x359: {  	v12 =	vsel vm2, $0x0, v12  }
0x35a: {  	v9 =	vadd.s32 v9, v10;
	v10 =	vadd.s32 v12, v11  }
0x35b: {  	v11 =	vadd.s32 v10, v9  }
0x35c: {  	v63 =	vld [tilespmem:s3+$0x200];
	v11 =	vadd.s32 $0xFFFFFFFF, v11;
	_ =	sdelay $0x4  }
0x35d: {  	[tilespmem:v11+s9+$0x0] =	vst.idx.msk vm15, v63  }
0x35e: {  	v12 =	vld [tilespmem:s3+$0x600];
	_ =	sdelay $0x4  }
0x35f: {  	[tilespmem:v11+s10+$0x0] =	vst.idx.msk vm15, v12  }
0x360: {  	v12 =	vld [tilespmem:s3+$0xA00];
	_ =	sdelay $0x2  }
0x361: {  	v10 =	vperm.xlane v10, v8;
	_ =	sdelay $0x1  }
0x362: {  	s0 =	simm.s32 $0x80;
	s8 =	rddreg [dreg:$0x5];
	v9 =	vadd.s32 v9, v10;
	[tilespmem:v11+s11+$0x0] =	vst.idx.msk vm15, v12  }
0x363: {  	s13 =	sadd.s32 s12, s8;
	s8 =	simm.s32 $0x400;
	s14 =	simm.s32 $0x1;
	[tilespmem:$0x1400] =	vst v9  }
0x364: {  	[hbm4b:s13+s0] =	stream.strided.scatter [tilespmem:s9], [sflag:$0x1], $0x200, s8, s0, $0x38;
	[tilespmem:$0x1480] =	vst v63  }
0x365: {  	_ =	swait.ge [sflag:s14], $0x200;
	s14 =	simm.s32 $0x1  }
0x366: {  	s13 =	rddreg [dreg:$0x4];
	[sflag:s14] =	ssyncset.done $0x0;
	s14 =	simm.s32 $0x1  }
0x367: {  	[sflag:s14] =	ssyncadd.s32 $0xFFFFFE00;
	s13 =	sadd.s32 s12, s13;
	s14 =	simm.s32 $0x1  }
0x368: {  	[hbm4b:s13+s0] =	stream.strided.scatter [tilespmem:s10], [sflag:$0x1], $0x200, s8, s0, $0x38;
	[tilespmem:$0x1480] =	vst v63  }
0x369: {  	s8 =	simm.s32 $0x400;
	_ =	swait.ge [sflag:s14], $0x200;
	s14 =	simm.s32 $0x1  }
0x36a: {  	s13 =	rddreg [dreg:$0x3];
	[sflag:s14] =	ssyncset.done $0x0;
	s14 =	simm.s32 $0x1  }
0x36b: {  	s0 =	simm.s32 $0x80;
	[sflag:s14] =	ssyncadd.s32 $0xFFFFFE00;
	s13 =	sadd.s32 s12, s13  }
0x36c: {  	[hbm4b:s13+s0] =	stream.strided.scatter [tilespmem:s11], [sflag:$0x1], $0x200, s8, s0, $0x38;
	[tilespmem:$0x1480] =	vst v63  }
0x36d: {  	s8 =	simm.s32 $0x1  }
0x36e: {  	_ =	swait.ge [sflag:s8], $0x200  }
0x36f: {  	p0 =	sne.s32 s12, $0x70;
	s13 =	rddreg [dreg:$0x2]  }
0x370: {  	s0 =	simm.s32 $0x0;
	s14 =	rddreg [dreg:$0x7];
	[sflag:s8] =	ssyncset.done $0x0  }
.Ltmp0:
0x371: {  	[sflag:s8] =	ssyncadd.s32 $0xFFFFFE00;
	s13 =	sadd.s32 s12, s13;
	(pc) =	sbr.rel @p0 .LBB2_2-.Ltmp0, $4  }
0x372: {  	[hbm4b:s13+s0] =	stream.linear.scatter [tilespmem:s14], [sflag:$0x1], $0x80, $0x38;
	[tilespmem:$0x1480] =	vst v63  }
0x373: {  	_ =	swait.ge [sflag:s8], $0x80  }
0x374: {  	[sflag:s8] =	ssyncset.done $0x0  }
0x375: {  	s12 =	sadd.s32 $0x10, s12;
	s14 =	simm.s32 $0x0;
	[sflag:s8] =	ssyncadd.s32 $0xFFFFFF80  }
0x376: {  	s12 =	rddreg [dreg:$0x15]  }
0x377: {  	s0 =	rddreg [dreg:$0xc];
	s12 =	sadd.s32 $0x1, s12  }
0x378: {  	p0 =	sne.s32 s12, s0  }
.Ltmp1:
0x379: {  	_ = 	snop;
	(pc) =	sbr.rel @p0 .LBB2_1-.Ltmp1, $1  }
0x37a: {  	_ =	sdelay $0x3  }
0x37b: {  	_ =	sfence.sel $0x180000  }
0x37c: {  	[bflag:$0x0] =	sbarrier.arrive $0xFFFF  }
0x37d: {  	_ =	strace $0x90000047  }
0x37e: {  	s0 =	stileid.u32;
	[bflag:$0x2] =	sbarrier.arrive $0xFFFF  }
0x37f: {  	p0 =	sne.s32 s0, $0x0;
	s0 =	rddreg [dreg:$0x1]  }
0x380: {  	s0 =	sadd.s32 @!p0 $0x100000, s0  }
0x381: {  	[sflag:s0] =	ssyncadd.tile.s32 @!p0 $0x1;
	_ =	shalt  }
.Lfunc_end2:
_tile_overlayer_lowered:
.L_overlay_start_2:
0x382: {  	(tag) =	ssettag $0x2  }
0x383: {  	s0 =	rddreg [dreg:$0x0];
	s2 =	stileid.u32  }
0x384: {  	s1 =	rddreg [dreg:$0x1];
	p0 =	sne.s32 s2, $0x0  }
0x385: {  	s3 =	rddreg [dreg:$0x2];
	[bflag:$0x3] =	sbarrier.arrive $0xFFFF;
	s2 =	simm.s32 @!p0 $0x1C01  }
0x386: {  	[timem:s3], [sflag:s2] =	dma.local @!p0 [hbm:s0], s1  }
0x387: {  	s0 =	simm.s32 @!p0 $0x1  }
0x388: {  	_ =	swait.ge @!p0 [sflag:s0], s1  }
0x389: {  	s1 =	ssub.s32 @!p0 $0x0, s1;
	[sflag:s0] =	ssyncset.done @!p0 $0x0  }
0x38a: {  	[sflag:s0] =	ssyncadd.s32 @!p0 s1  }
0x38b: {  	[bflag:$0x3] =	sbarrier.arrive $0xFFFF  }
0x38c: {  	_ =	shalt  }

</sc_bundles>
